<compile_context>
chip_gen: v7x
topology: tpu7x:2x2x1
jax: 0.10.2.dev20260603
libtpu: 0.0.44.dev20260713+nightly
codegen_flags: <defaults>
</compile_context>

<pallas_src>
import functools

import jax
import jax.numpy as jnp
from jax import lax
from jax.experimental import pallas as pl
from jax.experimental.pallas import tpu as pltpu
from jax.experimental.pallas import tpu_sc as plsc

_LANES = 16
_CHUNK = 256


def _mlp_body(x_ref, w1_ref, b1_ref, w2_ref, b2_ref, logits_ref):
    h = jnp.tanh(
        jnp.dot(x_ref[...], w1_ref[...], preferred_element_type=jnp.float32)
        + b1_ref[...]
    )
    logits_ref[...] = (
        jnp.dot(h, w2_ref[...], preferred_element_type=jnp.float32) + b2_ref[...]
    )


def _tc_logits(x, W1, b1, W2, b2):
    n, d = x.shape
    h_dim = W1.shape[1]
    e = W2.shape[1]
    bm = 4096
    return pl.pallas_call(
        _mlp_body,
        grid=(n // bm,),
        in_specs=[
            pl.BlockSpec((bm, d), lambda i: (i, 0)),
            pl.BlockSpec((d, h_dim), lambda i: (0, 0)),
            pl.BlockSpec((1, h_dim), lambda i: (0, 0)),
            pl.BlockSpec((h_dim, e), lambda i: (0, 0)),
            pl.BlockSpec((1, e), lambda i: (0, 0)),
        ],
        out_specs=pl.BlockSpec((bm, e), lambda i: (i, 0)),
        out_shape=jax.ShapeDtypeStruct((n, e), jnp.float32),
    )(x, W1, b1.reshape(1, -1), W2, b2.reshape(1, -1))


def _sc_gates_kernel(n_tokens, num_experts):
    info = plsc.get_sparse_core_info()
    nc, ns = info.num_cores, info.num_subcores
    n_workers = nc * ns
    per_worker = n_tokens // n_workers
    n_chunks = per_worker // _CHUNK
    groups_per_chunk = _CHUNK // _LANES
    mesh = plsc.VectorSubcoreMesh(core_axis_name="c", subcore_axis_name="s")

    @functools.partial(
        pl.kernel,
        out_type=jax.ShapeDtypeStruct((n_tokens, num_experts), jnp.float32),
        mesh=mesh,
        scratch_types=[
            pltpu.VMEM((_CHUNK, num_experts), jnp.float32),
            pltpu.VMEM((_CHUNK, num_experts), jnp.float32),
            pltpu.VMEM((_CHUNK, num_experts), jnp.float32),
            pltpu.SemaphoreType.DMA,
            pltpu.SemaphoreType.DMA,
        ],
        compiler_params=pltpu.CompilerParams(needs_layout_passes=False),
    )
    def gates_kernel(logits_hbm, gates_hbm, lbuf0, lbuf1, gbuf, si0, si1):
        wid = lax.axis_index("s") * nc + lax.axis_index("c")
        lane = lax.iota(jnp.int32, _LANES)
        lb, si = [lbuf0, lbuf1], [si0, si1]
        base0 = wid * per_worker

        def compute_chunk(lbuf, gbuf):
            @plsc.parallel_loop(0, groups_per_chunk, unroll=2)
            def group_body(g):
                rows = g * _LANES + lane
                neg_inf = jnp.full((_LANES,), -jnp.inf, jnp.float32)
                m1 = [neg_inf] * 4
                m2 = [neg_inf] * 4
                for e in range(num_experts):
                    a = e % 4
                    ecol = jnp.bitwise_and(lane + e, num_experts - 1)
                    v = plsc.load_gather(lbuf, [rows, ecol])
                    m2[a] = jnp.maximum(m2[a], jnp.minimum(v, m1[a]))
                    m1[a] = jnp.maximum(m1[a], v)

                def merge(p, q):
                    hi = jnp.maximum(p[0], q[0])
                    lo = jnp.maximum(jnp.minimum(p[0], q[0]), jnp.maximum(p[1], q[1]))
                    return hi, lo

                top = merge(merge((m1[0], m2[0]), (m1[1], m2[1])),
                            merge((m1[2], m2[2]), (m1[3], m2[3])))
                big1, big2 = top
                e2 = jnp.exp(big2 - big1)
                g1 = 1.0 / (1.0 + e2)
                g2 = 1.0 - g1
                zero = jnp.zeros((_LANES,), jnp.float32)
                for e in range(num_experts):
                    ecol = jnp.bitwise_and(lane + e, num_experts - 1)
                    v = plsc.load_gather(lbuf, [rows, ecol])
                    col = jnp.where(v == big1, g1, jnp.where(v == big2, g2, zero))
                    plsc.store_scatter(gbuf, [rows, ecol], col)

        pltpu.async_copy(logits_hbm.at[pl.ds(base0, _CHUNK)], lb[0], si[0])

        def pair_body(i, _):
            for b in (0, 1):
                c = i * 2 + b
                src = logits_hbm.at[pl.ds(base0 + c * _CHUNK, _CHUNK)]
                pltpu.make_async_copy(src, lb[b], si[b]).wait()
                nxt = c + 1

                @pl.when(nxt < n_chunks)
                def _():
                    pltpu.async_copy(
                        logits_hbm.at[pl.ds(base0 + nxt * _CHUNK, _CHUNK)],
                        lb[1 - b],
                        si[1 - b],
                    )

                compute_chunk(lb[b], gbuf)
                pltpu.sync_copy(
                    gbuf, gates_hbm.at[pl.ds(base0 + c * _CHUNK, _CHUNK)]
                )
            return 0

        lax.fori_loop(0, n_chunks // 2, pair_body, 0)

    return gates_kernel


def kernel(x, W1, b1, W2, b2):
    n = x.shape[0]
    e = W2.shape[1]
    logits = _tc_logits(x, W1, b1, W2, b2)
    gates = _sc_gates_kernel(n, e)(logits)
    return (gates, logits)

# --- scband reference (transcript-rebuilt; emitter-appended) ---
"""Pipeline reference for scband-segment-gating-network-70660801954255 (READ-ONLY COPY).

The authoritative reference and input builder live on the scoring server;
editing this copy changes nothing except your own understanding.
"""

import jax, jax.numpy as jnp
import numpy as np

D_MODEL = 768
NUM_EXPERTS = 64
TOP_K = 2
N_TOKENS = 32768


def setup_inputs(seed: int = 0) -> dict:
    key = jax.random.key(seed)
    k0, k1, k2, k3, k4 = jax.random.split(key, 5)
    h = D_MODEL // 4
    x = jax.random.normal(k0, (N_TOKENS, D_MODEL), dtype=jnp.float32)
    W1 = jax.random.normal(k1, (D_MODEL, h), dtype=jnp.float32) * (1.0 / np.sqrt(D_MODEL))
    b1 = jnp.zeros((h,), dtype=jnp.float32)
    W2 = jax.random.normal(k2, (h, NUM_EXPERTS), dtype=jnp.float32) * (1.0 / np.sqrt(h))
    b2 = jnp.zeros((NUM_EXPERTS,), dtype=jnp.float32)
    return {"x": x, "W1": W1, "b1": b1, "W2": W2, "b2": b2}


def reference(x, W1, b1, W2, b2):
    # gate = Linear(d_model, d_model//4) -> Tanh -> Linear(d_model//4, num_experts)
    h = jnp.tanh(x @ W1 + b1)
    gate_logits = h @ W2 + b2
    top_k_logits, top_k_indices = jax.lax.top_k(gate_logits, TOP_K)
    top_k_gates = jax.nn.softmax(top_k_logits, axis=-1)
    n = gate_logits.shape[0]
    row_idx = jnp.arange(n)[:, None]
    gates = jnp.zeros_like(gate_logits).at[row_idx, top_k_indices].set(top_k_gates)
    return (gates, gate_logits)

if __name__ == "__main__":
    import jax
    _d = setup_inputs()
    print(jax.jit(kernel)(*tuple(_d.values())))

</pallas_src>

<mosaic_0001>
#map = affine_map<(d0, d1) -> (0, 0)>
module attributes {stable_mosaic.version = 14 : i64} {
  func.func @gates_kernel(%arg0: i32, %arg1: i32, %arg2: memref<32768x64xf32, #tpu.memory_space<hbm>>, %arg3: memref<32768x64xf32, #tpu.memory_space<hbm>>, %arg4: memref<256x64xf32, #tpu.memory_space<vmem>>, %arg5: memref<256x64xf32, #tpu.memory_space<vmem>>, %arg6: memref<256x64xf32, #tpu.memory_space<vmem>>, %arg7: memref<!tpu.dma_semaphore, #tpu.memory_space<semaphore_mem>>, %arg8: memref<!tpu.dma_semaphore, #tpu.memory_space<semaphore_mem>>) attributes {dimension_semantics = [#tpu.dimension_semantics<core_parallel>, #tpu.dimension_semantics<subcore_parallel>], iteration_bounds = array<i64: 2, 16>, scalar_prefetch = 0 : i64, scratch_operands = 5 : i64, tpu.core_type = #tpu.core_type<sc_vector_subcore>, window_params = [{transform_indices = #map}, {transform_indices = #map}]} {
    %mul3A = arith.constant 2 : i32
    %mul3A_0 = arith.muli %arg1, %mul3A : i32
    %add3A = arith.addi %mul3A_0, %arg0 : i32
    %iota3A = tpu.iota {dimensions = array<i32: 0>} : vector<16xi32>
    %mul3A_1 = arith.constant 1024 : i32
    %mul3A_2 = arith.muli %add3A, %mul3A_1 : i32
    %dma_start3A = arith.constant 0 : i32
    %dma_start3A_3 = tpu.memref_slice %arg2[%mul3A_2, %dma_start3A] : memref<32768x64xf32, #tpu.memory_space<hbm>> -> memref<256x64xf32, #tpu.memory_space<hbm>>
    %dma_start3A_4 = arith.constant 0 : i32
    %dma_start3A_5 = tpu.memref_slice %arg2[%mul3A_2, %dma_start3A_4] : memref<32768x64xf32, #tpu.memory_space<hbm>> -> memref<256x64xf32, #tpu.memory_space<hbm>>
    tpu.enqueue_dma source(%dma_start3A_5 : memref<256x64xf32, #tpu.memory_space<hbm>>) target(%arg4 : memref<256x64xf32, #tpu.memory_space<vmem>>) target_semaphore(%arg7 : memref<!tpu.dma_semaphore, #tpu.memory_space<semaphore_mem>>)
    %scan3A = arith.constant 0 : i32
    %scan3A_6 = arith.constant 0 : i32
    %scan3A_7 = arith.constant 2 : i32
    %scan3A_8 = arith.addi %scan3A_6, %scan3A_7 : i32
    %scan3A_9 = arith.constant 1 : i32
    %scan3A_10 = scf.for %scan3A_12 = %scan3A_6 to %scan3A_8 step %scan3A_9 iter_args(%scan3A_13 = %scan3A) -> (i32)  : i32 {
      %mul3A_14 = arith.constant 2 : i32
      %mul3A_15 = arith.muli %scan3A_12, %mul3A_14 : i32
      %add3A_16 = arith.constant 0 : i32
      %add3A_17 = arith.addi %mul3A_15, %add3A_16 : i32
      %mul3A_18 = arith.constant 256 : i32
      %mul3A_19 = arith.muli %add3A_17, %mul3A_18 : i32
      %add3A_20 = arith.addi %mul3A_2, %mul3A_19 : i32
      %dma_wait3A = arith.constant 0 : i32
      %dma_wait3A_21 = tpu.memref_slice %arg2[%add3A_20, %dma_wait3A] : memref<32768x64xf32, #tpu.memory_space<hbm>> -> memref<256x64xf32, #tpu.memory_space<hbm>>
      %dma_wait3A_22 = arith.constant 0 : i32
      %dma_wait3A_23 = tpu.memref_slice %arg2[%add3A_20, %dma_wait3A_22] : memref<32768x64xf32, #tpu.memory_space<hbm>> -> memref<256x64xf32, #tpu.memory_space<hbm>>
      tpu.wait_dma2 semaphore(%arg7 : memref<!tpu.dma_semaphore, #tpu.memory_space<semaphore_mem>>) src(%dma_wait3A_23 : memref<256x64xf32, #tpu.memory_space<hbm>>) dst(%arg4 : memref<256x64xf32, #tpu.memory_space<vmem>>)
      %add3A_24 = arith.constant 1 : i32
      %add3A_25 = arith.addi %add3A_17, %add3A_24 : i32
      %lt3A = arith.constant 4 : i32
      %lt3A_26 = arith.cmpi slt, %add3A_25, %lt3A : i32
      %convert_element_type3A = arith.extui %lt3A_26 : i1 to i32
      %cond3A = arith.constant 0 : i32
      %cond3A_27 = arith.cmpi ne, %convert_element_type3A, %cond3A : i32
      scf.if %cond3A_27 {
        %mul3A_58 = arith.constant 256 : i32
        %mul3A_59 = arith.muli %add3A_25, %mul3A_58 : i32
        %add3A_60 = arith.addi %mul3A_2, %mul3A_59 : i32
        %dma_start3A_61 = arith.constant 0 : i32
        %dma_start3A_62 = tpu.memref_slice %arg2[%add3A_60, %dma_start3A_61] : memref<32768x64xf32, #tpu.memory_space<hbm>> -> memref<256x64xf32, #tpu.memory_space<hbm>>
        %dma_start3A_63 = arith.constant 0 : i32
        %dma_start3A_64 = tpu.memref_slice %arg2[%add3A_60, %dma_start3A_63] : memref<32768x64xf32, #tpu.memory_space<hbm>> -> memref<256x64xf32, #tpu.memory_space<hbm>>
        tpu.enqueue_dma source(%dma_start3A_64 : memref<256x64xf32, #tpu.memory_space<hbm>>) target(%arg5 : memref<256x64xf32, #tpu.memory_space<vmem>>) target_semaphore(%arg8 : memref<!tpu.dma_semaphore, #tpu.memory_space<semaphore_mem>>)
      } else {
      }
      %parallel_loop3A = arith.constant 0 : i32
      %parallel_loop3A_28 = arith.constant 16 : i32
      %parallel_loop3A_29 = arith.constant 1 : i32
      scf.for %parallel_loop3A_58 = %parallel_loop3A to %parallel_loop3A_28 step %parallel_loop3A_29  : i32 {
        %parallel_loop3A_59 = arith.constant 16 : i32
        %parallel_loop3A_60 = arith.muli %parallel_loop3A_58, %parallel_loop3A_59 : i32
        %parallel_loop3A_61 = vector.broadcast %parallel_loop3A_60 : i32 to vector<16xi32>
        %parallel_loop3A_62 = arith.addi %parallel_loop3A_61, %iota3A : vector<16xi32>
        %parallel_loop3A_63 = arith.constant 0xFF800000 : f32
        %parallel_loop3A_64 = vector.broadcast %parallel_loop3A_63 : f32 to vector<16xf32>
        %parallel_loop3A_65 = arith.constant 0 : i32
        %parallel_loop3A_66 = vector.broadcast %parallel_loop3A_65 : i32 to vector<16xi32>
        %parallel_loop3A_67 = arith.addi %iota3A, %parallel_loop3A_66 : vector<16xi32>
        %parallel_loop3A_68 = arith.constant 63 : i32
        %parallel_loop3A_69 = vector.broadcast %parallel_loop3A_68 : i32 to vector<16xi32>
        %parallel_loop3A_70 = arith.andi %parallel_loop3A_67, %parallel_loop3A_69 : vector<16xi32>
        %parallel_loop3A_71 = tpu.vector_load_idx %arg4[%parallel_loop3A_62, %parallel_loop3A_70] : memref<256x64xf32, #tpu.memory_space<vmem>>[vector<16xi32>, vector<16xi32>], vector<16xf32>,
        %parallel_loop3A_72 = arith.minimumf %parallel_loop3A_71, %parallel_loop3A_64 : vector<16xf32>
        %parallel_loop3A_73 = arith.maximumf %parallel_loop3A_64, %parallel_loop3A_72 : vector<16xf32>
        %parallel_loop3A_74 = arith.maximumf %parallel_loop3A_64, %parallel_loop3A_71 : vector<16xf32>
        %parallel_loop3A_75 = arith.constant 1 : i32
        %parallel_loop3A_76 = vector.broadcast %parallel_loop3A_75 : i32 to vector<16xi32>
        %parallel_loop3A_77 = arith.addi %iota3A, %parallel_loop3A_76 : vector<16xi32>
        %parallel_loop3A_78 = arith.constant 63 : i32
        %parallel_loop3A_79 = vector.broadcast %parallel_loop3A_78 : i32 to vector<16xi32>
        %parallel_loop3A_80 = arith.andi %parallel_loop3A_77, %parallel_loop3A_79 : vector<16xi32>
        %parallel_loop3A_81 = tpu.vector_load_idx %arg4[%parallel_loop3A_62, %parallel_loop3A_80] : memref<256x64xf32, #tpu.memory_space<vmem>>[vector<16xi32>, vector<16xi32>], vector<16xf32>,
        %parallel_loop3A_82 = arith.minimumf %parallel_loop3A_81, %parallel_loop3A_64 : vector<16xf32>
        %parallel_loop3A_83 = arith.maximumf %parallel_loop3A_64, %parallel_loop3A_82 : vector<16xf32>
        %parallel_loop3A_84 = arith.maximumf %parallel_loop3A_64, %parallel_loop3A_81 : vector<16xf32>
        %parallel_loop3A_85 = arith.constant 2 : i32
        %parallel_loop3A_86 = vector.broadcast %parallel_loop3A_85 : i32 to vector<16xi32>
        %parallel_loop3A_87 = arith.addi %iota3A, %parallel_loop3A_86 : vector<16xi32>
        %parallel_loop3A_88 = arith.constant 63 : i32
        %parallel_loop3A_89 = vector.broadcast %parallel_loop3A_88 : i32 to vector<16xi32>
        %parallel_loop3A_90 = arith.andi %parallel_loop3A_87, %parallel_loop3A_89 : vector<16xi32>
        %parallel_loop3A_91 = tpu.vector_load_idx %arg4[%parallel_loop3A_62, %parallel_loop3A_90] : memref<256x64xf32, #tpu.memory_space<vmem>>[vector<16xi32>, vector<16xi32>], vector<16xf32>,
        %parallel_loop3A_92 = arith.minimumf %parallel_loop3A_91, %parallel_loop3A_64 : vector<16xf32>
        %parallel_loop3A_93 = arith.maximumf %parallel_loop3A_64, %parallel_loop3A_92 : vector<16xf32>
        %parallel_loop3A_94 = arith.maximumf %parallel_loop3A_64, %parallel_loop3A_91 : vector<16xf32>
        %parallel_loop3A_95 = arith.constant 3 : i32
        %parallel_loop3A_96 = vector.broadcast %parallel_loop3A_95 : i32 to vector<16xi32>
        %parallel_loop3A_97 = arith.addi %iota3A, %parallel_loop3A_96 : vector<16xi32>
        %parallel_loop3A_98 = arith.constant 63 : i32
        %parallel_loop3A_99 = vector.broadcast %parallel_loop3A_98 : i32 to vector<16xi32>
        %parallel_loop3A_100 = arith.andi %parallel_loop3A_97, %parallel_loop3A_99 : vector<16xi32>
        %parallel_loop3A_101 = tpu.vector_load_idx %arg4[%parallel_loop3A_62, %parallel_loop3A_100] : memref<256x64xf32, #tpu.memory_space<vmem>>[vector<16xi32>, vector<16xi32>], vector<16xf32>,
        %parallel_loop3A_102 = arith.minimumf %parallel_loop3A_101, %parallel_loop3A_64 : vector<16xf32>
        %parallel_loop3A_103 = arith.maximumf %parallel_loop3A_64, %parallel_loop3A_102 : vector<16xf32>
        %parallel_loop3A_104 = arith.maximumf %parallel_loop3A_64, %parallel_loop3A_101 : vector<16xf32>
        %parallel_loop3A_105 = arith.constant 4 : i32
        %parallel_loop3A_106 = vector.broadcast %parallel_loop3A_105 : i32 to vector<16xi32>
        %parallel_loop3A_107 = arith.addi %iota3A, %parallel_loop3A_106 : vector<16xi32>
        %parallel_loop3A_108 = arith.constant 63 : i32
        %parallel_loop3A_109 = vector.broadcast %parallel_loop3A_108 : i32 to vector<16xi32>
        %parallel_loop3A_110 = arith.andi %parallel_loop3A_107, %parallel_loop3A_109 : vector<16xi32>
        %parallel_loop3A_111 = tpu.vector_load_idx %arg4[%parallel_loop3A_62, %parallel_loop3A_110] : memref<256x64xf32, #tpu.memory_space<vmem>>[vector<16xi32>, vector<16xi32>], vector<16xf32>,
        %parallel_loop3A_112 = arith.minimumf %parallel_loop3A_111, %parallel_loop3A_74 : vector<16xf32>
        %parallel_loop3A_113 = arith.maximumf %parallel_loop3A_73, %parallel_loop3A_112 : vector<16xf32>
        %parallel_loop3A_114 = arith.maximumf %parallel_loop3A_74, %parallel_loop3A_111 : vector<16xf32>
        %parallel_loop3A_115 = arith.constant 5 : i32
        %parallel_loop3A_116 = vector.broadcast %parallel_loop3A_115 : i32 to vector<16xi32>
        %parallel_loop3A_117 = arith.addi %iota3A, %parallel_loop3A_116 : vector<16xi32>
        %parallel_loop3A_118 = arith.constant 63 : i32
        %parallel_loop3A_119 = vector.broadcast %parallel_loop3A_118 : i32 to vector<16xi32>
        %parallel_loop3A_120 = arith.andi %parallel_loop3A_117, %parallel_loop3A_119 : vector<16xi32>
        %parallel_loop3A_121 = tpu.vector_load_idx %arg4[%parallel_loop3A_62, %parallel_loop3A_120] : memref<256x64xf32, #tpu.memory_space<vmem>>[vector<16xi32>, vector<16xi32>], vector<16xf32>,
        %parallel_loop3A_122 = arith.minimumf %parallel_loop3A_121, %parallel_loop3A_84 : vector<16xf32>
        %parallel_loop3A_123 = arith.maximumf %parallel_loop3A_83, %parallel_loop3A_122 : vector<16xf32>
        %parallel_loop3A_124 = arith.maximumf %parallel_loop3A_84, %parallel_loop3A_121 : vector<16xf32>
        %parallel_loop3A_125 = arith.constant 6 : i32
        %parallel_loop3A_126 = vector.broadcast %parallel_loop3A_125 : i32 to vector<16xi32>
        %parallel_loop3A_127 = arith.addi %iota3A, %parallel_loop3A_126 : vector<16xi32>
        %parallel_loop3A_128 = arith.constant 63 : i32
        %parallel_loop3A_129 = vector.broadcast %parallel_loop3A_128 : i32 to vector<16xi32>
        %parallel_loop3A_130 = arith.andi %parallel_loop3A_127, %parallel_loop3A_129 : vector<16xi32>
        %parallel_loop3A_131 = tpu.vector_load_idx %arg4[%parallel_loop3A_62, %parallel_loop3A_130] : memref<256x64xf32, #tpu.memory_space<vmem>>[vector<16xi32>, vector<16xi32>], vector<16xf32>,
        %parallel_loop3A_132 = arith.minimumf %parallel_loop3A_131, %parallel_loop3A_94 : vector<16xf32>
        %parallel_loop3A_133 = arith.maximumf %parallel_loop3A_93, %parallel_loop3A_132 : vector<16xf32>
        %parallel_loop3A_134 = arith.maximumf %parallel_loop3A_94, %parallel_loop3A_131 : vector<16xf32>
        %parallel_loop3A_135 = arith.constant 7 : i32
        %parallel_loop3A_136 = vector.broadcast %parallel_loop3A_135 : i32 to vector<16xi32>
        %parallel_loop3A_137 = arith.addi %iota3A, %parallel_loop3A_136 : vector<16xi32>
        %parallel_loop3A_138 = arith.constant 63 : i32
        %parallel_loop3A_139 = vector.broadcast %parallel_loop3A_138 : i32 to vector<16xi32>
        %parallel_loop3A_140 = arith.andi %parallel_loop3A_137, %parallel_loop3A_139 : vector<16xi32>
        %parallel_loop3A_141 = tpu.vector_load_idx %arg4[%parallel_loop3A_62, %parallel_loop3A_140] : memref<256x64xf32, #tpu.memory_space<vmem>>[vector<16xi32>, vector<16xi32>], vector<16xf32>,
        %parallel_loop3A_142 = arith.minimumf %parallel_loop3A_141, %parallel_loop3A_104 : vector<16xf32>
        %parallel_loop3A_143 = arith.maximumf %parallel_loop3A_103, %parallel_loop3A_142 : vector<16xf32>
        %parallel_loop3A_144 = arith.maximumf %parallel_loop3A_104, %parallel_loop3A_141 : vector<16xf32>
        %parallel_loop3A_145 = arith.constant 8 : i32
        %parallel_loop3A_146 = vector.broadcast %parallel_loop3A_145 : i32 to vector<16xi32>
        %parallel_loop3A_147 = arith.addi %iota3A, %parallel_loop3A_146 : vector<16xi32>
        %parallel_loop3A_148 = arith.constant 63 : i32
        %parallel_loop3A_149 = vector.broadcast %parallel_loop3A_148 : i32 to vector<16xi32>
        %parallel_loop3A_150 = arith.andi %parallel_loop3A_147, %parallel_loop3A_149 : vector<16xi32>
        %parallel_loop3A_151 = tpu.vector_load_idx %arg4[%parallel_loop3A_62, %parallel_loop3A_150] : memref<256x64xf32, #tpu.memory_space<vmem>>[vector<16xi32>, vector<16xi32>], vector<16xf32>,
        %parallel_loop3A_152 = arith.minimumf %parallel_loop3A_151, %parallel_loop3A_114 : vector<16xf32>
        %parallel_loop3A_153 = arith.maximumf %parallel_loop3A_113, %parallel_loop3A_152 : vector<16xf32>
        %parallel_loop3A_154 = arith.maximumf %parallel_loop3A_114, %parallel_loop3A_151 : vector<16xf32>
        %parallel_loop3A_155 = arith.constant 9 : i32
        %parallel_loop3A_156 = vector.broadcast %parallel_loop3A_155 : i32 to vector<16xi32>
        %parallel_loop3A_157 = arith.addi %iota3A, %parallel_loop3A_156 : vector<16xi32>
        %parallel_loop3A_158 = arith.constant 63 : i32
        %parallel_loop3A_159 = vector.broadcast %parallel_loop3A_158 : i32 to vector<16xi32>
        %parallel_loop3A_160 = arith.andi %parallel_loop3A_157, %parallel_loop3A_159 : vector<16xi32>
        %parallel_loop3A_161 = tpu.vector_load_idx %arg4[%parallel_loop3A_62, %parallel_loop3A_160] : memref<256x64xf32, #tpu.memory_space<vmem>>[vector<16xi32>, vector<16xi32>], vector<16xf32>,
        %parallel_loop3A_162 = arith.minimumf %parallel_loop3A_161, %parallel_loop3A_124 : vector<16xf32>
        %parallel_loop3A_163 = arith.maximumf %parallel_loop3A_123, %parallel_loop3A_162 : vector<16xf32>
        %parallel_loop3A_164 = arith.maximumf %parallel_loop3A_124, %parallel_loop3A_161 : vector<16xf32>
        %parallel_loop3A_165 = arith.constant 10 : i32
        %parallel_loop3A_166 = vector.broadcast %parallel_loop3A_165 : i32 to vector<16xi32>
        %parallel_loop3A_167 = arith.addi %iota3A, %parallel_loop3A_166 : vector<16xi32>
        %parallel_loop3A_168 = arith.constant 63 : i32
        %parallel_loop3A_169 = vector.broadcast %parallel_loop3A_168 : i32 to vector<16xi32>
        %parallel_loop3A_170 = arith.andi %parallel_loop3A_167, %parallel_loop3A_169 : vector<16xi32>
        %parallel_loop3A_171 = tpu.vector_load_idx %arg4[%parallel_loop3A_62, %parallel_loop3A_170] : memref<256x64xf32, #tpu.memory_space<vmem>>[vector<16xi32>, vector<16xi32>], vector<16xf32>,
        %parallel_loop3A_172 = arith.minimumf %parallel_loop3A_171, %parallel_loop3A_134 : vector<16xf32>
        %parallel_loop3A_173 = arith.maximumf %parallel_loop3A_133, %parallel_loop3A_172 : vector<16xf32>
        %parallel_loop3A_174 = arith.maximumf %parallel_loop3A_134, %parallel_loop3A_171 : vector<16xf32>
        %parallel_loop3A_175 = arith.constant 11 : i32
        %parallel_loop3A_176 = vector.broadcast %parallel_loop3A_175 : i32 to vector<16xi32>
        %parallel_loop3A_177 = arith.addi %iota3A, %parallel_loop3A_176 : vector<16xi32>
        %parallel_loop3A_178 = arith.constant 63 : i32
        %parallel_loop3A_179 = vector.broadcast %parallel_loop3A_178 : i32 to vector<16xi32>
        %parallel_loop3A_180 = arith.andi %parallel_loop3A_177, %parallel_loop3A_179 : vector<16xi32>
        %parallel_loop3A_181 = tpu.vector_load_idx %arg4[%parallel_loop3A_62, %parallel_loop3A_180] : memref<256x64xf32, #tpu.memory_space<vmem>>[vector<16xi32>, vector<16xi32>], vector<16xf32>,
        %parallel_loop3A_182 = arith.minimumf %parallel_loop3A_181, %parallel_loop3A_144 : vector<16xf32>
        %parallel_loop3A_183 = arith.maximumf %parallel_loop3A_143, %parallel_loop3A_182 : vector<16xf32>
        %parallel_loop3A_184 = arith.maximumf %parallel_loop3A_144, %parallel_loop3A_181 : vector<16xf32>
        %parallel_loop3A_185 = arith.constant 12 : i32
        %parallel_loop3A_186 = vector.broadcast %parallel_loop3A_185 : i32 to vector<16xi32>
        %parallel_loop3A_187 = arith.addi %iota3A, %parallel_loop3A_186 : vector<16xi32>
        %parallel_loop3A_188 = arith.constant 63 : i32
        %parallel_loop3A_189 = vector.broadcast %parallel_loop3A_188 : i32 to vector<16xi32>
        %parallel_loop3A_190 = arith.andi %parallel_loop3A_187, %parallel_loop3A_189 : vector<16xi32>
        %parallel_loop3A_191 = tpu.vector_load_idx %arg4[%parallel_loop3A_62, %parallel_loop3A_190] : memref<256x64xf32, #tpu.memory_space<vmem>>[vector<16xi32>, vector<16xi32>], vector<16xf32>,
        %parallel_loop3A_192 = arith.minimumf %parallel_loop3A_191, %parallel_loop3A_154 : vector<16xf32>
        %parallel_loop3A_193 = arith.maximumf %parallel_loop3A_153, %parallel_loop3A_192 : vector<16xf32>
        %parallel_loop3A_194 = arith.maximumf %parallel_loop3A_154, %parallel_loop3A_191 : vector<16xf32>
        %parallel_loop3A_195 = arith.constant 13 : i32
        %parallel_loop3A_196 = vector.broadcast %parallel_loop3A_195 : i32 to vector<16xi32>
        %parallel_loop3A_197 = arith.addi %iota3A, %parallel_loop3A_196 : vector<16xi32>
        %parallel_loop3A_198 = arith.constant 63 : i32
        %parallel_loop3A_199 = vector.broadcast %parallel_loop3A_198 : i32 to vector<16xi32>
        %parallel_loop3A_200 = arith.andi %parallel_loop3A_197, %parallel_loop3A_199 : vector<16xi32>
        %parallel_loop3A_201 = tpu.vector_load_idx %arg4[%parallel_loop3A_62, %parallel_loop3A_200] : memref<256x64xf32, #tpu.memory_space<vmem>>[vector<16xi32>, vector<16xi32>], vector<16xf32>,
        %parallel_loop3A_202 = arith.minimumf %parallel_loop3A_201, %parallel_loop3A_164 : vector<16xf32>
        %parallel_loop3A_203 = arith.maximumf %parallel_loop3A_163, %parallel_loop3A_202 : vector<16xf32>
        %parallel_loop3A_204 = arith.maximumf %parallel_loop3A_164, %parallel_loop3A_201 : vector<16xf32>
        %parallel_loop3A_205 = arith.constant 14 : i32
        %parallel_loop3A_206 = vector.broadcast %parallel_loop3A_205 : i32 to vector<16xi32>
        %parallel_loop3A_207 = arith.addi %iota3A, %parallel_loop3A_206 : vector<16xi32>
        %parallel_loop3A_208 = arith.constant 63 : i32
        %parallel_loop3A_209 = vector.broadcast %parallel_loop3A_208 : i32 to vector<16xi32>
        %parallel_loop3A_210 = arith.andi %parallel_loop3A_207, %parallel_loop3A_209 : vector<16xi32>
        %parallel_loop3A_211 = tpu.vector_load_idx %arg4[%parallel_loop3A_62, %parallel_loop3A_210] : memref<256x64xf32, #tpu.memory_space<vmem>>[vector<16xi32>, vector<16xi32>], vector<16xf32>,
        %parallel_loop3A_212 = arith.minimumf %parallel_loop3A_211, %parallel_loop3A_174 : vector<16xf32>
        %parallel_loop3A_213 = arith.maximumf %parallel_loop3A_173, %parallel_loop3A_212 : vector<16xf32>
        %parallel_loop3A_214 = arith.maximumf %parallel_loop3A_174, %parallel_loop3A_211 : vector<16xf32>
        %parallel_loop3A_215 = arith.constant 15 : i32
        %parallel_loop3A_216 = vector.broadcast %parallel_loop3A_215 : i32 to vector<16xi32>
        %parallel_loop3A_217 = arith.addi %iota3A, %parallel_loop3A_216 : vector<16xi32>
        %parallel_loop3A_218 = arith.constant 63 : i32
        %parallel_loop3A_219 = vector.broadcast %parallel_loop3A_218 : i32 to vector<16xi32>
        %parallel_loop3A_220 = arith.andi %parallel_loop3A_217, %parallel_loop3A_219 : vector<16xi32>
        %parallel_loop3A_221 = tpu.vector_load_idx %arg4[%parallel_loop3A_62, %parallel_loop3A_220] : memref<256x64xf32, #tpu.memory_space<vmem>>[vector<16xi32>, vector<16xi32>], vector<16xf32>,
        %parallel_loop3A_222 = arith.minimumf %parallel_loop3A_221, %parallel_loop3A_184 : vector<16xf32>
        %parallel_loop3A_223 = arith.maximumf %parallel_loop3A_183, %parallel_loop3A_222 : vector<16xf32>
        %parallel_loop3A_224 = arith.maximumf %parallel_loop3A_184, %parallel_loop3A_221 : vector<16xf32>
        %parallel_loop3A_225 = arith.constant 16 : i32
        %parallel_loop3A_226 = vector.broadcast %parallel_loop3A_225 : i32 to vector<16xi32>
        %parallel_loop3A_227 = arith.addi %iota3A, %parallel_loop3A_226 : vector<16xi32>
        %parallel_loop3A_228 = arith.constant 63 : i32
        %parallel_loop3A_229 = vector.broadcast %parallel_loop3A_228 : i32 to vector<16xi32>
        %parallel_loop3A_230 = arith.andi %parallel_loop3A_227, %parallel_loop3A_229 : vector<16xi32>
        %parallel_loop3A_231 = tpu.vector_load_idx %arg4[%parallel_loop3A_62, %parallel_loop3A_230] : memref<256x64xf32, #tpu.memory_space<vmem>>[vector<16xi32>, vector<16xi32>], vector<16xf32>,
        %parallel_loop3A_232 = arith.minimumf %parallel_loop3A_231, %parallel_loop3A_194 : vector<16xf32>
        %parallel_loop3A_233 = arith.maximumf %parallel_loop3A_193, %parallel_loop3A_232 : vector<16xf32>
        %parallel_loop3A_234 = arith.maximumf %parallel_loop3A_194, %parallel_loop3A_231 : vector<16xf32>
        %parallel_loop3A_235 = arith.constant 17 : i32
        %parallel_loop3A_236 = vector.broadcast %parallel_loop3A_235 : i32 to vector<16xi32>
        %parallel_loop3A_237 = arith.addi %iota3A, %parallel_loop3A_236 : vector<16xi32>
        %parallel_loop3A_238 = arith.constant 63 : i32
        %parallel_loop3A_239 = vector.broadcast %parallel_loop3A_238 : i32 to vector<16xi32>
        %parallel_loop3A_240 = arith.andi %parallel_loop3A_237, %parallel_loop3A_239 : vector<16xi32>
        %parallel_loop3A_241 = tpu.vector_load_idx %arg4[%parallel_loop3A_62, %parallel_loop3A_240] : memref<256x64xf32, #tpu.memory_space<vmem>>[vector<16xi32>, vector<16xi32>], vector<16xf32>,
        %parallel_loop3A_242 = arith.minimumf %parallel_loop3A_241, %parallel_loop3A_204 : vector<16xf32>
        %parallel_loop3A_243 = arith.maximumf %parallel_loop3A_203, %parallel_loop3A_242 : vector<16xf32>
        %parallel_loop3A_244 = arith.maximumf %parallel_loop3A_204, %parallel_loop3A_241 : vector<16xf32>
        %parallel_loop3A_245 = arith.constant 18 : i32
        %parallel_loop3A_246 = vector.broadcast %parallel_loop3A_245 : i32 to vector<16xi32>
        %parallel_loop3A_247 = arith.addi %iota3A, %parallel_loop3A_246 : vector<16xi32>
        %parallel_loop3A_248 = arith.constant 63 : i32
        %parallel_loop3A_249 = vector.broadcast %parallel_loop3A_248 : i32 to vector<16xi32>
        %parallel_loop3A_250 = arith.andi %parallel_loop3A_247, %parallel_loop3A_249 : vector<16xi32>
        %parallel_loop3A_251 = tpu.vector_load_idx %arg4[%parallel_loop3A_62, %parallel_loop3A_250] : memref<256x64xf32, #tpu.memory_space<vmem>>[vector<16xi32>, vector<16xi32>], vector<16xf32>,
        %parallel_loop3A_252 = arith.minimumf %parallel_loop3A_251, %parallel_loop3A_214 : vector<16xf32>
        %parallel_loop3A_253 = arith.maximumf %parallel_loop3A_213, %parallel_loop3A_252 : vector<16xf32>
        %parallel_loop3A_254 = arith.maximumf %parallel_loop3A_214, %parallel_loop3A_251 : vector<16xf32>
        %parallel_loop3A_255 = arith.constant 19 : i32
        %parallel_loop3A_256 = vector.broadcast %parallel_loop3A_255 : i32 to vector<16xi32>
        %parallel_loop3A_257 = arith.addi %iota3A, %parallel_loop3A_256 : vector<16xi32>
        %parallel_loop3A_258 = arith.constant 63 : i32
        %parallel_loop3A_259 = vector.broadcast %parallel_loop3A_258 : i32 to vector<16xi32>
        %parallel_loop3A_260 = arith.andi %parallel_loop3A_257, %parallel_loop3A_259 : vector<16xi32>
        %parallel_loop3A_261 = tpu.vector_load_idx %arg4[%parallel_loop3A_62, %parallel_loop3A_260] : memref<256x64xf32, #tpu.memory_space<vmem>>[vector<16xi32>, vector<16xi32>], vector<16xf32>,
        %parallel_loop3A_262 = arith.minimumf %parallel_loop3A_261, %parallel_loop3A_224 : vector<16xf32>
        %parallel_loop3A_263 = arith.maximumf %parallel_loop3A_223, %parallel_loop3A_262 : vector<16xf32>
        %parallel_loop3A_264 = arith.maximumf %parallel_loop3A_224, %parallel_loop3A_261 : vector<16xf32>
        %parallel_loop3A_265 = arith.constant 20 : i32
        %parallel_loop3A_266 = vector.broadcast %parallel_loop3A_265 : i32 to vector<16xi32>
        %parallel_loop3A_267 = arith.addi %iota3A, %parallel_loop3A_266 : vector<16xi32>
        %parallel_loop3A_268 = arith.constant 63 : i32
        %parallel_loop3A_269 = vector.broadcast %parallel_loop3A_268 : i32 to vector<16xi32>
        %parallel_loop3A_270 = arith.andi %parallel_loop3A_267, %parallel_loop3A_269 : vector<16xi32>
        %parallel_loop3A_271 = tpu.vector_load_idx %arg4[%parallel_loop3A_62, %parallel_loop3A_270] : memref<256x64xf32, #tpu.memory_space<vmem>>[vector<16xi32>, vector<16xi32>], vector<16xf32>,
        %parallel_loop3A_272 = arith.minimumf %parallel_loop3A_271, %parallel_loop3A_234 : vector<16xf32>
        %parallel_loop3A_273 = arith.maximumf %parallel_loop3A_233, %parallel_loop3A_272 : vector<16xf32>
        %parallel_loop3A_274 = arith.maximumf %parallel_loop3A_234, %parallel_loop3A_271 : vector<16xf32>
        %parallel_loop3A_275 = arith.constant 21 : i32
        %parallel_loop3A_276 = vector.broadcast %parallel_loop3A_275 : i32 to vector<16xi32>
        %parallel_loop3A_277 = arith.addi %iota3A, %parallel_loop3A_276 : vector<16xi32>
        %parallel_loop3A_278 = arith.constant 63 : i32
        %parallel_loop3A_279 = vector.broadcast %parallel_loop3A_278 : i32 to vector<16xi32>
        %parallel_loop3A_280 = arith.andi %parallel_loop3A_277, %parallel_loop3A_279 : vector<16xi32>
        %parallel_loop3A_281 = tpu.vector_load_idx %arg4[%parallel_loop3A_62, %parallel_loop3A_280] : memref<256x64xf32, #tpu.memory_space<vmem>>[vector<16xi32>, vector<16xi32>], vector<16xf32>,
        %parallel_loop3A_282 = arith.minimumf %parallel_loop3A_281, %parallel_loop3A_244 : vector<16xf32>
        %parallel_loop3A_283 = arith.maximumf %parallel_loop3A_243, %parallel_loop3A_282 : vector<16xf32>
        %parallel_loop3A_284 = arith.maximumf %parallel_loop3A_244, %parallel_loop3A_281 : vector<16xf32>
        %parallel_loop3A_285 = arith.constant 22 : i32
        %parallel_loop3A_286 = vector.broadcast %parallel_loop3A_285 : i32 to vector<16xi32>
        %parallel_loop3A_287 = arith.addi %iota3A, %parallel_loop3A_286 : vector<16xi32>
        %parallel_loop3A_288 = arith.constant 63 : i32
        %parallel_loop3A_289 = vector.broadcast %parallel_loop3A_288 : i32 to vector<16xi32>
        %parallel_loop3A_290 = arith.andi %parallel_loop3A_287, %parallel_loop3A_289 : vector<16xi32>
        %parallel_loop3A_291 = tpu.vector_load_idx %arg4[%parallel_loop3A_62, %parallel_loop3A_290] : memref<256x64xf32, #tpu.memory_space<vmem>>[vector<16xi32>, vector<16xi32>], vector<16xf32>,
        %parallel_loop3A_292 = arith.minimumf %parallel_loop3A_291, %parallel_loop3A_254 : vector<16xf32>
        %parallel_loop3A_293 = arith.maximumf %parallel_loop3A_253, %parallel_loop3A_292 : vector<16xf32>
        %parallel_loop3A_294 = arith.maximumf %parallel_loop3A_254, %parallel_loop3A_291 : vector<16xf32>
        %parallel_loop3A_295 = arith.constant 23 : i32
        %parallel_loop3A_296 = vector.broadcast %parallel_loop3A_295 : i32 to vector<16xi32>
        %parallel_loop3A_297 = arith.addi %iota3A, %parallel_loop3A_296 : vector<16xi32>
        %parallel_loop3A_298 = arith.constant 63 : i32
        %parallel_loop3A_299 = vector.broadcast %parallel_loop3A_298 : i32 to vector<16xi32>
        %parallel_loop3A_300 = arith.andi %parallel_loop3A_297, %parallel_loop3A_299 : vector<16xi32>
        %parallel_loop3A_301 = tpu.vector_load_idx %arg4[%parallel_loop3A_62, %parallel_loop3A_300] : memref<256x64xf32, #tpu.memory_space<vmem>>[vector<16xi32>, vector<16xi32>], vector<16xf32>,
        %parallel_loop3A_302 = arith.minimumf %parallel_loop3A_301, %parallel_loop3A_264 : vector<16xf32>
        %parallel_loop3A_303 = arith.maximumf %parallel_loop3A_263, %parallel_loop3A_302 : vector<16xf32>
        %parallel_loop3A_304 = arith.maximumf %parallel_loop3A_264, %parallel_loop3A_301 : vector<16xf32>
        %parallel_loop3A_305 = arith.constant 24 : i32
        %parallel_loop3A_306 = vector.broadcast %parallel_loop3A_305 : i32 to vector<16xi32>
        %parallel_loop3A_307 = arith.addi %iota3A, %parallel_loop3A_306 : vector<16xi32>
        %parallel_loop3A_308 = arith.constant 63 : i32
        %parallel_loop3A_309 = vector.broadcast %parallel_loop3A_308 : i32 to vector<16xi32>
        %parallel_loop3A_310 = arith.andi %parallel_loop3A_307, %parallel_loop3A_309 : vector<16xi32>
        %parallel_loop3A_311 = tpu.vector_load_idx %arg4[%parallel_loop3A_62, %parallel_loop3A_310] : memref<256x64xf32, #tpu.memory_space<vmem>>[vector<16xi32>, vector<16xi32>], vector<16xf32>,
        %parallel_loop3A_312 = arith.minimumf %parallel_loop3A_311, %parallel_loop3A_274 : vector<16xf32>
        %parallel_loop3A_313 = arith.maximumf %parallel_loop3A_273, %parallel_loop3A_312 : vector<16xf32>
        %parallel_loop3A_314 = arith.maximumf %parallel_loop3A_274, %parallel_loop3A_311 : vector<16xf32>
        %parallel_loop3A_315 = arith.constant 25 : i32
        %parallel_loop3A_316 = vector.broadcast %parallel_loop3A_315 : i32 to vector<16xi32>
        %parallel_loop3A_317 = arith.addi %iota3A, %parallel_loop3A_316 : vector<16xi32>
        %parallel_loop3A_318 = arith.constant 63 : i32
        %parallel_loop3A_319 = vector.broadcast %parallel_loop3A_318 : i32 to vector<16xi32>
        %parallel_loop3A_320 = arith.andi %parallel_loop3A_317, %parallel_loop3A_319 : vector<16xi32>
        %parallel_loop3A_321 = tpu.vector_load_idx %arg4[%parallel_loop3A_62, %parallel_loop3A_320] : memref<256x64xf32, #tpu.memory_space<vmem>>[vector<16xi32>, vector<16xi32>], vector<16xf32>,
        %parallel_loop3A_322 = arith.minimumf %parallel_loop3A_321, %parallel_loop3A_284 : vector<16xf32>
        %parallel_loop3A_323 = arith.maximumf %parallel_loop3A_283, %parallel_loop3A_322 : vector<16xf32>
        %parallel_loop3A_324 = arith.maximumf %parallel_loop3A_284, %parallel_loop3A_321 : vector<16xf32>
        %parallel_loop3A_325 = arith.constant 26 : i32
        %parallel_loop3A_326 = vector.broadcast %parallel_loop3A_325 : i32 to vector<16xi32>
        %parallel_loop3A_327 = arith.addi %iota3A, %parallel_loop3A_326 : vector<16xi32>
        %parallel_loop3A_328 = arith.constant 63 : i32
        %parallel_loop3A_329 = vector.broadcast %parallel_loop3A_328 : i32 to vector<16xi32>
        %parallel_loop3A_330 = arith.andi %parallel_loop3A_327, %parallel_loop3A_329 : vector<16xi32>
        %parallel_loop3A_331 = tpu.vector_load_idx %arg4[%parallel_loop3A_62, %parallel_loop3A_330] : memref<256x64xf32, #tpu.memory_space<vmem>>[vector<16xi32>, vector<16xi32>], vector<16xf32>,
        %parallel_loop3A_332 = arith.minimumf %parallel_loop3A_331, %parallel_loop3A_294 : vector<16xf32>
        %parallel_loop3A_333 = arith.maximumf %parallel_loop3A_293, %parallel_loop3A_332 : vector<16xf32>
        %parallel_loop3A_334 = arith.maximumf %parallel_loop3A_294, %parallel_loop3A_331 : vector<16xf32>
        %parallel_loop3A_335 = arith.constant 27 : i32
        %parallel_loop3A_336 = vector.broadcast %parallel_loop3A_335 : i32 to vector<16xi32>
        %parallel_loop3A_337 = arith.addi %iota3A, %parallel_loop3A_336 : vector<16xi32>
        %parallel_loop3A_338 = arith.constant 63 : i32
        %parallel_loop3A_339 = vector.broadcast %parallel_loop3A_338 : i32 to vector<16xi32>
        %parallel_loop3A_340 = arith.andi %parallel_loop3A_337, %parallel_loop3A_339 : vector<16xi32>
        %parallel_loop3A_341 = tpu.vector_load_idx %arg4[%parallel_loop3A_62, %parallel_loop3A_340] : memref<256x64xf32, #tpu.memory_space<vmem>>[vector<16xi32>, vector<16xi32>], vector<16xf32>,
        %parallel_loop3A_342 = arith.minimumf %parallel_loop3A_341, %parallel_loop3A_304 : vector<16xf32>
        %parallel_loop3A_343 = arith.maximumf %parallel_loop3A_303, %parallel_loop3A_342 : vector<16xf32>
        %parallel_loop3A_344 = arith.maximumf %parallel_loop3A_304, %parallel_loop3A_341 : vector<16xf32>
        %parallel_loop3A_345 = arith.constant 28 : i32
        %parallel_loop3A_346 = vector.broadcast %parallel_loop3A_345 : i32 to vector<16xi32>
        %parallel_loop3A_347 = arith.addi %iota3A, %parallel_loop3A_346 : vector<16xi32>
        %parallel_loop3A_348 = arith.constant 63 : i32
        %parallel_loop3A_349 = vector.broadcast %parallel_loop3A_348 : i32 to vector<16xi32>
        %parallel_loop3A_350 = arith.andi %parallel_loop3A_347, %parallel_loop3A_349 : vector<16xi32>
        %parallel_loop3A_351 = tpu.vector_load_idx %arg4[%parallel_loop3A_62, %parallel_loop3A_350] : memref<256x64xf32, #tpu.memory_space<vmem>>[vector<16xi32>, vector<16xi32>], vector<16xf32>,
        %parallel_loop3A_352 = arith.minimumf %parallel_loop3A_351, %parallel_loop3A_314 : vector<16xf32>
        %parallel_loop3A_353 = arith.maximumf %parallel_loop3A_313, %parallel_loop3A_352 : vector<16xf32>
        %parallel_loop3A_354 = arith.maximumf %parallel_loop3A_314, %parallel_loop3A_351 : vector<16xf32>
        %parallel_loop3A_355 = arith.constant 29 : i32
        %parallel_loop3A_356 = vector.broadcast %parallel_loop3A_355 : i32 to vector<16xi32>
        %parallel_loop3A_357 = arith.addi %iota3A, %parallel_loop3A_356 : vector<16xi32>
        %parallel_loop3A_358 = arith.constant 63 : i32
        %parallel_loop3A_359 = vector.broadcast %parallel_loop3A_358 : i32 to vector<16xi32>
        %parallel_loop3A_360 = arith.andi %parallel_loop3A_357, %parallel_loop3A_359 : vector<16xi32>
        %parallel_loop3A_361 = tpu.vector_load_idx %arg4[%parallel_loop3A_62, %parallel_loop3A_360] : memref<256x64xf32, #tpu.memory_space<vmem>>[vector<16xi32>, vector<16xi32>], vector<16xf32>,
        %parallel_loop3A_362 = arith.minimumf %parallel_loop3A_361, %parallel_loop3A_324 : vector<16xf32>
        %parallel_loop3A_363 = arith.maximumf %parallel_loop3A_323, %parallel_loop3A_362 : vector<16xf32>
        %parallel_loop3A_364 = arith.maximumf %parallel_loop3A_324, %parallel_loop3A_361 : vector<16xf32>
        %parallel_loop3A_365 = arith.constant 30 : i32
        %parallel_loop3A_366 = vector.broadcast %parallel_loop3A_365 : i32 to vector<16xi32>
        %parallel_loop3A_367 = arith.addi %iota3A, %parallel_loop3A_366 : vector<16xi32>
        %parallel_loop3A_368 = arith.constant 63 : i32
        %parallel_loop3A_369 = vector.broadcast %parallel_loop3A_368 : i32 to vector<16xi32>
        %parallel_loop3A_370 = arith.andi %parallel_loop3A_367, %parallel_loop3A_369 : vector<16xi32>
        %parallel_loop3A_371 = tpu.vector_load_idx %arg4[%parallel_loop3A_62, %parallel_loop3A_370] : memref<256x64xf32, #tpu.memory_space<vmem>>[vector<16xi32>, vector<16xi32>], vector<16xf32>,
        %parallel_loop3A_372 = arith.minimumf %parallel_loop3A_371, %parallel_loop3A_334 : vector<16xf32>
        %parallel_loop3A_373 = arith.maximumf %parallel_loop3A_333, %parallel_loop3A_372 : vector<16xf32>
        %parallel_loop3A_374 = arith.maximumf %parallel_loop3A_334, %parallel_loop3A_371 : vector<16xf32>
        %parallel_loop3A_375 = arith.constant 31 : i32
        %parallel_loop3A_376 = vector.broadcast %parallel_loop3A_375 : i32 to vector<16xi32>
        %parallel_loop3A_377 = arith.addi %iota3A, %parallel_loop3A_376 : vector<16xi32>
        %parallel_loop3A_378 = arith.constant 63 : i32
        %parallel_loop3A_379 = vector.broadcast %parallel_loop3A_378 : i32 to vector<16xi32>
        %parallel_loop3A_380 = arith.andi %parallel_loop3A_377, %parallel_loop3A_379 : vector<16xi32>
        %parallel_loop3A_381 = tpu.vector_load_idx %arg4[%parallel_loop3A_62, %parallel_loop3A_380] : memref<256x64xf32, #tpu.memory_space<vmem>>[vector<16xi32>, vector<16xi32>], vector<16xf32>,
        %parallel_loop3A_382 = arith.minimumf %parallel_loop3A_381, %parallel_loop3A_344 : vector<16xf32>
        %parallel_loop3A_383 = arith.maximumf %parallel_loop3A_343, %parallel_loop3A_382 : vector<16xf32>
        %parallel_loop3A_384 = arith.maximumf %parallel_loop3A_344, %parallel_loop3A_381 : vector<16xf32>
        %parallel_loop3A_385 = arith.constant 32 : i32
        %parallel_loop3A_386 = vector.broadcast %parallel_loop3A_385 : i32 to vector<16xi32>
        %parallel_loop3A_387 = arith.addi %iota3A, %parallel_loop3A_386 : vector<16xi32>
        %parallel_loop3A_388 = arith.constant 63 : i32
        %parallel_loop3A_389 = vector.broadcast %parallel_loop3A_388 : i32 to vector<16xi32>
        %parallel_loop3A_390 = arith.andi %parallel_loop3A_387, %parallel_loop3A_389 : vector<16xi32>
        %parallel_loop3A_391 = tpu.vector_load_idx %arg4[%parallel_loop3A_62, %parallel_loop3A_390] : memref<256x64xf32, #tpu.memory_space<vmem>>[vector<16xi32>, vector<16xi32>], vector<16xf32>,
        %parallel_loop3A_392 = arith.minimumf %parallel_loop3A_391, %parallel_loop3A_354 : vector<16xf32>
        %parallel_loop3A_393 = arith.maximumf %parallel_loop3A_353, %parallel_loop3A_392 : vector<16xf32>
        %parallel_loop3A_394 = arith.maximumf %parallel_loop3A_354, %parallel_loop3A_391 : vector<16xf32>
        %parallel_loop3A_395 = arith.constant 33 : i32
        %parallel_loop3A_396 = vector.broadcast %parallel_loop3A_395 : i32 to vector<16xi32>
        %parallel_loop3A_397 = arith.addi %iota3A, %parallel_loop3A_396 : vector<16xi32>
        %parallel_loop3A_398 = arith.constant 63 : i32
        %parallel_loop3A_399 = vector.broadcast %parallel_loop3A_398 : i32 to vector<16xi32>
        %parallel_loop3A_400 = arith.andi %parallel_loop3A_397, %parallel_loop3A_399 : vector<16xi32>
        %parallel_loop3A_401 = tpu.vector_load_idx %arg4[%parallel_loop3A_62, %parallel_loop3A_400] : memref<256x64xf32, #tpu.memory_space<vmem>>[vector<16xi32>, vector<16xi32>], vector<16xf32>,
        %parallel_loop3A_402 = arith.minimumf %parallel_loop3A_401, %parallel_loop3A_364 : vector<16xf32>
        %parallel_loop3A_403 = arith.maximumf %parallel_loop3A_363, %parallel_loop3A_402 : vector<16xf32>
        %parallel_loop3A_404 = arith.maximumf %parallel_loop3A_364, %parallel_loop3A_401 : vector<16xf32>
        %parallel_loop3A_405 = arith.constant 34 : i32
        %parallel_loop3A_406 = vector.broadcast %parallel_loop3A_405 : i32 to vector<16xi32>
        %parallel_loop3A_407 = arith.addi %iota3A, %parallel_loop3A_406 : vector<16xi32>
        %parallel_loop3A_408 = arith.constant 63 : i32
        %parallel_loop3A_409 = vector.broadcast %parallel_loop3A_408 : i32 to vector<16xi32>
        %parallel_loop3A_410 = arith.andi %parallel_loop3A_407, %parallel_loop3A_409 : vector<16xi32>
        %parallel_loop3A_411 = tpu.vector_load_idx %arg4[%parallel_loop3A_62, %parallel_loop3A_410] : memref<256x64xf32, #tpu.memory_space<vmem>>[vector<16xi32>, vector<16xi32>], vector<16xf32>,
        %parallel_loop3A_412 = arith.minimumf %parallel_loop3A_411, %parallel_loop3A_374 : vector<16xf32>
        %parallel_loop3A_413 = arith.maximumf %parallel_loop3A_373, %parallel_loop3A_412 : vector<16xf32>
        %parallel_loop3A_414 = arith.maximumf %parallel_loop3A_374, %parallel_loop3A_411 : vector<16xf32>
        %parallel_loop3A_415 = arith.constant 35 : i32
        %parallel_loop3A_416 = vector.broadcast %parallel_loop3A_415 : i32 to vector<16xi32>
        %parallel_loop3A_417 = arith.addi %iota3A, %parallel_loop3A_416 : vector<16xi32>
        %parallel_loop3A_418 = arith.constant 63 : i32
        %parallel_loop3A_419 = vector.broadcast %parallel_loop3A_418 : i32 to vector<16xi32>
        %parallel_loop3A_420 = arith.andi %parallel_loop3A_417, %parallel_loop3A_419 : vector<16xi32>
        %parallel_loop3A_421 = tpu.vector_load_idx %arg4[%parallel_loop3A_62, %parallel_loop3A_420] : memref<256x64xf32, #tpu.memory_space<vmem>>[vector<16xi32>, vector<16xi32>], vector<16xf32>,
        %parallel_loop3A_422 = arith.minimumf %parallel_loop3A_421, %parallel_loop3A_384 : vector<16xf32>
        %parallel_loop3A_423 = arith.maximumf %parallel_loop3A_383, %parallel_loop3A_422 : vector<16xf32>
        %parallel_loop3A_424 = arith.maximumf %parallel_loop3A_384, %parallel_loop3A_421 : vector<16xf32>
        %parallel_loop3A_425 = arith.constant 36 : i32
        %parallel_loop3A_426 = vector.broadcast %parallel_loop3A_425 : i32 to vector<16xi32>
        %parallel_loop3A_427 = arith.addi %iota3A, %parallel_loop3A_426 : vector<16xi32>
        %parallel_loop3A_428 = arith.constant 63 : i32
        %parallel_loop3A_429 = vector.broadcast %parallel_loop3A_428 : i32 to vector<16xi32>
        %parallel_loop3A_430 = arith.andi %parallel_loop3A_427, %parallel_loop3A_429 : vector<16xi32>
        %parallel_loop3A_431 = tpu.vector_load_idx %arg4[%parallel_loop3A_62, %parallel_loop3A_430] : memref<256x64xf32, #tpu.memory_space<vmem>>[vector<16xi32>, vector<16xi32>], vector<16xf32>,
        %parallel_loop3A_432 = arith.minimumf %parallel_loop3A_431, %parallel_loop3A_394 : vector<16xf32>
        %parallel_loop3A_433 = arith.maximumf %parallel_loop3A_393, %parallel_loop3A_432 : vector<16xf32>
        %parallel_loop3A_434 = arith.maximumf %parallel_loop3A_394, %parallel_loop3A_431 : vector<16xf32>
        %parallel_loop3A_435 = arith.constant 37 : i32
        %parallel_loop3A_436 = vector.broadcast %parallel_loop3A_435 : i32 to vector<16xi32>
        %parallel_loop3A_437 = arith.addi %iota3A, %parallel_loop3A_436 : vector<16xi32>
        %parallel_loop3A_438 = arith.constant 63 : i32
        %parallel_loop3A_439 = vector.broadcast %parallel_loop3A_438 : i32 to vector<16xi32>
        %parallel_loop3A_440 = arith.andi %parallel_loop3A_437, %parallel_loop3A_439 : vector<16xi32>
        %parallel_loop3A_441 = tpu.vector_load_idx %arg4[%parallel_loop3A_62, %parallel_loop3A_440] : memref<256x64xf32, #tpu.memory_space<vmem>>[vector<16xi32>, vector<16xi32>], vector<16xf32>,
        %parallel_loop3A_442 = arith.minimumf %parallel_loop3A_441, %parallel_loop3A_404 : vector<16xf32>
        %parallel_loop3A_443 = arith.maximumf %parallel_loop3A_403, %parallel_loop3A_442 : vector<16xf32>
        %parallel_loop3A_444 = arith.maximumf %parallel_loop3A_404, %parallel_loop3A_441 : vector<16xf32>
        %parallel_loop3A_445 = arith.constant 38 : i32
        %parallel_loop3A_446 = vector.broadcast %parallel_loop3A_445 : i32 to vector<16xi32>
        %parallel_loop3A_447 = arith.addi %iota3A, %parallel_loop3A_446 : vector<16xi32>
        %parallel_loop3A_448 = arith.constant 63 : i32
        %parallel_loop3A_449 = vector.broadcast %parallel_loop3A_448 : i32 to vector<16xi32>
        %parallel_loop3A_450 = arith.andi %parallel_loop3A_447, %parallel_loop3A_449 : vector<16xi32>
        %parallel_loop3A_451 = tpu.vector_load_idx %arg4[%parallel_loop3A_62, %parallel_loop3A_450] : memref<256x64xf32, #tpu.memory_space<vmem>>[vector<16xi32>, vector<16xi32>], vector<16xf32>,
        %parallel_loop3A_452 = arith.minimumf %parallel_loop3A_451, %parallel_loop3A_414 : vector<16xf32>
        %parallel_loop3A_453 = arith.maximumf %parallel_loop3A_413, %parallel_loop3A_452 : vector<16xf32>
        %parallel_loop3A_454 = arith.maximumf %parallel_loop3A_414, %parallel_loop3A_451 : vector<16xf32>
        %parallel_loop3A_455 = arith.constant 39 : i32
        %parallel_loop3A_456 = vector.broadcast %parallel_loop3A_455 : i32 to vector<16xi32>
        %parallel_loop3A_457 = arith.addi %iota3A, %parallel_loop3A_456 : vector<16xi32>
        %parallel_loop3A_458 = arith.constant 63 : i32
        %parallel_loop3A_459 = vector.broadcast %parallel_loop3A_458 : i32 to vector<16xi32>
        %parallel_loop3A_460 = arith.andi %parallel_loop3A_457, %parallel_loop3A_459 : vector<16xi32>
        %parallel_loop3A_461 = tpu.vector_load_idx %arg4[%parallel_loop3A_62, %parallel_loop3A_460] : memref<256x64xf32, #tpu.memory_space<vmem>>[vector<16xi32>, vector<16xi32>], vector<16xf32>,
        %parallel_loop3A_462 = arith.minimumf %parallel_loop3A_461, %parallel_loop3A_424 : vector<16xf32>
        %parallel_loop3A_463 = arith.maximumf %parallel_loop3A_423, %parallel_loop3A_462 : vector<16xf32>
        %parallel_loop3A_464 = arith.maximumf %parallel_loop3A_424, %parallel_loop3A_461 : vector<16xf32>
        %parallel_loop3A_465 = arith.constant 40 : i32
        %parallel_loop3A_466 = vector.broadcast %parallel_loop3A_465 : i32 to vector<16xi32>
        %parallel_loop3A_467 = arith.addi %iota3A, %parallel_loop3A_466 : vector<16xi32>
        %parallel_loop3A_468 = arith.constant 63 : i32
        %parallel_loop3A_469 = vector.broadcast %parallel_loop3A_468 : i32 to vector<16xi32>
        %parallel_loop3A_470 = arith.andi %parallel_loop3A_467, %parallel_loop3A_469 : vector<16xi32>
        %parallel_loop3A_471 = tpu.vector_load_idx %arg4[%parallel_loop3A_62, %parallel_loop3A_470] : memref<256x64xf32, #tpu.memory_space<vmem>>[vector<16xi32>, vector<16xi32>], vector<16xf32>,
        %parallel_loop3A_472 = arith.minimumf %parallel_loop3A_471, %parallel_loop3A_434 : vector<16xf32>
        %parallel_loop3A_473 = arith.maximumf %parallel_loop3A_433, %parallel_loop3A_472 : vector<16xf32>
        %parallel_loop3A_474 = arith.maximumf %parallel_loop3A_434, %parallel_loop3A_471 : vector<16xf32>
        %parallel_loop3A_475 = arith.constant 41 : i32
        %parallel_loop3A_476 = vector.broadcast %parallel_loop3A_475 : i32 to vector<16xi32>
        %parallel_loop3A_477 = arith.addi %iota3A, %parallel_loop3A_476 : vector<16xi32>
        %parallel_loop3A_478 = arith.constant 63 : i32
        %parallel_loop3A_479 = vector.broadcast %parallel_loop3A_478 : i32 to vector<16xi32>
        %parallel_loop3A_480 = arith.andi %parallel_loop3A_477, %parallel_loop3A_479 : vector<16xi32>
        %parallel_loop3A_481 = tpu.vector_load_idx %arg4[%parallel_loop3A_62, %parallel_loop3A_480] : memref<256x64xf32, #tpu.memory_space<vmem>>[vector<16xi32>, vector<16xi32>], vector<16xf32>,
        %parallel_loop3A_482 = arith.minimumf %parallel_loop3A_481, %parallel_loop3A_444 : vector<16xf32>
        %parallel_loop3A_483 = arith.maximumf %parallel_loop3A_443, %parallel_loop3A_482 : vector<16xf32>
        %parallel_loop3A_484 = arith.maximumf %parallel_loop3A_444, %parallel_loop3A_481 : vector<16xf32>
        %parallel_loop3A_485 = arith.constant 42 : i32
        %parallel_loop3A_486 = vector.broadcast %parallel_loop3A_485 : i32 to vector<16xi32>
        %parallel_loop3A_487 = arith.addi %iota3A, %parallel_loop3A_486 : vector<16xi32>
        %parallel_loop3A_488 = arith.constant 63 : i32
        %parallel_loop3A_489 = vector.broadcast %parallel_loop3A_488 : i32 to vector<16xi32>
        %parallel_loop3A_490 = arith.andi %parallel_loop3A_487, %parallel_loop3A_489 : vector<16xi32>
        %parallel_loop3A_491 = tpu.vector_load_idx %arg4[%parallel_loop3A_62, %parallel_loop3A_490] : memref<256x64xf32, #tpu.memory_space<vmem>>[vector<16xi32>, vector<16xi32>], vector<16xf32>,
        %parallel_loop3A_492 = arith.minimumf %parallel_loop3A_491, %parallel_loop3A_454 : vector<16xf32>
        %parallel_loop3A_493 = arith.maximumf %parallel_loop3A_453, %parallel_loop3A_492 : vector<16xf32>
        %parallel_loop3A_494 = arith.maximumf %parallel_loop3A_454, %parallel_loop3A_491 : vector<16xf32>
        %parallel_loop3A_495 = arith.constant 43 : i32
        %parallel_loop3A_496 = vector.broadcast %parallel_loop3A_495 : i32 to vector<16xi32>
        %parallel_loop3A_497 = arith.addi %iota3A, %parallel_loop3A_496 : vector<16xi32>
        %parallel_loop3A_498 = arith.constant 63 : i32
        %parallel_loop3A_499 = vector.broadcast %parallel_loop3A_498 : i32 to vector<16xi32>
        %parallel_loop3A_500 = arith.andi %parallel_loop3A_497, %parallel_loop3A_499 : vector<16xi32>
        %parallel_loop3A_501 = tpu.vector_load_idx %arg4[%parallel_loop3A_62, %parallel_loop3A_500] : memref<256x64xf32, #tpu.memory_space<vmem>>[vector<16xi32>, vector<16xi32>], vector<16xf32>,
        %parallel_loop3A_502 = arith.minimumf %parallel_loop3A_501, %parallel_loop3A_464 : vector<16xf32>
        %parallel_loop3A_503 = arith.maximumf %parallel_loop3A_463, %parallel_loop3A_502 : vector<16xf32>
        %parallel_loop3A_504 = arith.maximumf %parallel_loop3A_464, %parallel_loop3A_501 : vector<16xf32>
        %parallel_loop3A_505 = arith.constant 44 : i32
        %parallel_loop3A_506 = vector.broadcast %parallel_loop3A_505 : i32 to vector<16xi32>
        %parallel_loop3A_507 = arith.addi %iota3A, %parallel_loop3A_506 : vector<16xi32>
        %parallel_loop3A_508 = arith.constant 63 : i32
        %parallel_loop3A_509 = vector.broadcast %parallel_loop3A_508 : i32 to vector<16xi32>
        %parallel_loop3A_510 = arith.andi %parallel_loop3A_507, %parallel_loop3A_509 : vector<16xi32>
        %parallel_loop3A_511 = tpu.vector_load_idx %arg4[%parallel_loop3A_62, %parallel_loop3A_510] : memref<256x64xf32, #tpu.memory_space<vmem>>[vector<16xi32>, vector<16xi32>], vector<16xf32>,
        %parallel_loop3A_512 = arith.minimumf %parallel_loop3A_511, %parallel_loop3A_474 : vector<16xf32>
        %parallel_loop3A_513 = arith.maximumf %parallel_loop3A_473, %parallel_loop3A_512 : vector<16xf32>
        %parallel_loop3A_514 = arith.maximumf %parallel_loop3A_474, %parallel_loop3A_511 : vector<16xf32>
        %parallel_loop3A_515 = arith.constant 45 : i32
        %parallel_loop3A_516 = vector.broadcast %parallel_loop3A_515 : i32 to vector<16xi32>
        %parallel_loop3A_517 = arith.addi %iota3A, %parallel_loop3A_516 : vector<16xi32>
        %parallel_loop3A_518 = arith.constant 63 : i32
        %parallel_loop3A_519 = vector.broadcast %parallel_loop3A_518 : i32 to vector<16xi32>
        %parallel_loop3A_520 = arith.andi %parallel_loop3A_517, %parallel_loop3A_519 : vector<16xi32>
        %parallel_loop3A_521 = tpu.vector_load_idx %arg4[%parallel_loop3A_62, %parallel_loop3A_520] : memref<256x64xf32, #tpu.memory_space<vmem>>[vector<16xi32>, vector<16xi32>], vector<16xf32>,
        %parallel_loop3A_522 = arith.minimumf %parallel_loop3A_521, %parallel_loop3A_484 : vector<16xf32>
        %parallel_loop3A_523 = arith.maximumf %parallel_loop3A_483, %parallel_loop3A_522 : vector<16xf32>
        %parallel_loop3A_524 = arith.maximumf %parallel_loop3A_484, %parallel_loop3A_521 : vector<16xf32>
        %parallel_loop3A_525 = arith.constant 46 : i32
        %parallel_loop3A_526 = vector.broadcast %parallel_loop3A_525 : i32 to vector<16xi32>
        %parallel_loop3A_527 = arith.addi %iota3A, %parallel_loop3A_526 : vector<16xi32>
        %parallel_loop3A_528 = arith.constant 63 : i32
        %parallel_loop3A_529 = vector.broadcast %parallel_loop3A_528 : i32 to vector<16xi32>
        %parallel_loop3A_530 = arith.andi %parallel_loop3A_527, %parallel_loop3A_529 : vector<16xi32>
        %parallel_loop3A_531 = tpu.vector_load_idx %arg4[%parallel_loop3A_62, %parallel_loop3A_530] : memref<256x64xf32, #tpu.memory_space<vmem>>[vector<16xi32>, vector<16xi32>], vector<16xf32>,
        %parallel_loop3A_532 = arith.minimumf %parallel_loop3A_531, %parallel_loop3A_494 : vector<16xf32>
        %parallel_loop3A_533 = arith.maximumf %parallel_loop3A_493, %parallel_loop3A_532 : vector<16xf32>
        %parallel_loop3A_534 = arith.maximumf %parallel_loop3A_494, %parallel_loop3A_531 : vector<16xf32>
        %parallel_loop3A_535 = arith.constant 47 : i32
        %parallel_loop3A_536 = vector.broadcast %parallel_loop3A_535 : i32 to vector<16xi32>
        %parallel_loop3A_537 = arith.addi %iota3A, %parallel_loop3A_536 : vector<16xi32>
        %parallel_loop3A_538 = arith.constant 63 : i32
        %parallel_loop3A_539 = vector.broadcast %parallel_loop3A_538 : i32 to vector<16xi32>
        %parallel_loop3A_540 = arith.andi %parallel_loop3A_537, %parallel_loop3A_539 : vector<16xi32>
        %parallel_loop3A_541 = tpu.vector_load_idx %arg4[%parallel_loop3A_62, %parallel_loop3A_540] : memref<256x64xf32, #tpu.memory_space<vmem>>[vector<16xi32>, vector<16xi32>], vector<16xf32>,
        %parallel_loop3A_542 = arith.minimumf %parallel_loop3A_541, %parallel_loop3A_504 : vector<16xf32>
        %parallel_loop3A_543 = arith.maximumf %parallel_loop3A_503, %parallel_loop3A_542 : vector<16xf32>
        %parallel_loop3A_544 = arith.maximumf %parallel_loop3A_504, %parallel_loop3A_541 : vector<16xf32>
        %parallel_loop3A_545 = arith.constant 48 : i32
        %parallel_loop3A_546 = vector.broadcast %parallel_loop3A_545 : i32 to vector<16xi32>
        %parallel_loop3A_547 = arith.addi %iota3A, %parallel_loop3A_546 : vector<16xi32>
        %parallel_loop3A_548 = arith.constant 63 : i32
        %parallel_loop3A_549 = vector.broadcast %parallel_loop3A_548 : i32 to vector<16xi32>
        %parallel_loop3A_550 = arith.andi %parallel_loop3A_547, %parallel_loop3A_549 : vector<16xi32>
        %parallel_loop3A_551 = tpu.vector_load_idx %arg4[%parallel_loop3A_62, %parallel_loop3A_550] : memref<256x64xf32, #tpu.memory_space<vmem>>[vector<16xi32>, vector<16xi32>], vector<16xf32>,
        %parallel_loop3A_552 = arith.minimumf %parallel_loop3A_551, %parallel_loop3A_514 : vector<16xf32>
        %parallel_loop3A_553 = arith.maximumf %parallel_loop3A_513, %parallel_loop3A_552 : vector<16xf32>
        %parallel_loop3A_554 = arith.maximumf %parallel_loop3A_514, %parallel_loop3A_551 : vector<16xf32>
        %parallel_loop3A_555 = arith.constant 49 : i32
        %parallel_loop3A_556 = vector.broadcast %parallel_loop3A_555 : i32 to vector<16xi32>
        %parallel_loop3A_557 = arith.addi %iota3A, %parallel_loop3A_556 : vector<16xi32>
        %parallel_loop3A_558 = arith.constant 63 : i32
        %parallel_loop3A_559 = vector.broadcast %parallel_loop3A_558 : i32 to vector<16xi32>
        %parallel_loop3A_560 = arith.andi %parallel_loop3A_557, %parallel_loop3A_559 : vector<16xi32>
        %parallel_loop3A_561 = tpu.vector_load_idx %arg4[%parallel_loop3A_62, %parallel_loop3A_560] : memref<256x64xf32, #tpu.memory_space<vmem>>[vector<16xi32>, vector<16xi32>], vector<16xf32>,
        %parallel_loop3A_562 = arith.minimumf %parallel_loop3A_561, %parallel_loop3A_524 : vector<16xf32>
        %parallel_loop3A_563 = arith.maximumf %parallel_loop3A_523, %parallel_loop3A_562 : vector<16xf32>
        %parallel_loop3A_564 = arith.maximumf %parallel_loop3A_524, %parallel_loop3A_561 : vector<16xf32>
        %parallel_loop3A_565 = arith.constant 50 : i32
        %parallel_loop3A_566 = vector.broadcast %parallel_loop3A_565 : i32 to vector<16xi32>
        %parallel_loop3A_567 = arith.addi %iota3A, %parallel_loop3A_566 : vector<16xi32>
        %parallel_loop3A_568 = arith.constant 63 : i32
        %parallel_loop3A_569 = vector.broadcast %parallel_loop3A_568 : i32 to vector<16xi32>
        %parallel_loop3A_570 = arith.andi %parallel_loop3A_567, %parallel_loop3A_569 : vector<16xi32>
        %parallel_loop3A_571 = tpu.vector_load_idx %arg4[%parallel_loop3A_62, %parallel_loop3A_570] : memref<256x64xf32, #tpu.memory_space<vmem>>[vector<16xi32>, vector<16xi32>], vector<16xf32>,
        %parallel_loop3A_572 = arith.minimumf %parallel_loop3A_571, %parallel_loop3A_534 : vector<16xf32>
        %parallel_loop3A_573 = arith.maximumf %parallel_loop3A_533, %parallel_loop3A_572 : vector<16xf32>
        %parallel_loop3A_574 = arith.maximumf %parallel_loop3A_534, %parallel_loop3A_571 : vector<16xf32>
        %parallel_loop3A_575 = arith.constant 51 : i32
        %parallel_loop3A_576 = vector.broadcast %parallel_loop3A_575 : i32 to vector<16xi32>
        %parallel_loop3A_577 = arith.addi %iota3A, %parallel_loop3A_576 : vector<16xi32>
        %parallel_loop3A_578 = arith.constant 63 : i32
        %parallel_loop3A_579 = vector.broadcast %parallel_loop3A_578 : i32 to vector<16xi32>
        %parallel_loop3A_580 = arith.andi %parallel_loop3A_577, %parallel_loop3A_579 : vector<16xi32>
        %parallel_loop3A_581 = tpu.vector_load_idx %arg4[%parallel_loop3A_62, %parallel_loop3A_580] : memref<256x64xf32, #tpu.memory_space<vmem>>[vector<16xi32>, vector<16xi32>], vector<16xf32>,
        %parallel_loop3A_582 = arith.minimumf %parallel_loop3A_581, %parallel_loop3A_544 : vector<16xf32>
        %parallel_loop3A_583 = arith.maximumf %parallel_loop3A_543, %parallel_loop3A_582 : vector<16xf32>
        %parallel_loop3A_584 = arith.maximumf %parallel_loop3A_544, %parallel_loop3A_581 : vector<16xf32>
        %parallel_loop3A_585 = arith.constant 52 : i32
        %parallel_loop3A_586 = vector.broadcast %parallel_loop3A_585 : i32 to vector<16xi32>
        %parallel_loop3A_587 = arith.addi %iota3A, %parallel_loop3A_586 : vector<16xi32>
        %parallel_loop3A_588 = arith.constant 63 : i32
        %parallel_loop3A_589 = vector.broadcast %parallel_loop3A_588 : i32 to vector<16xi32>
        %parallel_loop3A_590 = arith.andi %parallel_loop3A_587, %parallel_loop3A_589 : vector<16xi32>
        %parallel_loop3A_591 = tpu.vector_load_idx %arg4[%parallel_loop3A_62, %parallel_loop3A_590] : memref<256x64xf32, #tpu.memory_space<vmem>>[vector<16xi32>, vector<16xi32>], vector<16xf32>,
        %parallel_loop3A_592 = arith.minimumf %parallel_loop3A_591, %parallel_loop3A_554 : vector<16xf32>
        %parallel_loop3A_593 = arith.maximumf %parallel_loop3A_553, %parallel_loop3A_592 : vector<16xf32>
        %parallel_loop3A_594 = arith.maximumf %parallel_loop3A_554, %parallel_loop3A_591 : vector<16xf32>
        %parallel_loop3A_595 = arith.constant 53 : i32
        %parallel_loop3A_596 = vector.broadcast %parallel_loop3A_595 : i32 to vector<16xi32>
        %parallel_loop3A_597 = arith.addi %iota3A, %parallel_loop3A_596 : vector<16xi32>
        %parallel_loop3A_598 = arith.constant 63 : i32
        %parallel_loop3A_599 = vector.broadcast %parallel_loop3A_598 : i32 to vector<16xi32>
        %parallel_loop3A_600 = arith.andi %parallel_loop3A_597, %parallel_loop3A_599 : vector<16xi32>
        %parallel_loop3A_601 = tpu.vector_load_idx %arg4[%parallel_loop3A_62, %parallel_loop3A_600] : memref<256x64xf32, #tpu.memory_space<vmem>>[vector<16xi32>, vector<16xi32>], vector<16xf32>,
        %parallel_loop3A_602 = arith.minimumf %parallel_loop3A_601, %parallel_loop3A_564 : vector<16xf32>
        %parallel_loop3A_603 = arith.maximumf %parallel_loop3A_563, %parallel_loop3A_602 : vector<16xf32>
        %parallel_loop3A_604 = arith.maximumf %parallel_loop3A_564, %parallel_loop3A_601 : vector<16xf32>
        %parallel_loop3A_605 = arith.constant 54 : i32
        %parallel_loop3A_606 = vector.broadcast %parallel_loop3A_605 : i32 to vector<16xi32>
        %parallel_loop3A_607 = arith.addi %iota3A, %parallel_loop3A_606 : vector<16xi32>
        %parallel_loop3A_608 = arith.constant 63 : i32
        %parallel_loop3A_609 = vector.broadcast %parallel_loop3A_608 : i32 to vector<16xi32>
        %parallel_loop3A_610 = arith.andi %parallel_loop3A_607, %parallel_loop3A_609 : vector<16xi32>
        %parallel_loop3A_611 = tpu.vector_load_idx %arg4[%parallel_loop3A_62, %parallel_loop3A_610] : memref<256x64xf32, #tpu.memory_space<vmem>>[vector<16xi32>, vector<16xi32>], vector<16xf32>,
        %parallel_loop3A_612 = arith.minimumf %parallel_loop3A_611, %parallel_loop3A_574 : vector<16xf32>
        %parallel_loop3A_613 = arith.maximumf %parallel_loop3A_573, %parallel_loop3A_612 : vector<16xf32>
        %parallel_loop3A_614 = arith.maximumf %parallel_loop3A_574, %parallel_loop3A_611 : vector<16xf32>
        %parallel_loop3A_615 = arith.constant 55 : i32
        %parallel_loop3A_616 = vector.broadcast %parallel_loop3A_615 : i32 to vector<16xi32>
        %parallel_loop3A_617 = arith.addi %iota3A, %parallel_loop3A_616 : vector<16xi32>
        %parallel_loop3A_618 = arith.constant 63 : i32
        %parallel_loop3A_619 = vector.broadcast %parallel_loop3A_618 : i32 to vector<16xi32>
        %parallel_loop3A_620 = arith.andi %parallel_loop3A_617, %parallel_loop3A_619 : vector<16xi32>
        %parallel_loop3A_621 = tpu.vector_load_idx %arg4[%parallel_loop3A_62, %parallel_loop3A_620] : memref<256x64xf32, #tpu.memory_space<vmem>>[vector<16xi32>, vector<16xi32>], vector<16xf32>,
        %parallel_loop3A_622 = arith.minimumf %parallel_loop3A_621, %parallel_loop3A_584 : vector<16xf32>
        %parallel_loop3A_623 = arith.maximumf %parallel_loop3A_583, %parallel_loop3A_622 : vector<16xf32>
        %parallel_loop3A_624 = arith.maximumf %parallel_loop3A_584, %parallel_loop3A_621 : vector<16xf32>
        %parallel_loop3A_625 = arith.constant 56 : i32
        %parallel_loop3A_626 = vector.broadcast %parallel_loop3A_625 : i32 to vector<16xi32>
        %parallel_loop3A_627 = arith.addi %iota3A, %parallel_loop3A_626 : vector<16xi32>
        %parallel_loop3A_628 = arith.constant 63 : i32
        %parallel_loop3A_629 = vector.broadcast %parallel_loop3A_628 : i32 to vector<16xi32>
        %parallel_loop3A_630 = arith.andi %parallel_loop3A_627, %parallel_loop3A_629 : vector<16xi32>
        %parallel_loop3A_631 = tpu.vector_load_idx %arg4[%parallel_loop3A_62, %parallel_loop3A_630] : memref<256x64xf32, #tpu.memory_space<vmem>>[vector<16xi32>, vector<16xi32>], vector<16xf32>,
        %parallel_loop3A_632 = arith.minimumf %parallel_loop3A_631, %parallel_loop3A_594 : vector<16xf32>
        %parallel_loop3A_633 = arith.maximumf %parallel_loop3A_593, %parallel_loop3A_632 : vector<16xf32>
        %parallel_loop3A_634 = arith.maximumf %parallel_loop3A_594, %parallel_loop3A_631 : vector<16xf32>
        %parallel_loop3A_635 = arith.constant 57 : i32
        %parallel_loop3A_636 = vector.broadcast %parallel_loop3A_635 : i32 to vector<16xi32>
        %parallel_loop3A_637 = arith.addi %iota3A, %parallel_loop3A_636 : vector<16xi32>
        %parallel_loop3A_638 = arith.constant 63 : i32
        %parallel_loop3A_639 = vector.broadcast %parallel_loop3A_638 : i32 to vector<16xi32>
        %parallel_loop3A_640 = arith.andi %parallel_loop3A_637, %parallel_loop3A_639 : vector<16xi32>
        %parallel_loop3A_641 = tpu.vector_load_idx %arg4[%parallel_loop3A_62, %parallel_loop3A_640] : memref<256x64xf32, #tpu.memory_space<vmem>>[vector<16xi32>, vector<16xi32>], vector<16xf32>,
        %parallel_loop3A_642 = arith.minimumf %parallel_loop3A_641, %parallel_loop3A_604 : vector<16xf32>
        %parallel_loop3A_643 = arith.maximumf %parallel_loop3A_603, %parallel_loop3A_642 : vector<16xf32>
        %parallel_loop3A_644 = arith.maximumf %parallel_loop3A_604, %parallel_loop3A_641 : vector<16xf32>
        %parallel_loop3A_645 = arith.constant 58 : i32
        %parallel_loop3A_646 = vector.broadcast %parallel_loop3A_645 : i32 to vector<16xi32>
        %parallel_loop3A_647 = arith.addi %iota3A, %parallel_loop3A_646 : vector<16xi32>
        %parallel_loop3A_648 = arith.constant 63 : i32
        %parallel_loop3A_649 = vector.broadcast %parallel_loop3A_648 : i32 to vector<16xi32>
        %parallel_loop3A_650 = arith.andi %parallel_loop3A_647, %parallel_loop3A_649 : vector<16xi32>
        %parallel_loop3A_651 = tpu.vector_load_idx %arg4[%parallel_loop3A_62, %parallel_loop3A_650] : memref<256x64xf32, #tpu.memory_space<vmem>>[vector<16xi32>, vector<16xi32>], vector<16xf32>,
        %parallel_loop3A_652 = arith.minimumf %parallel_loop3A_651, %parallel_loop3A_614 : vector<16xf32>
        %parallel_loop3A_653 = arith.maximumf %parallel_loop3A_613, %parallel_loop3A_652 : vector<16xf32>
        %parallel_loop3A_654 = arith.maximumf %parallel_loop3A_614, %parallel_loop3A_651 : vector<16xf32>
        %parallel_loop3A_655 = arith.constant 59 : i32
        %parallel_loop3A_656 = vector.broadcast %parallel_loop3A_655 : i32 to vector<16xi32>
        %parallel_loop3A_657 = arith.addi %iota3A, %parallel_loop3A_656 : vector<16xi32>
        %parallel_loop3A_658 = arith.constant 63 : i32
        %parallel_loop3A_659 = vector.broadcast %parallel_loop3A_658 : i32 to vector<16xi32>
        %parallel_loop3A_660 = arith.andi %parallel_loop3A_657, %parallel_loop3A_659 : vector<16xi32>
        %parallel_loop3A_661 = tpu.vector_load_idx %arg4[%parallel_loop3A_62, %parallel_loop3A_660] : memref<256x64xf32, #tpu.memory_space<vmem>>[vector<16xi32>, vector<16xi32>], vector<16xf32>,
        %parallel_loop3A_662 = arith.minimumf %parallel_loop3A_661, %parallel_loop3A_624 : vector<16xf32>
        %parallel_loop3A_663 = arith.maximumf %parallel_loop3A_623, %parallel_loop3A_662 : vector<16xf32>
        %parallel_loop3A_664 = arith.maximumf %parallel_loop3A_624, %parallel_loop3A_661 : vector<16xf32>
        %parallel_loop3A_665 = arith.constant 60 : i32
        %parallel_loop3A_666 = vector.broadcast %parallel_loop3A_665 : i32 to vector<16xi32>
        %parallel_loop3A_667 = arith.addi %iota3A, %parallel_loop3A_666 : vector<16xi32>
        %parallel_loop3A_668 = arith.constant 63 : i32
        %parallel_loop3A_669 = vector.broadcast %parallel_loop3A_668 : i32 to vector<16xi32>
        %parallel_loop3A_670 = arith.andi %parallel_loop3A_667, %parallel_loop3A_669 : vector<16xi32>
        %parallel_loop3A_671 = tpu.vector_load_idx %arg4[%parallel_loop3A_62, %parallel_loop3A_670] : memref<256x64xf32, #tpu.memory_space<vmem>>[vector<16xi32>, vector<16xi32>], vector<16xf32>,
        %parallel_loop3A_672 = arith.minimumf %parallel_loop3A_671, %parallel_loop3A_634 : vector<16xf32>
        %parallel_loop3A_673 = arith.maximumf %parallel_loop3A_633, %parallel_loop3A_672 : vector<16xf32>
        %parallel_loop3A_674 = arith.maximumf %parallel_loop3A_634, %parallel_loop3A_671 : vector<16xf32>
        %parallel_loop3A_675 = arith.constant 61 : i32
        %parallel_loop3A_676 = vector.broadcast %parallel_loop3A_675 : i32 to vector<16xi32>
        %parallel_loop3A_677 = arith.addi %iota3A, %parallel_loop3A_676 : vector<16xi32>
        %parallel_loop3A_678 = arith.constant 63 : i32
        %parallel_loop3A_679 = vector.broadcast %parallel_loop3A_678 : i32 to vector<16xi32>
        %parallel_loop3A_680 = arith.andi %parallel_loop3A_677, %parallel_loop3A_679 : vector<16xi32>
        %parallel_loop3A_681 = tpu.vector_load_idx %arg4[%parallel_loop3A_62, %parallel_loop3A_680] : memref<256x64xf32, #tpu.memory_space<vmem>>[vector<16xi32>, vector<16xi32>], vector<16xf32>,
        %parallel_loop3A_682 = arith.minimumf %parallel_loop3A_681, %parallel_loop3A_644 : vector<16xf32>
        %parallel_loop3A_683 = arith.maximumf %parallel_loop3A_643, %parallel_loop3A_682 : vector<16xf32>
        %parallel_loop3A_684 = arith.maximumf %parallel_loop3A_644, %parallel_loop3A_681 : vector<16xf32>
        %parallel_loop3A_685 = arith.constant 62 : i32
        %parallel_loop3A_686 = vector.broadcast %parallel_loop3A_685 : i32 to vector<16xi32>
        %parallel_loop3A_687 = arith.addi %iota3A, %parallel_loop3A_686 : vector<16xi32>
        %parallel_loop3A_688 = arith.constant 63 : i32
        %parallel_loop3A_689 = vector.broadcast %parallel_loop3A_688 : i32 to vector<16xi32>
        %parallel_loop3A_690 = arith.andi %parallel_loop3A_687, %parallel_loop3A_689 : vector<16xi32>
        %parallel_loop3A_691 = tpu.vector_load_idx %arg4[%parallel_loop3A_62, %parallel_loop3A_690] : memref<256x64xf32, #tpu.memory_space<vmem>>[vector<16xi32>, vector<16xi32>], vector<16xf32>,
        %parallel_loop3A_692 = arith.minimumf %parallel_loop3A_691, %parallel_loop3A_654 : vector<16xf32>
        %parallel_loop3A_693 = arith.maximumf %parallel_loop3A_653, %parallel_loop3A_692 : vector<16xf32>
        %parallel_loop3A_694 = arith.maximumf %parallel_loop3A_654, %parallel_loop3A_691 : vector<16xf32>
        %parallel_loop3A_695 = arith.constant 63 : i32
        %parallel_loop3A_696 = vector.broadcast %parallel_loop3A_695 : i32 to vector<16xi32>
        %parallel_loop3A_697 = arith.addi %iota3A, %parallel_loop3A_696 : vector<16xi32>
        %parallel_loop3A_698 = arith.constant 63 : i32
        %parallel_loop3A_699 = vector.broadcast %parallel_loop3A_698 : i32 to vector<16xi32>
        %parallel_loop3A_700 = arith.andi %parallel_loop3A_697, %parallel_loop3A_699 : vector<16xi32>
        %parallel_loop3A_701 = tpu.vector_load_idx %arg4[%parallel_loop3A_62, %parallel_loop3A_700] : memref<256x64xf32, #tpu.memory_space<vmem>>[vector<16xi32>, vector<16xi32>], vector<16xf32>,
        %parallel_loop3A_702 = arith.minimumf %parallel_loop3A_701, %parallel_loop3A_664 : vector<16xf32>
        %parallel_loop3A_703 = arith.maximumf %parallel_loop3A_663, %parallel_loop3A_702 : vector<16xf32>
        %parallel_loop3A_704 = arith.maximumf %parallel_loop3A_664, %parallel_loop3A_701 : vector<16xf32>
        %parallel_loop3A_705 = arith.maximumf %parallel_loop3A_674, %parallel_loop3A_684 : vector<16xf32>
        %parallel_loop3A_706 = arith.minimumf %parallel_loop3A_674, %parallel_loop3A_684 : vector<16xf32>
        %parallel_loop3A_707 = arith.maximumf %parallel_loop3A_673, %parallel_loop3A_683 : vector<16xf32>
        %parallel_loop3A_708 = arith.maximumf %parallel_loop3A_706, %parallel_loop3A_707 : vector<16xf32>
        %parallel_loop3A_709 = arith.maximumf %parallel_loop3A_694, %parallel_loop3A_704 : vector<16xf32>
        %parallel_loop3A_710 = arith.minimumf %parallel_loop3A_694, %parallel_loop3A_704 : vector<16xf32>
        %parallel_loop3A_711 = arith.maximumf %parallel_loop3A_693, %parallel_loop3A_703 : vector<16xf32>
        %parallel_loop3A_712 = arith.maximumf %parallel_loop3A_710, %parallel_loop3A_711 : vector<16xf32>
        %parallel_loop3A_713 = arith.maximumf %parallel_loop3A_705, %parallel_loop3A_709 : vector<16xf32>
        %parallel_loop3A_714 = arith.minimumf %parallel_loop3A_705, %parallel_loop3A_709 : vector<16xf32>
        %parallel_loop3A_715 = arith.maximumf %parallel_loop3A_708, %parallel_loop3A_712 : vector<16xf32>
        %parallel_loop3A_716 = arith.maximumf %parallel_loop3A_714, %parallel_loop3A_715 : vector<16xf32>
        %parallel_loop3A_717 = arith.subf %parallel_loop3A_716, %parallel_loop3A_713 : vector<16xf32>
        %parallel_loop3A_718 = math.exp %parallel_loop3A_717 : vector<16xf32>
        %parallel_loop3A_719 = arith.constant 1.000000e+00 : f32
        %parallel_loop3A_720 = vector.broadcast %parallel_loop3A_719 : f32 to vector<16xf32>
        %parallel_loop3A_721 = arith.addf %parallel_loop3A_720, %parallel_loop3A_718 : vector<16xf32>
        %parallel_loop3A_722 = arith.constant 1.000000e+00 : f32
        %parallel_loop3A_723 = vector.broadcast %parallel_loop3A_722 : f32 to vector<16xf32>
        %parallel_loop3A_724 = arith.divf %parallel_loop3A_723, %parallel_loop3A_721 : vector<16xf32>
        %parallel_loop3A_725 = arith.constant 1.000000e+00 : f32
        %parallel_loop3A_726 = vector.broadcast %parallel_loop3A_725 : f32 to vector<16xf32>
        %parallel_loop3A_727 = arith.subf %parallel_loop3A_726, %parallel_loop3A_724 : vector<16xf32>
        %parallel_loop3A_728 = arith.constant 0.000000e+00 : f32
        %parallel_loop3A_729 = vector.broadcast %parallel_loop3A_728 : f32 to vector<16xf32>
        %parallel_loop3A_730 = arith.constant 0 : i32
        %parallel_loop3A_731 = vector.broadcast %parallel_loop3A_730 : i32 to vector<16xi32>
        %parallel_loop3A_732 = arith.addi %iota3A, %parallel_loop3A_731 : vector<16xi32>
        %parallel_loop3A_733 = arith.constant 63 : i32
        %parallel_loop3A_734 = vector.broadcast %parallel_loop3A_733 : i32 to vector<16xi32>
        %parallel_loop3A_735 = arith.andi %parallel_loop3A_732, %parallel_loop3A_734 : vector<16xi32>
        %parallel_loop3A_736 = tpu.vector_load_idx %arg4[%parallel_loop3A_62, %parallel_loop3A_735] : memref<256x64xf32, #tpu.memory_space<vmem>>[vector<16xi32>, vector<16xi32>], vector<16xf32>,
        %parallel_loop3A_737 = arith.cmpf oeq, %parallel_loop3A_736, %parallel_loop3A_713 : vector<16xf32>
        %parallel_loop3A_738 = arith.cmpf oeq, %parallel_loop3A_736, %parallel_loop3A_716 : vector<16xf32>
        %parallel_loop3A_739 = arith.select %parallel_loop3A_738, %parallel_loop3A_727, %parallel_loop3A_729 : vector<16xi1>, vector<16xf32>
        %parallel_loop3A_740 = arith.select %parallel_loop3A_737, %parallel_loop3A_724, %parallel_loop3A_739 : vector<16xi1>, vector<16xf32>
        tpu.vector_store_idx %arg6[%parallel_loop3A_62, %parallel_loop3A_735], %parallel_loop3A_740 : memref<256x64xf32, #tpu.memory_space<vmem>>[vector<16xi32>, vector<16xi32>], vector<16xf32>,
        %parallel_loop3A_741 = arith.constant 1 : i32
        %parallel_loop3A_742 = vector.broadcast %parallel_loop3A_741 : i32 to vector<16xi32>
        %parallel_loop3A_743 = arith.addi %iota3A, %parallel_loop3A_742 : vector<16xi32>
        %parallel_loop3A_744 = arith.constant 63 : i32
        %parallel_loop3A_745 = vector.broadcast %parallel_loop3A_744 : i32 to vector<16xi32>
        %parallel_loop3A_746 = arith.andi %parallel_loop3A_743, %parallel_loop3A_745 : vector<16xi32>
        %parallel_loop3A_747 = tpu.vector_load_idx %arg4[%parallel_loop3A_62, %parallel_loop3A_746] : memref<256x64xf32, #tpu.memory_space<vmem>>[vector<16xi32>, vector<16xi32>], vector<16xf32>,
        %parallel_loop3A_748 = arith.cmpf oeq, %parallel_loop3A_747, %parallel_loop3A_713 : vector<16xf32>
        %parallel_loop3A_749 = arith.cmpf oeq, %parallel_loop3A_747, %parallel_loop3A_716 : vector<16xf32>
        %parallel_loop3A_750 = arith.select %parallel_loop3A_749, %parallel_loop3A_727, %parallel_loop3A_729 : vector<16xi1>, vector<16xf32>
        %parallel_loop3A_751 = arith.select %parallel_loop3A_748, %parallel_loop3A_724, %parallel_loop3A_750 : vector<16xi1>, vector<16xf32>
        tpu.vector_store_idx %arg6[%parallel_loop3A_62, %parallel_loop3A_746], %parallel_loop3A_751 : memref<256x64xf32, #tpu.memory_space<vmem>>[vector<16xi32>, vector<16xi32>], vector<16xf32>,
        %parallel_loop3A_752 = arith.constant 2 : i32
        %parallel_loop3A_753 = vector.broadcast %parallel_loop3A_752 : i32 to vector<16xi32>
        %parallel_loop3A_754 = arith.addi %iota3A, %parallel_loop3A_753 : vector<16xi32>
        %parallel_loop3A_755 = arith.constant 63 : i32
        %parallel_loop3A_756 = vector.broadcast %parallel_loop3A_755 : i32 to vector<16xi32>
        %parallel_loop3A_757 = arith.andi %parallel_loop3A_754, %parallel_loop3A_756 : vector<16xi32>
        %parallel_loop3A_758 = tpu.vector_load_idx %arg4[%parallel_loop3A_62, %parallel_loop3A_757] : memref<256x64xf32, #tpu.memory_space<vmem>>[vector<16xi32>, vector<16xi32>], vector<16xf32>,
        %parallel_loop3A_759 = arith.cmpf oeq, %parallel_loop3A_758, %parallel_loop3A_713 : vector<16xf32>
        %parallel_loop3A_760 = arith.cmpf oeq, %parallel_loop3A_758, %parallel_loop3A_716 : vector<16xf32>
        %parallel_loop3A_761 = arith.select %parallel_loop3A_760, %parallel_loop3A_727, %parallel_loop3A_729 : vector<16xi1>, vector<16xf32>
        %parallel_loop3A_762 = arith.select %parallel_loop3A_759, %parallel_loop3A_724, %parallel_loop3A_761 : vector<16xi1>, vector<16xf32>
        tpu.vector_store_idx %arg6[%parallel_loop3A_62, %parallel_loop3A_757], %parallel_loop3A_762 : memref<256x64xf32, #tpu.memory_space<vmem>>[vector<16xi32>, vector<16xi32>], vector<16xf32>,
        %parallel_loop3A_763 = arith.constant 3 : i32
        %parallel_loop3A_764 = vector.broadcast %parallel_loop3A_763 : i32 to vector<16xi32>
        %parallel_loop3A_765 = arith.addi %iota3A, %parallel_loop3A_764 : vector<16xi32>
        %parallel_loop3A_766 = arith.constant 63 : i32
        %parallel_loop3A_767 = vector.broadcast %parallel_loop3A_766 : i32 to vector<16xi32>
        %parallel_loop3A_768 = arith.andi %parallel_loop3A_765, %parallel_loop3A_767 : vector<16xi32>
        %parallel_loop3A_769 = tpu.vector_load_idx %arg4[%parallel_loop3A_62, %parallel_loop3A_768] : memref<256x64xf32, #tpu.memory_space<vmem>>[vector<16xi32>, vector<16xi32>], vector<16xf32>,
        %parallel_loop3A_770 = arith.cmpf oeq, %parallel_loop3A_769, %parallel_loop3A_713 : vector<16xf32>
        %parallel_loop3A_771 = arith.cmpf oeq, %parallel_loop3A_769, %parallel_loop3A_716 : vector<16xf32>
        %parallel_loop3A_772 = arith.select %parallel_loop3A_771, %parallel_loop3A_727, %parallel_loop3A_729 : vector<16xi1>, vector<16xf32>
        %parallel_loop3A_773 = arith.select %parallel_loop3A_770, %parallel_loop3A_724, %parallel_loop3A_772 : vector<16xi1>, vector<16xf32>
        tpu.vector_store_idx %arg6[%parallel_loop3A_62, %parallel_loop3A_768], %parallel_loop3A_773 : memref<256x64xf32, #tpu.memory_space<vmem>>[vector<16xi32>, vector<16xi32>], vector<16xf32>,
        %parallel_loop3A_774 = arith.constant 4 : i32
        %parallel_loop3A_775 = vector.broadcast %parallel_loop3A_774 : i32 to vector<16xi32>
        %parallel_loop3A_776 = arith.addi %iota3A, %parallel_loop3A_775 : vector<16xi32>
        %parallel_loop3A_777 = arith.constant 63 : i32
        %parallel_loop3A_778 = vector.broadcast %parallel_loop3A_777 : i32 to vector<16xi32>
        %parallel_loop3A_779 = arith.andi %parallel_loop3A_776, %parallel_loop3A_778 : vector<16xi32>
        %parallel_loop3A_780 = tpu.vector_load_idx %arg4[%parallel_loop3A_62, %parallel_loop3A_779] : memref<256x64xf32, #tpu.memory_space<vmem>>[vector<16xi32>, vector<16xi32>], vector<16xf32>,
        %parallel_loop3A_781 = arith.cmpf oeq, %parallel_loop3A_780, %parallel_loop3A_713 : vector<16xf32>
        %parallel_loop3A_782 = arith.cmpf oeq, %parallel_loop3A_780, %parallel_loop3A_716 : vector<16xf32>
        %parallel_loop3A_783 = arith.select %parallel_loop3A_782, %parallel_loop3A_727, %parallel_loop3A_729 : vector<16xi1>, vector<16xf32>
        %parallel_loop3A_784 = arith.select %parallel_loop3A_781, %parallel_loop3A_724, %parallel_loop3A_783 : vector<16xi1>, vector<16xf32>
        tpu.vector_store_idx %arg6[%parallel_loop3A_62, %parallel_loop3A_779], %parallel_loop3A_784 : memref<256x64xf32, #tpu.memory_space<vmem>>[vector<16xi32>, vector<16xi32>], vector<16xf32>,
        %parallel_loop3A_785 = arith.constant 5 : i32
        %parallel_loop3A_786 = vector.broadcast %parallel_loop3A_785 : i32 to vector<16xi32>
        %parallel_loop3A_787 = arith.addi %iota3A, %parallel_loop3A_786 : vector<16xi32>
        %parallel_loop3A_788 = arith.constant 63 : i32
        %parallel_loop3A_789 = vector.broadcast %parallel_loop3A_788 : i32 to vector<16xi32>
        %parallel_loop3A_790 = arith.andi %parallel_loop3A_787, %parallel_loop3A_789 : vector<16xi32>
        %parallel_loop3A_791 = tpu.vector_load_idx %arg4[%parallel_loop3A_62, %parallel_loop3A_790] : memref<256x64xf32, #tpu.memory_space<vmem>>[vector<16xi32>, vector<16xi32>], vector<16xf32>,
        %parallel_loop3A_792 = arith.cmpf oeq, %parallel_loop3A_791, %parallel_loop3A_713 : vector<16xf32>
        %parallel_loop3A_793 = arith.cmpf oeq, %parallel_loop3A_791, %parallel_loop3A_716 : vector<16xf32>
        %parallel_loop3A_794 = arith.select %parallel_loop3A_793, %parallel_loop3A_727, %parallel_loop3A_729 : vector<16xi1>, vector<16xf32>
        %parallel_loop3A_795 = arith.select %parallel_loop3A_792, %parallel_loop3A_724, %parallel_loop3A_794 : vector<16xi1>, vector<16xf32>
        tpu.vector_store_idx %arg6[%parallel_loop3A_62, %parallel_loop3A_790], %parallel_loop3A_795 : memref<256x64xf32, #tpu.memory_space<vmem>>[vector<16xi32>, vector<16xi32>], vector<16xf32>,
        %parallel_loop3A_796 = arith.constant 6 : i32
        %parallel_loop3A_797 = vector.broadcast %parallel_loop3A_796 : i32 to vector<16xi32>
        %parallel_loop3A_798 = arith.addi %iota3A, %parallel_loop3A_797 : vector<16xi32>
        %parallel_loop3A_799 = arith.constant 63 : i32
        %parallel_loop3A_800 = vector.broadcast %parallel_loop3A_799 : i32 to vector<16xi32>
        %parallel_loop3A_801 = arith.andi %parallel_loop3A_798, %parallel_loop3A_800 : vector<16xi32>
        %parallel_loop3A_802 = tpu.vector_load_idx %arg4[%parallel_loop3A_62, %parallel_loop3A_801] : memref<256x64xf32, #tpu.memory_space<vmem>>[vector<16xi32>, vector<16xi32>], vector<16xf32>,
        %parallel_loop3A_803 = arith.cmpf oeq, %parallel_loop3A_802, %parallel_loop3A_713 : vector<16xf32>
        %parallel_loop3A_804 = arith.cmpf oeq, %parallel_loop3A_802, %parallel_loop3A_716 : vector<16xf32>
        %parallel_loop3A_805 = arith.select %parallel_loop3A_804, %parallel_loop3A_727, %parallel_loop3A_729 : vector<16xi1>, vector<16xf32>
        %parallel_loop3A_806 = arith.select %parallel_loop3A_803, %parallel_loop3A_724, %parallel_loop3A_805 : vector<16xi1>, vector<16xf32>
        tpu.vector_store_idx %arg6[%parallel_loop3A_62, %parallel_loop3A_801], %parallel_loop3A_806 : memref<256x64xf32, #tpu.memory_space<vmem>>[vector<16xi32>, vector<16xi32>], vector<16xf32>,
        %parallel_loop3A_807 = arith.constant 7 : i32
        %parallel_loop3A_808 = vector.broadcast %parallel_loop3A_807 : i32 to vector<16xi32>
        %parallel_loop3A_809 = arith.addi %iota3A, %parallel_loop3A_808 : vector<16xi32>
        %parallel_loop3A_810 = arith.constant 63 : i32
        %parallel_loop3A_811 = vector.broadcast %parallel_loop3A_810 : i32 to vector<16xi32>
        %parallel_loop3A_812 = arith.andi %parallel_loop3A_809, %parallel_loop3A_811 : vector<16xi32>
        %parallel_loop3A_813 = tpu.vector_load_idx %arg4[%parallel_loop3A_62, %parallel_loop3A_812] : memref<256x64xf32, #tpu.memory_space<vmem>>[vector<16xi32>, vector<16xi32>], vector<16xf32>,
        %parallel_loop3A_814 = arith.cmpf oeq, %parallel_loop3A_813, %parallel_loop3A_713 : vector<16xf32>
        %parallel_loop3A_815 = arith.cmpf oeq, %parallel_loop3A_813, %parallel_loop3A_716 : vector<16xf32>
        %parallel_loop3A_816 = arith.select %parallel_loop3A_815, %parallel_loop3A_727, %parallel_loop3A_729 : vector<16xi1>, vector<16xf32>
        %parallel_loop3A_817 = arith.select %parallel_loop3A_814, %parallel_loop3A_724, %parallel_loop3A_816 : vector<16xi1>, vector<16xf32>
        tpu.vector_store_idx %arg6[%parallel_loop3A_62, %parallel_loop3A_812], %parallel_loop3A_817 : memref<256x64xf32, #tpu.memory_space<vmem>>[vector<16xi32>, vector<16xi32>], vector<16xf32>,
        %parallel_loop3A_818 = arith.constant 8 : i32
        %parallel_loop3A_819 = vector.broadcast %parallel_loop3A_818 : i32 to vector<16xi32>
        %parallel_loop3A_820 = arith.addi %iota3A, %parallel_loop3A_819 : vector<16xi32>
        %parallel_loop3A_821 = arith.constant 63 : i32
        %parallel_loop3A_822 = vector.broadcast %parallel_loop3A_821 : i32 to vector<16xi32>
        %parallel_loop3A_823 = arith.andi %parallel_loop3A_820, %parallel_loop3A_822 : vector<16xi32>
        %parallel_loop3A_824 = tpu.vector_load_idx %arg4[%parallel_loop3A_62, %parallel_loop3A_823] : memref<256x64xf32, #tpu.memory_space<vmem>>[vector<16xi32>, vector<16xi32>], vector<16xf32>,
        %parallel_loop3A_825 = arith.cmpf oeq, %parallel_loop3A_824, %parallel_loop3A_713 : vector<16xf32>
        %parallel_loop3A_826 = arith.cmpf oeq, %parallel_loop3A_824, %parallel_loop3A_716 : vector<16xf32>
        %parallel_loop3A_827 = arith.select %parallel_loop3A_826, %parallel_loop3A_727, %parallel_loop3A_729 : vector<16xi1>, vector<16xf32>
        %parallel_loop3A_828 = arith.select %parallel_loop3A_825, %parallel_loop3A_724, %parallel_loop3A_827 : vector<16xi1>, vector<16xf32>
        tpu.vector_store_idx %arg6[%parallel_loop3A_62, %parallel_loop3A_823], %parallel_loop3A_828 : memref<256x64xf32, #tpu.memory_space<vmem>>[vector<16xi32>, vector<16xi32>], vector<16xf32>,
        %parallel_loop3A_829 = arith.constant 9 : i32
        %parallel_loop3A_830 = vector.broadcast %parallel_loop3A_829 : i32 to vector<16xi32>
        %parallel_loop3A_831 = arith.addi %iota3A, %parallel_loop3A_830 : vector<16xi32>
        %parallel_loop3A_832 = arith.constant 63 : i32
        %parallel_loop3A_833 = vector.broadcast %parallel_loop3A_832 : i32 to vector<16xi32>
        %parallel_loop3A_834 = arith.andi %parallel_loop3A_831, %parallel_loop3A_833 : vector<16xi32>
        %parallel_loop3A_835 = tpu.vector_load_idx %arg4[%parallel_loop3A_62, %parallel_loop3A_834] : memref<256x64xf32, #tpu.memory_space<vmem>>[vector<16xi32>, vector<16xi32>], vector<16xf32>,
        %parallel_loop3A_836 = arith.cmpf oeq, %parallel_loop3A_835, %parallel_loop3A_713 : vector<16xf32>
        %parallel_loop3A_837 = arith.cmpf oeq, %parallel_loop3A_835, %parallel_loop3A_716 : vector<16xf32>
        %parallel_loop3A_838 = arith.select %parallel_loop3A_837, %parallel_loop3A_727, %parallel_loop3A_729 : vector<16xi1>, vector<16xf32>
        %parallel_loop3A_839 = arith.select %parallel_loop3A_836, %parallel_loop3A_724, %parallel_loop3A_838 : vector<16xi1>, vector<16xf32>
        tpu.vector_store_idx %arg6[%parallel_loop3A_62, %parallel_loop3A_834], %parallel_loop3A_839 : memref<256x64xf32, #tpu.memory_space<vmem>>[vector<16xi32>, vector<16xi32>], vector<16xf32>,
        %parallel_loop3A_840 = arith.constant 10 : i32
        %parallel_loop3A_841 = vector.broadcast %parallel_loop3A_840 : i32 to vector<16xi32>
        %parallel_loop3A_842 = arith.addi %iota3A, %parallel_loop3A_841 : vector<16xi32>
        %parallel_loop3A_843 = arith.constant 63 : i32
        %parallel_loop3A_844 = vector.broadcast %parallel_loop3A_843 : i32 to vector<16xi32>
        %parallel_loop3A_845 = arith.andi %parallel_loop3A_842, %parallel_loop3A_844 : vector<16xi32>
        %parallel_loop3A_846 = tpu.vector_load_idx %arg4[%parallel_loop3A_62, %parallel_loop3A_845] : memref<256x64xf32, #tpu.memory_space<vmem>>[vector<16xi32>, vector<16xi32>], vector<16xf32>,
        %parallel_loop3A_847 = arith.cmpf oeq, %parallel_loop3A_846, %parallel_loop3A_713 : vector<16xf32>
        %parallel_loop3A_848 = arith.cmpf oeq, %parallel_loop3A_846, %parallel_loop3A_716 : vector<16xf32>
        %parallel_loop3A_849 = arith.select %parallel_loop3A_848, %parallel_loop3A_727, %parallel_loop3A_729 : vector<16xi1>, vector<16xf32>
        %parallel_loop3A_850 = arith.select %parallel_loop3A_847, %parallel_loop3A_724, %parallel_loop3A_849 : vector<16xi1>, vector<16xf32>
        tpu.vector_store_idx %arg6[%parallel_loop3A_62, %parallel_loop3A_845], %parallel_loop3A_850 : memref<256x64xf32, #tpu.memory_space<vmem>>[vector<16xi32>, vector<16xi32>], vector<16xf32>,
        %parallel_loop3A_851 = arith.constant 11 : i32
        %parallel_loop3A_852 = vector.broadcast %parallel_loop3A_851 : i32 to vector<16xi32>
        %parallel_loop3A_853 = arith.addi %iota3A, %parallel_loop3A_852 : vector<16xi32>
        %parallel_loop3A_854 = arith.constant 63 : i32
        %parallel_loop3A_855 = vector.broadcast %parallel_loop3A_854 : i32 to vector<16xi32>
        %parallel_loop3A_856 = arith.andi %parallel_loop3A_853, %parallel_loop3A_855 : vector<16xi32>
        %parallel_loop3A_857 = tpu.vector_load_idx %arg4[%parallel_loop3A_62, %parallel_loop3A_856] : memref<256x64xf32, #tpu.memory_space<vmem>>[vector<16xi32>, vector<16xi32>], vector<16xf32>,
        %parallel_loop3A_858 = arith.cmpf oeq, %parallel_loop3A_857, %parallel_loop3A_713 : vector<16xf32>
        %parallel_loop3A_859 = arith.cmpf oeq, %parallel_loop3A_857, %parallel_loop3A_716 : vector<16xf32>
        %parallel_loop3A_860 = arith.select %parallel_loop3A_859, %parallel_loop3A_727, %parallel_loop3A_729 : vector<16xi1>, vector<16xf32>
        %parallel_loop3A_861 = arith.select %parallel_loop3A_858, %parallel_loop3A_724, %parallel_loop3A_860 : vector<16xi1>, vector<16xf32>
        tpu.vector_store_idx %arg6[%parallel_loop3A_62, %parallel_loop3A_856], %parallel_loop3A_861 : memref<256x64xf32, #tpu.memory_space<vmem>>[vector<16xi32>, vector<16xi32>], vector<16xf32>,
        %parallel_loop3A_862 = arith.constant 12 : i32
        %parallel_loop3A_863 = vector.broadcast %parallel_loop3A_862 : i32 to vector<16xi32>
        %parallel_loop3A_864 = arith.addi %iota3A, %parallel_loop3A_863 : vector<16xi32>
        %parallel_loop3A_865 = arith.constant 63 : i32
        %parallel_loop3A_866 = vector.broadcast %parallel_loop3A_865 : i32 to vector<16xi32>
        %parallel_loop3A_867 = arith.andi %parallel_loop3A_864, %parallel_loop3A_866 : vector<16xi32>
        %parallel_loop3A_868 = tpu.vector_load_idx %arg4[%parallel_loop3A_62, %parallel_loop3A_867] : memref<256x64xf32, #tpu.memory_space<vmem>>[vector<16xi32>, vector<16xi32>], vector<16xf32>,
        %parallel_loop3A_869 = arith.cmpf oeq, %parallel_loop3A_868, %parallel_loop3A_713 : vector<16xf32>
        %parallel_loop3A_870 = arith.cmpf oeq, %parallel_loop3A_868, %parallel_loop3A_716 : vector<16xf32>
        %parallel_loop3A_871 = arith.select %parallel_loop3A_870, %parallel_loop3A_727, %parallel_loop3A_729 : vector<16xi1>, vector<16xf32>
        %parallel_loop3A_872 = arith.select %parallel_loop3A_869, %parallel_loop3A_724, %parallel_loop3A_871 : vector<16xi1>, vector<16xf32>
        tpu.vector_store_idx %arg6[%parallel_loop3A_62, %parallel_loop3A_867], %parallel_loop3A_872 : memref<256x64xf32, #tpu.memory_space<vmem>>[vector<16xi32>, vector<16xi32>], vector<16xf32>,
        %parallel_loop3A_873 = arith.constant 13 : i32
        %parallel_loop3A_874 = vector.broadcast %parallel_loop3A_873 : i32 to vector<16xi32>
        %parallel_loop3A_875 = arith.addi %iota3A, %parallel_loop3A_874 : vector<16xi32>
        %parallel_loop3A_876 = arith.constant 63 : i32
        %parallel_loop3A_877 = vector.broadcast %parallel_loop3A_876 : i32 to vector<16xi32>
        %parallel_loop3A_878 = arith.andi %parallel_loop3A_875, %parallel_loop3A_877 : vector<16xi32>
        %parallel_loop3A_879 = tpu.vector_load_idx %arg4[%parallel_loop3A_62, %parallel_loop3A_878] : memref<256x64xf32, #tpu.memory_space<vmem>>[vector<16xi32>, vector<16xi32>], vector<16xf32>,
        %parallel_loop3A_880 = arith.cmpf oeq, %parallel_loop3A_879, %parallel_loop3A_713 : vector<16xf32>
        %parallel_loop3A_881 = arith.cmpf oeq, %parallel_loop3A_879, %parallel_loop3A_716 : vector<16xf32>
        %parallel_loop3A_882 = arith.select %parallel_loop3A_881, %parallel_loop3A_727, %parallel_loop3A_729 : vector<16xi1>, vector<16xf32>
        %parallel_loop3A_883 = arith.select %parallel_loop3A_880, %parallel_loop3A_724, %parallel_loop3A_882 : vector<16xi1>, vector<16xf32>
        tpu.vector_store_idx %arg6[%parallel_loop3A_62, %parallel_loop3A_878], %parallel_loop3A_883 : memref<256x64xf32, #tpu.memory_space<vmem>>[vector<16xi32>, vector<16xi32>], vector<16xf32>,
        %parallel_loop3A_884 = arith.constant 14 : i32
        %parallel_loop3A_885 = vector.broadcast %parallel_loop3A_884 : i32 to vector<16xi32>
        %parallel_loop3A_886 = arith.addi %iota3A, %parallel_loop3A_885 : vector<16xi32>
        %parallel_loop3A_887 = arith.constant 63 : i32
        %parallel_loop3A_888 = vector.broadcast %parallel_loop3A_887 : i32 to vector<16xi32>
        %parallel_loop3A_889 = arith.andi %parallel_loop3A_886, %parallel_loop3A_888 : vector<16xi32>
        %parallel_loop3A_890 = tpu.vector_load_idx %arg4[%parallel_loop3A_62, %parallel_loop3A_889] : memref<256x64xf32, #tpu.memory_space<vmem>>[vector<16xi32>, vector<16xi32>], vector<16xf32>,
        %parallel_loop3A_891 = arith.cmpf oeq, %parallel_loop3A_890, %parallel_loop3A_713 : vector<16xf32>
        %parallel_loop3A_892 = arith.cmpf oeq, %parallel_loop3A_890, %parallel_loop3A_716 : vector<16xf32>
        %parallel_loop3A_893 = arith.select %parallel_loop3A_892, %parallel_loop3A_727, %parallel_loop3A_729 : vector<16xi1>, vector<16xf32>
        %parallel_loop3A_894 = arith.select %parallel_loop3A_891, %parallel_loop3A_724, %parallel_loop3A_893 : vector<16xi1>, vector<16xf32>
        tpu.vector_store_idx %arg6[%parallel_loop3A_62, %parallel_loop3A_889], %parallel_loop3A_894 : memref<256x64xf32, #tpu.memory_space<vmem>>[vector<16xi32>, vector<16xi32>], vector<16xf32>,
        %parallel_loop3A_895 = arith.constant 15 : i32
        %parallel_loop3A_896 = vector.broadcast %parallel_loop3A_895 : i32 to vector<16xi32>
        %parallel_loop3A_897 = arith.addi %iota3A, %parallel_loop3A_896 : vector<16xi32>
        %parallel_loop3A_898 = arith.constant 63 : i32
        %parallel_loop3A_899 = vector.broadcast %parallel_loop3A_898 : i32 to vector<16xi32>
        %parallel_loop3A_900 = arith.andi %parallel_loop3A_897, %parallel_loop3A_899 : vector<16xi32>
        %parallel_loop3A_901 = tpu.vector_load_idx %arg4[%parallel_loop3A_62, %parallel_loop3A_900] : memref<256x64xf32, #tpu.memory_space<vmem>>[vector<16xi32>, vector<16xi32>], vector<16xf32>,
        %parallel_loop3A_902 = arith.cmpf oeq, %parallel_loop3A_901, %parallel_loop3A_713 : vector<16xf32>
        %parallel_loop3A_903 = arith.cmpf oeq, %parallel_loop3A_901, %parallel_loop3A_716 : vector<16xf32>
        %parallel_loop3A_904 = arith.select %parallel_loop3A_903, %parallel_loop3A_727, %parallel_loop3A_729 : vector<16xi1>, vector<16xf32>
        %parallel_loop3A_905 = arith.select %parallel_loop3A_902, %parallel_loop3A_724, %parallel_loop3A_904 : vector<16xi1>, vector<16xf32>
        tpu.vector_store_idx %arg6[%parallel_loop3A_62, %parallel_loop3A_900], %parallel_loop3A_905 : memref<256x64xf32, #tpu.memory_space<vmem>>[vector<16xi32>, vector<16xi32>], vector<16xf32>,
        %parallel_loop3A_906 = arith.constant 16 : i32
        %parallel_loop3A_907 = vector.broadcast %parallel_loop3A_906 : i32 to vector<16xi32>
        %parallel_loop3A_908 = arith.addi %iota3A, %parallel_loop3A_907 : vector<16xi32>
        %parallel_loop3A_909 = arith.constant 63 : i32
        %parallel_loop3A_910 = vector.broadcast %parallel_loop3A_909 : i32 to vector<16xi32>
        %parallel_loop3A_911 = arith.andi %parallel_loop3A_908, %parallel_loop3A_910 : vector<16xi32>
        %parallel_loop3A_912 = tpu.vector_load_idx %arg4[%parallel_loop3A_62, %parallel_loop3A_911] : memref<256x64xf32, #tpu.memory_space<vmem>>[vector<16xi32>, vector<16xi32>], vector<16xf32>,
        %parallel_loop3A_913 = arith.cmpf oeq, %parallel_loop3A_912, %parallel_loop3A_713 : vector<16xf32>
        %parallel_loop3A_914 = arith.cmpf oeq, %parallel_loop3A_912, %parallel_loop3A_716 : vector<16xf32>
        %parallel_loop3A_915 = arith.select %parallel_loop3A_914, %parallel_loop3A_727, %parallel_loop3A_729 : vector<16xi1>, vector<16xf32>
        %parallel_loop3A_916 = arith.select %parallel_loop3A_913, %parallel_loop3A_724, %parallel_loop3A_915 : vector<16xi1>, vector<16xf32>
        tpu.vector_store_idx %arg6[%parallel_loop3A_62, %parallel_loop3A_911], %parallel_loop3A_916 : memref<256x64xf32, #tpu.memory_space<vmem>>[vector<16xi32>, vector<16xi32>], vector<16xf32>,
        %parallel_loop3A_917 = arith.constant 17 : i32
        %parallel_loop3A_918 = vector.broadcast %parallel_loop3A_917 : i32 to vector<16xi32>
        %parallel_loop3A_919 = arith.addi %iota3A, %parallel_loop3A_918 : vector<16xi32>
        %parallel_loop3A_920 = arith.constant 63 : i32
        %parallel_loop3A_921 = vector.broadcast %parallel_loop3A_920 : i32 to vector<16xi32>
        %parallel_loop3A_922 = arith.andi %parallel_loop3A_919, %parallel_loop3A_921 : vector<16xi32>
        %parallel_loop3A_923 = tpu.vector_load_idx %arg4[%parallel_loop3A_62, %parallel_loop3A_922] : memref<256x64xf32, #tpu.memory_space<vmem>>[vector<16xi32>, vector<16xi32>], vector<16xf32>,
        %parallel_loop3A_924 = arith.cmpf oeq, %parallel_loop3A_923, %parallel_loop3A_713 : vector<16xf32>
        %parallel_loop3A_925 = arith.cmpf oeq, %parallel_loop3A_923, %parallel_loop3A_716 : vector<16xf32>
        %parallel_loop3A_926 = arith.select %parallel_loop3A_925, %parallel_loop3A_727, %parallel_loop3A_729 : vector<16xi1>, vector<16xf32>
        %parallel_loop3A_927 = arith.select %parallel_loop3A_924, %parallel_loop3A_724, %parallel_loop3A_926 : vector<16xi1>, vector<16xf32>
        tpu.vector_store_idx %arg6[%parallel_loop3A_62, %parallel_loop3A_922], %parallel_loop3A_927 : memref<256x64xf32, #tpu.memory_space<vmem>>[vector<16xi32>, vector<16xi32>], vector<16xf32>,
        %parallel_loop3A_928 = arith.constant 18 : i32
        %parallel_loop3A_929 = vector.broadcast %parallel_loop3A_928 : i32 to vector<16xi32>
        %parallel_loop3A_930 = arith.addi %iota3A, %parallel_loop3A_929 : vector<16xi32>
        %parallel_loop3A_931 = arith.constant 63 : i32
        %parallel_loop3A_932 = vector.broadcast %parallel_loop3A_931 : i32 to vector<16xi32>
        %parallel_loop3A_933 = arith.andi %parallel_loop3A_930, %parallel_loop3A_932 : vector<16xi32>
        %parallel_loop3A_934 = tpu.vector_load_idx %arg4[%parallel_loop3A_62, %parallel_loop3A_933] : memref<256x64xf32, #tpu.memory_space<vmem>>[vector<16xi32>, vector<16xi32>], vector<16xf32>,
        %parallel_loop3A_935 = arith.cmpf oeq, %parallel_loop3A_934, %parallel_loop3A_713 : vector<16xf32>
        %parallel_loop3A_936 = arith.cmpf oeq, %parallel_loop3A_934, %parallel_loop3A_716 : vector<16xf32>
        %parallel_loop3A_937 = arith.select %parallel_loop3A_936, %parallel_loop3A_727, %parallel_loop3A_729 : vector<16xi1>, vector<16xf32>
        %parallel_loop3A_938 = arith.select %parallel_loop3A_935, %parallel_loop3A_724, %parallel_loop3A_937 : vector<16xi1>, vector<16xf32>
        tpu.vector_store_idx %arg6[%parallel_loop3A_62, %parallel_loop3A_933], %parallel_loop3A_938 : memref<256x64xf32, #tpu.memory_space<vmem>>[vector<16xi32>, vector<16xi32>], vector<16xf32>,
        %parallel_loop3A_939 = arith.constant 19 : i32
        %parallel_loop3A_940 = vector.broadcast %parallel_loop3A_939 : i32 to vector<16xi32>
        %parallel_loop3A_941 = arith.addi %iota3A, %parallel_loop3A_940 : vector<16xi32>
        %parallel_loop3A_942 = arith.constant 63 : i32
        %parallel_loop3A_943 = vector.broadcast %parallel_loop3A_942 : i32 to vector<16xi32>
        %parallel_loop3A_944 = arith.andi %parallel_loop3A_941, %parallel_loop3A_943 : vector<16xi32>
        %parallel_loop3A_945 = tpu.vector_load_idx %arg4[%parallel_loop3A_62, %parallel_loop3A_944] : memref<256x64xf32, #tpu.memory_space<vmem>>[vector<16xi32>, vector<16xi32>], vector<16xf32>,
        %parallel_loop3A_946 = arith.cmpf oeq, %parallel_loop3A_945, %parallel_loop3A_713 : vector<16xf32>
        %parallel_loop3A_947 = arith.cmpf oeq, %parallel_loop3A_945, %parallel_loop3A_716 : vector<16xf32>
        %parallel_loop3A_948 = arith.select %parallel_loop3A_947, %parallel_loop3A_727, %parallel_loop3A_729 : vector<16xi1>, vector<16xf32>
        %parallel_loop3A_949 = arith.select %parallel_loop3A_946, %parallel_loop3A_724, %parallel_loop3A_948 : vector<16xi1>, vector<16xf32>
        tpu.vector_store_idx %arg6[%parallel_loop3A_62, %parallel_loop3A_944], %parallel_loop3A_949 : memref<256x64xf32, #tpu.memory_space<vmem>>[vector<16xi32>, vector<16xi32>], vector<16xf32>,
        %parallel_loop3A_950 = arith.constant 20 : i32
        %parallel_loop3A_951 = vector.broadcast %parallel_loop3A_950 : i32 to vector<16xi32>
        %parallel_loop3A_952 = arith.addi %iota3A, %parallel_loop3A_951 : vector<16xi32>
        %parallel_loop3A_953 = arith.constant 63 : i32
        %parallel_loop3A_954 = vector.broadcast %parallel_loop3A_953 : i32 to vector<16xi32>
        %parallel_loop3A_955 = arith.andi %parallel_loop3A_952, %parallel_loop3A_954 : vector<16xi32>
        %parallel_loop3A_956 = tpu.vector_load_idx %arg4[%parallel_loop3A_62, %parallel_loop3A_955] : memref<256x64xf32, #tpu.memory_space<vmem>>[vector<16xi32>, vector<16xi32>], vector<16xf32>,
        %parallel_loop3A_957 = arith.cmpf oeq, %parallel_loop3A_956, %parallel_loop3A_713 : vector<16xf32>
        %parallel_loop3A_958 = arith.cmpf oeq, %parallel_loop3A_956, %parallel_loop3A_716 : vector<16xf32>
        %parallel_loop3A_959 = arith.select %parallel_loop3A_958, %parallel_loop3A_727, %parallel_loop3A_729 : vector<16xi1>, vector<16xf32>
        %parallel_loop3A_960 = arith.select %parallel_loop3A_957, %parallel_loop3A_724, %parallel_loop3A_959 : vector<16xi1>, vector<16xf32>
        tpu.vector_store_idx %arg6[%parallel_loop3A_62, %parallel_loop3A_955], %parallel_loop3A_960 : memref<256x64xf32, #tpu.memory_space<vmem>>[vector<16xi32>, vector<16xi32>], vector<16xf32>,
        %parallel_loop3A_961 = arith.constant 21 : i32
        %parallel_loop3A_962 = vector.broadcast %parallel_loop3A_961 : i32 to vector<16xi32>
        %parallel_loop3A_963 = arith.addi %iota3A, %parallel_loop3A_962 : vector<16xi32>
        %parallel_loop3A_964 = arith.constant 63 : i32
        %parallel_loop3A_965 = vector.broadcast %parallel_loop3A_964 : i32 to vector<16xi32>
        %parallel_loop3A_966 = arith.andi %parallel_loop3A_963, %parallel_loop3A_965 : vector<16xi32>
        %parallel_loop3A_967 = tpu.vector_load_idx %arg4[%parallel_loop3A_62, %parallel_loop3A_966] : memref<256x64xf32, #tpu.memory_space<vmem>>[vector<16xi32>, vector<16xi32>], vector<16xf32>,
        %parallel_loop3A_968 = arith.cmpf oeq, %parallel_loop3A_967, %parallel_loop3A_713 : vector<16xf32>
        %parallel_loop3A_969 = arith.cmpf oeq, %parallel_loop3A_967, %parallel_loop3A_716 : vector<16xf32>
        %parallel_loop3A_970 = arith.select %parallel_loop3A_969, %parallel_loop3A_727, %parallel_loop3A_729 : vector<16xi1>, vector<16xf32>
        %parallel_loop3A_971 = arith.select %parallel_loop3A_968, %parallel_loop3A_724, %parallel_loop3A_970 : vector<16xi1>, vector<16xf32>
        tpu.vector_store_idx %arg6[%parallel_loop3A_62, %parallel_loop3A_966], %parallel_loop3A_971 : memref<256x64xf32, #tpu.memory_space<vmem>>[vector<16xi32>, vector<16xi32>], vector<16xf32>,
        %parallel_loop3A_972 = arith.constant 22 : i32
        %parallel_loop3A_973 = vector.broadcast %parallel_loop3A_972 : i32 to vector<16xi32>
        %parallel_loop3A_974 = arith.addi %iota3A, %parallel_loop3A_973 : vector<16xi32>
        %parallel_loop3A_975 = arith.constant 63 : i32
        %parallel_loop3A_976 = vector.broadcast %parallel_loop3A_975 : i32 to vector<16xi32>
        %parallel_loop3A_977 = arith.andi %parallel_loop3A_974, %parallel_loop3A_976 : vector<16xi32>
        %parallel_loop3A_978 = tpu.vector_load_idx %arg4[%parallel_loop3A_62, %parallel_loop3A_977] : memref<256x64xf32, #tpu.memory_space<vmem>>[vector<16xi32>, vector<16xi32>], vector<16xf32>,
        %parallel_loop3A_979 = arith.cmpf oeq, %parallel_loop3A_978, %parallel_loop3A_713 : vector<16xf32>
        %parallel_loop3A_980 = arith.cmpf oeq, %parallel_loop3A_978, %parallel_loop3A_716 : vector<16xf32>
        %parallel_loop3A_981 = arith.select %parallel_loop3A_980, %parallel_loop3A_727, %parallel_loop3A_729 : vector<16xi1>, vector<16xf32>
        %parallel_loop3A_982 = arith.select %parallel_loop3A_979, %parallel_loop3A_724, %parallel_loop3A_981 : vector<16xi1>, vector<16xf32>
        tpu.vector_store_idx %arg6[%parallel_loop3A_62, %parallel_loop3A_977], %parallel_loop3A_982 : memref<256x64xf32, #tpu.memory_space<vmem>>[vector<16xi32>, vector<16xi32>], vector<16xf32>,
        %parallel_loop3A_983 = arith.constant 23 : i32
        %parallel_loop3A_984 = vector.broadcast %parallel_loop3A_983 : i32 to vector<16xi32>
        %parallel_loop3A_985 = arith.addi %iota3A, %parallel_loop3A_984 : vector<16xi32>
        %parallel_loop3A_986 = arith.constant 63 : i32
        %parallel_loop3A_987 = vector.broadcast %parallel_loop3A_986 : i32 to vector<16xi32>
        %parallel_loop3A_988 = arith.andi %parallel_loop3A_985, %parallel_loop3A_987 : vector<16xi32>
        %parallel_loop3A_989 = tpu.vector_load_idx %arg4[%parallel_loop3A_62, %parallel_loop3A_988] : memref<256x64xf32, #tpu.memory_space<vmem>>[vector<16xi32>, vector<16xi32>], vector<16xf32>,
        %parallel_loop3A_990 = arith.cmpf oeq, %parallel_loop3A_989, %parallel_loop3A_713 : vector<16xf32>
        %parallel_loop3A_991 = arith.cmpf oeq, %parallel_loop3A_989, %parallel_loop3A_716 : vector<16xf32>
        %parallel_loop3A_992 = arith.select %parallel_loop3A_991, %parallel_loop3A_727, %parallel_loop3A_729 : vector<16xi1>, vector<16xf32>
        %parallel_loop3A_993 = arith.select %parallel_loop3A_990, %parallel_loop3A_724, %parallel_loop3A_992 : vector<16xi1>, vector<16xf32>
        tpu.vector_store_idx %arg6[%parallel_loop3A_62, %parallel_loop3A_988], %parallel_loop3A_993 : memref<256x64xf32, #tpu.memory_space<vmem>>[vector<16xi32>, vector<16xi32>], vector<16xf32>,
        %parallel_loop3A_994 = arith.constant 24 : i32
        %parallel_loop3A_995 = vector.broadcast %parallel_loop3A_994 : i32 to vector<16xi32>
        %parallel_loop3A_996 = arith.addi %iota3A, %parallel_loop3A_995 : vector<16xi32>
        %parallel_loop3A_997 = arith.constant 63 : i32
        %parallel_loop3A_998 = vector.broadcast %parallel_loop3A_997 : i32 to vector<16xi32>
        %parallel_loop3A_999 = arith.andi %parallel_loop3A_996, %parallel_loop3A_998 : vector<16xi32>
        %parallel_loop3A_1000 = tpu.vector_load_idx %arg4[%parallel_loop3A_62, %parallel_loop3A_999] : memref<256x64xf32, #tpu.memory_space<vmem>>[vector<16xi32>, vector<16xi32>], vector<16xf32>,
        %parallel_loop3A_1001 = arith.cmpf oeq, %parallel_loop3A_1000, %parallel_loop3A_713 : vector<16xf32>
        %parallel_loop3A_1002 = arith.cmpf oeq, %parallel_loop3A_1000, %parallel_loop3A_716 : vector<16xf32>
        %parallel_loop3A_1003 = arith.select %parallel_loop3A_1002, %parallel_loop3A_727, %parallel_loop3A_729 : vector<16xi1>, vector<16xf32>
        %parallel_loop3A_1004 = arith.select %parallel_loop3A_1001, %parallel_loop3A_724, %parallel_loop3A_1003 : vector<16xi1>, vector<16xf32>
        tpu.vector_store_idx %arg6[%parallel_loop3A_62, %parallel_loop3A_999], %parallel_loop3A_1004 : memref<256x64xf32, #tpu.memory_space<vmem>>[vector<16xi32>, vector<16xi32>], vector<16xf32>,
        %parallel_loop3A_1005 = arith.constant 25 : i32
        %parallel_loop3A_1006 = vector.broadcast %parallel_loop3A_1005 : i32 to vector<16xi32>
        %parallel_loop3A_1007 = arith.addi %iota3A, %parallel_loop3A_1006 : vector<16xi32>
        %parallel_loop3A_1008 = arith.constant 63 : i32
        %parallel_loop3A_1009 = vector.broadcast %parallel_loop3A_1008 : i32 to vector<16xi32>
        %parallel_loop3A_1010 = arith.andi %parallel_loop3A_1007, %parallel_loop3A_1009 : vector<16xi32>
        %parallel_loop3A_1011 = tpu.vector_load_idx %arg4[%parallel_loop3A_62, %parallel_loop3A_1010] : memref<256x64xf32, #tpu.memory_space<vmem>>[vector<16xi32>, vector<16xi32>], vector<16xf32>,
        %parallel_loop3A_1012 = arith.cmpf oeq, %parallel_loop3A_1011, %parallel_loop3A_713 : vector<16xf32>
        %parallel_loop3A_1013 = arith.cmpf oeq, %parallel_loop3A_1011, %parallel_loop3A_716 : vector<16xf32>
        %parallel_loop3A_1014 = arith.select %parallel_loop3A_1013, %parallel_loop3A_727, %parallel_loop3A_729 : vector<16xi1>, vector<16xf32>
        %parallel_loop3A_1015 = arith.select %parallel_loop3A_1012, %parallel_loop3A_724, %parallel_loop3A_1014 : vector<16xi1>, vector<16xf32>
        tpu.vector_store_idx %arg6[%parallel_loop3A_62, %parallel_loop3A_1010], %parallel_loop3A_1015 : memref<256x64xf32, #tpu.memory_space<vmem>>[vector<16xi32>, vector<16xi32>], vector<16xf32>,
        %parallel_loop3A_1016 = arith.constant 26 : i32
        %parallel_loop3A_1017 = vector.broadcast %parallel_loop3A_1016 : i32 to vector<16xi32>
        %parallel_loop3A_1018 = arith.addi %iota3A, %parallel_loop3A_1017 : vector<16xi32>
        %parallel_loop3A_1019 = arith.constant 63 : i32
        %parallel_loop3A_1020 = vector.broadcast %parallel_loop3A_1019 : i32 to vector<16xi32>
        %parallel_loop3A_1021 = arith.andi %parallel_loop3A_1018, %parallel_loop3A_1020 : vector<16xi32>
        %parallel_loop3A_1022 = tpu.vector_load_idx %arg4[%parallel_loop3A_62, %parallel_loop3A_1021] : memref<256x64xf32, #tpu.memory_space<vmem>>[vector<16xi32>, vector<16xi32>], vector<16xf32>,
        %parallel_loop3A_1023 = arith.cmpf oeq, %parallel_loop3A_1022, %parallel_loop3A_713 : vector<16xf32>
        %parallel_loop3A_1024 = arith.cmpf oeq, %parallel_loop3A_1022, %parallel_loop3A_716 : vector<16xf32>
        %parallel_loop3A_1025 = arith.select %parallel_loop3A_1024, %parallel_loop3A_727, %parallel_loop3A_729 : vector<16xi1>, vector<16xf32>
        %parallel_loop3A_1026 = arith.select %parallel_loop3A_1023, %parallel_loop3A_724, %parallel_loop3A_1025 : vector<16xi1>, vector<16xf32>
        tpu.vector_store_idx %arg6[%parallel_loop3A_62, %parallel_loop3A_1021], %parallel_loop3A_1026 : memref<256x64xf32, #tpu.memory_space<vmem>>[vector<16xi32>, vector<16xi32>], vector<16xf32>,
        %parallel_loop3A_1027 = arith.constant 27 : i32
        %parallel_loop3A_1028 = vector.broadcast %parallel_loop3A_1027 : i32 to vector<16xi32>
        %parallel_loop3A_1029 = arith.addi %iota3A, %parallel_loop3A_1028 : vector<16xi32>
        %parallel_loop3A_1030 = arith.constant 63 : i32
        %parallel_loop3A_1031 = vector.broadcast %parallel_loop3A_1030 : i32 to vector<16xi32>
        %parallel_loop3A_1032 = arith.andi %parallel_loop3A_1029, %parallel_loop3A_1031 : vector<16xi32>
        %parallel_loop3A_1033 = tpu.vector_load_idx %arg4[%parallel_loop3A_62, %parallel_loop3A_1032] : memref<256x64xf32, #tpu.memory_space<vmem>>[vector<16xi32>, vector<16xi32>], vector<16xf32>,
        %parallel_loop3A_1034 = arith.cmpf oeq, %parallel_loop3A_1033, %parallel_loop3A_713 : vector<16xf32>
        %parallel_loop3A_1035 = arith.cmpf oeq, %parallel_loop3A_1033, %parallel_loop3A_716 : vector<16xf32>
        %parallel_loop3A_1036 = arith.select %parallel_loop3A_1035, %parallel_loop3A_727, %parallel_loop3A_729 : vector<16xi1>, vector<16xf32>
        %parallel_loop3A_1037 = arith.select %parallel_loop3A_1034, %parallel_loop3A_724, %parallel_loop3A_1036 : vector<16xi1>, vector<16xf32>
        tpu.vector_store_idx %arg6[%parallel_loop3A_62, %parallel_loop3A_1032], %parallel_loop3A_1037 : memref<256x64xf32, #tpu.memory_space<vmem>>[vector<16xi32>, vector<16xi32>], vector<16xf32>,
        %parallel_loop3A_1038 = arith.constant 28 : i32
        %parallel_loop3A_1039 = vector.broadcast %parallel_loop3A_1038 : i32 to vector<16xi32>
        %parallel_loop3A_1040 = arith.addi %iota3A, %parallel_loop3A_1039 : vector<16xi32>
        %parallel_loop3A_1041 = arith.constant 63 : i32
        %parallel_loop3A_1042 = vector.broadcast %parallel_loop3A_1041 : i32 to vector<16xi32>
        %parallel_loop3A_1043 = arith.andi %parallel_loop3A_1040, %parallel_loop3A_1042 : vector<16xi32>
        %parallel_loop3A_1044 = tpu.vector_load_idx %arg4[%parallel_loop3A_62, %parallel_loop3A_1043] : memref<256x64xf32, #tpu.memory_space<vmem>>[vector<16xi32>, vector<16xi32>], vector<16xf32>,
        %parallel_loop3A_1045 = arith.cmpf oeq, %parallel_loop3A_1044, %parallel_loop3A_713 : vector<16xf32>
        %parallel_loop3A_1046 = arith.cmpf oeq, %parallel_loop3A_1044, %parallel_loop3A_716 : vector<16xf32>
        %parallel_loop3A_1047 = arith.select %parallel_loop3A_1046, %parallel_loop3A_727, %parallel_loop3A_729 : vector<16xi1>, vector<16xf32>
        %parallel_loop3A_1048 = arith.select %parallel_loop3A_1045, %parallel_loop3A_724, %parallel_loop3A_1047 : vector<16xi1>, vector<16xf32>
        tpu.vector_store_idx %arg6[%parallel_loop3A_62, %parallel_loop3A_1043], %parallel_loop3A_1048 : memref<256x64xf32, #tpu.memory_space<vmem>>[vector<16xi32>, vector<16xi32>], vector<16xf32>,
        %parallel_loop3A_1049 = arith.constant 29 : i32
        %parallel_loop3A_1050 = vector.broadcast %parallel_loop3A_1049 : i32 to vector<16xi32>
        %parallel_loop3A_1051 = arith.addi %iota3A, %parallel_loop3A_1050 : vector<16xi32>
        %parallel_loop3A_1052 = arith.constant 63 : i32
        %parallel_loop3A_1053 = vector.broadcast %parallel_loop3A_1052 : i32 to vector<16xi32>
        %parallel_loop3A_1054 = arith.andi %parallel_loop3A_1051, %parallel_loop3A_1053 : vector<16xi32>
        %parallel_loop3A_1055 = tpu.vector_load_idx %arg4[%parallel_loop3A_62, %parallel_loop3A_1054] : memref<256x64xf32, #tpu.memory_space<vmem>>[vector<16xi32>, vector<16xi32>], vector<16xf32>,
        %parallel_loop3A_1056 = arith.cmpf oeq, %parallel_loop3A_1055, %parallel_loop3A_713 : vector<16xf32>
        %parallel_loop3A_1057 = arith.cmpf oeq, %parallel_loop3A_1055, %parallel_loop3A_716 : vector<16xf32>
        %parallel_loop3A_1058 = arith.select %parallel_loop3A_1057, %parallel_loop3A_727, %parallel_loop3A_729 : vector<16xi1>, vector<16xf32>
        %parallel_loop3A_1059 = arith.select %parallel_loop3A_1056, %parallel_loop3A_724, %parallel_loop3A_1058 : vector<16xi1>, vector<16xf32>
        tpu.vector_store_idx %arg6[%parallel_loop3A_62, %parallel_loop3A_1054], %parallel_loop3A_1059 : memref<256x64xf32, #tpu.memory_space<vmem>>[vector<16xi32>, vector<16xi32>], vector<16xf32>,
        %parallel_loop3A_1060 = arith.constant 30 : i32
        %parallel_loop3A_1061 = vector.broadcast %parallel_loop3A_1060 : i32 to vector<16xi32>
        %parallel_loop3A_1062 = arith.addi %iota3A, %parallel_loop3A_1061 : vector<16xi32>
        %parallel_loop3A_1063 = arith.constant 63 : i32
        %parallel_loop3A_1064 = vector.broadcast %parallel_loop3A_1063 : i32 to vector<16xi32>
        %parallel_loop3A_1065 = arith.andi %parallel_loop3A_1062, %parallel_loop3A_1064 : vector<16xi32>
        %parallel_loop3A_1066 = tpu.vector_load_idx %arg4[%parallel_loop3A_62, %parallel_loop3A_1065] : memref<256x64xf32, #tpu.memory_space<vmem>>[vector<16xi32>, vector<16xi32>], vector<16xf32>,
        %parallel_loop3A_1067 = arith.cmpf oeq, %parallel_loop3A_1066, %parallel_loop3A_713 : vector<16xf32>
        %parallel_loop3A_1068 = arith.cmpf oeq, %parallel_loop3A_1066, %parallel_loop3A_716 : vector<16xf32>
        %parallel_loop3A_1069 = arith.select %parallel_loop3A_1068, %parallel_loop3A_727, %parallel_loop3A_729 : vector<16xi1>, vector<16xf32>
        %parallel_loop3A_1070 = arith.select %parallel_loop3A_1067, %parallel_loop3A_724, %parallel_loop3A_1069 : vector<16xi1>, vector<16xf32>
        tpu.vector_store_idx %arg6[%parallel_loop3A_62, %parallel_loop3A_1065], %parallel_loop3A_1070 : memref<256x64xf32, #tpu.memory_space<vmem>>[vector<16xi32>, vector<16xi32>], vector<16xf32>,
        %parallel_loop3A_1071 = arith.constant 31 : i32
        %parallel_loop3A_1072 = vector.broadcast %parallel_loop3A_1071 : i32 to vector<16xi32>
        %parallel_loop3A_1073 = arith.addi %iota3A, %parallel_loop3A_1072 : vector<16xi32>
        %parallel_loop3A_1074 = arith.constant 63 : i32
        %parallel_loop3A_1075 = vector.broadcast %parallel_loop3A_1074 : i32 to vector<16xi32>
        %parallel_loop3A_1076 = arith.andi %parallel_loop3A_1073, %parallel_loop3A_1075 : vector<16xi32>
        %parallel_loop3A_1077 = tpu.vector_load_idx %arg4[%parallel_loop3A_62, %parallel_loop3A_1076] : memref<256x64xf32, #tpu.memory_space<vmem>>[vector<16xi32>, vector<16xi32>], vector<16xf32>,
        %parallel_loop3A_1078 = arith.cmpf oeq, %parallel_loop3A_1077, %parallel_loop3A_713 : vector<16xf32>
        %parallel_loop3A_1079 = arith.cmpf oeq, %parallel_loop3A_1077, %parallel_loop3A_716 : vector<16xf32>
        %parallel_loop3A_1080 = arith.select %parallel_loop3A_1079, %parallel_loop3A_727, %parallel_loop3A_729 : vector<16xi1>, vector<16xf32>
        %parallel_loop3A_1081 = arith.select %parallel_loop3A_1078, %parallel_loop3A_724, %parallel_loop3A_1080 : vector<16xi1>, vector<16xf32>
        tpu.vector_store_idx %arg6[%parallel_loop3A_62, %parallel_loop3A_1076], %parallel_loop3A_1081 : memref<256x64xf32, #tpu.memory_space<vmem>>[vector<16xi32>, vector<16xi32>], vector<16xf32>,
        %parallel_loop3A_1082 = arith.constant 32 : i32
        %parallel_loop3A_1083 = vector.broadcast %parallel_loop3A_1082 : i32 to vector<16xi32>
        %parallel_loop3A_1084 = arith.addi %iota3A, %parallel_loop3A_1083 : vector<16xi32>
        %parallel_loop3A_1085 = arith.constant 63 : i32
        %parallel_loop3A_1086 = vector.broadcast %parallel_loop3A_1085 : i32 to vector<16xi32>
        %parallel_loop3A_1087 = arith.andi %parallel_loop3A_1084, %parallel_loop3A_1086 : vector<16xi32>
        %parallel_loop3A_1088 = tpu.vector_load_idx %arg4[%parallel_loop3A_62, %parallel_loop3A_1087] : memref<256x64xf32, #tpu.memory_space<vmem>>[vector<16xi32>, vector<16xi32>], vector<16xf32>,
        %parallel_loop3A_1089 = arith.cmpf oeq, %parallel_loop3A_1088, %parallel_loop3A_713 : vector<16xf32>
        %parallel_loop3A_1090 = arith.cmpf oeq, %parallel_loop3A_1088, %parallel_loop3A_716 : vector<16xf32>
        %parallel_loop3A_1091 = arith.select %parallel_loop3A_1090, %parallel_loop3A_727, %parallel_loop3A_729 : vector<16xi1>, vector<16xf32>
        %parallel_loop3A_1092 = arith.select %parallel_loop3A_1089, %parallel_loop3A_724, %parallel_loop3A_1091 : vector<16xi1>, vector<16xf32>
        tpu.vector_store_idx %arg6[%parallel_loop3A_62, %parallel_loop3A_1087], %parallel_loop3A_1092 : memref<256x64xf32, #tpu.memory_space<vmem>>[vector<16xi32>, vector<16xi32>], vector<16xf32>,
        %parallel_loop3A_1093 = arith.constant 33 : i32
        %parallel_loop3A_1094 = vector.broadcast %parallel_loop3A_1093 : i32 to vector<16xi32>
        %parallel_loop3A_1095 = arith.addi %iota3A, %parallel_loop3A_1094 : vector<16xi32>
        %parallel_loop3A_1096 = arith.constant 63 : i32
        %parallel_loop3A_1097 = vector.broadcast %parallel_loop3A_1096 : i32 to vector<16xi32>
        %parallel_loop3A_1098 = arith.andi %parallel_loop3A_1095, %parallel_loop3A_1097 : vector<16xi32>
        %parallel_loop3A_1099 = tpu.vector_load_idx %arg4[%parallel_loop3A_62, %parallel_loop3A_1098] : memref<256x64xf32, #tpu.memory_space<vmem>>[vector<16xi32>, vector<16xi32>], vector<16xf32>,
        %parallel_loop3A_1100 = arith.cmpf oeq, %parallel_loop3A_1099, %parallel_loop3A_713 : vector<16xf32>
        %parallel_loop3A_1101 = arith.cmpf oeq, %parallel_loop3A_1099, %parallel_loop3A_716 : vector<16xf32>
        %parallel_loop3A_1102 = arith.select %parallel_loop3A_1101, %parallel_loop3A_727, %parallel_loop3A_729 : vector<16xi1>, vector<16xf32>
        %parallel_loop3A_1103 = arith.select %parallel_loop3A_1100, %parallel_loop3A_724, %parallel_loop3A_1102 : vector<16xi1>, vector<16xf32>
        tpu.vector_store_idx %arg6[%parallel_loop3A_62, %parallel_loop3A_1098], %parallel_loop3A_1103 : memref<256x64xf32, #tpu.memory_space<vmem>>[vector<16xi32>, vector<16xi32>], vector<16xf32>,
        %parallel_loop3A_1104 = arith.constant 34 : i32
        %parallel_loop3A_1105 = vector.broadcast %parallel_loop3A_1104 : i32 to vector<16xi32>
        %parallel_loop3A_1106 = arith.addi %iota3A, %parallel_loop3A_1105 : vector<16xi32>
        %parallel_loop3A_1107 = arith.constant 63 : i32
        %parallel_loop3A_1108 = vector.broadcast %parallel_loop3A_1107 : i32 to vector<16xi32>
        %parallel_loop3A_1109 = arith.andi %parallel_loop3A_1106, %parallel_loop3A_1108 : vector<16xi32>
        %parallel_loop3A_1110 = tpu.vector_load_idx %arg4[%parallel_loop3A_62, %parallel_loop3A_1109] : memref<256x64xf32, #tpu.memory_space<vmem>>[vector<16xi32>, vector<16xi32>], vector<16xf32>,
        %parallel_loop3A_1111 = arith.cmpf oeq, %parallel_loop3A_1110, %parallel_loop3A_713 : vector<16xf32>
        %parallel_loop3A_1112 = arith.cmpf oeq, %parallel_loop3A_1110, %parallel_loop3A_716 : vector<16xf32>
        %parallel_loop3A_1113 = arith.select %parallel_loop3A_1112, %parallel_loop3A_727, %parallel_loop3A_729 : vector<16xi1>, vector<16xf32>
        %parallel_loop3A_1114 = arith.select %parallel_loop3A_1111, %parallel_loop3A_724, %parallel_loop3A_1113 : vector<16xi1>, vector<16xf32>
        tpu.vector_store_idx %arg6[%parallel_loop3A_62, %parallel_loop3A_1109], %parallel_loop3A_1114 : memref<256x64xf32, #tpu.memory_space<vmem>>[vector<16xi32>, vector<16xi32>], vector<16xf32>,
        %parallel_loop3A_1115 = arith.constant 35 : i32
        %parallel_loop3A_1116 = vector.broadcast %parallel_loop3A_1115 : i32 to vector<16xi32>
        %parallel_loop3A_1117 = arith.addi %iota3A, %parallel_loop3A_1116 : vector<16xi32>
        %parallel_loop3A_1118 = arith.constant 63 : i32
        %parallel_loop3A_1119 = vector.broadcast %parallel_loop3A_1118 : i32 to vector<16xi32>
        %parallel_loop3A_1120 = arith.andi %parallel_loop3A_1117, %parallel_loop3A_1119 : vector<16xi32>
        %parallel_loop3A_1121 = tpu.vector_load_idx %arg4[%parallel_loop3A_62, %parallel_loop3A_1120] : memref<256x64xf32, #tpu.memory_space<vmem>>[vector<16xi32>, vector<16xi32>], vector<16xf32>,
        %parallel_loop3A_1122 = arith.cmpf oeq, %parallel_loop3A_1121, %parallel_loop3A_713 : vector<16xf32>
        %parallel_loop3A_1123 = arith.cmpf oeq, %parallel_loop3A_1121, %parallel_loop3A_716 : vector<16xf32>
        %parallel_loop3A_1124 = arith.select %parallel_loop3A_1123, %parallel_loop3A_727, %parallel_loop3A_729 : vector<16xi1>, vector<16xf32>
        %parallel_loop3A_1125 = arith.select %parallel_loop3A_1122, %parallel_loop3A_724, %parallel_loop3A_1124 : vector<16xi1>, vector<16xf32>
        tpu.vector_store_idx %arg6[%parallel_loop3A_62, %parallel_loop3A_1120], %parallel_loop3A_1125 : memref<256x64xf32, #tpu.memory_space<vmem>>[vector<16xi32>, vector<16xi32>], vector<16xf32>,
        %parallel_loop3A_1126 = arith.constant 36 : i32
        %parallel_loop3A_1127 = vector.broadcast %parallel_loop3A_1126 : i32 to vector<16xi32>
        %parallel_loop3A_1128 = arith.addi %iota3A, %parallel_loop3A_1127 : vector<16xi32>
        %parallel_loop3A_1129 = arith.constant 63 : i32
        %parallel_loop3A_1130 = vector.broadcast %parallel_loop3A_1129 : i32 to vector<16xi32>
        %parallel_loop3A_1131 = arith.andi %parallel_loop3A_1128, %parallel_loop3A_1130 : vector<16xi32>
        %parallel_loop3A_1132 = tpu.vector_load_idx %arg4[%parallel_loop3A_62, %parallel_loop3A_1131] : memref<256x64xf32, #tpu.memory_space<vmem>>[vector<16xi32>, vector<16xi32>], vector<16xf32>,
        %parallel_loop3A_1133 = arith.cmpf oeq, %parallel_loop3A_1132, %parallel_loop3A_713 : vector<16xf32>
        %parallel_loop3A_1134 = arith.cmpf oeq, %parallel_loop3A_1132, %parallel_loop3A_716 : vector<16xf32>
        %parallel_loop3A_1135 = arith.select %parallel_loop3A_1134, %parallel_loop3A_727, %parallel_loop3A_729 : vector<16xi1>, vector<16xf32>
        %parallel_loop3A_1136 = arith.select %parallel_loop3A_1133, %parallel_loop3A_724, %parallel_loop3A_1135 : vector<16xi1>, vector<16xf32>
        tpu.vector_store_idx %arg6[%parallel_loop3A_62, %parallel_loop3A_1131], %parallel_loop3A_1136 : memref<256x64xf32, #tpu.memory_space<vmem>>[vector<16xi32>, vector<16xi32>], vector<16xf32>,
        %parallel_loop3A_1137 = arith.constant 37 : i32
        %parallel_loop3A_1138 = vector.broadcast %parallel_loop3A_1137 : i32 to vector<16xi32>
        %parallel_loop3A_1139 = arith.addi %iota3A, %parallel_loop3A_1138 : vector<16xi32>
        %parallel_loop3A_1140 = arith.constant 63 : i32
        %parallel_loop3A_1141 = vector.broadcast %parallel_loop3A_1140 : i32 to vector<16xi32>
        %parallel_loop3A_1142 = arith.andi %parallel_loop3A_1139, %parallel_loop3A_1141 : vector<16xi32>
        %parallel_loop3A_1143 = tpu.vector_load_idx %arg4[%parallel_loop3A_62, %parallel_loop3A_1142] : memref<256x64xf32, #tpu.memory_space<vmem>>[vector<16xi32>, vector<16xi32>], vector<16xf32>,
        %parallel_loop3A_1144 = arith.cmpf oeq, %parallel_loop3A_1143, %parallel_loop3A_713 : vector<16xf32>
        %parallel_loop3A_1145 = arith.cmpf oeq, %parallel_loop3A_1143, %parallel_loop3A_716 : vector<16xf32>
        %parallel_loop3A_1146 = arith.select %parallel_loop3A_1145, %parallel_loop3A_727, %parallel_loop3A_729 : vector<16xi1>, vector<16xf32>
        %parallel_loop3A_1147 = arith.select %parallel_loop3A_1144, %parallel_loop3A_724, %parallel_loop3A_1146 : vector<16xi1>, vector<16xf32>
        tpu.vector_store_idx %arg6[%parallel_loop3A_62, %parallel_loop3A_1142], %parallel_loop3A_1147 : memref<256x64xf32, #tpu.memory_space<vmem>>[vector<16xi32>, vector<16xi32>], vector<16xf32>,
        %parallel_loop3A_1148 = arith.constant 38 : i32
        %parallel_loop3A_1149 = vector.broadcast %parallel_loop3A_1148 : i32 to vector<16xi32>
        %parallel_loop3A_1150 = arith.addi %iota3A, %parallel_loop3A_1149 : vector<16xi32>
        %parallel_loop3A_1151 = arith.constant 63 : i32
        %parallel_loop3A_1152 = vector.broadcast %parallel_loop3A_1151 : i32 to vector<16xi32>
        %parallel_loop3A_1153 = arith.andi %parallel_loop3A_1150, %parallel_loop3A_1152 : vector<16xi32>
        %parallel_loop3A_1154 = tpu.vector_load_idx %arg4[%parallel_loop3A_62, %parallel_loop3A_1153] : memref<256x64xf32, #tpu.memory_space<vmem>>[vector<16xi32>, vector<16xi32>], vector<16xf32>,
        %parallel_loop3A_1155 = arith.cmpf oeq, %parallel_loop3A_1154, %parallel_loop3A_713 : vector<16xf32>
        %parallel_loop3A_1156 = arith.cmpf oeq, %parallel_loop3A_1154, %parallel_loop3A_716 : vector<16xf32>
        %parallel_loop3A_1157 = arith.select %parallel_loop3A_1156, %parallel_loop3A_727, %parallel_loop3A_729 : vector<16xi1>, vector<16xf32>
        %parallel_loop3A_1158 = arith.select %parallel_loop3A_1155, %parallel_loop3A_724, %parallel_loop3A_1157 : vector<16xi1>, vector<16xf32>
        tpu.vector_store_idx %arg6[%parallel_loop3A_62, %parallel_loop3A_1153], %parallel_loop3A_1158 : memref<256x64xf32, #tpu.memory_space<vmem>>[vector<16xi32>, vector<16xi32>], vector<16xf32>,
        %parallel_loop3A_1159 = arith.constant 39 : i32
        %parallel_loop3A_1160 = vector.broadcast %parallel_loop3A_1159 : i32 to vector<16xi32>
        %parallel_loop3A_1161 = arith.addi %iota3A, %parallel_loop3A_1160 : vector<16xi32>
        %parallel_loop3A_1162 = arith.constant 63 : i32
        %parallel_loop3A_1163 = vector.broadcast %parallel_loop3A_1162 : i32 to vector<16xi32>
        %parallel_loop3A_1164 = arith.andi %parallel_loop3A_1161, %parallel_loop3A_1163 : vector<16xi32>
        %parallel_loop3A_1165 = tpu.vector_load_idx %arg4[%parallel_loop3A_62, %parallel_loop3A_1164] : memref<256x64xf32, #tpu.memory_space<vmem>>[vector<16xi32>, vector<16xi32>], vector<16xf32>,
        %parallel_loop3A_1166 = arith.cmpf oeq, %parallel_loop3A_1165, %parallel_loop3A_713 : vector<16xf32>
        %parallel_loop3A_1167 = arith.cmpf oeq, %parallel_loop3A_1165, %parallel_loop3A_716 : vector<16xf32>
        %parallel_loop3A_1168 = arith.select %parallel_loop3A_1167, %parallel_loop3A_727, %parallel_loop3A_729 : vector<16xi1>, vector<16xf32>
        %parallel_loop3A_1169 = arith.select %parallel_loop3A_1166, %parallel_loop3A_724, %parallel_loop3A_1168 : vector<16xi1>, vector<16xf32>
        tpu.vector_store_idx %arg6[%parallel_loop3A_62, %parallel_loop3A_1164], %parallel_loop3A_1169 : memref<256x64xf32, #tpu.memory_space<vmem>>[vector<16xi32>, vector<16xi32>], vector<16xf32>,
        %parallel_loop3A_1170 = arith.constant 40 : i32
        %parallel_loop3A_1171 = vector.broadcast %parallel_loop3A_1170 : i32 to vector<16xi32>
        %parallel_loop3A_1172 = arith.addi %iota3A, %parallel_loop3A_1171 : vector<16xi32>
        %parallel_loop3A_1173 = arith.constant 63 : i32
        %parallel_loop3A_1174 = vector.broadcast %parallel_loop3A_1173 : i32 to vector<16xi32>
        %parallel_loop3A_1175 = arith.andi %parallel_loop3A_1172, %parallel_loop3A_1174 : vector<16xi32>
        %parallel_loop3A_1176 = tpu.vector_load_idx %arg4[%parallel_loop3A_62, %parallel_loop3A_1175] : memref<256x64xf32, #tpu.memory_space<vmem>>[vector<16xi32>, vector<16xi32>], vector<16xf32>,
        %parallel_loop3A_1177 = arith.cmpf oeq, %parallel_loop3A_1176, %parallel_loop3A_713 : vector<16xf32>
        %parallel_loop3A_1178 = arith.cmpf oeq, %parallel_loop3A_1176, %parallel_loop3A_716 : vector<16xf32>
        %parallel_loop3A_1179 = arith.select %parallel_loop3A_1178, %parallel_loop3A_727, %parallel_loop3A_729 : vector<16xi1>, vector<16xf32>
        %parallel_loop3A_1180 = arith.select %parallel_loop3A_1177, %parallel_loop3A_724, %parallel_loop3A_1179 : vector<16xi1>, vector<16xf32>
        tpu.vector_store_idx %arg6[%parallel_loop3A_62, %parallel_loop3A_1175], %parallel_loop3A_1180 : memref<256x64xf32, #tpu.memory_space<vmem>>[vector<16xi32>, vector<16xi32>], vector<16xf32>,
        %parallel_loop3A_1181 = arith.constant 41 : i32
        %parallel_loop3A_1182 = vector.broadcast %parallel_loop3A_1181 : i32 to vector<16xi32>
        %parallel_loop3A_1183 = arith.addi %iota3A, %parallel_loop3A_1182 : vector<16xi32>
        %parallel_loop3A_1184 = arith.constant 63 : i32
        %parallel_loop3A_1185 = vector.broadcast %parallel_loop3A_1184 : i32 to vector<16xi32>
        %parallel_loop3A_1186 = arith.andi %parallel_loop3A_1183, %parallel_loop3A_1185 : vector<16xi32>
        %parallel_loop3A_1187 = tpu.vector_load_idx %arg4[%parallel_loop3A_62, %parallel_loop3A_1186] : memref<256x64xf32, #tpu.memory_space<vmem>>[vector<16xi32>, vector<16xi32>], vector<16xf32>,
        %parallel_loop3A_1188 = arith.cmpf oeq, %parallel_loop3A_1187, %parallel_loop3A_713 : vector<16xf32>
        %parallel_loop3A_1189 = arith.cmpf oeq, %parallel_loop3A_1187, %parallel_loop3A_716 : vector<16xf32>
        %parallel_loop3A_1190 = arith.select %parallel_loop3A_1189, %parallel_loop3A_727, %parallel_loop3A_729 : vector<16xi1>, vector<16xf32>
        %parallel_loop3A_1191 = arith.select %parallel_loop3A_1188, %parallel_loop3A_724, %parallel_loop3A_1190 : vector<16xi1>, vector<16xf32>
        tpu.vector_store_idx %arg6[%parallel_loop3A_62, %parallel_loop3A_1186], %parallel_loop3A_1191 : memref<256x64xf32, #tpu.memory_space<vmem>>[vector<16xi32>, vector<16xi32>], vector<16xf32>,
        %parallel_loop3A_1192 = arith.constant 42 : i32
        %parallel_loop3A_1193 = vector.broadcast %parallel_loop3A_1192 : i32 to vector<16xi32>
        %parallel_loop3A_1194 = arith.addi %iota3A, %parallel_loop3A_1193 : vector<16xi32>
        %parallel_loop3A_1195 = arith.constant 63 : i32
        %parallel_loop3A_1196 = vector.broadcast %parallel_loop3A_1195 : i32 to vector<16xi32>
        %parallel_loop3A_1197 = arith.andi %parallel_loop3A_1194, %parallel_loop3A_1196 : vector<16xi32>
        %parallel_loop3A_1198 = tpu.vector_load_idx %arg4[%parallel_loop3A_62, %parallel_loop3A_1197] : memref<256x64xf32, #tpu.memory_space<vmem>>[vector<16xi32>, vector<16xi32>], vector<16xf32>,
        %parallel_loop3A_1199 = arith.cmpf oeq, %parallel_loop3A_1198, %parallel_loop3A_713 : vector<16xf32>
        %parallel_loop3A_1200 = arith.cmpf oeq, %parallel_loop3A_1198, %parallel_loop3A_716 : vector<16xf32>
        %parallel_loop3A_1201 = arith.select %parallel_loop3A_1200, %parallel_loop3A_727, %parallel_loop3A_729 : vector<16xi1>, vector<16xf32>
        %parallel_loop3A_1202 = arith.select %parallel_loop3A_1199, %parallel_loop3A_724, %parallel_loop3A_1201 : vector<16xi1>, vector<16xf32>
        tpu.vector_store_idx %arg6[%parallel_loop3A_62, %parallel_loop3A_1197], %parallel_loop3A_1202 : memref<256x64xf32, #tpu.memory_space<vmem>>[vector<16xi32>, vector<16xi32>], vector<16xf32>,
        %parallel_loop3A_1203 = arith.constant 43 : i32
        %parallel_loop3A_1204 = vector.broadcast %parallel_loop3A_1203 : i32 to vector<16xi32>
        %parallel_loop3A_1205 = arith.addi %iota3A, %parallel_loop3A_1204 : vector<16xi32>
        %parallel_loop3A_1206 = arith.constant 63 : i32
        %parallel_loop3A_1207 = vector.broadcast %parallel_loop3A_1206 : i32 to vector<16xi32>
        %parallel_loop3A_1208 = arith.andi %parallel_loop3A_1205, %parallel_loop3A_1207 : vector<16xi32>
        %parallel_loop3A_1209 = tpu.vector_load_idx %arg4[%parallel_loop3A_62, %parallel_loop3A_1208] : memref<256x64xf32, #tpu.memory_space<vmem>>[vector<16xi32>, vector<16xi32>], vector<16xf32>,
        %parallel_loop3A_1210 = arith.cmpf oeq, %parallel_loop3A_1209, %parallel_loop3A_713 : vector<16xf32>
        %parallel_loop3A_1211 = arith.cmpf oeq, %parallel_loop3A_1209, %parallel_loop3A_716 : vector<16xf32>
        %parallel_loop3A_1212 = arith.select %parallel_loop3A_1211, %parallel_loop3A_727, %parallel_loop3A_729 : vector<16xi1>, vector<16xf32>
        %parallel_loop3A_1213 = arith.select %parallel_loop3A_1210, %parallel_loop3A_724, %parallel_loop3A_1212 : vector<16xi1>, vector<16xf32>
        tpu.vector_store_idx %arg6[%parallel_loop3A_62, %parallel_loop3A_1208], %parallel_loop3A_1213 : memref<256x64xf32, #tpu.memory_space<vmem>>[vector<16xi32>, vector<16xi32>], vector<16xf32>,
        %parallel_loop3A_1214 = arith.constant 44 : i32
        %parallel_loop3A_1215 = vector.broadcast %parallel_loop3A_1214 : i32 to vector<16xi32>
        %parallel_loop3A_1216 = arith.addi %iota3A, %parallel_loop3A_1215 : vector<16xi32>
        %parallel_loop3A_1217 = arith.constant 63 : i32
        %parallel_loop3A_1218 = vector.broadcast %parallel_loop3A_1217 : i32 to vector<16xi32>
        %parallel_loop3A_1219 = arith.andi %parallel_loop3A_1216, %parallel_loop3A_1218 : vector<16xi32>
        %parallel_loop3A_1220 = tpu.vector_load_idx %arg4[%parallel_loop3A_62, %parallel_loop3A_1219] : memref<256x64xf32, #tpu.memory_space<vmem>>[vector<16xi32>, vector<16xi32>], vector<16xf32>,
        %parallel_loop3A_1221 = arith.cmpf oeq, %parallel_loop3A_1220, %parallel_loop3A_713 : vector<16xf32>
        %parallel_loop3A_1222 = arith.cmpf oeq, %parallel_loop3A_1220, %parallel_loop3A_716 : vector<16xf32>
        %parallel_loop3A_1223 = arith.select %parallel_loop3A_1222, %parallel_loop3A_727, %parallel_loop3A_729 : vector<16xi1>, vector<16xf32>
        %parallel_loop3A_1224 = arith.select %parallel_loop3A_1221, %parallel_loop3A_724, %parallel_loop3A_1223 : vector<16xi1>, vector<16xf32>
        tpu.vector_store_idx %arg6[%parallel_loop3A_62, %parallel_loop3A_1219], %parallel_loop3A_1224 : memref<256x64xf32, #tpu.memory_space<vmem>>[vector<16xi32>, vector<16xi32>], vector<16xf32>,
        %parallel_loop3A_1225 = arith.constant 45 : i32
        %parallel_loop3A_1226 = vector.broadcast %parallel_loop3A_1225 : i32 to vector<16xi32>
        %parallel_loop3A_1227 = arith.addi %iota3A, %parallel_loop3A_1226 : vector<16xi32>
        %parallel_loop3A_1228 = arith.constant 63 : i32
        %parallel_loop3A_1229 = vector.broadcast %parallel_loop3A_1228 : i32 to vector<16xi32>
        %parallel_loop3A_1230 = arith.andi %parallel_loop3A_1227, %parallel_loop3A_1229 : vector<16xi32>
        %parallel_loop3A_1231 = tpu.vector_load_idx %arg4[%parallel_loop3A_62, %parallel_loop3A_1230] : memref<256x64xf32, #tpu.memory_space<vmem>>[vector<16xi32>, vector<16xi32>], vector<16xf32>,
        %parallel_loop3A_1232 = arith.cmpf oeq, %parallel_loop3A_1231, %parallel_loop3A_713 : vector<16xf32>
        %parallel_loop3A_1233 = arith.cmpf oeq, %parallel_loop3A_1231, %parallel_loop3A_716 : vector<16xf32>
        %parallel_loop3A_1234 = arith.select %parallel_loop3A_1233, %parallel_loop3A_727, %parallel_loop3A_729 : vector<16xi1>, vector<16xf32>
        %parallel_loop3A_1235 = arith.select %parallel_loop3A_1232, %parallel_loop3A_724, %parallel_loop3A_1234 : vector<16xi1>, vector<16xf32>
        tpu.vector_store_idx %arg6[%parallel_loop3A_62, %parallel_loop3A_1230], %parallel_loop3A_1235 : memref<256x64xf32, #tpu.memory_space<vmem>>[vector<16xi32>, vector<16xi32>], vector<16xf32>,
        %parallel_loop3A_1236 = arith.constant 46 : i32
        %parallel_loop3A_1237 = vector.broadcast %parallel_loop3A_1236 : i32 to vector<16xi32>
        %parallel_loop3A_1238 = arith.addi %iota3A, %parallel_loop3A_1237 : vector<16xi32>
        %parallel_loop3A_1239 = arith.constant 63 : i32
        %parallel_loop3A_1240 = vector.broadcast %parallel_loop3A_1239 : i32 to vector<16xi32>
        %parallel_loop3A_1241 = arith.andi %parallel_loop3A_1238, %parallel_loop3A_1240 : vector<16xi32>
        %parallel_loop3A_1242 = tpu.vector_load_idx %arg4[%parallel_loop3A_62, %parallel_loop3A_1241] : memref<256x64xf32, #tpu.memory_space<vmem>>[vector<16xi32>, vector<16xi32>], vector<16xf32>,
        %parallel_loop3A_1243 = arith.cmpf oeq, %parallel_loop3A_1242, %parallel_loop3A_713 : vector<16xf32>
        %parallel_loop3A_1244 = arith.cmpf oeq, %parallel_loop3A_1242, %parallel_loop3A_716 : vector<16xf32>
        %parallel_loop3A_1245 = arith.select %parallel_loop3A_1244, %parallel_loop3A_727, %parallel_loop3A_729 : vector<16xi1>, vector<16xf32>
        %parallel_loop3A_1246 = arith.select %parallel_loop3A_1243, %parallel_loop3A_724, %parallel_loop3A_1245 : vector<16xi1>, vector<16xf32>
        tpu.vector_store_idx %arg6[%parallel_loop3A_62, %parallel_loop3A_1241], %parallel_loop3A_1246 : memref<256x64xf32, #tpu.memory_space<vmem>>[vector<16xi32>, vector<16xi32>], vector<16xf32>,
        %parallel_loop3A_1247 = arith.constant 47 : i32
        %parallel_loop3A_1248 = vector.broadcast %parallel_loop3A_1247 : i32 to vector<16xi32>
        %parallel_loop3A_1249 = arith.addi %iota3A, %parallel_loop3A_1248 : vector<16xi32>
        %parallel_loop3A_1250 = arith.constant 63 : i32
        %parallel_loop3A_1251 = vector.broadcast %parallel_loop3A_1250 : i32 to vector<16xi32>
        %parallel_loop3A_1252 = arith.andi %parallel_loop3A_1249, %parallel_loop3A_1251 : vector<16xi32>
        %parallel_loop3A_1253 = tpu.vector_load_idx %arg4[%parallel_loop3A_62, %parallel_loop3A_1252] : memref<256x64xf32, #tpu.memory_space<vmem>>[vector<16xi32>, vector<16xi32>], vector<16xf32>,
        %parallel_loop3A_1254 = arith.cmpf oeq, %parallel_loop3A_1253, %parallel_loop3A_713 : vector<16xf32>
        %parallel_loop3A_1255 = arith.cmpf oeq, %parallel_loop3A_1253, %parallel_loop3A_716 : vector<16xf32>
        %parallel_loop3A_1256 = arith.select %parallel_loop3A_1255, %parallel_loop3A_727, %parallel_loop3A_729 : vector<16xi1>, vector<16xf32>
        %parallel_loop3A_1257 = arith.select %parallel_loop3A_1254, %parallel_loop3A_724, %parallel_loop3A_1256 : vector<16xi1>, vector<16xf32>
        tpu.vector_store_idx %arg6[%parallel_loop3A_62, %parallel_loop3A_1252], %parallel_loop3A_1257 : memref<256x64xf32, #tpu.memory_space<vmem>>[vector<16xi32>, vector<16xi32>], vector<16xf32>,
        %parallel_loop3A_1258 = arith.constant 48 : i32
        %parallel_loop3A_1259 = vector.broadcast %parallel_loop3A_1258 : i32 to vector<16xi32>
        %parallel_loop3A_1260 = arith.addi %iota3A, %parallel_loop3A_1259 : vector<16xi32>
        %parallel_loop3A_1261 = arith.constant 63 : i32
        %parallel_loop3A_1262 = vector.broadcast %parallel_loop3A_1261 : i32 to vector<16xi32>
        %parallel_loop3A_1263 = arith.andi %parallel_loop3A_1260, %parallel_loop3A_1262 : vector<16xi32>
        %parallel_loop3A_1264 = tpu.vector_load_idx %arg4[%parallel_loop3A_62, %parallel_loop3A_1263] : memref<256x64xf32, #tpu.memory_space<vmem>>[vector<16xi32>, vector<16xi32>], vector<16xf32>,
        %parallel_loop3A_1265 = arith.cmpf oeq, %parallel_loop3A_1264, %parallel_loop3A_713 : vector<16xf32>
        %parallel_loop3A_1266 = arith.cmpf oeq, %parallel_loop3A_1264, %parallel_loop3A_716 : vector<16xf32>
        %parallel_loop3A_1267 = arith.select %parallel_loop3A_1266, %parallel_loop3A_727, %parallel_loop3A_729 : vector<16xi1>, vector<16xf32>
        %parallel_loop3A_1268 = arith.select %parallel_loop3A_1265, %parallel_loop3A_724, %parallel_loop3A_1267 : vector<16xi1>, vector<16xf32>
        tpu.vector_store_idx %arg6[%parallel_loop3A_62, %parallel_loop3A_1263], %parallel_loop3A_1268 : memref<256x64xf32, #tpu.memory_space<vmem>>[vector<16xi32>, vector<16xi32>], vector<16xf32>,
        %parallel_loop3A_1269 = arith.constant 49 : i32
        %parallel_loop3A_1270 = vector.broadcast %parallel_loop3A_1269 : i32 to vector<16xi32>
        %parallel_loop3A_1271 = arith.addi %iota3A, %parallel_loop3A_1270 : vector<16xi32>
        %parallel_loop3A_1272 = arith.constant 63 : i32
        %parallel_loop3A_1273 = vector.broadcast %parallel_loop3A_1272 : i32 to vector<16xi32>
        %parallel_loop3A_1274 = arith.andi %parallel_loop3A_1271, %parallel_loop3A_1273 : vector<16xi32>
        %parallel_loop3A_1275 = tpu.vector_load_idx %arg4[%parallel_loop3A_62, %parallel_loop3A_1274] : memref<256x64xf32, #tpu.memory_space<vmem>>[vector<16xi32>, vector<16xi32>], vector<16xf32>,
        %parallel_loop3A_1276 = arith.cmpf oeq, %parallel_loop3A_1275, %parallel_loop3A_713 : vector<16xf32>
        %parallel_loop3A_1277 = arith.cmpf oeq, %parallel_loop3A_1275, %parallel_loop3A_716 : vector<16xf32>
        %parallel_loop3A_1278 = arith.select %parallel_loop3A_1277, %parallel_loop3A_727, %parallel_loop3A_729 : vector<16xi1>, vector<16xf32>
        %parallel_loop3A_1279 = arith.select %parallel_loop3A_1276, %parallel_loop3A_724, %parallel_loop3A_1278 : vector<16xi1>, vector<16xf32>
        tpu.vector_store_idx %arg6[%parallel_loop3A_62, %parallel_loop3A_1274], %parallel_loop3A_1279 : memref<256x64xf32, #tpu.memory_space<vmem>>[vector<16xi32>, vector<16xi32>], vector<16xf32>,
        %parallel_loop3A_1280 = arith.constant 50 : i32
        %parallel_loop3A_1281 = vector.broadcast %parallel_loop3A_1280 : i32 to vector<16xi32>
        %parallel_loop3A_1282 = arith.addi %iota3A, %parallel_loop3A_1281 : vector<16xi32>
        %parallel_loop3A_1283 = arith.constant 63 : i32
        %parallel_loop3A_1284 = vector.broadcast %parallel_loop3A_1283 : i32 to vector<16xi32>
        %parallel_loop3A_1285 = arith.andi %parallel_loop3A_1282, %parallel_loop3A_1284 : vector<16xi32>
        %parallel_loop3A_1286 = tpu.vector_load_idx %arg4[%parallel_loop3A_62, %parallel_loop3A_1285] : memref<256x64xf32, #tpu.memory_space<vmem>>[vector<16xi32>, vector<16xi32>], vector<16xf32>,
        %parallel_loop3A_1287 = arith.cmpf oeq, %parallel_loop3A_1286, %parallel_loop3A_713 : vector<16xf32>
        %parallel_loop3A_1288 = arith.cmpf oeq, %parallel_loop3A_1286, %parallel_loop3A_716 : vector<16xf32>
        %parallel_loop3A_1289 = arith.select %parallel_loop3A_1288, %parallel_loop3A_727, %parallel_loop3A_729 : vector<16xi1>, vector<16xf32>
        %parallel_loop3A_1290 = arith.select %parallel_loop3A_1287, %parallel_loop3A_724, %parallel_loop3A_1289 : vector<16xi1>, vector<16xf32>
        tpu.vector_store_idx %arg6[%parallel_loop3A_62, %parallel_loop3A_1285], %parallel_loop3A_1290 : memref<256x64xf32, #tpu.memory_space<vmem>>[vector<16xi32>, vector<16xi32>], vector<16xf32>,
        %parallel_loop3A_1291 = arith.constant 51 : i32
        %parallel_loop3A_1292 = vector.broadcast %parallel_loop3A_1291 : i32 to vector<16xi32>
        %parallel_loop3A_1293 = arith.addi %iota3A, %parallel_loop3A_1292 : vector<16xi32>
        %parallel_loop3A_1294 = arith.constant 63 : i32
        %parallel_loop3A_1295 = vector.broadcast %parallel_loop3A_1294 : i32 to vector<16xi32>
        %parallel_loop3A_1296 = arith.andi %parallel_loop3A_1293, %parallel_loop3A_1295 : vector<16xi32>
        %parallel_loop3A_1297 = tpu.vector_load_idx %arg4[%parallel_loop3A_62, %parallel_loop3A_1296] : memref<256x64xf32, #tpu.memory_space<vmem>>[vector<16xi32>, vector<16xi32>], vector<16xf32>,
        %parallel_loop3A_1298 = arith.cmpf oeq, %parallel_loop3A_1297, %parallel_loop3A_713 : vector<16xf32>
        %parallel_loop3A_1299 = arith.cmpf oeq, %parallel_loop3A_1297, %parallel_loop3A_716 : vector<16xf32>
        %parallel_loop3A_1300 = arith.select %parallel_loop3A_1299, %parallel_loop3A_727, %parallel_loop3A_729 : vector<16xi1>, vector<16xf32>
        %parallel_loop3A_1301 = arith.select %parallel_loop3A_1298, %parallel_loop3A_724, %parallel_loop3A_1300 : vector<16xi1>, vector<16xf32>
        tpu.vector_store_idx %arg6[%parallel_loop3A_62, %parallel_loop3A_1296], %parallel_loop3A_1301 : memref<256x64xf32, #tpu.memory_space<vmem>>[vector<16xi32>, vector<16xi32>], vector<16xf32>,
        %parallel_loop3A_1302 = arith.constant 52 : i32
        %parallel_loop3A_1303 = vector.broadcast %parallel_loop3A_1302 : i32 to vector<16xi32>
        %parallel_loop3A_1304 = arith.addi %iota3A, %parallel_loop3A_1303 : vector<16xi32>
        %parallel_loop3A_1305 = arith.constant 63 : i32
        %parallel_loop3A_1306 = vector.broadcast %parallel_loop3A_1305 : i32 to vector<16xi32>
        %parallel_loop3A_1307 = arith.andi %parallel_loop3A_1304, %parallel_loop3A_1306 : vector<16xi32>
        %parallel_loop3A_1308 = tpu.vector_load_idx %arg4[%parallel_loop3A_62, %parallel_loop3A_1307] : memref<256x64xf32, #tpu.memory_space<vmem>>[vector<16xi32>, vector<16xi32>], vector<16xf32>,
        %parallel_loop3A_1309 = arith.cmpf oeq, %parallel_loop3A_1308, %parallel_loop3A_713 : vector<16xf32>
        %parallel_loop3A_1310 = arith.cmpf oeq, %parallel_loop3A_1308, %parallel_loop3A_716 : vector<16xf32>
        %parallel_loop3A_1311 = arith.select %parallel_loop3A_1310, %parallel_loop3A_727, %parallel_loop3A_729 : vector<16xi1>, vector<16xf32>
        %parallel_loop3A_1312 = arith.select %parallel_loop3A_1309, %parallel_loop3A_724, %parallel_loop3A_1311 : vector<16xi1>, vector<16xf32>
        tpu.vector_store_idx %arg6[%parallel_loop3A_62, %parallel_loop3A_1307], %parallel_loop3A_1312 : memref<256x64xf32, #tpu.memory_space<vmem>>[vector<16xi32>, vector<16xi32>], vector<16xf32>,
        %parallel_loop3A_1313 = arith.constant 53 : i32
        %parallel_loop3A_1314 = vector.broadcast %parallel_loop3A_1313 : i32 to vector<16xi32>
        %parallel_loop3A_1315 = arith.addi %iota3A, %parallel_loop3A_1314 : vector<16xi32>
        %parallel_loop3A_1316 = arith.constant 63 : i32
        %parallel_loop3A_1317 = vector.broadcast %parallel_loop3A_1316 : i32 to vector<16xi32>
        %parallel_loop3A_1318 = arith.andi %parallel_loop3A_1315, %parallel_loop3A_1317 : vector<16xi32>
        %parallel_loop3A_1319 = tpu.vector_load_idx %arg4[%parallel_loop3A_62, %parallel_loop3A_1318] : memref<256x64xf32, #tpu.memory_space<vmem>>[vector<16xi32>, vector<16xi32>], vector<16xf32>,
        %parallel_loop3A_1320 = arith.cmpf oeq, %parallel_loop3A_1319, %parallel_loop3A_713 : vector<16xf32>
        %parallel_loop3A_1321 = arith.cmpf oeq, %parallel_loop3A_1319, %parallel_loop3A_716 : vector<16xf32>
        %parallel_loop3A_1322 = arith.select %parallel_loop3A_1321, %parallel_loop3A_727, %parallel_loop3A_729 : vector<16xi1>, vector<16xf32>
        %parallel_loop3A_1323 = arith.select %parallel_loop3A_1320, %parallel_loop3A_724, %parallel_loop3A_1322 : vector<16xi1>, vector<16xf32>
        tpu.vector_store_idx %arg6[%parallel_loop3A_62, %parallel_loop3A_1318], %parallel_loop3A_1323 : memref<256x64xf32, #tpu.memory_space<vmem>>[vector<16xi32>, vector<16xi32>], vector<16xf32>,
        %parallel_loop3A_1324 = arith.constant 54 : i32
        %parallel_loop3A_1325 = vector.broadcast %parallel_loop3A_1324 : i32 to vector<16xi32>
        %parallel_loop3A_1326 = arith.addi %iota3A, %parallel_loop3A_1325 : vector<16xi32>
        %parallel_loop3A_1327 = arith.constant 63 : i32
        %parallel_loop3A_1328 = vector.broadcast %parallel_loop3A_1327 : i32 to vector<16xi32>
        %parallel_loop3A_1329 = arith.andi %parallel_loop3A_1326, %parallel_loop3A_1328 : vector<16xi32>
        %parallel_loop3A_1330 = tpu.vector_load_idx %arg4[%parallel_loop3A_62, %parallel_loop3A_1329] : memref<256x64xf32, #tpu.memory_space<vmem>>[vector<16xi32>, vector<16xi32>], vector<16xf32>,
        %parallel_loop3A_1331 = arith.cmpf oeq, %parallel_loop3A_1330, %parallel_loop3A_713 : vector<16xf32>
        %parallel_loop3A_1332 = arith.cmpf oeq, %parallel_loop3A_1330, %parallel_loop3A_716 : vector<16xf32>
        %parallel_loop3A_1333 = arith.select %parallel_loop3A_1332, %parallel_loop3A_727, %parallel_loop3A_729 : vector<16xi1>, vector<16xf32>
        %parallel_loop3A_1334 = arith.select %parallel_loop3A_1331, %parallel_loop3A_724, %parallel_loop3A_1333 : vector<16xi1>, vector<16xf32>
        tpu.vector_store_idx %arg6[%parallel_loop3A_62, %parallel_loop3A_1329], %parallel_loop3A_1334 : memref<256x64xf32, #tpu.memory_space<vmem>>[vector<16xi32>, vector<16xi32>], vector<16xf32>,
        %parallel_loop3A_1335 = arith.constant 55 : i32
        %parallel_loop3A_1336 = vector.broadcast %parallel_loop3A_1335 : i32 to vector<16xi32>
        %parallel_loop3A_1337 = arith.addi %iota3A, %parallel_loop3A_1336 : vector<16xi32>
        %parallel_loop3A_1338 = arith.constant 63 : i32
        %parallel_loop3A_1339 = vector.broadcast %parallel_loop3A_1338 : i32 to vector<16xi32>
        %parallel_loop3A_1340 = arith.andi %parallel_loop3A_1337, %parallel_loop3A_1339 : vector<16xi32>
        %parallel_loop3A_1341 = tpu.vector_load_idx %arg4[%parallel_loop3A_62, %parallel_loop3A_1340] : memref<256x64xf32, #tpu.memory_space<vmem>>[vector<16xi32>, vector<16xi32>], vector<16xf32>,
        %parallel_loop3A_1342 = arith.cmpf oeq, %parallel_loop3A_1341, %parallel_loop3A_713 : vector<16xf32>
        %parallel_loop3A_1343 = arith.cmpf oeq, %parallel_loop3A_1341, %parallel_loop3A_716 : vector<16xf32>
        %parallel_loop3A_1344 = arith.select %parallel_loop3A_1343, %parallel_loop3A_727, %parallel_loop3A_729 : vector<16xi1>, vector<16xf32>
        %parallel_loop3A_1345 = arith.select %parallel_loop3A_1342, %parallel_loop3A_724, %parallel_loop3A_1344 : vector<16xi1>, vector<16xf32>
        tpu.vector_store_idx %arg6[%parallel_loop3A_62, %parallel_loop3A_1340], %parallel_loop3A_1345 : memref<256x64xf32, #tpu.memory_space<vmem>>[vector<16xi32>, vector<16xi32>], vector<16xf32>,
        %parallel_loop3A_1346 = arith.constant 56 : i32
        %parallel_loop3A_1347 = vector.broadcast %parallel_loop3A_1346 : i32 to vector<16xi32>
        %parallel_loop3A_1348 = arith.addi %iota3A, %parallel_loop3A_1347 : vector<16xi32>
        %parallel_loop3A_1349 = arith.constant 63 : i32
        %parallel_loop3A_1350 = vector.broadcast %parallel_loop3A_1349 : i32 to vector<16xi32>
        %parallel_loop3A_1351 = arith.andi %parallel_loop3A_1348, %parallel_loop3A_1350 : vector<16xi32>
        %parallel_loop3A_1352 = tpu.vector_load_idx %arg4[%parallel_loop3A_62, %parallel_loop3A_1351] : memref<256x64xf32, #tpu.memory_space<vmem>>[vector<16xi32>, vector<16xi32>], vector<16xf32>,
        %parallel_loop3A_1353 = arith.cmpf oeq, %parallel_loop3A_1352, %parallel_loop3A_713 : vector<16xf32>
        %parallel_loop3A_1354 = arith.cmpf oeq, %parallel_loop3A_1352, %parallel_loop3A_716 : vector<16xf32>
        %parallel_loop3A_1355 = arith.select %parallel_loop3A_1354, %parallel_loop3A_727, %parallel_loop3A_729 : vector<16xi1>, vector<16xf32>
        %parallel_loop3A_1356 = arith.select %parallel_loop3A_1353, %parallel_loop3A_724, %parallel_loop3A_1355 : vector<16xi1>, vector<16xf32>
        tpu.vector_store_idx %arg6[%parallel_loop3A_62, %parallel_loop3A_1351], %parallel_loop3A_1356 : memref<256x64xf32, #tpu.memory_space<vmem>>[vector<16xi32>, vector<16xi32>], vector<16xf32>,
        %parallel_loop3A_1357 = arith.constant 57 : i32
        %parallel_loop3A_1358 = vector.broadcast %parallel_loop3A_1357 : i32 to vector<16xi32>
        %parallel_loop3A_1359 = arith.addi %iota3A, %parallel_loop3A_1358 : vector<16xi32>
        %parallel_loop3A_1360 = arith.constant 63 : i32
        %parallel_loop3A_1361 = vector.broadcast %parallel_loop3A_1360 : i32 to vector<16xi32>
        %parallel_loop3A_1362 = arith.andi %parallel_loop3A_1359, %parallel_loop3A_1361 : vector<16xi32>
        %parallel_loop3A_1363 = tpu.vector_load_idx %arg4[%parallel_loop3A_62, %parallel_loop3A_1362] : memref<256x64xf32, #tpu.memory_space<vmem>>[vector<16xi32>, vector<16xi32>], vector<16xf32>,
        %parallel_loop3A_1364 = arith.cmpf oeq, %parallel_loop3A_1363, %parallel_loop3A_713 : vector<16xf32>
        %parallel_loop3A_1365 = arith.cmpf oeq, %parallel_loop3A_1363, %parallel_loop3A_716 : vector<16xf32>
        %parallel_loop3A_1366 = arith.select %parallel_loop3A_1365, %parallel_loop3A_727, %parallel_loop3A_729 : vector<16xi1>, vector<16xf32>
        %parallel_loop3A_1367 = arith.select %parallel_loop3A_1364, %parallel_loop3A_724, %parallel_loop3A_1366 : vector<16xi1>, vector<16xf32>
        tpu.vector_store_idx %arg6[%parallel_loop3A_62, %parallel_loop3A_1362], %parallel_loop3A_1367 : memref<256x64xf32, #tpu.memory_space<vmem>>[vector<16xi32>, vector<16xi32>], vector<16xf32>,
        %parallel_loop3A_1368 = arith.constant 58 : i32
        %parallel_loop3A_1369 = vector.broadcast %parallel_loop3A_1368 : i32 to vector<16xi32>
        %parallel_loop3A_1370 = arith.addi %iota3A, %parallel_loop3A_1369 : vector<16xi32>
        %parallel_loop3A_1371 = arith.constant 63 : i32
        %parallel_loop3A_1372 = vector.broadcast %parallel_loop3A_1371 : i32 to vector<16xi32>
        %parallel_loop3A_1373 = arith.andi %parallel_loop3A_1370, %parallel_loop3A_1372 : vector<16xi32>
        %parallel_loop3A_1374 = tpu.vector_load_idx %arg4[%parallel_loop3A_62, %parallel_loop3A_1373] : memref<256x64xf32, #tpu.memory_space<vmem>>[vector<16xi32>, vector<16xi32>], vector<16xf32>,
        %parallel_loop3A_1375 = arith.cmpf oeq, %parallel_loop3A_1374, %parallel_loop3A_713 : vector<16xf32>
        %parallel_loop3A_1376 = arith.cmpf oeq, %parallel_loop3A_1374, %parallel_loop3A_716 : vector<16xf32>
        %parallel_loop3A_1377 = arith.select %parallel_loop3A_1376, %parallel_loop3A_727, %parallel_loop3A_729 : vector<16xi1>, vector<16xf32>
        %parallel_loop3A_1378 = arith.select %parallel_loop3A_1375, %parallel_loop3A_724, %parallel_loop3A_1377 : vector<16xi1>, vector<16xf32>
        tpu.vector_store_idx %arg6[%parallel_loop3A_62, %parallel_loop3A_1373], %parallel_loop3A_1378 : memref<256x64xf32, #tpu.memory_space<vmem>>[vector<16xi32>, vector<16xi32>], vector<16xf32>,
        %parallel_loop3A_1379 = arith.constant 59 : i32
        %parallel_loop3A_1380 = vector.broadcast %parallel_loop3A_1379 : i32 to vector<16xi32>
        %parallel_loop3A_1381 = arith.addi %iota3A, %parallel_loop3A_1380 : vector<16xi32>
        %parallel_loop3A_1382 = arith.constant 63 : i32
        %parallel_loop3A_1383 = vector.broadcast %parallel_loop3A_1382 : i32 to vector<16xi32>
        %parallel_loop3A_1384 = arith.andi %parallel_loop3A_1381, %parallel_loop3A_1383 : vector<16xi32>
        %parallel_loop3A_1385 = tpu.vector_load_idx %arg4[%parallel_loop3A_62, %parallel_loop3A_1384] : memref<256x64xf32, #tpu.memory_space<vmem>>[vector<16xi32>, vector<16xi32>], vector<16xf32>,
        %parallel_loop3A_1386 = arith.cmpf oeq, %parallel_loop3A_1385, %parallel_loop3A_713 : vector<16xf32>
        %parallel_loop3A_1387 = arith.cmpf oeq, %parallel_loop3A_1385, %parallel_loop3A_716 : vector<16xf32>
        %parallel_loop3A_1388 = arith.select %parallel_loop3A_1387, %parallel_loop3A_727, %parallel_loop3A_729 : vector<16xi1>, vector<16xf32>
        %parallel_loop3A_1389 = arith.select %parallel_loop3A_1386, %parallel_loop3A_724, %parallel_loop3A_1388 : vector<16xi1>, vector<16xf32>
        tpu.vector_store_idx %arg6[%parallel_loop3A_62, %parallel_loop3A_1384], %parallel_loop3A_1389 : memref<256x64xf32, #tpu.memory_space<vmem>>[vector<16xi32>, vector<16xi32>], vector<16xf32>,
        %parallel_loop3A_1390 = arith.constant 60 : i32
        %parallel_loop3A_1391 = vector.broadcast %parallel_loop3A_1390 : i32 to vector<16xi32>
        %parallel_loop3A_1392 = arith.addi %iota3A, %parallel_loop3A_1391 : vector<16xi32>
        %parallel_loop3A_1393 = arith.constant 63 : i32
        %parallel_loop3A_1394 = vector.broadcast %parallel_loop3A_1393 : i32 to vector<16xi32>
        %parallel_loop3A_1395 = arith.andi %parallel_loop3A_1392, %parallel_loop3A_1394 : vector<16xi32>
        %parallel_loop3A_1396 = tpu.vector_load_idx %arg4[%parallel_loop3A_62, %parallel_loop3A_1395] : memref<256x64xf32, #tpu.memory_space<vmem>>[vector<16xi32>, vector<16xi32>], vector<16xf32>,
        %parallel_loop3A_1397 = arith.cmpf oeq, %parallel_loop3A_1396, %parallel_loop3A_713 : vector<16xf32>
        %parallel_loop3A_1398 = arith.cmpf oeq, %parallel_loop3A_1396, %parallel_loop3A_716 : vector<16xf32>
        %parallel_loop3A_1399 = arith.select %parallel_loop3A_1398, %parallel_loop3A_727, %parallel_loop3A_729 : vector<16xi1>, vector<16xf32>
        %parallel_loop3A_1400 = arith.select %parallel_loop3A_1397, %parallel_loop3A_724, %parallel_loop3A_1399 : vector<16xi1>, vector<16xf32>
        tpu.vector_store_idx %arg6[%parallel_loop3A_62, %parallel_loop3A_1395], %parallel_loop3A_1400 : memref<256x64xf32, #tpu.memory_space<vmem>>[vector<16xi32>, vector<16xi32>], vector<16xf32>,
        %parallel_loop3A_1401 = arith.constant 61 : i32
        %parallel_loop3A_1402 = vector.broadcast %parallel_loop3A_1401 : i32 to vector<16xi32>
        %parallel_loop3A_1403 = arith.addi %iota3A, %parallel_loop3A_1402 : vector<16xi32>
        %parallel_loop3A_1404 = arith.constant 63 : i32
        %parallel_loop3A_1405 = vector.broadcast %parallel_loop3A_1404 : i32 to vector<16xi32>
        %parallel_loop3A_1406 = arith.andi %parallel_loop3A_1403, %parallel_loop3A_1405 : vector<16xi32>
        %parallel_loop3A_1407 = tpu.vector_load_idx %arg4[%parallel_loop3A_62, %parallel_loop3A_1406] : memref<256x64xf32, #tpu.memory_space<vmem>>[vector<16xi32>, vector<16xi32>], vector<16xf32>,
        %parallel_loop3A_1408 = arith.cmpf oeq, %parallel_loop3A_1407, %parallel_loop3A_713 : vector<16xf32>
        %parallel_loop3A_1409 = arith.cmpf oeq, %parallel_loop3A_1407, %parallel_loop3A_716 : vector<16xf32>
        %parallel_loop3A_1410 = arith.select %parallel_loop3A_1409, %parallel_loop3A_727, %parallel_loop3A_729 : vector<16xi1>, vector<16xf32>
        %parallel_loop3A_1411 = arith.select %parallel_loop3A_1408, %parallel_loop3A_724, %parallel_loop3A_1410 : vector<16xi1>, vector<16xf32>
        tpu.vector_store_idx %arg6[%parallel_loop3A_62, %parallel_loop3A_1406], %parallel_loop3A_1411 : memref<256x64xf32, #tpu.memory_space<vmem>>[vector<16xi32>, vector<16xi32>], vector<16xf32>,
        %parallel_loop3A_1412 = arith.constant 62 : i32
        %parallel_loop3A_1413 = vector.broadcast %parallel_loop3A_1412 : i32 to vector<16xi32>
        %parallel_loop3A_1414 = arith.addi %iota3A, %parallel_loop3A_1413 : vector<16xi32>
        %parallel_loop3A_1415 = arith.constant 63 : i32
        %parallel_loop3A_1416 = vector.broadcast %parallel_loop3A_1415 : i32 to vector<16xi32>
        %parallel_loop3A_1417 = arith.andi %parallel_loop3A_1414, %parallel_loop3A_1416 : vector<16xi32>
        %parallel_loop3A_1418 = tpu.vector_load_idx %arg4[%parallel_loop3A_62, %parallel_loop3A_1417] : memref<256x64xf32, #tpu.memory_space<vmem>>[vector<16xi32>, vector<16xi32>], vector<16xf32>,
        %parallel_loop3A_1419 = arith.cmpf oeq, %parallel_loop3A_1418, %parallel_loop3A_713 : vector<16xf32>
        %parallel_loop3A_1420 = arith.cmpf oeq, %parallel_loop3A_1418, %parallel_loop3A_716 : vector<16xf32>
        %parallel_loop3A_1421 = arith.select %parallel_loop3A_1420, %parallel_loop3A_727, %parallel_loop3A_729 : vector<16xi1>, vector<16xf32>
        %parallel_loop3A_1422 = arith.select %parallel_loop3A_1419, %parallel_loop3A_724, %parallel_loop3A_1421 : vector<16xi1>, vector<16xf32>
        tpu.vector_store_idx %arg6[%parallel_loop3A_62, %parallel_loop3A_1417], %parallel_loop3A_1422 : memref<256x64xf32, #tpu.memory_space<vmem>>[vector<16xi32>, vector<16xi32>], vector<16xf32>,
        %parallel_loop3A_1423 = arith.constant 63 : i32
        %parallel_loop3A_1424 = vector.broadcast %parallel_loop3A_1423 : i32 to vector<16xi32>
        %parallel_loop3A_1425 = arith.addi %iota3A, %parallel_loop3A_1424 : vector<16xi32>
        %parallel_loop3A_1426 = arith.constant 63 : i32
        %parallel_loop3A_1427 = vector.broadcast %parallel_loop3A_1426 : i32 to vector<16xi32>
        %parallel_loop3A_1428 = arith.andi %parallel_loop3A_1425, %parallel_loop3A_1427 : vector<16xi32>
        %parallel_loop3A_1429 = tpu.vector_load_idx %arg4[%parallel_loop3A_62, %parallel_loop3A_1428] : memref<256x64xf32, #tpu.memory_space<vmem>>[vector<16xi32>, vector<16xi32>], vector<16xf32>,
        %parallel_loop3A_1430 = arith.cmpf oeq, %parallel_loop3A_1429, %parallel_loop3A_713 : vector<16xf32>
        %parallel_loop3A_1431 = arith.cmpf oeq, %parallel_loop3A_1429, %parallel_loop3A_716 : vector<16xf32>
        %parallel_loop3A_1432 = arith.select %parallel_loop3A_1431, %parallel_loop3A_727, %parallel_loop3A_729 : vector<16xi1>, vector<16xf32>
        %parallel_loop3A_1433 = arith.select %parallel_loop3A_1430, %parallel_loop3A_724, %parallel_loop3A_1432 : vector<16xi1>, vector<16xf32>
        tpu.vector_store_idx %arg6[%parallel_loop3A_62, %parallel_loop3A_1428], %parallel_loop3A_1433 : memref<256x64xf32, #tpu.memory_space<vmem>>[vector<16xi32>, vector<16xi32>], vector<16xf32>,
      } {sc.loop_unroll_factor = 2 : i64, sc.parallel_access}
      %mul3A_30 = arith.constant 256 : i32
      %mul3A_31 = arith.muli %add3A_17, %mul3A_30 : i32
      %add3A_32 = arith.addi %mul3A_2, %mul3A_31 : i32
      "tpu.region"() ({
        %run_scoped3A = tpu.sem_alloc : memref<!tpu.dma_semaphore, #tpu.memory_space<semaphore_mem>>
        %dma_start3A_58 = arith.constant 0 : i32
        %dma_start3A_59 = tpu.memref_slice %arg3[%add3A_32, %dma_start3A_58] : memref<32768x64xf32, #tpu.memory_space<hbm>> -> memref<256x64xf32, #tpu.memory_space<hbm>>
        %dma_start3A_60 = arith.constant 0 : i32
        %dma_start3A_61 = tpu.memref_slice %arg3[%add3A_32, %dma_start3A_60] : memref<32768x64xf32, #tpu.memory_space<hbm>> -> memref<256x64xf32, #tpu.memory_space<hbm>>
        tpu.enqueue_dma source(%arg6 : memref<256x64xf32, #tpu.memory_space<vmem>>) target(%dma_start3A_61 : memref<256x64xf32, #tpu.memory_space<hbm>>) target_semaphore(%run_scoped3A : memref<!tpu.dma_semaphore, #tpu.memory_space<semaphore_mem>>)
        %dma_wait3A_62 = arith.constant 0 : i32
        %dma_wait3A_63 = tpu.memref_slice %arg3[%add3A_32, %dma_wait3A_62] : memref<32768x64xf32, #tpu.memory_space<hbm>> -> memref<256x64xf32, #tpu.memory_space<hbm>>
        %dma_wait3A_64 = arith.constant 0 : i32
        %dma_wait3A_65 = tpu.memref_slice %arg3[%add3A_32, %dma_wait3A_64] : memref<32768x64xf32, #tpu.memory_space<hbm>> -> memref<256x64xf32, #tpu.memory_space<hbm>>
        tpu.wait_dma2 semaphore(%run_scoped3A : memref<!tpu.dma_semaphore, #tpu.memory_space<semaphore_mem>>) src(%arg6 : memref<256x64xf32, #tpu.memory_space<vmem>>) dst(%dma_wait3A_65 : memref<256x64xf32, #tpu.memory_space<hbm>>)
        tpu.yield
      }) : () -> ()
      %mul3A_33 = arith.constant 2 : i32
      %mul3A_34 = arith.muli %scan3A_12, %mul3A_33 : i32
      %add3A_35 = arith.constant 1 : i32
      %add3A_36 = arith.addi %mul3A_34, %add3A_35 : i32
      %mul3A_37 = arith.constant 256 : i32
      %mul3A_38 = arith.muli %add3A_36, %mul3A_37 : i32
      %add3A_39 = arith.addi %mul3A_2, %mul3A_38 : i32
      %dma_wait3A_40 = arith.constant 0 : i32
      %dma_wait3A_41 = tpu.memref_slice %arg2[%add3A_39, %dma_wait3A_40] : memref<32768x64xf32, #tpu.memory_space<hbm>> -> memref<256x64xf32, #tpu.memory_space<hbm>>
      %dma_wait3A_42 = arith.constant 0 : i32
      %dma_wait3A_43 = tpu.memref_slice %arg2[%add3A_39, %dma_wait3A_42] : memref<32768x64xf32, #tpu.memory_space<hbm>> -> memref<256x64xf32, #tpu.memory_space<hbm>>
      tpu.wait_dma2 semaphore(%arg8 : memref<!tpu.dma_semaphore, #tpu.memory_space<semaphore_mem>>) src(%dma_wait3A_43 : memref<256x64xf32, #tpu.memory_space<hbm>>) dst(%arg5 : memref<256x64xf32, #tpu.memory_space<vmem>>)
      %add3A_44 = arith.constant 1 : i32
      %add3A_45 = arith.addi %add3A_36, %add3A_44 : i32
      %lt3A_46 = arith.constant 4 : i32
      %lt3A_47 = arith.cmpi slt, %add3A_45, %lt3A_46 : i32
      %convert_element_type3A_48 = arith.extui %lt3A_47 : i1 to i32
      %cond3A_49 = arith.constant 0 : i32
      %cond3A_50 = arith.cmpi ne, %convert_element_type3A_48, %cond3A_49 : i32
      scf.if %cond3A_50 {
        %mul3A_58 = arith.constant 256 : i32
        %mul3A_59 = arith.muli %add3A_45, %mul3A_58 : i32
        %add3A_60 = arith.addi %mul3A_2, %mul3A_59 : i32
        %dma_start3A_61 = arith.constant 0 : i32
        %dma_start3A_62 = tpu.memref_slice %arg2[%add3A_60, %dma_start3A_61] : memref<32768x64xf32, #tpu.memory_space<hbm>> -> memref<256x64xf32, #tpu.memory_space<hbm>>
        %dma_start3A_63 = arith.constant 0 : i32
        %dma_start3A_64 = tpu.memref_slice %arg2[%add3A_60, %dma_start3A_63] : memref<32768x64xf32, #tpu.memory_space<hbm>> -> memref<256x64xf32, #tpu.memory_space<hbm>>
        tpu.enqueue_dma source(%dma_start3A_64 : memref<256x64xf32, #tpu.memory_space<hbm>>) target(%arg4 : memref<256x64xf32, #tpu.memory_space<vmem>>) target_semaphore(%arg7 : memref<!tpu.dma_semaphore, #tpu.memory_space<semaphore_mem>>)
      } else {
      }
      %parallel_loop3A_51 = arith.constant 0 : i32
      %parallel_loop3A_52 = arith.constant 16 : i32
      %parallel_loop3A_53 = arith.constant 1 : i32
      scf.for %parallel_loop3A_58 = %parallel_loop3A_51 to %parallel_loop3A_52 step %parallel_loop3A_53  : i32 {
        %parallel_loop3A_59 = arith.constant 16 : i32
        %parallel_loop3A_60 = arith.muli %parallel_loop3A_58, %parallel_loop3A_59 : i32
        %parallel_loop3A_61 = vector.broadcast %parallel_loop3A_60 : i32 to vector<16xi32>
        %parallel_loop3A_62 = arith.addi %parallel_loop3A_61, %iota3A : vector<16xi32>
        %parallel_loop3A_63 = arith.constant 0xFF800000 : f32
        %parallel_loop3A_64 = vector.broadcast %parallel_loop3A_63 : f32 to vector<16xf32>
        %parallel_loop3A_65 = arith.constant 0 : i32
        %parallel_loop3A_66 = vector.broadcast %parallel_loop3A_65 : i32 to vector<16xi32>
        %parallel_loop3A_67 = arith.addi %iota3A, %parallel_loop3A_66 : vector<16xi32>
        %parallel_loop3A_68 = arith.constant 63 : i32
        %parallel_loop3A_69 = vector.broadcast %parallel_loop3A_68 : i32 to vector<16xi32>
        %parallel_loop3A_70 = arith.andi %parallel_loop3A_67, %parallel_loop3A_69 : vector<16xi32>
        %parallel_loop3A_71 = tpu.vector_load_idx %arg5[%parallel_loop3A_62, %parallel_loop3A_70] : memref<256x64xf32, #tpu.memory_space<vmem>>[vector<16xi32>, vector<16xi32>], vector<16xf32>,
        %parallel_loop3A_72 = arith.minimumf %parallel_loop3A_71, %parallel_loop3A_64 : vector<16xf32>
        %parallel_loop3A_73 = arith.maximumf %parallel_loop3A_64, %parallel_loop3A_72 : vector<16xf32>
        %parallel_loop3A_74 = arith.maximumf %parallel_loop3A_64, %parallel_loop3A_71 : vector<16xf32>
        %parallel_loop3A_75 = arith.constant 1 : i32
        %parallel_loop3A_76 = vector.broadcast %parallel_loop3A_75 : i32 to vector<16xi32>
        %parallel_loop3A_77 = arith.addi %iota3A, %parallel_loop3A_76 : vector<16xi32>
        %parallel_loop3A_78 = arith.constant 63 : i32
        %parallel_loop3A_79 = vector.broadcast %parallel_loop3A_78 : i32 to vector<16xi32>
        %parallel_loop3A_80 = arith.andi %parallel_loop3A_77, %parallel_loop3A_79 : vector<16xi32>
        %parallel_loop3A_81 = tpu.vector_load_idx %arg5[%parallel_loop3A_62, %parallel_loop3A_80] : memref<256x64xf32, #tpu.memory_space<vmem>>[vector<16xi32>, vector<16xi32>], vector<16xf32>,
        %parallel_loop3A_82 = arith.minimumf %parallel_loop3A_81, %parallel_loop3A_64 : vector<16xf32>
        %parallel_loop3A_83 = arith.maximumf %parallel_loop3A_64, %parallel_loop3A_82 : vector<16xf32>
        %parallel_loop3A_84 = arith.maximumf %parallel_loop3A_64, %parallel_loop3A_81 : vector<16xf32>
        %parallel_loop3A_85 = arith.constant 2 : i32
        %parallel_loop3A_86 = vector.broadcast %parallel_loop3A_85 : i32 to vector<16xi32>
        %parallel_loop3A_87 = arith.addi %iota3A, %parallel_loop3A_86 : vector<16xi32>
        %parallel_loop3A_88 = arith.constant 63 : i32
        %parallel_loop3A_89 = vector.broadcast %parallel_loop3A_88 : i32 to vector<16xi32>
        %parallel_loop3A_90 = arith.andi %parallel_loop3A_87, %parallel_loop3A_89 : vector<16xi32>
        %parallel_loop3A_91 = tpu.vector_load_idx %arg5[%parallel_loop3A_62, %parallel_loop3A_90] : memref<256x64xf32, #tpu.memory_space<vmem>>[vector<16xi32>, vector<16xi32>], vector<16xf32>,
        %parallel_loop3A_92 = arith.minimumf %parallel_loop3A_91, %parallel_loop3A_64 : vector<16xf32>
        %parallel_loop3A_93 = arith.maximumf %parallel_loop3A_64, %parallel_loop3A_92 : vector<16xf32>
        %parallel_loop3A_94 = arith.maximumf %parallel_loop3A_64, %parallel_loop3A_91 : vector<16xf32>
        %parallel_loop3A_95 = arith.constant 3 : i32
        %parallel_loop3A_96 = vector.broadcast %parallel_loop3A_95 : i32 to vector<16xi32>
        %parallel_loop3A_97 = arith.addi %iota3A, %parallel_loop3A_96 : vector<16xi32>
        %parallel_loop3A_98 = arith.constant 63 : i32
        %parallel_loop3A_99 = vector.broadcast %parallel_loop3A_98 : i32 to vector<16xi32>
        %parallel_loop3A_100 = arith.andi %parallel_loop3A_97, %parallel_loop3A_99 : vector<16xi32>
        %parallel_loop3A_101 = tpu.vector_load_idx %arg5[%parallel_loop3A_62, %parallel_loop3A_100] : memref<256x64xf32, #tpu.memory_space<vmem>>[vector<16xi32>, vector<16xi32>], vector<16xf32>,
        %parallel_loop3A_102 = arith.minimumf %parallel_loop3A_101, %parallel_loop3A_64 : vector<16xf32>
        %parallel_loop3A_103 = arith.maximumf %parallel_loop3A_64, %parallel_loop3A_102 : vector<16xf32>
        %parallel_loop3A_104 = arith.maximumf %parallel_loop3A_64, %parallel_loop3A_101 : vector<16xf32>
        %parallel_loop3A_105 = arith.constant 4 : i32
        %parallel_loop3A_106 = vector.broadcast %parallel_loop3A_105 : i32 to vector<16xi32>
        %parallel_loop3A_107 = arith.addi %iota3A, %parallel_loop3A_106 : vector<16xi32>
        %parallel_loop3A_108 = arith.constant 63 : i32
        %parallel_loop3A_109 = vector.broadcast %parallel_loop3A_108 : i32 to vector<16xi32>
        %parallel_loop3A_110 = arith.andi %parallel_loop3A_107, %parallel_loop3A_109 : vector<16xi32>
        %parallel_loop3A_111 = tpu.vector_load_idx %arg5[%parallel_loop3A_62, %parallel_loop3A_110] : memref<256x64xf32, #tpu.memory_space<vmem>>[vector<16xi32>, vector<16xi32>], vector<16xf32>,
        %parallel_loop3A_112 = arith.minimumf %parallel_loop3A_111, %parallel_loop3A_74 : vector<16xf32>
        %parallel_loop3A_113 = arith.maximumf %parallel_loop3A_73, %parallel_loop3A_112 : vector<16xf32>
        %parallel_loop3A_114 = arith.maximumf %parallel_loop3A_74, %parallel_loop3A_111 : vector<16xf32>
        %parallel_loop3A_115 = arith.constant 5 : i32
        %parallel_loop3A_116 = vector.broadcast %parallel_loop3A_115 : i32 to vector<16xi32>
        %parallel_loop3A_117 = arith.addi %iota3A, %parallel_loop3A_116 : vector<16xi32>
        %parallel_loop3A_118 = arith.constant 63 : i32
        %parallel_loop3A_119 = vector.broadcast %parallel_loop3A_118 : i32 to vector<16xi32>
        %parallel_loop3A_120 = arith.andi %parallel_loop3A_117, %parallel_loop3A_119 : vector<16xi32>
        %parallel_loop3A_121 = tpu.vector_load_idx %arg5[%parallel_loop3A_62, %parallel_loop3A_120] : memref<256x64xf32, #tpu.memory_space<vmem>>[vector<16xi32>, vector<16xi32>], vector<16xf32>,
        %parallel_loop3A_122 = arith.minimumf %parallel_loop3A_121, %parallel_loop3A_84 : vector<16xf32>
        %parallel_loop3A_123 = arith.maximumf %parallel_loop3A_83, %parallel_loop3A_122 : vector<16xf32>
        %parallel_loop3A_124 = arith.maximumf %parallel_loop3A_84, %parallel_loop3A_121 : vector<16xf32>
        %parallel_loop3A_125 = arith.constant 6 : i32
        %parallel_loop3A_126 = vector.broadcast %parallel_loop3A_125 : i32 to vector<16xi32>
        %parallel_loop3A_127 = arith.addi %iota3A, %parallel_loop3A_126 : vector<16xi32>
        %parallel_loop3A_128 = arith.constant 63 : i32
        %parallel_loop3A_129 = vector.broadcast %parallel_loop3A_128 : i32 to vector<16xi32>
        %parallel_loop3A_130 = arith.andi %parallel_loop3A_127, %parallel_loop3A_129 : vector<16xi32>
        %parallel_loop3A_131 = tpu.vector_load_idx %arg5[%parallel_loop3A_62, %parallel_loop3A_130] : memref<256x64xf32, #tpu.memory_space<vmem>>[vector<16xi32>, vector<16xi32>], vector<16xf32>,
        %parallel_loop3A_132 = arith.minimumf %parallel_loop3A_131, %parallel_loop3A_94 : vector<16xf32>
        %parallel_loop3A_133 = arith.maximumf %parallel_loop3A_93, %parallel_loop3A_132 : vector<16xf32>
        %parallel_loop3A_134 = arith.maximumf %parallel_loop3A_94, %parallel_loop3A_131 : vector<16xf32>
        %parallel_loop3A_135 = arith.constant 7 : i32
        %parallel_loop3A_136 = vector.broadcast %parallel_loop3A_135 : i32 to vector<16xi32>
        %parallel_loop3A_137 = arith.addi %iota3A, %parallel_loop3A_136 : vector<16xi32>
        %parallel_loop3A_138 = arith.constant 63 : i32
        %parallel_loop3A_139 = vector.broadcast %parallel_loop3A_138 : i32 to vector<16xi32>
        %parallel_loop3A_140 = arith.andi %parallel_loop3A_137, %parallel_loop3A_139 : vector<16xi32>
        %parallel_loop3A_141 = tpu.vector_load_idx %arg5[%parallel_loop3A_62, %parallel_loop3A_140] : memref<256x64xf32, #tpu.memory_space<vmem>>[vector<16xi32>, vector<16xi32>], vector<16xf32>,
        %parallel_loop3A_142 = arith.minimumf %parallel_loop3A_141, %parallel_loop3A_104 : vector<16xf32>
        %parallel_loop3A_143 = arith.maximumf %parallel_loop3A_103, %parallel_loop3A_142 : vector<16xf32>
        %parallel_loop3A_144 = arith.maximumf %parallel_loop3A_104, %parallel_loop3A_141 : vector<16xf32>
        %parallel_loop3A_145 = arith.constant 8 : i32
        %parallel_loop3A_146 = vector.broadcast %parallel_loop3A_145 : i32 to vector<16xi32>
        %parallel_loop3A_147 = arith.addi %iota3A, %parallel_loop3A_146 : vector<16xi32>
        %parallel_loop3A_148 = arith.constant 63 : i32
        %parallel_loop3A_149 = vector.broadcast %parallel_loop3A_148 : i32 to vector<16xi32>
        %parallel_loop3A_150 = arith.andi %parallel_loop3A_147, %parallel_loop3A_149 : vector<16xi32>
        %parallel_loop3A_151 = tpu.vector_load_idx %arg5[%parallel_loop3A_62, %parallel_loop3A_150] : memref<256x64xf32, #tpu.memory_space<vmem>>[vector<16xi32>, vector<16xi32>], vector<16xf32>,
        %parallel_loop3A_152 = arith.minimumf %parallel_loop3A_151, %parallel_loop3A_114 : vector<16xf32>
        %parallel_loop3A_153 = arith.maximumf %parallel_loop3A_113, %parallel_loop3A_152 : vector<16xf32>
        %parallel_loop3A_154 = arith.maximumf %parallel_loop3A_114, %parallel_loop3A_151 : vector<16xf32>
        %parallel_loop3A_155 = arith.constant 9 : i32
        %parallel_loop3A_156 = vector.broadcast %parallel_loop3A_155 : i32 to vector<16xi32>
        %parallel_loop3A_157 = arith.addi %iota3A, %parallel_loop3A_156 : vector<16xi32>
        %parallel_loop3A_158 = arith.constant 63 : i32
        %parallel_loop3A_159 = vector.broadcast %parallel_loop3A_158 : i32 to vector<16xi32>
        %parallel_loop3A_160 = arith.andi %parallel_loop3A_157, %parallel_loop3A_159 : vector<16xi32>
        %parallel_loop3A_161 = tpu.vector_load_idx %arg5[%parallel_loop3A_62, %parallel_loop3A_160] : memref<256x64xf32, #tpu.memory_space<vmem>>[vector<16xi32>, vector<16xi32>], vector<16xf32>,
        %parallel_loop3A_162 = arith.minimumf %parallel_loop3A_161, %parallel_loop3A_124 : vector<16xf32>
        %parallel_loop3A_163 = arith.maximumf %parallel_loop3A_123, %parallel_loop3A_162 : vector<16xf32>
        %parallel_loop3A_164 = arith.maximumf %parallel_loop3A_124, %parallel_loop3A_161 : vector<16xf32>
        %parallel_loop3A_165 = arith.constant 10 : i32
        %parallel_loop3A_166 = vector.broadcast %parallel_loop3A_165 : i32 to vector<16xi32>
        %parallel_loop3A_167 = arith.addi %iota3A, %parallel_loop3A_166 : vector<16xi32>
        %parallel_loop3A_168 = arith.constant 63 : i32
        %parallel_loop3A_169 = vector.broadcast %parallel_loop3A_168 : i32 to vector<16xi32>
        %parallel_loop3A_170 = arith.andi %parallel_loop3A_167, %parallel_loop3A_169 : vector<16xi32>
        %parallel_loop3A_171 = tpu.vector_load_idx %arg5[%parallel_loop3A_62, %parallel_loop3A_170] : memref<256x64xf32, #tpu.memory_space<vmem>>[vector<16xi32>, vector<16xi32>], vector<16xf32>,
        %parallel_loop3A_172 = arith.minimumf %parallel_loop3A_171, %parallel_loop3A_134 : vector<16xf32>
        %parallel_loop3A_173 = arith.maximumf %parallel_loop3A_133, %parallel_loop3A_172 : vector<16xf32>
        %parallel_loop3A_174 = arith.maximumf %parallel_loop3A_134, %parallel_loop3A_171 : vector<16xf32>
        %parallel_loop3A_175 = arith.constant 11 : i32
        %parallel_loop3A_176 = vector.broadcast %parallel_loop3A_175 : i32 to vector<16xi32>
        %parallel_loop3A_177 = arith.addi %iota3A, %parallel_loop3A_176 : vector<16xi32>
        %parallel_loop3A_178 = arith.constant 63 : i32
        %parallel_loop3A_179 = vector.broadcast %parallel_loop3A_178 : i32 to vector<16xi32>
        %parallel_loop3A_180 = arith.andi %parallel_loop3A_177, %parallel_loop3A_179 : vector<16xi32>
        %parallel_loop3A_181 = tpu.vector_load_idx %arg5[%parallel_loop3A_62, %parallel_loop3A_180] : memref<256x64xf32, #tpu.memory_space<vmem>>[vector<16xi32>, vector<16xi32>], vector<16xf32>,
        %parallel_loop3A_182 = arith.minimumf %parallel_loop3A_181, %parallel_loop3A_144 : vector<16xf32>
        %parallel_loop3A_183 = arith.maximumf %parallel_loop3A_143, %parallel_loop3A_182 : vector<16xf32>
        %parallel_loop3A_184 = arith.maximumf %parallel_loop3A_144, %parallel_loop3A_181 : vector<16xf32>
        %parallel_loop3A_185 = arith.constant 12 : i32
        %parallel_loop3A_186 = vector.broadcast %parallel_loop3A_185 : i32 to vector<16xi32>
        %parallel_loop3A_187 = arith.addi %iota3A, %parallel_loop3A_186 : vector<16xi32>
        %parallel_loop3A_188 = arith.constant 63 : i32
        %parallel_loop3A_189 = vector.broadcast %parallel_loop3A_188 : i32 to vector<16xi32>
        %parallel_loop3A_190 = arith.andi %parallel_loop3A_187, %parallel_loop3A_189 : vector<16xi32>
        %parallel_loop3A_191 = tpu.vector_load_idx %arg5[%parallel_loop3A_62, %parallel_loop3A_190] : memref<256x64xf32, #tpu.memory_space<vmem>>[vector<16xi32>, vector<16xi32>], vector<16xf32>,
        %parallel_loop3A_192 = arith.minimumf %parallel_loop3A_191, %parallel_loop3A_154 : vector<16xf32>
        %parallel_loop3A_193 = arith.maximumf %parallel_loop3A_153, %parallel_loop3A_192 : vector<16xf32>
        %parallel_loop3A_194 = arith.maximumf %parallel_loop3A_154, %parallel_loop3A_191 : vector<16xf32>
        %parallel_loop3A_195 = arith.constant 13 : i32
        %parallel_loop3A_196 = vector.broadcast %parallel_loop3A_195 : i32 to vector<16xi32>
        %parallel_loop3A_197 = arith.addi %iota3A, %parallel_loop3A_196 : vector<16xi32>
        %parallel_loop3A_198 = arith.constant 63 : i32
        %parallel_loop3A_199 = vector.broadcast %parallel_loop3A_198 : i32 to vector<16xi32>
        %parallel_loop3A_200 = arith.andi %parallel_loop3A_197, %parallel_loop3A_199 : vector<16xi32>
        %parallel_loop3A_201 = tpu.vector_load_idx %arg5[%parallel_loop3A_62, %parallel_loop3A_200] : memref<256x64xf32, #tpu.memory_space<vmem>>[vector<16xi32>, vector<16xi32>], vector<16xf32>,
        %parallel_loop3A_202 = arith.minimumf %parallel_loop3A_201, %parallel_loop3A_164 : vector<16xf32>
        %parallel_loop3A_203 = arith.maximumf %parallel_loop3A_163, %parallel_loop3A_202 : vector<16xf32>
        %parallel_loop3A_204 = arith.maximumf %parallel_loop3A_164, %parallel_loop3A_201 : vector<16xf32>
        %parallel_loop3A_205 = arith.constant 14 : i32
        %parallel_loop3A_206 = vector.broadcast %parallel_loop3A_205 : i32 to vector<16xi32>
        %parallel_loop3A_207 = arith.addi %iota3A, %parallel_loop3A_206 : vector<16xi32>
        %parallel_loop3A_208 = arith.constant 63 : i32
        %parallel_loop3A_209 = vector.broadcast %parallel_loop3A_208 : i32 to vector<16xi32>
        %parallel_loop3A_210 = arith.andi %parallel_loop3A_207, %parallel_loop3A_209 : vector<16xi32>
        %parallel_loop3A_211 = tpu.vector_load_idx %arg5[%parallel_loop3A_62, %parallel_loop3A_210] : memref<256x64xf32, #tpu.memory_space<vmem>>[vector<16xi32>, vector<16xi32>], vector<16xf32>,
        %parallel_loop3A_212 = arith.minimumf %parallel_loop3A_211, %parallel_loop3A_174 : vector<16xf32>
        %parallel_loop3A_213 = arith.maximumf %parallel_loop3A_173, %parallel_loop3A_212 : vector<16xf32>
        %parallel_loop3A_214 = arith.maximumf %parallel_loop3A_174, %parallel_loop3A_211 : vector<16xf32>
        %parallel_loop3A_215 = arith.constant 15 : i32
        %parallel_loop3A_216 = vector.broadcast %parallel_loop3A_215 : i32 to vector<16xi32>
        %parallel_loop3A_217 = arith.addi %iota3A, %parallel_loop3A_216 : vector<16xi32>
        %parallel_loop3A_218 = arith.constant 63 : i32
        %parallel_loop3A_219 = vector.broadcast %parallel_loop3A_218 : i32 to vector<16xi32>
        %parallel_loop3A_220 = arith.andi %parallel_loop3A_217, %parallel_loop3A_219 : vector<16xi32>
        %parallel_loop3A_221 = tpu.vector_load_idx %arg5[%parallel_loop3A_62, %parallel_loop3A_220] : memref<256x64xf32, #tpu.memory_space<vmem>>[vector<16xi32>, vector<16xi32>], vector<16xf32>,
        %parallel_loop3A_222 = arith.minimumf %parallel_loop3A_221, %parallel_loop3A_184 : vector<16xf32>
        %parallel_loop3A_223 = arith.maximumf %parallel_loop3A_183, %parallel_loop3A_222 : vector<16xf32>
        %parallel_loop3A_224 = arith.maximumf %parallel_loop3A_184, %parallel_loop3A_221 : vector<16xf32>
        %parallel_loop3A_225 = arith.constant 16 : i32
        %parallel_loop3A_226 = vector.broadcast %parallel_loop3A_225 : i32 to vector<16xi32>
        %parallel_loop3A_227 = arith.addi %iota3A, %parallel_loop3A_226 : vector<16xi32>
        %parallel_loop3A_228 = arith.constant 63 : i32
        %parallel_loop3A_229 = vector.broadcast %parallel_loop3A_228 : i32 to vector<16xi32>
        %parallel_loop3A_230 = arith.andi %parallel_loop3A_227, %parallel_loop3A_229 : vector<16xi32>
        %parallel_loop3A_231 = tpu.vector_load_idx %arg5[%parallel_loop3A_62, %parallel_loop3A_230] : memref<256x64xf32, #tpu.memory_space<vmem>>[vector<16xi32>, vector<16xi32>], vector<16xf32>,
        %parallel_loop3A_232 = arith.minimumf %parallel_loop3A_231, %parallel_loop3A_194 : vector<16xf32>
        %parallel_loop3A_233 = arith.maximumf %parallel_loop3A_193, %parallel_loop3A_232 : vector<16xf32>
        %parallel_loop3A_234 = arith.maximumf %parallel_loop3A_194, %parallel_loop3A_231 : vector<16xf32>
        %parallel_loop3A_235 = arith.constant 17 : i32
        %parallel_loop3A_236 = vector.broadcast %parallel_loop3A_235 : i32 to vector<16xi32>
        %parallel_loop3A_237 = arith.addi %iota3A, %parallel_loop3A_236 : vector<16xi32>
        %parallel_loop3A_238 = arith.constant 63 : i32
        %parallel_loop3A_239 = vector.broadcast %parallel_loop3A_238 : i32 to vector<16xi32>
        %parallel_loop3A_240 = arith.andi %parallel_loop3A_237, %parallel_loop3A_239 : vector<16xi32>
        %parallel_loop3A_241 = tpu.vector_load_idx %arg5[%parallel_loop3A_62, %parallel_loop3A_240] : memref<256x64xf32, #tpu.memory_space<vmem>>[vector<16xi32>, vector<16xi32>], vector<16xf32>,
        %parallel_loop3A_242 = arith.minimumf %parallel_loop3A_241, %parallel_loop3A_204 : vector<16xf32>
        %parallel_loop3A_243 = arith.maximumf %parallel_loop3A_203, %parallel_loop3A_242 : vector<16xf32>
        %parallel_loop3A_244 = arith.maximumf %parallel_loop3A_204, %parallel_loop3A_241 : vector<16xf32>
        %parallel_loop3A_245 = arith.constant 18 : i32
        %parallel_loop3A_246 = vector.broadcast %parallel_loop3A_245 : i32 to vector<16xi32>
        %parallel_loop3A_247 = arith.addi %iota3A, %parallel_loop3A_246 : vector<16xi32>
        %parallel_loop3A_248 = arith.constant 63 : i32
        %parallel_loop3A_249 = vector.broadcast %parallel_loop3A_248 : i32 to vector<16xi32>
        %parallel_loop3A_250 = arith.andi %parallel_loop3A_247, %parallel_loop3A_249 : vector<16xi32>
        %parallel_loop3A_251 = tpu.vector_load_idx %arg5[%parallel_loop3A_62, %parallel_loop3A_250] : memref<256x64xf32, #tpu.memory_space<vmem>>[vector<16xi32>, vector<16xi32>], vector<16xf32>,
        %parallel_loop3A_252 = arith.minimumf %parallel_loop3A_251, %parallel_loop3A_214 : vector<16xf32>
        %parallel_loop3A_253 = arith.maximumf %parallel_loop3A_213, %parallel_loop3A_252 : vector<16xf32>
        %parallel_loop3A_254 = arith.maximumf %parallel_loop3A_214, %parallel_loop3A_251 : vector<16xf32>
        %parallel_loop3A_255 = arith.constant 19 : i32
        %parallel_loop3A_256 = vector.broadcast %parallel_loop3A_255 : i32 to vector<16xi32>
        %parallel_loop3A_257 = arith.addi %iota3A, %parallel_loop3A_256 : vector<16xi32>
        %parallel_loop3A_258 = arith.constant 63 : i32
        %parallel_loop3A_259 = vector.broadcast %parallel_loop3A_258 : i32 to vector<16xi32>
        %parallel_loop3A_260 = arith.andi %parallel_loop3A_257, %parallel_loop3A_259 : vector<16xi32>
        %parallel_loop3A_261 = tpu.vector_load_idx %arg5[%parallel_loop3A_62, %parallel_loop3A_260] : memref<256x64xf32, #tpu.memory_space<vmem>>[vector<16xi32>, vector<16xi32>], vector<16xf32>,
        %parallel_loop3A_262 = arith.minimumf %parallel_loop3A_261, %parallel_loop3A_224 : vector<16xf32>
        %parallel_loop3A_263 = arith.maximumf %parallel_loop3A_223, %parallel_loop3A_262 : vector<16xf32>
        %parallel_loop3A_264 = arith.maximumf %parallel_loop3A_224, %parallel_loop3A_261 : vector<16xf32>
        %parallel_loop3A_265 = arith.constant 20 : i32
        %parallel_loop3A_266 = vector.broadcast %parallel_loop3A_265 : i32 to vector<16xi32>
        %parallel_loop3A_267 = arith.addi %iota3A, %parallel_loop3A_266 : vector<16xi32>
        %parallel_loop3A_268 = arith.constant 63 : i32
        %parallel_loop3A_269 = vector.broadcast %parallel_loop3A_268 : i32 to vector<16xi32>
        %parallel_loop3A_270 = arith.andi %parallel_loop3A_267, %parallel_loop3A_269 : vector<16xi32>
        %parallel_loop3A_271 = tpu.vector_load_idx %arg5[%parallel_loop3A_62, %parallel_loop3A_270] : memref<256x64xf32, #tpu.memory_space<vmem>>[vector<16xi32>, vector<16xi32>], vector<16xf32>,
        %parallel_loop3A_272 = arith.minimumf %parallel_loop3A_271, %parallel_loop3A_234 : vector<16xf32>
        %parallel_loop3A_273 = arith.maximumf %parallel_loop3A_233, %parallel_loop3A_272 : vector<16xf32>
        %parallel_loop3A_274 = arith.maximumf %parallel_loop3A_234, %parallel_loop3A_271 : vector<16xf32>
        %parallel_loop3A_275 = arith.constant 21 : i32
        %parallel_loop3A_276 = vector.broadcast %parallel_loop3A_275 : i32 to vector<16xi32>
        %parallel_loop3A_277 = arith.addi %iota3A, %parallel_loop3A_276 : vector<16xi32>
        %parallel_loop3A_278 = arith.constant 63 : i32
        %parallel_loop3A_279 = vector.broadcast %parallel_loop3A_278 : i32 to vector<16xi32>
        %parallel_loop3A_280 = arith.andi %parallel_loop3A_277, %parallel_loop3A_279 : vector<16xi32>
        %parallel_loop3A_281 = tpu.vector_load_idx %arg5[%parallel_loop3A_62, %parallel_loop3A_280] : memref<256x64xf32, #tpu.memory_space<vmem>>[vector<16xi32>, vector<16xi32>], vector<16xf32>,
        %parallel_loop3A_282 = arith.minimumf %parallel_loop3A_281, %parallel_loop3A_244 : vector<16xf32>
        %parallel_loop3A_283 = arith.maximumf %parallel_loop3A_243, %parallel_loop3A_282 : vector<16xf32>
        %parallel_loop3A_284 = arith.maximumf %parallel_loop3A_244, %parallel_loop3A_281 : vector<16xf32>
        %parallel_loop3A_285 = arith.constant 22 : i32
        %parallel_loop3A_286 = vector.broadcast %parallel_loop3A_285 : i32 to vector<16xi32>
        %parallel_loop3A_287 = arith.addi %iota3A, %parallel_loop3A_286 : vector<16xi32>
        %parallel_loop3A_288 = arith.constant 63 : i32
        %parallel_loop3A_289 = vector.broadcast %parallel_loop3A_288 : i32 to vector<16xi32>
        %parallel_loop3A_290 = arith.andi %parallel_loop3A_287, %parallel_loop3A_289 : vector<16xi32>
        %parallel_loop3A_291 = tpu.vector_load_idx %arg5[%parallel_loop3A_62, %parallel_loop3A_290] : memref<256x64xf32, #tpu.memory_space<vmem>>[vector<16xi32>, vector<16xi32>], vector<16xf32>,
        %parallel_loop3A_292 = arith.minimumf %parallel_loop3A_291, %parallel_loop3A_254 : vector<16xf32>
        %parallel_loop3A_293 = arith.maximumf %parallel_loop3A_253, %parallel_loop3A_292 : vector<16xf32>
        %parallel_loop3A_294 = arith.maximumf %parallel_loop3A_254, %parallel_loop3A_291 : vector<16xf32>
        %parallel_loop3A_295 = arith.constant 23 : i32
        %parallel_loop3A_296 = vector.broadcast %parallel_loop3A_295 : i32 to vector<16xi32>
        %parallel_loop3A_297 = arith.addi %iota3A, %parallel_loop3A_296 : vector<16xi32>
        %parallel_loop3A_298 = arith.constant 63 : i32
        %parallel_loop3A_299 = vector.broadcast %parallel_loop3A_298 : i32 to vector<16xi32>
        %parallel_loop3A_300 = arith.andi %parallel_loop3A_297, %parallel_loop3A_299 : vector<16xi32>
        %parallel_loop3A_301 = tpu.vector_load_idx %arg5[%parallel_loop3A_62, %parallel_loop3A_300] : memref<256x64xf32, #tpu.memory_space<vmem>>[vector<16xi32>, vector<16xi32>], vector<16xf32>,
        %parallel_loop3A_302 = arith.minimumf %parallel_loop3A_301, %parallel_loop3A_264 : vector<16xf32>
        %parallel_loop3A_303 = arith.maximumf %parallel_loop3A_263, %parallel_loop3A_302 : vector<16xf32>
        %parallel_loop3A_304 = arith.maximumf %parallel_loop3A_264, %parallel_loop3A_301 : vector<16xf32>
        %parallel_loop3A_305 = arith.constant 24 : i32
        %parallel_loop3A_306 = vector.broadcast %parallel_loop3A_305 : i32 to vector<16xi32>
        %parallel_loop3A_307 = arith.addi %iota3A, %parallel_loop3A_306 : vector<16xi32>
        %parallel_loop3A_308 = arith.constant 63 : i32
        %parallel_loop3A_309 = vector.broadcast %parallel_loop3A_308 : i32 to vector<16xi32>
        %parallel_loop3A_310 = arith.andi %parallel_loop3A_307, %parallel_loop3A_309 : vector<16xi32>
        %parallel_loop3A_311 = tpu.vector_load_idx %arg5[%parallel_loop3A_62, %parallel_loop3A_310] : memref<256x64xf32, #tpu.memory_space<vmem>>[vector<16xi32>, vector<16xi32>], vector<16xf32>,
        %parallel_loop3A_312 = arith.minimumf %parallel_loop3A_311, %parallel_loop3A_274 : vector<16xf32>
        %parallel_loop3A_313 = arith.maximumf %parallel_loop3A_273, %parallel_loop3A_312 : vector<16xf32>
        %parallel_loop3A_314 = arith.maximumf %parallel_loop3A_274, %parallel_loop3A_311 : vector<16xf32>
        %parallel_loop3A_315 = arith.constant 25 : i32
        %parallel_loop3A_316 = vector.broadcast %parallel_loop3A_315 : i32 to vector<16xi32>
        %parallel_loop3A_317 = arith.addi %iota3A, %parallel_loop3A_316 : vector<16xi32>
        %parallel_loop3A_318 = arith.constant 63 : i32
        %parallel_loop3A_319 = vector.broadcast %parallel_loop3A_318 : i32 to vector<16xi32>
        %parallel_loop3A_320 = arith.andi %parallel_loop3A_317, %parallel_loop3A_319 : vector<16xi32>
        %parallel_loop3A_321 = tpu.vector_load_idx %arg5[%parallel_loop3A_62, %parallel_loop3A_320] : memref<256x64xf32, #tpu.memory_space<vmem>>[vector<16xi32>, vector<16xi32>], vector<16xf32>,
        %parallel_loop3A_322 = arith.minimumf %parallel_loop3A_321, %parallel_loop3A_284 : vector<16xf32>
        %parallel_loop3A_323 = arith.maximumf %parallel_loop3A_283, %parallel_loop3A_322 : vector<16xf32>
        %parallel_loop3A_324 = arith.maximumf %parallel_loop3A_284, %parallel_loop3A_321 : vector<16xf32>
        %parallel_loop3A_325 = arith.constant 26 : i32
        %parallel_loop3A_326 = vector.broadcast %parallel_loop3A_325 : i32 to vector<16xi32>
        %parallel_loop3A_327 = arith.addi %iota3A, %parallel_loop3A_326 : vector<16xi32>
        %parallel_loop3A_328 = arith.constant 63 : i32
        %parallel_loop3A_329 = vector.broadcast %parallel_loop3A_328 : i32 to vector<16xi32>
        %parallel_loop3A_330 = arith.andi %parallel_loop3A_327, %parallel_loop3A_329 : vector<16xi32>
        %parallel_loop3A_331 = tpu.vector_load_idx %arg5[%parallel_loop3A_62, %parallel_loop3A_330] : memref<256x64xf32, #tpu.memory_space<vmem>>[vector<16xi32>, vector<16xi32>], vector<16xf32>,
        %parallel_loop3A_332 = arith.minimumf %parallel_loop3A_331, %parallel_loop3A_294 : vector<16xf32>
        %parallel_loop3A_333 = arith.maximumf %parallel_loop3A_293, %parallel_loop3A_332 : vector<16xf32>
        %parallel_loop3A_334 = arith.maximumf %parallel_loop3A_294, %parallel_loop3A_331 : vector<16xf32>
        %parallel_loop3A_335 = arith.constant 27 : i32
        %parallel_loop3A_336 = vector.broadcast %parallel_loop3A_335 : i32 to vector<16xi32>
        %parallel_loop3A_337 = arith.addi %iota3A, %parallel_loop3A_336 : vector<16xi32>
        %parallel_loop3A_338 = arith.constant 63 : i32
        %parallel_loop3A_339 = vector.broadcast %parallel_loop3A_338 : i32 to vector<16xi32>
        %parallel_loop3A_340 = arith.andi %parallel_loop3A_337, %parallel_loop3A_339 : vector<16xi32>
        %parallel_loop3A_341 = tpu.vector_load_idx %arg5[%parallel_loop3A_62, %parallel_loop3A_340] : memref<256x64xf32, #tpu.memory_space<vmem>>[vector<16xi32>, vector<16xi32>], vector<16xf32>,
        %parallel_loop3A_342 = arith.minimumf %parallel_loop3A_341, %parallel_loop3A_304 : vector<16xf32>
        %parallel_loop3A_343 = arith.maximumf %parallel_loop3A_303, %parallel_loop3A_342 : vector<16xf32>
        %parallel_loop3A_344 = arith.maximumf %parallel_loop3A_304, %parallel_loop3A_341 : vector<16xf32>
        %parallel_loop3A_345 = arith.constant 28 : i32
        %parallel_loop3A_346 = vector.broadcast %parallel_loop3A_345 : i32 to vector<16xi32>
        %parallel_loop3A_347 = arith.addi %iota3A, %parallel_loop3A_346 : vector<16xi32>
        %parallel_loop3A_348 = arith.constant 63 : i32
        %parallel_loop3A_349 = vector.broadcast %parallel_loop3A_348 : i32 to vector<16xi32>
        %parallel_loop3A_350 = arith.andi %parallel_loop3A_347, %parallel_loop3A_349 : vector<16xi32>
        %parallel_loop3A_351 = tpu.vector_load_idx %arg5[%parallel_loop3A_62, %parallel_loop3A_350] : memref<256x64xf32, #tpu.memory_space<vmem>>[vector<16xi32>, vector<16xi32>], vector<16xf32>,
        %parallel_loop3A_352 = arith.minimumf %parallel_loop3A_351, %parallel_loop3A_314 : vector<16xf32>
        %parallel_loop3A_353 = arith.maximumf %parallel_loop3A_313, %parallel_loop3A_352 : vector<16xf32>
        %parallel_loop3A_354 = arith.maximumf %parallel_loop3A_314, %parallel_loop3A_351 : vector<16xf32>
        %parallel_loop3A_355 = arith.constant 29 : i32
        %parallel_loop3A_356 = vector.broadcast %parallel_loop3A_355 : i32 to vector<16xi32>
        %parallel_loop3A_357 = arith.addi %iota3A, %parallel_loop3A_356 : vector<16xi32>
        %parallel_loop3A_358 = arith.constant 63 : i32
        %parallel_loop3A_359 = vector.broadcast %parallel_loop3A_358 : i32 to vector<16xi32>
        %parallel_loop3A_360 = arith.andi %parallel_loop3A_357, %parallel_loop3A_359 : vector<16xi32>
        %parallel_loop3A_361 = tpu.vector_load_idx %arg5[%parallel_loop3A_62, %parallel_loop3A_360] : memref<256x64xf32, #tpu.memory_space<vmem>>[vector<16xi32>, vector<16xi32>], vector<16xf32>,
        %parallel_loop3A_362 = arith.minimumf %parallel_loop3A_361, %parallel_loop3A_324 : vector<16xf32>
        %parallel_loop3A_363 = arith.maximumf %parallel_loop3A_323, %parallel_loop3A_362 : vector<16xf32>
        %parallel_loop3A_364 = arith.maximumf %parallel_loop3A_324, %parallel_loop3A_361 : vector<16xf32>
        %parallel_loop3A_365 = arith.constant 30 : i32
        %parallel_loop3A_366 = vector.broadcast %parallel_loop3A_365 : i32 to vector<16xi32>
        %parallel_loop3A_367 = arith.addi %iota3A, %parallel_loop3A_366 : vector<16xi32>
        %parallel_loop3A_368 = arith.constant 63 : i32
        %parallel_loop3A_369 = vector.broadcast %parallel_loop3A_368 : i32 to vector<16xi32>
        %parallel_loop3A_370 = arith.andi %parallel_loop3A_367, %parallel_loop3A_369 : vector<16xi32>
        %parallel_loop3A_371 = tpu.vector_load_idx %arg5[%parallel_loop3A_62, %parallel_loop3A_370] : memref<256x64xf32, #tpu.memory_space<vmem>>[vector<16xi32>, vector<16xi32>], vector<16xf32>,
        %parallel_loop3A_372 = arith.minimumf %parallel_loop3A_371, %parallel_loop3A_334 : vector<16xf32>
        %parallel_loop3A_373 = arith.maximumf %parallel_loop3A_333, %parallel_loop3A_372 : vector<16xf32>
        %parallel_loop3A_374 = arith.maximumf %parallel_loop3A_334, %parallel_loop3A_371 : vector<16xf32>
        %parallel_loop3A_375 = arith.constant 31 : i32
        %parallel_loop3A_376 = vector.broadcast %parallel_loop3A_375 : i32 to vector<16xi32>
        %parallel_loop3A_377 = arith.addi %iota3A, %parallel_loop3A_376 : vector<16xi32>
        %parallel_loop3A_378 = arith.constant 63 : i32
        %parallel_loop3A_379 = vector.broadcast %parallel_loop3A_378 : i32 to vector<16xi32>
        %parallel_loop3A_380 = arith.andi %parallel_loop3A_377, %parallel_loop3A_379 : vector<16xi32>
        %parallel_loop3A_381 = tpu.vector_load_idx %arg5[%parallel_loop3A_62, %parallel_loop3A_380] : memref<256x64xf32, #tpu.memory_space<vmem>>[vector<16xi32>, vector<16xi32>], vector<16xf32>,
        %parallel_loop3A_382 = arith.minimumf %parallel_loop3A_381, %parallel_loop3A_344 : vector<16xf32>
        %parallel_loop3A_383 = arith.maximumf %parallel_loop3A_343, %parallel_loop3A_382 : vector<16xf32>
        %parallel_loop3A_384 = arith.maximumf %parallel_loop3A_344, %parallel_loop3A_381 : vector<16xf32>
        %parallel_loop3A_385 = arith.constant 32 : i32
        %parallel_loop3A_386 = vector.broadcast %parallel_loop3A_385 : i32 to vector<16xi32>
        %parallel_loop3A_387 = arith.addi %iota3A, %parallel_loop3A_386 : vector<16xi32>
        %parallel_loop3A_388 = arith.constant 63 : i32
        %parallel_loop3A_389 = vector.broadcast %parallel_loop3A_388 : i32 to vector<16xi32>
        %parallel_loop3A_390 = arith.andi %parallel_loop3A_387, %parallel_loop3A_389 : vector<16xi32>
        %parallel_loop3A_391 = tpu.vector_load_idx %arg5[%parallel_loop3A_62, %parallel_loop3A_390] : memref<256x64xf32, #tpu.memory_space<vmem>>[vector<16xi32>, vector<16xi32>], vector<16xf32>,
        %parallel_loop3A_392 = arith.minimumf %parallel_loop3A_391, %parallel_loop3A_354 : vector<16xf32>
        %parallel_loop3A_393 = arith.maximumf %parallel_loop3A_353, %parallel_loop3A_392 : vector<16xf32>
        %parallel_loop3A_394 = arith.maximumf %parallel_loop3A_354, %parallel_loop3A_391 : vector<16xf32>
        %parallel_loop3A_395 = arith.constant 33 : i32
        %parallel_loop3A_396 = vector.broadcast %parallel_loop3A_395 : i32 to vector<16xi32>
        %parallel_loop3A_397 = arith.addi %iota3A, %parallel_loop3A_396 : vector<16xi32>
        %parallel_loop3A_398 = arith.constant 63 : i32
        %parallel_loop3A_399 = vector.broadcast %parallel_loop3A_398 : i32 to vector<16xi32>
        %parallel_loop3A_400 = arith.andi %parallel_loop3A_397, %parallel_loop3A_399 : vector<16xi32>
        %parallel_loop3A_401 = tpu.vector_load_idx %arg5[%parallel_loop3A_62, %parallel_loop3A_400] : memref<256x64xf32, #tpu.memory_space<vmem>>[vector<16xi32>, vector<16xi32>], vector<16xf32>,
        %parallel_loop3A_402 = arith.minimumf %parallel_loop3A_401, %parallel_loop3A_364 : vector<16xf32>
        %parallel_loop3A_403 = arith.maximumf %parallel_loop3A_363, %parallel_loop3A_402 : vector<16xf32>
        %parallel_loop3A_404 = arith.maximumf %parallel_loop3A_364, %parallel_loop3A_401 : vector<16xf32>
        %parallel_loop3A_405 = arith.constant 34 : i32
        %parallel_loop3A_406 = vector.broadcast %parallel_loop3A_405 : i32 to vector<16xi32>
        %parallel_loop3A_407 = arith.addi %iota3A, %parallel_loop3A_406 : vector<16xi32>
        %parallel_loop3A_408 = arith.constant 63 : i32
        %parallel_loop3A_409 = vector.broadcast %parallel_loop3A_408 : i32 to vector<16xi32>
        %parallel_loop3A_410 = arith.andi %parallel_loop3A_407, %parallel_loop3A_409 : vector<16xi32>
        %parallel_loop3A_411 = tpu.vector_load_idx %arg5[%parallel_loop3A_62, %parallel_loop3A_410] : memref<256x64xf32, #tpu.memory_space<vmem>>[vector<16xi32>, vector<16xi32>], vector<16xf32>,
        %parallel_loop3A_412 = arith.minimumf %parallel_loop3A_411, %parallel_loop3A_374 : vector<16xf32>
        %parallel_loop3A_413 = arith.maximumf %parallel_loop3A_373, %parallel_loop3A_412 : vector<16xf32>
        %parallel_loop3A_414 = arith.maximumf %parallel_loop3A_374, %parallel_loop3A_411 : vector<16xf32>
        %parallel_loop3A_415 = arith.constant 35 : i32
        %parallel_loop3A_416 = vector.broadcast %parallel_loop3A_415 : i32 to vector<16xi32>
        %parallel_loop3A_417 = arith.addi %iota3A, %parallel_loop3A_416 : vector<16xi32>
        %parallel_loop3A_418 = arith.constant 63 : i32
        %parallel_loop3A_419 = vector.broadcast %parallel_loop3A_418 : i32 to vector<16xi32>
        %parallel_loop3A_420 = arith.andi %parallel_loop3A_417, %parallel_loop3A_419 : vector<16xi32>
        %parallel_loop3A_421 = tpu.vector_load_idx %arg5[%parallel_loop3A_62, %parallel_loop3A_420] : memref<256x64xf32, #tpu.memory_space<vmem>>[vector<16xi32>, vector<16xi32>], vector<16xf32>,
        %parallel_loop3A_422 = arith.minimumf %parallel_loop3A_421, %parallel_loop3A_384 : vector<16xf32>
        %parallel_loop3A_423 = arith.maximumf %parallel_loop3A_383, %parallel_loop3A_422 : vector<16xf32>
        %parallel_loop3A_424 = arith.maximumf %parallel_loop3A_384, %parallel_loop3A_421 : vector<16xf32>
        %parallel_loop3A_425 = arith.constant 36 : i32
        %parallel_loop3A_426 = vector.broadcast %parallel_loop3A_425 : i32 to vector<16xi32>
        %parallel_loop3A_427 = arith.addi %iota3A, %parallel_loop3A_426 : vector<16xi32>
        %parallel_loop3A_428 = arith.constant 63 : i32
        %parallel_loop3A_429 = vector.broadcast %parallel_loop3A_428 : i32 to vector<16xi32>
        %parallel_loop3A_430 = arith.andi %parallel_loop3A_427, %parallel_loop3A_429 : vector<16xi32>
        %parallel_loop3A_431 = tpu.vector_load_idx %arg5[%parallel_loop3A_62, %parallel_loop3A_430] : memref<256x64xf32, #tpu.memory_space<vmem>>[vector<16xi32>, vector<16xi32>], vector<16xf32>,
        %parallel_loop3A_432 = arith.minimumf %parallel_loop3A_431, %parallel_loop3A_394 : vector<16xf32>
        %parallel_loop3A_433 = arith.maximumf %parallel_loop3A_393, %parallel_loop3A_432 : vector<16xf32>
        %parallel_loop3A_434 = arith.maximumf %parallel_loop3A_394, %parallel_loop3A_431 : vector<16xf32>
        %parallel_loop3A_435 = arith.constant 37 : i32
        %parallel_loop3A_436 = vector.broadcast %parallel_loop3A_435 : i32 to vector<16xi32>
        %parallel_loop3A_437 = arith.addi %iota3A, %parallel_loop3A_436 : vector<16xi32>
        %parallel_loop3A_438 = arith.constant 63 : i32
        %parallel_loop3A_439 = vector.broadcast %parallel_loop3A_438 : i32 to vector<16xi32>
        %parallel_loop3A_440 = arith.andi %parallel_loop3A_437, %parallel_loop3A_439 : vector<16xi32>
        %parallel_loop3A_441 = tpu.vector_load_idx %arg5[%parallel_loop3A_62, %parallel_loop3A_440] : memref<256x64xf32, #tpu.memory_space<vmem>>[vector<16xi32>, vector<16xi32>], vector<16xf32>,
        %parallel_loop3A_442 = arith.minimumf %parallel_loop3A_441, %parallel_loop3A_404 : vector<16xf32>
        %parallel_loop3A_443 = arith.maximumf %parallel_loop3A_403, %parallel_loop3A_442 : vector<16xf32>
        %parallel_loop3A_444 = arith.maximumf %parallel_loop3A_404, %parallel_loop3A_441 : vector<16xf32>
        %parallel_loop3A_445 = arith.constant 38 : i32
        %parallel_loop3A_446 = vector.broadcast %parallel_loop3A_445 : i32 to vector<16xi32>
        %parallel_loop3A_447 = arith.addi %iota3A, %parallel_loop3A_446 : vector<16xi32>
        %parallel_loop3A_448 = arith.constant 63 : i32
        %parallel_loop3A_449 = vector.broadcast %parallel_loop3A_448 : i32 to vector<16xi32>
        %parallel_loop3A_450 = arith.andi %parallel_loop3A_447, %parallel_loop3A_449 : vector<16xi32>
        %parallel_loop3A_451 = tpu.vector_load_idx %arg5[%parallel_loop3A_62, %parallel_loop3A_450] : memref<256x64xf32, #tpu.memory_space<vmem>>[vector<16xi32>, vector<16xi32>], vector<16xf32>,
        %parallel_loop3A_452 = arith.minimumf %parallel_loop3A_451, %parallel_loop3A_414 : vector<16xf32>
        %parallel_loop3A_453 = arith.maximumf %parallel_loop3A_413, %parallel_loop3A_452 : vector<16xf32>
        %parallel_loop3A_454 = arith.maximumf %parallel_loop3A_414, %parallel_loop3A_451 : vector<16xf32>
        %parallel_loop3A_455 = arith.constant 39 : i32
        %parallel_loop3A_456 = vector.broadcast %parallel_loop3A_455 : i32 to vector<16xi32>
        %parallel_loop3A_457 = arith.addi %iota3A, %parallel_loop3A_456 : vector<16xi32>
        %parallel_loop3A_458 = arith.constant 63 : i32
        %parallel_loop3A_459 = vector.broadcast %parallel_loop3A_458 : i32 to vector<16xi32>
        %parallel_loop3A_460 = arith.andi %parallel_loop3A_457, %parallel_loop3A_459 : vector<16xi32>
        %parallel_loop3A_461 = tpu.vector_load_idx %arg5[%parallel_loop3A_62, %parallel_loop3A_460] : memref<256x64xf32, #tpu.memory_space<vmem>>[vector<16xi32>, vector<16xi32>], vector<16xf32>,
        %parallel_loop3A_462 = arith.minimumf %parallel_loop3A_461, %parallel_loop3A_424 : vector<16xf32>
        %parallel_loop3A_463 = arith.maximumf %parallel_loop3A_423, %parallel_loop3A_462 : vector<16xf32>
        %parallel_loop3A_464 = arith.maximumf %parallel_loop3A_424, %parallel_loop3A_461 : vector<16xf32>
        %parallel_loop3A_465 = arith.constant 40 : i32
        %parallel_loop3A_466 = vector.broadcast %parallel_loop3A_465 : i32 to vector<16xi32>
        %parallel_loop3A_467 = arith.addi %iota3A, %parallel_loop3A_466 : vector<16xi32>
        %parallel_loop3A_468 = arith.constant 63 : i32
        %parallel_loop3A_469 = vector.broadcast %parallel_loop3A_468 : i32 to vector<16xi32>
        %parallel_loop3A_470 = arith.andi %parallel_loop3A_467, %parallel_loop3A_469 : vector<16xi32>
        %parallel_loop3A_471 = tpu.vector_load_idx %arg5[%parallel_loop3A_62, %parallel_loop3A_470] : memref<256x64xf32, #tpu.memory_space<vmem>>[vector<16xi32>, vector<16xi32>], vector<16xf32>,
        %parallel_loop3A_472 = arith.minimumf %parallel_loop3A_471, %parallel_loop3A_434 : vector<16xf32>
        %parallel_loop3A_473 = arith.maximumf %parallel_loop3A_433, %parallel_loop3A_472 : vector<16xf32>
        %parallel_loop3A_474 = arith.maximumf %parallel_loop3A_434, %parallel_loop3A_471 : vector<16xf32>
        %parallel_loop3A_475 = arith.constant 41 : i32
        %parallel_loop3A_476 = vector.broadcast %parallel_loop3A_475 : i32 to vector<16xi32>
        %parallel_loop3A_477 = arith.addi %iota3A, %parallel_loop3A_476 : vector<16xi32>
        %parallel_loop3A_478 = arith.constant 63 : i32
        %parallel_loop3A_479 = vector.broadcast %parallel_loop3A_478 : i32 to vector<16xi32>
        %parallel_loop3A_480 = arith.andi %parallel_loop3A_477, %parallel_loop3A_479 : vector<16xi32>
        %parallel_loop3A_481 = tpu.vector_load_idx %arg5[%parallel_loop3A_62, %parallel_loop3A_480] : memref<256x64xf32, #tpu.memory_space<vmem>>[vector<16xi32>, vector<16xi32>], vector<16xf32>,
        %parallel_loop3A_482 = arith.minimumf %parallel_loop3A_481, %parallel_loop3A_444 : vector<16xf32>
        %parallel_loop3A_483 = arith.maximumf %parallel_loop3A_443, %parallel_loop3A_482 : vector<16xf32>
        %parallel_loop3A_484 = arith.maximumf %parallel_loop3A_444, %parallel_loop3A_481 : vector<16xf32>
        %parallel_loop3A_485 = arith.constant 42 : i32
        %parallel_loop3A_486 = vector.broadcast %parallel_loop3A_485 : i32 to vector<16xi32>
        %parallel_loop3A_487 = arith.addi %iota3A, %parallel_loop3A_486 : vector<16xi32>
        %parallel_loop3A_488 = arith.constant 63 : i32
        %parallel_loop3A_489 = vector.broadcast %parallel_loop3A_488 : i32 to vector<16xi32>
        %parallel_loop3A_490 = arith.andi %parallel_loop3A_487, %parallel_loop3A_489 : vector<16xi32>
        %parallel_loop3A_491 = tpu.vector_load_idx %arg5[%parallel_loop3A_62, %parallel_loop3A_490] : memref<256x64xf32, #tpu.memory_space<vmem>>[vector<16xi32>, vector<16xi32>], vector<16xf32>,
        %parallel_loop3A_492 = arith.minimumf %parallel_loop3A_491, %parallel_loop3A_454 : vector<16xf32>
        %parallel_loop3A_493 = arith.maximumf %parallel_loop3A_453, %parallel_loop3A_492 : vector<16xf32>
        %parallel_loop3A_494 = arith.maximumf %parallel_loop3A_454, %parallel_loop3A_491 : vector<16xf32>
        %parallel_loop3A_495 = arith.constant 43 : i32
        %parallel_loop3A_496 = vector.broadcast %parallel_loop3A_495 : i32 to vector<16xi32>
        %parallel_loop3A_497 = arith.addi %iota3A, %parallel_loop3A_496 : vector<16xi32>
        %parallel_loop3A_498 = arith.constant 63 : i32
        %parallel_loop3A_499 = vector.broadcast %parallel_loop3A_498 : i32 to vector<16xi32>
        %parallel_loop3A_500 = arith.andi %parallel_loop3A_497, %parallel_loop3A_499 : vector<16xi32>
        %parallel_loop3A_501 = tpu.vector_load_idx %arg5[%parallel_loop3A_62, %parallel_loop3A_500] : memref<256x64xf32, #tpu.memory_space<vmem>>[vector<16xi32>, vector<16xi32>], vector<16xf32>,
        %parallel_loop3A_502 = arith.minimumf %parallel_loop3A_501, %parallel_loop3A_464 : vector<16xf32>
        %parallel_loop3A_503 = arith.maximumf %parallel_loop3A_463, %parallel_loop3A_502 : vector<16xf32>
        %parallel_loop3A_504 = arith.maximumf %parallel_loop3A_464, %parallel_loop3A_501 : vector<16xf32>
        %parallel_loop3A_505 = arith.constant 44 : i32
        %parallel_loop3A_506 = vector.broadcast %parallel_loop3A_505 : i32 to vector<16xi32>
        %parallel_loop3A_507 = arith.addi %iota3A, %parallel_loop3A_506 : vector<16xi32>
        %parallel_loop3A_508 = arith.constant 63 : i32
        %parallel_loop3A_509 = vector.broadcast %parallel_loop3A_508 : i32 to vector<16xi32>
        %parallel_loop3A_510 = arith.andi %parallel_loop3A_507, %parallel_loop3A_509 : vector<16xi32>
        %parallel_loop3A_511 = tpu.vector_load_idx %arg5[%parallel_loop3A_62, %parallel_loop3A_510] : memref<256x64xf32, #tpu.memory_space<vmem>>[vector<16xi32>, vector<16xi32>], vector<16xf32>,
        %parallel_loop3A_512 = arith.minimumf %parallel_loop3A_511, %parallel_loop3A_474 : vector<16xf32>
        %parallel_loop3A_513 = arith.maximumf %parallel_loop3A_473, %parallel_loop3A_512 : vector<16xf32>
        %parallel_loop3A_514 = arith.maximumf %parallel_loop3A_474, %parallel_loop3A_511 : vector<16xf32>
        %parallel_loop3A_515 = arith.constant 45 : i32
        %parallel_loop3A_516 = vector.broadcast %parallel_loop3A_515 : i32 to vector<16xi32>
        %parallel_loop3A_517 = arith.addi %iota3A, %parallel_loop3A_516 : vector<16xi32>
        %parallel_loop3A_518 = arith.constant 63 : i32
        %parallel_loop3A_519 = vector.broadcast %parallel_loop3A_518 : i32 to vector<16xi32>
        %parallel_loop3A_520 = arith.andi %parallel_loop3A_517, %parallel_loop3A_519 : vector<16xi32>
        %parallel_loop3A_521 = tpu.vector_load_idx %arg5[%parallel_loop3A_62, %parallel_loop3A_520] : memref<256x64xf32, #tpu.memory_space<vmem>>[vector<16xi32>, vector<16xi32>], vector<16xf32>,
        %parallel_loop3A_522 = arith.minimumf %parallel_loop3A_521, %parallel_loop3A_484 : vector<16xf32>
        %parallel_loop3A_523 = arith.maximumf %parallel_loop3A_483, %parallel_loop3A_522 : vector<16xf32>
        %parallel_loop3A_524 = arith.maximumf %parallel_loop3A_484, %parallel_loop3A_521 : vector<16xf32>
        %parallel_loop3A_525 = arith.constant 46 : i32
        %parallel_loop3A_526 = vector.broadcast %parallel_loop3A_525 : i32 to vector<16xi32>
        %parallel_loop3A_527 = arith.addi %iota3A, %parallel_loop3A_526 : vector<16xi32>
        %parallel_loop3A_528 = arith.constant 63 : i32
        %parallel_loop3A_529 = vector.broadcast %parallel_loop3A_528 : i32 to vector<16xi32>
        %parallel_loop3A_530 = arith.andi %parallel_loop3A_527, %parallel_loop3A_529 : vector<16xi32>
        %parallel_loop3A_531 = tpu.vector_load_idx %arg5[%parallel_loop3A_62, %parallel_loop3A_530] : memref<256x64xf32, #tpu.memory_space<vmem>>[vector<16xi32>, vector<16xi32>], vector<16xf32>,
        %parallel_loop3A_532 = arith.minimumf %parallel_loop3A_531, %parallel_loop3A_494 : vector<16xf32>
        %parallel_loop3A_533 = arith.maximumf %parallel_loop3A_493, %parallel_loop3A_532 : vector<16xf32>
        %parallel_loop3A_534 = arith.maximumf %parallel_loop3A_494, %parallel_loop3A_531 : vector<16xf32>
        %parallel_loop3A_535 = arith.constant 47 : i32
        %parallel_loop3A_536 = vector.broadcast %parallel_loop3A_535 : i32 to vector<16xi32>
        %parallel_loop3A_537 = arith.addi %iota3A, %parallel_loop3A_536 : vector<16xi32>
        %parallel_loop3A_538 = arith.constant 63 : i32
        %parallel_loop3A_539 = vector.broadcast %parallel_loop3A_538 : i32 to vector<16xi32>
        %parallel_loop3A_540 = arith.andi %parallel_loop3A_537, %parallel_loop3A_539 : vector<16xi32>
        %parallel_loop3A_541 = tpu.vector_load_idx %arg5[%parallel_loop3A_62, %parallel_loop3A_540] : memref<256x64xf32, #tpu.memory_space<vmem>>[vector<16xi32>, vector<16xi32>], vector<16xf32>,
        %parallel_loop3A_542 = arith.minimumf %parallel_loop3A_541, %parallel_loop3A_504 : vector<16xf32>
        %parallel_loop3A_543 = arith.maximumf %parallel_loop3A_503, %parallel_loop3A_542 : vector<16xf32>
        %parallel_loop3A_544 = arith.maximumf %parallel_loop3A_504, %parallel_loop3A_541 : vector<16xf32>
        %parallel_loop3A_545 = arith.constant 48 : i32
        %parallel_loop3A_546 = vector.broadcast %parallel_loop3A_545 : i32 to vector<16xi32>
        %parallel_loop3A_547 = arith.addi %iota3A, %parallel_loop3A_546 : vector<16xi32>
        %parallel_loop3A_548 = arith.constant 63 : i32
        %parallel_loop3A_549 = vector.broadcast %parallel_loop3A_548 : i32 to vector<16xi32>
        %parallel_loop3A_550 = arith.andi %parallel_loop3A_547, %parallel_loop3A_549 : vector<16xi32>
        %parallel_loop3A_551 = tpu.vector_load_idx %arg5[%parallel_loop3A_62, %parallel_loop3A_550] : memref<256x64xf32, #tpu.memory_space<vmem>>[vector<16xi32>, vector<16xi32>], vector<16xf32>,
        %parallel_loop3A_552 = arith.minimumf %parallel_loop3A_551, %parallel_loop3A_514 : vector<16xf32>
        %parallel_loop3A_553 = arith.maximumf %parallel_loop3A_513, %parallel_loop3A_552 : vector<16xf32>
        %parallel_loop3A_554 = arith.maximumf %parallel_loop3A_514, %parallel_loop3A_551 : vector<16xf32>
        %parallel_loop3A_555 = arith.constant 49 : i32
        %parallel_loop3A_556 = vector.broadcast %parallel_loop3A_555 : i32 to vector<16xi32>
        %parallel_loop3A_557 = arith.addi %iota3A, %parallel_loop3A_556 : vector<16xi32>
        %parallel_loop3A_558 = arith.constant 63 : i32
        %parallel_loop3A_559 = vector.broadcast %parallel_loop3A_558 : i32 to vector<16xi32>
        %parallel_loop3A_560 = arith.andi %parallel_loop3A_557, %parallel_loop3A_559 : vector<16xi32>
        %parallel_loop3A_561 = tpu.vector_load_idx %arg5[%parallel_loop3A_62, %parallel_loop3A_560] : memref<256x64xf32, #tpu.memory_space<vmem>>[vector<16xi32>, vector<16xi32>], vector<16xf32>,
        %parallel_loop3A_562 = arith.minimumf %parallel_loop3A_561, %parallel_loop3A_524 : vector<16xf32>
        %parallel_loop3A_563 = arith.maximumf %parallel_loop3A_523, %parallel_loop3A_562 : vector<16xf32>
        %parallel_loop3A_564 = arith.maximumf %parallel_loop3A_524, %parallel_loop3A_561 : vector<16xf32>
        %parallel_loop3A_565 = arith.constant 50 : i32
        %parallel_loop3A_566 = vector.broadcast %parallel_loop3A_565 : i32 to vector<16xi32>
        %parallel_loop3A_567 = arith.addi %iota3A, %parallel_loop3A_566 : vector<16xi32>
        %parallel_loop3A_568 = arith.constant 63 : i32
        %parallel_loop3A_569 = vector.broadcast %parallel_loop3A_568 : i32 to vector<16xi32>
        %parallel_loop3A_570 = arith.andi %parallel_loop3A_567, %parallel_loop3A_569 : vector<16xi32>
        %parallel_loop3A_571 = tpu.vector_load_idx %arg5[%parallel_loop3A_62, %parallel_loop3A_570] : memref<256x64xf32, #tpu.memory_space<vmem>>[vector<16xi32>, vector<16xi32>], vector<16xf32>,
        %parallel_loop3A_572 = arith.minimumf %parallel_loop3A_571, %parallel_loop3A_534 : vector<16xf32>
        %parallel_loop3A_573 = arith.maximumf %parallel_loop3A_533, %parallel_loop3A_572 : vector<16xf32>
        %parallel_loop3A_574 = arith.maximumf %parallel_loop3A_534, %parallel_loop3A_571 : vector<16xf32>
        %parallel_loop3A_575 = arith.constant 51 : i32
        %parallel_loop3A_576 = vector.broadcast %parallel_loop3A_575 : i32 to vector<16xi32>
        %parallel_loop3A_577 = arith.addi %iota3A, %parallel_loop3A_576 : vector<16xi32>
        %parallel_loop3A_578 = arith.constant 63 : i32
        %parallel_loop3A_579 = vector.broadcast %parallel_loop3A_578 : i32 to vector<16xi32>
        %parallel_loop3A_580 = arith.andi %parallel_loop3A_577, %parallel_loop3A_579 : vector<16xi32>
        %parallel_loop3A_581 = tpu.vector_load_idx %arg5[%parallel_loop3A_62, %parallel_loop3A_580] : memref<256x64xf32, #tpu.memory_space<vmem>>[vector<16xi32>, vector<16xi32>], vector<16xf32>,
        %parallel_loop3A_582 = arith.minimumf %parallel_loop3A_581, %parallel_loop3A_544 : vector<16xf32>
        %parallel_loop3A_583 = arith.maximumf %parallel_loop3A_543, %parallel_loop3A_582 : vector<16xf32>
        %parallel_loop3A_584 = arith.maximumf %parallel_loop3A_544, %parallel_loop3A_581 : vector<16xf32>
        %parallel_loop3A_585 = arith.constant 52 : i32
        %parallel_loop3A_586 = vector.broadcast %parallel_loop3A_585 : i32 to vector<16xi32>
        %parallel_loop3A_587 = arith.addi %iota3A, %parallel_loop3A_586 : vector<16xi32>
        %parallel_loop3A_588 = arith.constant 63 : i32
        %parallel_loop3A_589 = vector.broadcast %parallel_loop3A_588 : i32 to vector<16xi32>
        %parallel_loop3A_590 = arith.andi %parallel_loop3A_587, %parallel_loop3A_589 : vector<16xi32>
        %parallel_loop3A_591 = tpu.vector_load_idx %arg5[%parallel_loop3A_62, %parallel_loop3A_590] : memref<256x64xf32, #tpu.memory_space<vmem>>[vector<16xi32>, vector<16xi32>], vector<16xf32>,
        %parallel_loop3A_592 = arith.minimumf %parallel_loop3A_591, %parallel_loop3A_554 : vector<16xf32>
        %parallel_loop3A_593 = arith.maximumf %parallel_loop3A_553, %parallel_loop3A_592 : vector<16xf32>
        %parallel_loop3A_594 = arith.maximumf %parallel_loop3A_554, %parallel_loop3A_591 : vector<16xf32>
        %parallel_loop3A_595 = arith.constant 53 : i32
        %parallel_loop3A_596 = vector.broadcast %parallel_loop3A_595 : i32 to vector<16xi32>
        %parallel_loop3A_597 = arith.addi %iota3A, %parallel_loop3A_596 : vector<16xi32>
        %parallel_loop3A_598 = arith.constant 63 : i32
        %parallel_loop3A_599 = vector.broadcast %parallel_loop3A_598 : i32 to vector<16xi32>
        %parallel_loop3A_600 = arith.andi %parallel_loop3A_597, %parallel_loop3A_599 : vector<16xi32>
        %parallel_loop3A_601 = tpu.vector_load_idx %arg5[%parallel_loop3A_62, %parallel_loop3A_600] : memref<256x64xf32, #tpu.memory_space<vmem>>[vector<16xi32>, vector<16xi32>], vector<16xf32>,
        %parallel_loop3A_602 = arith.minimumf %parallel_loop3A_601, %parallel_loop3A_564 : vector<16xf32>
        %parallel_loop3A_603 = arith.maximumf %parallel_loop3A_563, %parallel_loop3A_602 : vector<16xf32>
        %parallel_loop3A_604 = arith.maximumf %parallel_loop3A_564, %parallel_loop3A_601 : vector<16xf32>
        %parallel_loop3A_605 = arith.constant 54 : i32
        %parallel_loop3A_606 = vector.broadcast %parallel_loop3A_605 : i32 to vector<16xi32>
        %parallel_loop3A_607 = arith.addi %iota3A, %parallel_loop3A_606 : vector<16xi32>
        %parallel_loop3A_608 = arith.constant 63 : i32
        %parallel_loop3A_609 = vector.broadcast %parallel_loop3A_608 : i32 to vector<16xi32>
        %parallel_loop3A_610 = arith.andi %parallel_loop3A_607, %parallel_loop3A_609 : vector<16xi32>
        %parallel_loop3A_611 = tpu.vector_load_idx %arg5[%parallel_loop3A_62, %parallel_loop3A_610] : memref<256x64xf32, #tpu.memory_space<vmem>>[vector<16xi32>, vector<16xi32>], vector<16xf32>,
        %parallel_loop3A_612 = arith.minimumf %parallel_loop3A_611, %parallel_loop3A_574 : vector<16xf32>
        %parallel_loop3A_613 = arith.maximumf %parallel_loop3A_573, %parallel_loop3A_612 : vector<16xf32>
        %parallel_loop3A_614 = arith.maximumf %parallel_loop3A_574, %parallel_loop3A_611 : vector<16xf32>
        %parallel_loop3A_615 = arith.constant 55 : i32
        %parallel_loop3A_616 = vector.broadcast %parallel_loop3A_615 : i32 to vector<16xi32>
        %parallel_loop3A_617 = arith.addi %iota3A, %parallel_loop3A_616 : vector<16xi32>
        %parallel_loop3A_618 = arith.constant 63 : i32
        %parallel_loop3A_619 = vector.broadcast %parallel_loop3A_618 : i32 to vector<16xi32>
        %parallel_loop3A_620 = arith.andi %parallel_loop3A_617, %parallel_loop3A_619 : vector<16xi32>
        %parallel_loop3A_621 = tpu.vector_load_idx %arg5[%parallel_loop3A_62, %parallel_loop3A_620] : memref<256x64xf32, #tpu.memory_space<vmem>>[vector<16xi32>, vector<16xi32>], vector<16xf32>,
        %parallel_loop3A_622 = arith.minimumf %parallel_loop3A_621, %parallel_loop3A_584 : vector<16xf32>
        %parallel_loop3A_623 = arith.maximumf %parallel_loop3A_583, %parallel_loop3A_622 : vector<16xf32>
        %parallel_loop3A_624 = arith.maximumf %parallel_loop3A_584, %parallel_loop3A_621 : vector<16xf32>
        %parallel_loop3A_625 = arith.constant 56 : i32
        %parallel_loop3A_626 = vector.broadcast %parallel_loop3A_625 : i32 to vector<16xi32>
        %parallel_loop3A_627 = arith.addi %iota3A, %parallel_loop3A_626 : vector<16xi32>
        %parallel_loop3A_628 = arith.constant 63 : i32
        %parallel_loop3A_629 = vector.broadcast %parallel_loop3A_628 : i32 to vector<16xi32>
        %parallel_loop3A_630 = arith.andi %parallel_loop3A_627, %parallel_loop3A_629 : vector<16xi32>
        %parallel_loop3A_631 = tpu.vector_load_idx %arg5[%parallel_loop3A_62, %parallel_loop3A_630] : memref<256x64xf32, #tpu.memory_space<vmem>>[vector<16xi32>, vector<16xi32>], vector<16xf32>,
        %parallel_loop3A_632 = arith.minimumf %parallel_loop3A_631, %parallel_loop3A_594 : vector<16xf32>
        %parallel_loop3A_633 = arith.maximumf %parallel_loop3A_593, %parallel_loop3A_632 : vector<16xf32>
        %parallel_loop3A_634 = arith.maximumf %parallel_loop3A_594, %parallel_loop3A_631 : vector<16xf32>
        %parallel_loop3A_635 = arith.constant 57 : i32
        %parallel_loop3A_636 = vector.broadcast %parallel_loop3A_635 : i32 to vector<16xi32>
        %parallel_loop3A_637 = arith.addi %iota3A, %parallel_loop3A_636 : vector<16xi32>
        %parallel_loop3A_638 = arith.constant 63 : i32
        %parallel_loop3A_639 = vector.broadcast %parallel_loop3A_638 : i32 to vector<16xi32>
        %parallel_loop3A_640 = arith.andi %parallel_loop3A_637, %parallel_loop3A_639 : vector<16xi32>
        %parallel_loop3A_641 = tpu.vector_load_idx %arg5[%parallel_loop3A_62, %parallel_loop3A_640] : memref<256x64xf32, #tpu.memory_space<vmem>>[vector<16xi32>, vector<16xi32>], vector<16xf32>,
        %parallel_loop3A_642 = arith.minimumf %parallel_loop3A_641, %parallel_loop3A_604 : vector<16xf32>
        %parallel_loop3A_643 = arith.maximumf %parallel_loop3A_603, %parallel_loop3A_642 : vector<16xf32>
        %parallel_loop3A_644 = arith.maximumf %parallel_loop3A_604, %parallel_loop3A_641 : vector<16xf32>
        %parallel_loop3A_645 = arith.constant 58 : i32
        %parallel_loop3A_646 = vector.broadcast %parallel_loop3A_645 : i32 to vector<16xi32>
        %parallel_loop3A_647 = arith.addi %iota3A, %parallel_loop3A_646 : vector<16xi32>
        %parallel_loop3A_648 = arith.constant 63 : i32
        %parallel_loop3A_649 = vector.broadcast %parallel_loop3A_648 : i32 to vector<16xi32>
        %parallel_loop3A_650 = arith.andi %parallel_loop3A_647, %parallel_loop3A_649 : vector<16xi32>
        %parallel_loop3A_651 = tpu.vector_load_idx %arg5[%parallel_loop3A_62, %parallel_loop3A_650] : memref<256x64xf32, #tpu.memory_space<vmem>>[vector<16xi32>, vector<16xi32>], vector<16xf32>,
        %parallel_loop3A_652 = arith.minimumf %parallel_loop3A_651, %parallel_loop3A_614 : vector<16xf32>
        %parallel_loop3A_653 = arith.maximumf %parallel_loop3A_613, %parallel_loop3A_652 : vector<16xf32>
        %parallel_loop3A_654 = arith.maximumf %parallel_loop3A_614, %parallel_loop3A_651 : vector<16xf32>
        %parallel_loop3A_655 = arith.constant 59 : i32
        %parallel_loop3A_656 = vector.broadcast %parallel_loop3A_655 : i32 to vector<16xi32>
        %parallel_loop3A_657 = arith.addi %iota3A, %parallel_loop3A_656 : vector<16xi32>
        %parallel_loop3A_658 = arith.constant 63 : i32
        %parallel_loop3A_659 = vector.broadcast %parallel_loop3A_658 : i32 to vector<16xi32>
        %parallel_loop3A_660 = arith.andi %parallel_loop3A_657, %parallel_loop3A_659 : vector<16xi32>
        %parallel_loop3A_661 = tpu.vector_load_idx %arg5[%parallel_loop3A_62, %parallel_loop3A_660] : memref<256x64xf32, #tpu.memory_space<vmem>>[vector<16xi32>, vector<16xi32>], vector<16xf32>,
        %parallel_loop3A_662 = arith.minimumf %parallel_loop3A_661, %parallel_loop3A_624 : vector<16xf32>
        %parallel_loop3A_663 = arith.maximumf %parallel_loop3A_623, %parallel_loop3A_662 : vector<16xf32>
        %parallel_loop3A_664 = arith.maximumf %parallel_loop3A_624, %parallel_loop3A_661 : vector<16xf32>
        %parallel_loop3A_665 = arith.constant 60 : i32
        %parallel_loop3A_666 = vector.broadcast %parallel_loop3A_665 : i32 to vector<16xi32>
        %parallel_loop3A_667 = arith.addi %iota3A, %parallel_loop3A_666 : vector<16xi32>
        %parallel_loop3A_668 = arith.constant 63 : i32
        %parallel_loop3A_669 = vector.broadcast %parallel_loop3A_668 : i32 to vector<16xi32>
        %parallel_loop3A_670 = arith.andi %parallel_loop3A_667, %parallel_loop3A_669 : vector<16xi32>
        %parallel_loop3A_671 = tpu.vector_load_idx %arg5[%parallel_loop3A_62, %parallel_loop3A_670] : memref<256x64xf32, #tpu.memory_space<vmem>>[vector<16xi32>, vector<16xi32>], vector<16xf32>,
        %parallel_loop3A_672 = arith.minimumf %parallel_loop3A_671, %parallel_loop3A_634 : vector<16xf32>
        %parallel_loop3A_673 = arith.maximumf %parallel_loop3A_633, %parallel_loop3A_672 : vector<16xf32>
        %parallel_loop3A_674 = arith.maximumf %parallel_loop3A_634, %parallel_loop3A_671 : vector<16xf32>
        %parallel_loop3A_675 = arith.constant 61 : i32
        %parallel_loop3A_676 = vector.broadcast %parallel_loop3A_675 : i32 to vector<16xi32>
        %parallel_loop3A_677 = arith.addi %iota3A, %parallel_loop3A_676 : vector<16xi32>
        %parallel_loop3A_678 = arith.constant 63 : i32
        %parallel_loop3A_679 = vector.broadcast %parallel_loop3A_678 : i32 to vector<16xi32>
        %parallel_loop3A_680 = arith.andi %parallel_loop3A_677, %parallel_loop3A_679 : vector<16xi32>
        %parallel_loop3A_681 = tpu.vector_load_idx %arg5[%parallel_loop3A_62, %parallel_loop3A_680] : memref<256x64xf32, #tpu.memory_space<vmem>>[vector<16xi32>, vector<16xi32>], vector<16xf32>,
        %parallel_loop3A_682 = arith.minimumf %parallel_loop3A_681, %parallel_loop3A_644 : vector<16xf32>
        %parallel_loop3A_683 = arith.maximumf %parallel_loop3A_643, %parallel_loop3A_682 : vector<16xf32>
        %parallel_loop3A_684 = arith.maximumf %parallel_loop3A_644, %parallel_loop3A_681 : vector<16xf32>
        %parallel_loop3A_685 = arith.constant 62 : i32
        %parallel_loop3A_686 = vector.broadcast %parallel_loop3A_685 : i32 to vector<16xi32>
        %parallel_loop3A_687 = arith.addi %iota3A, %parallel_loop3A_686 : vector<16xi32>
        %parallel_loop3A_688 = arith.constant 63 : i32
        %parallel_loop3A_689 = vector.broadcast %parallel_loop3A_688 : i32 to vector<16xi32>
        %parallel_loop3A_690 = arith.andi %parallel_loop3A_687, %parallel_loop3A_689 : vector<16xi32>
        %parallel_loop3A_691 = tpu.vector_load_idx %arg5[%parallel_loop3A_62, %parallel_loop3A_690] : memref<256x64xf32, #tpu.memory_space<vmem>>[vector<16xi32>, vector<16xi32>], vector<16xf32>,
        %parallel_loop3A_692 = arith.minimumf %parallel_loop3A_691, %parallel_loop3A_654 : vector<16xf32>
        %parallel_loop3A_693 = arith.maximumf %parallel_loop3A_653, %parallel_loop3A_692 : vector<16xf32>
        %parallel_loop3A_694 = arith.maximumf %parallel_loop3A_654, %parallel_loop3A_691 : vector<16xf32>
        %parallel_loop3A_695 = arith.constant 63 : i32
        %parallel_loop3A_696 = vector.broadcast %parallel_loop3A_695 : i32 to vector<16xi32>
        %parallel_loop3A_697 = arith.addi %iota3A, %parallel_loop3A_696 : vector<16xi32>
        %parallel_loop3A_698 = arith.constant 63 : i32
        %parallel_loop3A_699 = vector.broadcast %parallel_loop3A_698 : i32 to vector<16xi32>
        %parallel_loop3A_700 = arith.andi %parallel_loop3A_697, %parallel_loop3A_699 : vector<16xi32>
        %parallel_loop3A_701 = tpu.vector_load_idx %arg5[%parallel_loop3A_62, %parallel_loop3A_700] : memref<256x64xf32, #tpu.memory_space<vmem>>[vector<16xi32>, vector<16xi32>], vector<16xf32>,
        %parallel_loop3A_702 = arith.minimumf %parallel_loop3A_701, %parallel_loop3A_664 : vector<16xf32>
        %parallel_loop3A_703 = arith.maximumf %parallel_loop3A_663, %parallel_loop3A_702 : vector<16xf32>
        %parallel_loop3A_704 = arith.maximumf %parallel_loop3A_664, %parallel_loop3A_701 : vector<16xf32>
        %parallel_loop3A_705 = arith.maximumf %parallel_loop3A_674, %parallel_loop3A_684 : vector<16xf32>
        %parallel_loop3A_706 = arith.minimumf %parallel_loop3A_674, %parallel_loop3A_684 : vector<16xf32>
        %parallel_loop3A_707 = arith.maximumf %parallel_loop3A_673, %parallel_loop3A_683 : vector<16xf32>
        %parallel_loop3A_708 = arith.maximumf %parallel_loop3A_706, %parallel_loop3A_707 : vector<16xf32>
        %parallel_loop3A_709 = arith.maximumf %parallel_loop3A_694, %parallel_loop3A_704 : vector<16xf32>
        %parallel_loop3A_710 = arith.minimumf %parallel_loop3A_694, %parallel_loop3A_704 : vector<16xf32>
        %parallel_loop3A_711 = arith.maximumf %parallel_loop3A_693, %parallel_loop3A_703 : vector<16xf32>
        %parallel_loop3A_712 = arith.maximumf %parallel_loop3A_710, %parallel_loop3A_711 : vector<16xf32>
        %parallel_loop3A_713 = arith.maximumf %parallel_loop3A_705, %parallel_loop3A_709 : vector<16xf32>
        %parallel_loop3A_714 = arith.minimumf %parallel_loop3A_705, %parallel_loop3A_709 : vector<16xf32>
        %parallel_loop3A_715 = arith.maximumf %parallel_loop3A_708, %parallel_loop3A_712 : vector<16xf32>
        %parallel_loop3A_716 = arith.maximumf %parallel_loop3A_714, %parallel_loop3A_715 : vector<16xf32>
        %parallel_loop3A_717 = arith.subf %parallel_loop3A_716, %parallel_loop3A_713 : vector<16xf32>
        %parallel_loop3A_718 = math.exp %parallel_loop3A_717 : vector<16xf32>
        %parallel_loop3A_719 = arith.constant 1.000000e+00 : f32
        %parallel_loop3A_720 = vector.broadcast %parallel_loop3A_719 : f32 to vector<16xf32>
        %parallel_loop3A_721 = arith.addf %parallel_loop3A_720, %parallel_loop3A_718 : vector<16xf32>
        %parallel_loop3A_722 = arith.constant 1.000000e+00 : f32
        %parallel_loop3A_723 = vector.broadcast %parallel_loop3A_722 : f32 to vector<16xf32>
        %parallel_loop3A_724 = arith.divf %parallel_loop3A_723, %parallel_loop3A_721 : vector<16xf32>
        %parallel_loop3A_725 = arith.constant 1.000000e+00 : f32
        %parallel_loop3A_726 = vector.broadcast %parallel_loop3A_725 : f32 to vector<16xf32>
        %parallel_loop3A_727 = arith.subf %parallel_loop3A_726, %parallel_loop3A_724 : vector<16xf32>
        %parallel_loop3A_728 = arith.constant 0.000000e+00 : f32
        %parallel_loop3A_729 = vector.broadcast %parallel_loop3A_728 : f32 to vector<16xf32>
        %parallel_loop3A_730 = arith.constant 0 : i32
        %parallel_loop3A_731 = vector.broadcast %parallel_loop3A_730 : i32 to vector<16xi32>
        %parallel_loop3A_732 = arith.addi %iota3A, %parallel_loop3A_731 : vector<16xi32>
        %parallel_loop3A_733 = arith.constant 63 : i32
        %parallel_loop3A_734 = vector.broadcast %parallel_loop3A_733 : i32 to vector<16xi32>
        %parallel_loop3A_735 = arith.andi %parallel_loop3A_732, %parallel_loop3A_734 : vector<16xi32>
        %parallel_loop3A_736 = tpu.vector_load_idx %arg5[%parallel_loop3A_62, %parallel_loop3A_735] : memref<256x64xf32, #tpu.memory_space<vmem>>[vector<16xi32>, vector<16xi32>], vector<16xf32>,
        %parallel_loop3A_737 = arith.cmpf oeq, %parallel_loop3A_736, %parallel_loop3A_713 : vector<16xf32>
        %parallel_loop3A_738 = arith.cmpf oeq, %parallel_loop3A_736, %parallel_loop3A_716 : vector<16xf32>
        %parallel_loop3A_739 = arith.select %parallel_loop3A_738, %parallel_loop3A_727, %parallel_loop3A_729 : vector<16xi1>, vector<16xf32>
        %parallel_loop3A_740 = arith.select %parallel_loop3A_737, %parallel_loop3A_724, %parallel_loop3A_739 : vector<16xi1>, vector<16xf32>
        tpu.vector_store_idx %arg6[%parallel_loop3A_62, %parallel_loop3A_735], %parallel_loop3A_740 : memref<256x64xf32, #tpu.memory_space<vmem>>[vector<16xi32>, vector<16xi32>], vector<16xf32>,
        %parallel_loop3A_741 = arith.constant 1 : i32
        %parallel_loop3A_742 = vector.broadcast %parallel_loop3A_741 : i32 to vector<16xi32>
        %parallel_loop3A_743 = arith.addi %iota3A, %parallel_loop3A_742 : vector<16xi32>
        %parallel_loop3A_744 = arith.constant 63 : i32
        %parallel_loop3A_745 = vector.broadcast %parallel_loop3A_744 : i32 to vector<16xi32>
        %parallel_loop3A_746 = arith.andi %parallel_loop3A_743, %parallel_loop3A_745 : vector<16xi32>
        %parallel_loop3A_747 = tpu.vector_load_idx %arg5[%parallel_loop3A_62, %parallel_loop3A_746] : memref<256x64xf32, #tpu.memory_space<vmem>>[vector<16xi32>, vector<16xi32>], vector<16xf32>,
        %parallel_loop3A_748 = arith.cmpf oeq, %parallel_loop3A_747, %parallel_loop3A_713 : vector<16xf32>
        %parallel_loop3A_749 = arith.cmpf oeq, %parallel_loop3A_747, %parallel_loop3A_716 : vector<16xf32>
        %parallel_loop3A_750 = arith.select %parallel_loop3A_749, %parallel_loop3A_727, %parallel_loop3A_729 : vector<16xi1>, vector<16xf32>
        %parallel_loop3A_751 = arith.select %parallel_loop3A_748, %parallel_loop3A_724, %parallel_loop3A_750 : vector<16xi1>, vector<16xf32>
        tpu.vector_store_idx %arg6[%parallel_loop3A_62, %parallel_loop3A_746], %parallel_loop3A_751 : memref<256x64xf32, #tpu.memory_space<vmem>>[vector<16xi32>, vector<16xi32>], vector<16xf32>,
        %parallel_loop3A_752 = arith.constant 2 : i32
        %parallel_loop3A_753 = vector.broadcast %parallel_loop3A_752 : i32 to vector<16xi32>
        %parallel_loop3A_754 = arith.addi %iota3A, %parallel_loop3A_753 : vector<16xi32>
        %parallel_loop3A_755 = arith.constant 63 : i32
        %parallel_loop3A_756 = vector.broadcast %parallel_loop3A_755 : i32 to vector<16xi32>
        %parallel_loop3A_757 = arith.andi %parallel_loop3A_754, %parallel_loop3A_756 : vector<16xi32>
        %parallel_loop3A_758 = tpu.vector_load_idx %arg5[%parallel_loop3A_62, %parallel_loop3A_757] : memref<256x64xf32, #tpu.memory_space<vmem>>[vector<16xi32>, vector<16xi32>], vector<16xf32>,
        %parallel_loop3A_759 = arith.cmpf oeq, %parallel_loop3A_758, %parallel_loop3A_713 : vector<16xf32>
        %parallel_loop3A_760 = arith.cmpf oeq, %parallel_loop3A_758, %parallel_loop3A_716 : vector<16xf32>
        %parallel_loop3A_761 = arith.select %parallel_loop3A_760, %parallel_loop3A_727, %parallel_loop3A_729 : vector<16xi1>, vector<16xf32>
        %parallel_loop3A_762 = arith.select %parallel_loop3A_759, %parallel_loop3A_724, %parallel_loop3A_761 : vector<16xi1>, vector<16xf32>
        tpu.vector_store_idx %arg6[%parallel_loop3A_62, %parallel_loop3A_757], %parallel_loop3A_762 : memref<256x64xf32, #tpu.memory_space<vmem>>[vector<16xi32>, vector<16xi32>], vector<16xf32>,
        %parallel_loop3A_763 = arith.constant 3 : i32
        %parallel_loop3A_764 = vector.broadcast %parallel_loop3A_763 : i32 to vector<16xi32>
        %parallel_loop3A_765 = arith.addi %iota3A, %parallel_loop3A_764 : vector<16xi32>
        %parallel_loop3A_766 = arith.constant 63 : i32
        %parallel_loop3A_767 = vector.broadcast %parallel_loop3A_766 : i32 to vector<16xi32>
        %parallel_loop3A_768 = arith.andi %parallel_loop3A_765, %parallel_loop3A_767 : vector<16xi32>
        %parallel_loop3A_769 = tpu.vector_load_idx %arg5[%parallel_loop3A_62, %parallel_loop3A_768] : memref<256x64xf32, #tpu.memory_space<vmem>>[vector<16xi32>, vector<16xi32>], vector<16xf32>,
        %parallel_loop3A_770 = arith.cmpf oeq, %parallel_loop3A_769, %parallel_loop3A_713 : vector<16xf32>
        %parallel_loop3A_771 = arith.cmpf oeq, %parallel_loop3A_769, %parallel_loop3A_716 : vector<16xf32>
        %parallel_loop3A_772 = arith.select %parallel_loop3A_771, %parallel_loop3A_727, %parallel_loop3A_729 : vector<16xi1>, vector<16xf32>
        %parallel_loop3A_773 = arith.select %parallel_loop3A_770, %parallel_loop3A_724, %parallel_loop3A_772 : vector<16xi1>, vector<16xf32>
        tpu.vector_store_idx %arg6[%parallel_loop3A_62, %parallel_loop3A_768], %parallel_loop3A_773 : memref<256x64xf32, #tpu.memory_space<vmem>>[vector<16xi32>, vector<16xi32>], vector<16xf32>,
        %parallel_loop3A_774 = arith.constant 4 : i32
        %parallel_loop3A_775 = vector.broadcast %parallel_loop3A_774 : i32 to vector<16xi32>
        %parallel_loop3A_776 = arith.addi %iota3A, %parallel_loop3A_775 : vector<16xi32>
        %parallel_loop3A_777 = arith.constant 63 : i32
        %parallel_loop3A_778 = vector.broadcast %parallel_loop3A_777 : i32 to vector<16xi32>
        %parallel_loop3A_779 = arith.andi %parallel_loop3A_776, %parallel_loop3A_778 : vector<16xi32>
        %parallel_loop3A_780 = tpu.vector_load_idx %arg5[%parallel_loop3A_62, %parallel_loop3A_779] : memref<256x64xf32, #tpu.memory_space<vmem>>[vector<16xi32>, vector<16xi32>], vector<16xf32>,
        %parallel_loop3A_781 = arith.cmpf oeq, %parallel_loop3A_780, %parallel_loop3A_713 : vector<16xf32>
        %parallel_loop3A_782 = arith.cmpf oeq, %parallel_loop3A_780, %parallel_loop3A_716 : vector<16xf32>
        %parallel_loop3A_783 = arith.select %parallel_loop3A_782, %parallel_loop3A_727, %parallel_loop3A_729 : vector<16xi1>, vector<16xf32>
        %parallel_loop3A_784 = arith.select %parallel_loop3A_781, %parallel_loop3A_724, %parallel_loop3A_783 : vector<16xi1>, vector<16xf32>
        tpu.vector_store_idx %arg6[%parallel_loop3A_62, %parallel_loop3A_779], %parallel_loop3A_784 : memref<256x64xf32, #tpu.memory_space<vmem>>[vector<16xi32>, vector<16xi32>], vector<16xf32>,
        %parallel_loop3A_785 = arith.constant 5 : i32
        %parallel_loop3A_786 = vector.broadcast %parallel_loop3A_785 : i32 to vector<16xi32>
        %parallel_loop3A_787 = arith.addi %iota3A, %parallel_loop3A_786 : vector<16xi32>
        %parallel_loop3A_788 = arith.constant 63 : i32
        %parallel_loop3A_789 = vector.broadcast %parallel_loop3A_788 : i32 to vector<16xi32>
        %parallel_loop3A_790 = arith.andi %parallel_loop3A_787, %parallel_loop3A_789 : vector<16xi32>
        %parallel_loop3A_791 = tpu.vector_load_idx %arg5[%parallel_loop3A_62, %parallel_loop3A_790] : memref<256x64xf32, #tpu.memory_space<vmem>>[vector<16xi32>, vector<16xi32>], vector<16xf32>,
        %parallel_loop3A_792 = arith.cmpf oeq, %parallel_loop3A_791, %parallel_loop3A_713 : vector<16xf32>
        %parallel_loop3A_793 = arith.cmpf oeq, %parallel_loop3A_791, %parallel_loop3A_716 : vector<16xf32>
        %parallel_loop3A_794 = arith.select %parallel_loop3A_793, %parallel_loop3A_727, %parallel_loop3A_729 : vector<16xi1>, vector<16xf32>
        %parallel_loop3A_795 = arith.select %parallel_loop3A_792, %parallel_loop3A_724, %parallel_loop3A_794 : vector<16xi1>, vector<16xf32>
        tpu.vector_store_idx %arg6[%parallel_loop3A_62, %parallel_loop3A_790], %parallel_loop3A_795 : memref<256x64xf32, #tpu.memory_space<vmem>>[vector<16xi32>, vector<16xi32>], vector<16xf32>,
        %parallel_loop3A_796 = arith.constant 6 : i32
        %parallel_loop3A_797 = vector.broadcast %parallel_loop3A_796 : i32 to vector<16xi32>
        %parallel_loop3A_798 = arith.addi %iota3A, %parallel_loop3A_797 : vector<16xi32>
        %parallel_loop3A_799 = arith.constant 63 : i32
        %parallel_loop3A_800 = vector.broadcast %parallel_loop3A_799 : i32 to vector<16xi32>
        %parallel_loop3A_801 = arith.andi %parallel_loop3A_798, %parallel_loop3A_800 : vector<16xi32>
        %parallel_loop3A_802 = tpu.vector_load_idx %arg5[%parallel_loop3A_62, %parallel_loop3A_801] : memref<256x64xf32, #tpu.memory_space<vmem>>[vector<16xi32>, vector<16xi32>], vector<16xf32>,
        %parallel_loop3A_803 = arith.cmpf oeq, %parallel_loop3A_802, %parallel_loop3A_713 : vector<16xf32>
        %parallel_loop3A_804 = arith.cmpf oeq, %parallel_loop3A_802, %parallel_loop3A_716 : vector<16xf32>
        %parallel_loop3A_805 = arith.select %parallel_loop3A_804, %parallel_loop3A_727, %parallel_loop3A_729 : vector<16xi1>, vector<16xf32>
        %parallel_loop3A_806 = arith.select %parallel_loop3A_803, %parallel_loop3A_724, %parallel_loop3A_805 : vector<16xi1>, vector<16xf32>
        tpu.vector_store_idx %arg6[%parallel_loop3A_62, %parallel_loop3A_801], %parallel_loop3A_806 : memref<256x64xf32, #tpu.memory_space<vmem>>[vector<16xi32>, vector<16xi32>], vector<16xf32>,
        %parallel_loop3A_807 = arith.constant 7 : i32
        %parallel_loop3A_808 = vector.broadcast %parallel_loop3A_807 : i32 to vector<16xi32>
        %parallel_loop3A_809 = arith.addi %iota3A, %parallel_loop3A_808 : vector<16xi32>
        %parallel_loop3A_810 = arith.constant 63 : i32
        %parallel_loop3A_811 = vector.broadcast %parallel_loop3A_810 : i32 to vector<16xi32>
        %parallel_loop3A_812 = arith.andi %parallel_loop3A_809, %parallel_loop3A_811 : vector<16xi32>
        %parallel_loop3A_813 = tpu.vector_load_idx %arg5[%parallel_loop3A_62, %parallel_loop3A_812] : memref<256x64xf32, #tpu.memory_space<vmem>>[vector<16xi32>, vector<16xi32>], vector<16xf32>,
        %parallel_loop3A_814 = arith.cmpf oeq, %parallel_loop3A_813, %parallel_loop3A_713 : vector<16xf32>
        %parallel_loop3A_815 = arith.cmpf oeq, %parallel_loop3A_813, %parallel_loop3A_716 : vector<16xf32>
        %parallel_loop3A_816 = arith.select %parallel_loop3A_815, %parallel_loop3A_727, %parallel_loop3A_729 : vector<16xi1>, vector<16xf32>
        %parallel_loop3A_817 = arith.select %parallel_loop3A_814, %parallel_loop3A_724, %parallel_loop3A_816 : vector<16xi1>, vector<16xf32>
        tpu.vector_store_idx %arg6[%parallel_loop3A_62, %parallel_loop3A_812], %parallel_loop3A_817 : memref<256x64xf32, #tpu.memory_space<vmem>>[vector<16xi32>, vector<16xi32>], vector<16xf32>,
        %parallel_loop3A_818 = arith.constant 8 : i32
        %parallel_loop3A_819 = vector.broadcast %parallel_loop3A_818 : i32 to vector<16xi32>
        %parallel_loop3A_820 = arith.addi %iota3A, %parallel_loop3A_819 : vector<16xi32>
        %parallel_loop3A_821 = arith.constant 63 : i32
        %parallel_loop3A_822 = vector.broadcast %parallel_loop3A_821 : i32 to vector<16xi32>
        %parallel_loop3A_823 = arith.andi %parallel_loop3A_820, %parallel_loop3A_822 : vector<16xi32>
        %parallel_loop3A_824 = tpu.vector_load_idx %arg5[%parallel_loop3A_62, %parallel_loop3A_823] : memref<256x64xf32, #tpu.memory_space<vmem>>[vector<16xi32>, vector<16xi32>], vector<16xf32>,
        %parallel_loop3A_825 = arith.cmpf oeq, %parallel_loop3A_824, %parallel_loop3A_713 : vector<16xf32>
        %parallel_loop3A_826 = arith.cmpf oeq, %parallel_loop3A_824, %parallel_loop3A_716 : vector<16xf32>
        %parallel_loop3A_827 = arith.select %parallel_loop3A_826, %parallel_loop3A_727, %parallel_loop3A_729 : vector<16xi1>, vector<16xf32>
        %parallel_loop3A_828 = arith.select %parallel_loop3A_825, %parallel_loop3A_724, %parallel_loop3A_827 : vector<16xi1>, vector<16xf32>
        tpu.vector_store_idx %arg6[%parallel_loop3A_62, %parallel_loop3A_823], %parallel_loop3A_828 : memref<256x64xf32, #tpu.memory_space<vmem>>[vector<16xi32>, vector<16xi32>], vector<16xf32>,
        %parallel_loop3A_829 = arith.constant 9 : i32
        %parallel_loop3A_830 = vector.broadcast %parallel_loop3A_829 : i32 to vector<16xi32>
        %parallel_loop3A_831 = arith.addi %iota3A, %parallel_loop3A_830 : vector<16xi32>
        %parallel_loop3A_832 = arith.constant 63 : i32
        %parallel_loop3A_833 = vector.broadcast %parallel_loop3A_832 : i32 to vector<16xi32>
        %parallel_loop3A_834 = arith.andi %parallel_loop3A_831, %parallel_loop3A_833 : vector<16xi32>
        %parallel_loop3A_835 = tpu.vector_load_idx %arg5[%parallel_loop3A_62, %parallel_loop3A_834] : memref<256x64xf32, #tpu.memory_space<vmem>>[vector<16xi32>, vector<16xi32>], vector<16xf32>,
        %parallel_loop3A_836 = arith.cmpf oeq, %parallel_loop3A_835, %parallel_loop3A_713 : vector<16xf32>
        %parallel_loop3A_837 = arith.cmpf oeq, %parallel_loop3A_835, %parallel_loop3A_716 : vector<16xf32>
        %parallel_loop3A_838 = arith.select %parallel_loop3A_837, %parallel_loop3A_727, %parallel_loop3A_729 : vector<16xi1>, vector<16xf32>
        %parallel_loop3A_839 = arith.select %parallel_loop3A_836, %parallel_loop3A_724, %parallel_loop3A_838 : vector<16xi1>, vector<16xf32>
        tpu.vector_store_idx %arg6[%parallel_loop3A_62, %parallel_loop3A_834], %parallel_loop3A_839 : memref<256x64xf32, #tpu.memory_space<vmem>>[vector<16xi32>, vector<16xi32>], vector<16xf32>,
        %parallel_loop3A_840 = arith.constant 10 : i32
        %parallel_loop3A_841 = vector.broadcast %parallel_loop3A_840 : i32 to vector<16xi32>
        %parallel_loop3A_842 = arith.addi %iota3A, %parallel_loop3A_841 : vector<16xi32>
        %parallel_loop3A_843 = arith.constant 63 : i32
        %parallel_loop3A_844 = vector.broadcast %parallel_loop3A_843 : i32 to vector<16xi32>
        %parallel_loop3A_845 = arith.andi %parallel_loop3A_842, %parallel_loop3A_844 : vector<16xi32>
        %parallel_loop3A_846 = tpu.vector_load_idx %arg5[%parallel_loop3A_62, %parallel_loop3A_845] : memref<256x64xf32, #tpu.memory_space<vmem>>[vector<16xi32>, vector<16xi32>], vector<16xf32>,
        %parallel_loop3A_847 = arith.cmpf oeq, %parallel_loop3A_846, %parallel_loop3A_713 : vector<16xf32>
        %parallel_loop3A_848 = arith.cmpf oeq, %parallel_loop3A_846, %parallel_loop3A_716 : vector<16xf32>
        %parallel_loop3A_849 = arith.select %parallel_loop3A_848, %parallel_loop3A_727, %parallel_loop3A_729 : vector<16xi1>, vector<16xf32>
        %parallel_loop3A_850 = arith.select %parallel_loop3A_847, %parallel_loop3A_724, %parallel_loop3A_849 : vector<16xi1>, vector<16xf32>
        tpu.vector_store_idx %arg6[%parallel_loop3A_62, %parallel_loop3A_845], %parallel_loop3A_850 : memref<256x64xf32, #tpu.memory_space<vmem>>[vector<16xi32>, vector<16xi32>], vector<16xf32>,
        %parallel_loop3A_851 = arith.constant 11 : i32
        %parallel_loop3A_852 = vector.broadcast %parallel_loop3A_851 : i32 to vector<16xi32>
        %parallel_loop3A_853 = arith.addi %iota3A, %parallel_loop3A_852 : vector<16xi32>
        %parallel_loop3A_854 = arith.constant 63 : i32
        %parallel_loop3A_855 = vector.broadcast %parallel_loop3A_854 : i32 to vector<16xi32>
        %parallel_loop3A_856 = arith.andi %parallel_loop3A_853, %parallel_loop3A_855 : vector<16xi32>
        %parallel_loop3A_857 = tpu.vector_load_idx %arg5[%parallel_loop3A_62, %parallel_loop3A_856] : memref<256x64xf32, #tpu.memory_space<vmem>>[vector<16xi32>, vector<16xi32>], vector<16xf32>,
        %parallel_loop3A_858 = arith.cmpf oeq, %parallel_loop3A_857, %parallel_loop3A_713 : vector<16xf32>
        %parallel_loop3A_859 = arith.cmpf oeq, %parallel_loop3A_857, %parallel_loop3A_716 : vector<16xf32>
        %parallel_loop3A_860 = arith.select %parallel_loop3A_859, %parallel_loop3A_727, %parallel_loop3A_729 : vector<16xi1>, vector<16xf32>
        %parallel_loop3A_861 = arith.select %parallel_loop3A_858, %parallel_loop3A_724, %parallel_loop3A_860 : vector<16xi1>, vector<16xf32>
        tpu.vector_store_idx %arg6[%parallel_loop3A_62, %parallel_loop3A_856], %parallel_loop3A_861 : memref<256x64xf32, #tpu.memory_space<vmem>>[vector<16xi32>, vector<16xi32>], vector<16xf32>,
        %parallel_loop3A_862 = arith.constant 12 : i32
        %parallel_loop3A_863 = vector.broadcast %parallel_loop3A_862 : i32 to vector<16xi32>
        %parallel_loop3A_864 = arith.addi %iota3A, %parallel_loop3A_863 : vector<16xi32>
        %parallel_loop3A_865 = arith.constant 63 : i32
        %parallel_loop3A_866 = vector.broadcast %parallel_loop3A_865 : i32 to vector<16xi32>
        %parallel_loop3A_867 = arith.andi %parallel_loop3A_864, %parallel_loop3A_866 : vector<16xi32>
        %parallel_loop3A_868 = tpu.vector_load_idx %arg5[%parallel_loop3A_62, %parallel_loop3A_867] : memref<256x64xf32, #tpu.memory_space<vmem>>[vector<16xi32>, vector<16xi32>], vector<16xf32>,
        %parallel_loop3A_869 = arith.cmpf oeq, %parallel_loop3A_868, %parallel_loop3A_713 : vector<16xf32>
        %parallel_loop3A_870 = arith.cmpf oeq, %parallel_loop3A_868, %parallel_loop3A_716 : vector<16xf32>
        %parallel_loop3A_871 = arith.select %parallel_loop3A_870, %parallel_loop3A_727, %parallel_loop3A_729 : vector<16xi1>, vector<16xf32>
        %parallel_loop3A_872 = arith.select %parallel_loop3A_869, %parallel_loop3A_724, %parallel_loop3A_871 : vector<16xi1>, vector<16xf32>
        tpu.vector_store_idx %arg6[%parallel_loop3A_62, %parallel_loop3A_867], %parallel_loop3A_872 : memref<256x64xf32, #tpu.memory_space<vmem>>[vector<16xi32>, vector<16xi32>], vector<16xf32>,
        %parallel_loop3A_873 = arith.constant 13 : i32
        %parallel_loop3A_874 = vector.broadcast %parallel_loop3A_873 : i32 to vector<16xi32>
        %parallel_loop3A_875 = arith.addi %iota3A, %parallel_loop3A_874 : vector<16xi32>
        %parallel_loop3A_876 = arith.constant 63 : i32
        %parallel_loop3A_877 = vector.broadcast %parallel_loop3A_876 : i32 to vector<16xi32>
        %parallel_loop3A_878 = arith.andi %parallel_loop3A_875, %parallel_loop3A_877 : vector<16xi32>
        %parallel_loop3A_879 = tpu.vector_load_idx %arg5[%parallel_loop3A_62, %parallel_loop3A_878] : memref<256x64xf32, #tpu.memory_space<vmem>>[vector<16xi32>, vector<16xi32>], vector<16xf32>,
        %parallel_loop3A_880 = arith.cmpf oeq, %parallel_loop3A_879, %parallel_loop3A_713 : vector<16xf32>
        %parallel_loop3A_881 = arith.cmpf oeq, %parallel_loop3A_879, %parallel_loop3A_716 : vector<16xf32>
        %parallel_loop3A_882 = arith.select %parallel_loop3A_881, %parallel_loop3A_727, %parallel_loop3A_729 : vector<16xi1>, vector<16xf32>
        %parallel_loop3A_883 = arith.select %parallel_loop3A_880, %parallel_loop3A_724, %parallel_loop3A_882 : vector<16xi1>, vector<16xf32>
        tpu.vector_store_idx %arg6[%parallel_loop3A_62, %parallel_loop3A_878], %parallel_loop3A_883 : memref<256x64xf32, #tpu.memory_space<vmem>>[vector<16xi32>, vector<16xi32>], vector<16xf32>,
        %parallel_loop3A_884 = arith.constant 14 : i32
        %parallel_loop3A_885 = vector.broadcast %parallel_loop3A_884 : i32 to vector<16xi32>
        %parallel_loop3A_886 = arith.addi %iota3A, %parallel_loop3A_885 : vector<16xi32>
        %parallel_loop3A_887 = arith.constant 63 : i32
        %parallel_loop3A_888 = vector.broadcast %parallel_loop3A_887 : i32 to vector<16xi32>
        %parallel_loop3A_889 = arith.andi %parallel_loop3A_886, %parallel_loop3A_888 : vector<16xi32>
        %parallel_loop3A_890 = tpu.vector_load_idx %arg5[%parallel_loop3A_62, %parallel_loop3A_889] : memref<256x64xf32, #tpu.memory_space<vmem>>[vector<16xi32>, vector<16xi32>], vector<16xf32>,
        %parallel_loop3A_891 = arith.cmpf oeq, %parallel_loop3A_890, %parallel_loop3A_713 : vector<16xf32>
        %parallel_loop3A_892 = arith.cmpf oeq, %parallel_loop3A_890, %parallel_loop3A_716 : vector<16xf32>
        %parallel_loop3A_893 = arith.select %parallel_loop3A_892, %parallel_loop3A_727, %parallel_loop3A_729 : vector<16xi1>, vector<16xf32>
        %parallel_loop3A_894 = arith.select %parallel_loop3A_891, %parallel_loop3A_724, %parallel_loop3A_893 : vector<16xi1>, vector<16xf32>
        tpu.vector_store_idx %arg6[%parallel_loop3A_62, %parallel_loop3A_889], %parallel_loop3A_894 : memref<256x64xf32, #tpu.memory_space<vmem>>[vector<16xi32>, vector<16xi32>], vector<16xf32>,
        %parallel_loop3A_895 = arith.constant 15 : i32
        %parallel_loop3A_896 = vector.broadcast %parallel_loop3A_895 : i32 to vector<16xi32>
        %parallel_loop3A_897 = arith.addi %iota3A, %parallel_loop3A_896 : vector<16xi32>
        %parallel_loop3A_898 = arith.constant 63 : i32
        %parallel_loop3A_899 = vector.broadcast %parallel_loop3A_898 : i32 to vector<16xi32>
        %parallel_loop3A_900 = arith.andi %parallel_loop3A_897, %parallel_loop3A_899 : vector<16xi32>
        %parallel_loop3A_901 = tpu.vector_load_idx %arg5[%parallel_loop3A_62, %parallel_loop3A_900] : memref<256x64xf32, #tpu.memory_space<vmem>>[vector<16xi32>, vector<16xi32>], vector<16xf32>,
        %parallel_loop3A_902 = arith.cmpf oeq, %parallel_loop3A_901, %parallel_loop3A_713 : vector<16xf32>
        %parallel_loop3A_903 = arith.cmpf oeq, %parallel_loop3A_901, %parallel_loop3A_716 : vector<16xf32>
        %parallel_loop3A_904 = arith.select %parallel_loop3A_903, %parallel_loop3A_727, %parallel_loop3A_729 : vector<16xi1>, vector<16xf32>
        %parallel_loop3A_905 = arith.select %parallel_loop3A_902, %parallel_loop3A_724, %parallel_loop3A_904 : vector<16xi1>, vector<16xf32>
        tpu.vector_store_idx %arg6[%parallel_loop3A_62, %parallel_loop3A_900], %parallel_loop3A_905 : memref<256x64xf32, #tpu.memory_space<vmem>>[vector<16xi32>, vector<16xi32>], vector<16xf32>,
        %parallel_loop3A_906 = arith.constant 16 : i32
        %parallel_loop3A_907 = vector.broadcast %parallel_loop3A_906 : i32 to vector<16xi32>
        %parallel_loop3A_908 = arith.addi %iota3A, %parallel_loop3A_907 : vector<16xi32>
        %parallel_loop3A_909 = arith.constant 63 : i32
        %parallel_loop3A_910 = vector.broadcast %parallel_loop3A_909 : i32 to vector<16xi32>
        %parallel_loop3A_911 = arith.andi %parallel_loop3A_908, %parallel_loop3A_910 : vector<16xi32>
        %parallel_loop3A_912 = tpu.vector_load_idx %arg5[%parallel_loop3A_62, %parallel_loop3A_911] : memref<256x64xf32, #tpu.memory_space<vmem>>[vector<16xi32>, vector<16xi32>], vector<16xf32>,
        %parallel_loop3A_913 = arith.cmpf oeq, %parallel_loop3A_912, %parallel_loop3A_713 : vector<16xf32>
        %parallel_loop3A_914 = arith.cmpf oeq, %parallel_loop3A_912, %parallel_loop3A_716 : vector<16xf32>
        %parallel_loop3A_915 = arith.select %parallel_loop3A_914, %parallel_loop3A_727, %parallel_loop3A_729 : vector<16xi1>, vector<16xf32>
        %parallel_loop3A_916 = arith.select %parallel_loop3A_913, %parallel_loop3A_724, %parallel_loop3A_915 : vector<16xi1>, vector<16xf32>
        tpu.vector_store_idx %arg6[%parallel_loop3A_62, %parallel_loop3A_911], %parallel_loop3A_916 : memref<256x64xf32, #tpu.memory_space<vmem>>[vector<16xi32>, vector<16xi32>], vector<16xf32>,
        %parallel_loop3A_917 = arith.constant 17 : i32
        %parallel_loop3A_918 = vector.broadcast %parallel_loop3A_917 : i32 to vector<16xi32>
        %parallel_loop3A_919 = arith.addi %iota3A, %parallel_loop3A_918 : vector<16xi32>
        %parallel_loop3A_920 = arith.constant 63 : i32
        %parallel_loop3A_921 = vector.broadcast %parallel_loop3A_920 : i32 to vector<16xi32>
        %parallel_loop3A_922 = arith.andi %parallel_loop3A_919, %parallel_loop3A_921 : vector<16xi32>
        %parallel_loop3A_923 = tpu.vector_load_idx %arg5[%parallel_loop3A_62, %parallel_loop3A_922] : memref<256x64xf32, #tpu.memory_space<vmem>>[vector<16xi32>, vector<16xi32>], vector<16xf32>,
        %parallel_loop3A_924 = arith.cmpf oeq, %parallel_loop3A_923, %parallel_loop3A_713 : vector<16xf32>
        %parallel_loop3A_925 = arith.cmpf oeq, %parallel_loop3A_923, %parallel_loop3A_716 : vector<16xf32>
        %parallel_loop3A_926 = arith.select %parallel_loop3A_925, %parallel_loop3A_727, %parallel_loop3A_729 : vector<16xi1>, vector<16xf32>
        %parallel_loop3A_927 = arith.select %parallel_loop3A_924, %parallel_loop3A_724, %parallel_loop3A_926 : vector<16xi1>, vector<16xf32>
        tpu.vector_store_idx %arg6[%parallel_loop3A_62, %parallel_loop3A_922], %parallel_loop3A_927 : memref<256x64xf32, #tpu.memory_space<vmem>>[vector<16xi32>, vector<16xi32>], vector<16xf32>,
        %parallel_loop3A_928 = arith.constant 18 : i32
        %parallel_loop3A_929 = vector.broadcast %parallel_loop3A_928 : i32 to vector<16xi32>
        %parallel_loop3A_930 = arith.addi %iota3A, %parallel_loop3A_929 : vector<16xi32>
        %parallel_loop3A_931 = arith.constant 63 : i32
        %parallel_loop3A_932 = vector.broadcast %parallel_loop3A_931 : i32 to vector<16xi32>
        %parallel_loop3A_933 = arith.andi %parallel_loop3A_930, %parallel_loop3A_932 : vector<16xi32>
        %parallel_loop3A_934 = tpu.vector_load_idx %arg5[%parallel_loop3A_62, %parallel_loop3A_933] : memref<256x64xf32, #tpu.memory_space<vmem>>[vector<16xi32>, vector<16xi32>], vector<16xf32>,
        %parallel_loop3A_935 = arith.cmpf oeq, %parallel_loop3A_934, %parallel_loop3A_713 : vector<16xf32>
        %parallel_loop3A_936 = arith.cmpf oeq, %parallel_loop3A_934, %parallel_loop3A_716 : vector<16xf32>
        %parallel_loop3A_937 = arith.select %parallel_loop3A_936, %parallel_loop3A_727, %parallel_loop3A_729 : vector<16xi1>, vector<16xf32>
        %parallel_loop3A_938 = arith.select %parallel_loop3A_935, %parallel_loop3A_724, %parallel_loop3A_937 : vector<16xi1>, vector<16xf32>
        tpu.vector_store_idx %arg6[%parallel_loop3A_62, %parallel_loop3A_933], %parallel_loop3A_938 : memref<256x64xf32, #tpu.memory_space<vmem>>[vector<16xi32>, vector<16xi32>], vector<16xf32>,
        %parallel_loop3A_939 = arith.constant 19 : i32
        %parallel_loop3A_940 = vector.broadcast %parallel_loop3A_939 : i32 to vector<16xi32>
        %parallel_loop3A_941 = arith.addi %iota3A, %parallel_loop3A_940 : vector<16xi32>
        %parallel_loop3A_942 = arith.constant 63 : i32
        %parallel_loop3A_943 = vector.broadcast %parallel_loop3A_942 : i32 to vector<16xi32>
        %parallel_loop3A_944 = arith.andi %parallel_loop3A_941, %parallel_loop3A_943 : vector<16xi32>
        %parallel_loop3A_945 = tpu.vector_load_idx %arg5[%parallel_loop3A_62, %parallel_loop3A_944] : memref<256x64xf32, #tpu.memory_space<vmem>>[vector<16xi32>, vector<16xi32>], vector<16xf32>,
        %parallel_loop3A_946 = arith.cmpf oeq, %parallel_loop3A_945, %parallel_loop3A_713 : vector<16xf32>
        %parallel_loop3A_947 = arith.cmpf oeq, %parallel_loop3A_945, %parallel_loop3A_716 : vector<16xf32>
        %parallel_loop3A_948 = arith.select %parallel_loop3A_947, %parallel_loop3A_727, %parallel_loop3A_729 : vector<16xi1>, vector<16xf32>
        %parallel_loop3A_949 = arith.select %parallel_loop3A_946, %parallel_loop3A_724, %parallel_loop3A_948 : vector<16xi1>, vector<16xf32>
        tpu.vector_store_idx %arg6[%parallel_loop3A_62, %parallel_loop3A_944], %parallel_loop3A_949 : memref<256x64xf32, #tpu.memory_space<vmem>>[vector<16xi32>, vector<16xi32>], vector<16xf32>,
        %parallel_loop3A_950 = arith.constant 20 : i32
        %parallel_loop3A_951 = vector.broadcast %parallel_loop3A_950 : i32 to vector<16xi32>
        %parallel_loop3A_952 = arith.addi %iota3A, %parallel_loop3A_951 : vector<16xi32>
        %parallel_loop3A_953 = arith.constant 63 : i32
        %parallel_loop3A_954 = vector.broadcast %parallel_loop3A_953 : i32 to vector<16xi32>
        %parallel_loop3A_955 = arith.andi %parallel_loop3A_952, %parallel_loop3A_954 : vector<16xi32>
        %parallel_loop3A_956 = tpu.vector_load_idx %arg5[%parallel_loop3A_62, %parallel_loop3A_955] : memref<256x64xf32, #tpu.memory_space<vmem>>[vector<16xi32>, vector<16xi32>], vector<16xf32>,
        %parallel_loop3A_957 = arith.cmpf oeq, %parallel_loop3A_956, %parallel_loop3A_713 : vector<16xf32>
        %parallel_loop3A_958 = arith.cmpf oeq, %parallel_loop3A_956, %parallel_loop3A_716 : vector<16xf32>
        %parallel_loop3A_959 = arith.select %parallel_loop3A_958, %parallel_loop3A_727, %parallel_loop3A_729 : vector<16xi1>, vector<16xf32>
        %parallel_loop3A_960 = arith.select %parallel_loop3A_957, %parallel_loop3A_724, %parallel_loop3A_959 : vector<16xi1>, vector<16xf32>
        tpu.vector_store_idx %arg6[%parallel_loop3A_62, %parallel_loop3A_955], %parallel_loop3A_960 : memref<256x64xf32, #tpu.memory_space<vmem>>[vector<16xi32>, vector<16xi32>], vector<16xf32>,
        %parallel_loop3A_961 = arith.constant 21 : i32
        %parallel_loop3A_962 = vector.broadcast %parallel_loop3A_961 : i32 to vector<16xi32>
        %parallel_loop3A_963 = arith.addi %iota3A, %parallel_loop3A_962 : vector<16xi32>
        %parallel_loop3A_964 = arith.constant 63 : i32
        %parallel_loop3A_965 = vector.broadcast %parallel_loop3A_964 : i32 to vector<16xi32>
        %parallel_loop3A_966 = arith.andi %parallel_loop3A_963, %parallel_loop3A_965 : vector<16xi32>
        %parallel_loop3A_967 = tpu.vector_load_idx %arg5[%parallel_loop3A_62, %parallel_loop3A_966] : memref<256x64xf32, #tpu.memory_space<vmem>>[vector<16xi32>, vector<16xi32>], vector<16xf32>,
        %parallel_loop3A_968 = arith.cmpf oeq, %parallel_loop3A_967, %parallel_loop3A_713 : vector<16xf32>
        %parallel_loop3A_969 = arith.cmpf oeq, %parallel_loop3A_967, %parallel_loop3A_716 : vector<16xf32>
        %parallel_loop3A_970 = arith.select %parallel_loop3A_969, %parallel_loop3A_727, %parallel_loop3A_729 : vector<16xi1>, vector<16xf32>
        %parallel_loop3A_971 = arith.select %parallel_loop3A_968, %parallel_loop3A_724, %parallel_loop3A_970 : vector<16xi1>, vector<16xf32>
        tpu.vector_store_idx %arg6[%parallel_loop3A_62, %parallel_loop3A_966], %parallel_loop3A_971 : memref<256x64xf32, #tpu.memory_space<vmem>>[vector<16xi32>, vector<16xi32>], vector<16xf32>,
        %parallel_loop3A_972 = arith.constant 22 : i32
        %parallel_loop3A_973 = vector.broadcast %parallel_loop3A_972 : i32 to vector<16xi32>
        %parallel_loop3A_974 = arith.addi %iota3A, %parallel_loop3A_973 : vector<16xi32>
        %parallel_loop3A_975 = arith.constant 63 : i32
        %parallel_loop3A_976 = vector.broadcast %parallel_loop3A_975 : i32 to vector<16xi32>
        %parallel_loop3A_977 = arith.andi %parallel_loop3A_974, %parallel_loop3A_976 : vector<16xi32>
        %parallel_loop3A_978 = tpu.vector_load_idx %arg5[%parallel_loop3A_62, %parallel_loop3A_977] : memref<256x64xf32, #tpu.memory_space<vmem>>[vector<16xi32>, vector<16xi32>], vector<16xf32>,
        %parallel_loop3A_979 = arith.cmpf oeq, %parallel_loop3A_978, %parallel_loop3A_713 : vector<16xf32>
        %parallel_loop3A_980 = arith.cmpf oeq, %parallel_loop3A_978, %parallel_loop3A_716 : vector<16xf32>
        %parallel_loop3A_981 = arith.select %parallel_loop3A_980, %parallel_loop3A_727, %parallel_loop3A_729 : vector<16xi1>, vector<16xf32>
        %parallel_loop3A_982 = arith.select %parallel_loop3A_979, %parallel_loop3A_724, %parallel_loop3A_981 : vector<16xi1>, vector<16xf32>
        tpu.vector_store_idx %arg6[%parallel_loop3A_62, %parallel_loop3A_977], %parallel_loop3A_982 : memref<256x64xf32, #tpu.memory_space<vmem>>[vector<16xi32>, vector<16xi32>], vector<16xf32>,
        %parallel_loop3A_983 = arith.constant 23 : i32
        %parallel_loop3A_984 = vector.broadcast %parallel_loop3A_983 : i32 to vector<16xi32>
        %parallel_loop3A_985 = arith.addi %iota3A, %parallel_loop3A_984 : vector<16xi32>
        %parallel_loop3A_986 = arith.constant 63 : i32
        %parallel_loop3A_987 = vector.broadcast %parallel_loop3A_986 : i32 to vector<16xi32>
        %parallel_loop3A_988 = arith.andi %parallel_loop3A_985, %parallel_loop3A_987 : vector<16xi32>
        %parallel_loop3A_989 = tpu.vector_load_idx %arg5[%parallel_loop3A_62, %parallel_loop3A_988] : memref<256x64xf32, #tpu.memory_space<vmem>>[vector<16xi32>, vector<16xi32>], vector<16xf32>,
        %parallel_loop3A_990 = arith.cmpf oeq, %parallel_loop3A_989, %parallel_loop3A_713 : vector<16xf32>
        %parallel_loop3A_991 = arith.cmpf oeq, %parallel_loop3A_989, %parallel_loop3A_716 : vector<16xf32>
        %parallel_loop3A_992 = arith.select %parallel_loop3A_991, %parallel_loop3A_727, %parallel_loop3A_729 : vector<16xi1>, vector<16xf32>
        %parallel_loop3A_993 = arith.select %parallel_loop3A_990, %parallel_loop3A_724, %parallel_loop3A_992 : vector<16xi1>, vector<16xf32>
        tpu.vector_store_idx %arg6[%parallel_loop3A_62, %parallel_loop3A_988], %parallel_loop3A_993 : memref<256x64xf32, #tpu.memory_space<vmem>>[vector<16xi32>, vector<16xi32>], vector<16xf32>,
        %parallel_loop3A_994 = arith.constant 24 : i32
        %parallel_loop3A_995 = vector.broadcast %parallel_loop3A_994 : i32 to vector<16xi32>
        %parallel_loop3A_996 = arith.addi %iota3A, %parallel_loop3A_995 : vector<16xi32>
        %parallel_loop3A_997 = arith.constant 63 : i32
        %parallel_loop3A_998 = vector.broadcast %parallel_loop3A_997 : i32 to vector<16xi32>
        %parallel_loop3A_999 = arith.andi %parallel_loop3A_996, %parallel_loop3A_998 : vector<16xi32>
        %parallel_loop3A_1000 = tpu.vector_load_idx %arg5[%parallel_loop3A_62, %parallel_loop3A_999] : memref<256x64xf32, #tpu.memory_space<vmem>>[vector<16xi32>, vector<16xi32>], vector<16xf32>,
        %parallel_loop3A_1001 = arith.cmpf oeq, %parallel_loop3A_1000, %parallel_loop3A_713 : vector<16xf32>
        %parallel_loop3A_1002 = arith.cmpf oeq, %parallel_loop3A_1000, %parallel_loop3A_716 : vector<16xf32>
        %parallel_loop3A_1003 = arith.select %parallel_loop3A_1002, %parallel_loop3A_727, %parallel_loop3A_729 : vector<16xi1>, vector<16xf32>
        %parallel_loop3A_1004 = arith.select %parallel_loop3A_1001, %parallel_loop3A_724, %parallel_loop3A_1003 : vector<16xi1>, vector<16xf32>
        tpu.vector_store_idx %arg6[%parallel_loop3A_62, %parallel_loop3A_999], %parallel_loop3A_1004 : memref<256x64xf32, #tpu.memory_space<vmem>>[vector<16xi32>, vector<16xi32>], vector<16xf32>,
        %parallel_loop3A_1005 = arith.constant 25 : i32
        %parallel_loop3A_1006 = vector.broadcast %parallel_loop3A_1005 : i32 to vector<16xi32>
        %parallel_loop3A_1007 = arith.addi %iota3A, %parallel_loop3A_1006 : vector<16xi32>
        %parallel_loop3A_1008 = arith.constant 63 : i32
        %parallel_loop3A_1009 = vector.broadcast %parallel_loop3A_1008 : i32 to vector<16xi32>
        %parallel_loop3A_1010 = arith.andi %parallel_loop3A_1007, %parallel_loop3A_1009 : vector<16xi32>
        %parallel_loop3A_1011 = tpu.vector_load_idx %arg5[%parallel_loop3A_62, %parallel_loop3A_1010] : memref<256x64xf32, #tpu.memory_space<vmem>>[vector<16xi32>, vector<16xi32>], vector<16xf32>,
        %parallel_loop3A_1012 = arith.cmpf oeq, %parallel_loop3A_1011, %parallel_loop3A_713 : vector<16xf32>
        %parallel_loop3A_1013 = arith.cmpf oeq, %parallel_loop3A_1011, %parallel_loop3A_716 : vector<16xf32>
        %parallel_loop3A_1014 = arith.select %parallel_loop3A_1013, %parallel_loop3A_727, %parallel_loop3A_729 : vector<16xi1>, vector<16xf32>
        %parallel_loop3A_1015 = arith.select %parallel_loop3A_1012, %parallel_loop3A_724, %parallel_loop3A_1014 : vector<16xi1>, vector<16xf32>
        tpu.vector_store_idx %arg6[%parallel_loop3A_62, %parallel_loop3A_1010], %parallel_loop3A_1015 : memref<256x64xf32, #tpu.memory_space<vmem>>[vector<16xi32>, vector<16xi32>], vector<16xf32>,
        %parallel_loop3A_1016 = arith.constant 26 : i32
        %parallel_loop3A_1017 = vector.broadcast %parallel_loop3A_1016 : i32 to vector<16xi32>
        %parallel_loop3A_1018 = arith.addi %iota3A, %parallel_loop3A_1017 : vector<16xi32>
        %parallel_loop3A_1019 = arith.constant 63 : i32
        %parallel_loop3A_1020 = vector.broadcast %parallel_loop3A_1019 : i32 to vector<16xi32>
        %parallel_loop3A_1021 = arith.andi %parallel_loop3A_1018, %parallel_loop3A_1020 : vector<16xi32>
        %parallel_loop3A_1022 = tpu.vector_load_idx %arg5[%parallel_loop3A_62, %parallel_loop3A_1021] : memref<256x64xf32, #tpu.memory_space<vmem>>[vector<16xi32>, vector<16xi32>], vector<16xf32>,
        %parallel_loop3A_1023 = arith.cmpf oeq, %parallel_loop3A_1022, %parallel_loop3A_713 : vector<16xf32>
        %parallel_loop3A_1024 = arith.cmpf oeq, %parallel_loop3A_1022, %parallel_loop3A_716 : vector<16xf32>
        %parallel_loop3A_1025 = arith.select %parallel_loop3A_1024, %parallel_loop3A_727, %parallel_loop3A_729 : vector<16xi1>, vector<16xf32>
        %parallel_loop3A_1026 = arith.select %parallel_loop3A_1023, %parallel_loop3A_724, %parallel_loop3A_1025 : vector<16xi1>, vector<16xf32>
        tpu.vector_store_idx %arg6[%parallel_loop3A_62, %parallel_loop3A_1021], %parallel_loop3A_1026 : memref<256x64xf32, #tpu.memory_space<vmem>>[vector<16xi32>, vector<16xi32>], vector<16xf32>,
        %parallel_loop3A_1027 = arith.constant 27 : i32
        %parallel_loop3A_1028 = vector.broadcast %parallel_loop3A_1027 : i32 to vector<16xi32>
        %parallel_loop3A_1029 = arith.addi %iota3A, %parallel_loop3A_1028 : vector<16xi32>
        %parallel_loop3A_1030 = arith.constant 63 : i32
        %parallel_loop3A_1031 = vector.broadcast %parallel_loop3A_1030 : i32 to vector<16xi32>
        %parallel_loop3A_1032 = arith.andi %parallel_loop3A_1029, %parallel_loop3A_1031 : vector<16xi32>
        %parallel_loop3A_1033 = tpu.vector_load_idx %arg5[%parallel_loop3A_62, %parallel_loop3A_1032] : memref<256x64xf32, #tpu.memory_space<vmem>>[vector<16xi32>, vector<16xi32>], vector<16xf32>,
        %parallel_loop3A_1034 = arith.cmpf oeq, %parallel_loop3A_1033, %parallel_loop3A_713 : vector<16xf32>
        %parallel_loop3A_1035 = arith.cmpf oeq, %parallel_loop3A_1033, %parallel_loop3A_716 : vector<16xf32>
        %parallel_loop3A_1036 = arith.select %parallel_loop3A_1035, %parallel_loop3A_727, %parallel_loop3A_729 : vector<16xi1>, vector<16xf32>
        %parallel_loop3A_1037 = arith.select %parallel_loop3A_1034, %parallel_loop3A_724, %parallel_loop3A_1036 : vector<16xi1>, vector<16xf32>
        tpu.vector_store_idx %arg6[%parallel_loop3A_62, %parallel_loop3A_1032], %parallel_loop3A_1037 : memref<256x64xf32, #tpu.memory_space<vmem>>[vector<16xi32>, vector<16xi32>], vector<16xf32>,
        %parallel_loop3A_1038 = arith.constant 28 : i32
        %parallel_loop3A_1039 = vector.broadcast %parallel_loop3A_1038 : i32 to vector<16xi32>
        %parallel_loop3A_1040 = arith.addi %iota3A, %parallel_loop3A_1039 : vector<16xi32>
        %parallel_loop3A_1041 = arith.constant 63 : i32
        %parallel_loop3A_1042 = vector.broadcast %parallel_loop3A_1041 : i32 to vector<16xi32>
        %parallel_loop3A_1043 = arith.andi %parallel_loop3A_1040, %parallel_loop3A_1042 : vector<16xi32>
        %parallel_loop3A_1044 = tpu.vector_load_idx %arg5[%parallel_loop3A_62, %parallel_loop3A_1043] : memref<256x64xf32, #tpu.memory_space<vmem>>[vector<16xi32>, vector<16xi32>], vector<16xf32>,
        %parallel_loop3A_1045 = arith.cmpf oeq, %parallel_loop3A_1044, %parallel_loop3A_713 : vector<16xf32>
        %parallel_loop3A_1046 = arith.cmpf oeq, %parallel_loop3A_1044, %parallel_loop3A_716 : vector<16xf32>
        %parallel_loop3A_1047 = arith.select %parallel_loop3A_1046, %parallel_loop3A_727, %parallel_loop3A_729 : vector<16xi1>, vector<16xf32>
        %parallel_loop3A_1048 = arith.select %parallel_loop3A_1045, %parallel_loop3A_724, %parallel_loop3A_1047 : vector<16xi1>, vector<16xf32>
        tpu.vector_store_idx %arg6[%parallel_loop3A_62, %parallel_loop3A_1043], %parallel_loop3A_1048 : memref<256x64xf32, #tpu.memory_space<vmem>>[vector<16xi32>, vector<16xi32>], vector<16xf32>,
        %parallel_loop3A_1049 = arith.constant 29 : i32
        %parallel_loop3A_1050 = vector.broadcast %parallel_loop3A_1049 : i32 to vector<16xi32>
        %parallel_loop3A_1051 = arith.addi %iota3A, %parallel_loop3A_1050 : vector<16xi32>
        %parallel_loop3A_1052 = arith.constant 63 : i32
        %parallel_loop3A_1053 = vector.broadcast %parallel_loop3A_1052 : i32 to vector<16xi32>
        %parallel_loop3A_1054 = arith.andi %parallel_loop3A_1051, %parallel_loop3A_1053 : vector<16xi32>
        %parallel_loop3A_1055 = tpu.vector_load_idx %arg5[%parallel_loop3A_62, %parallel_loop3A_1054] : memref<256x64xf32, #tpu.memory_space<vmem>>[vector<16xi32>, vector<16xi32>], vector<16xf32>,
        %parallel_loop3A_1056 = arith.cmpf oeq, %parallel_loop3A_1055, %parallel_loop3A_713 : vector<16xf32>
        %parallel_loop3A_1057 = arith.cmpf oeq, %parallel_loop3A_1055, %parallel_loop3A_716 : vector<16xf32>
        %parallel_loop3A_1058 = arith.select %parallel_loop3A_1057, %parallel_loop3A_727, %parallel_loop3A_729 : vector<16xi1>, vector<16xf32>
        %parallel_loop3A_1059 = arith.select %parallel_loop3A_1056, %parallel_loop3A_724, %parallel_loop3A_1058 : vector<16xi1>, vector<16xf32>
        tpu.vector_store_idx %arg6[%parallel_loop3A_62, %parallel_loop3A_1054], %parallel_loop3A_1059 : memref<256x64xf32, #tpu.memory_space<vmem>>[vector<16xi32>, vector<16xi32>], vector<16xf32>,
        %parallel_loop3A_1060 = arith.constant 30 : i32
        %parallel_loop3A_1061 = vector.broadcast %parallel_loop3A_1060 : i32 to vector<16xi32>
        %parallel_loop3A_1062 = arith.addi %iota3A, %parallel_loop3A_1061 : vector<16xi32>
        %parallel_loop3A_1063 = arith.constant 63 : i32
        %parallel_loop3A_1064 = vector.broadcast %parallel_loop3A_1063 : i32 to vector<16xi32>
        %parallel_loop3A_1065 = arith.andi %parallel_loop3A_1062, %parallel_loop3A_1064 : vector<16xi32>
        %parallel_loop3A_1066 = tpu.vector_load_idx %arg5[%parallel_loop3A_62, %parallel_loop3A_1065] : memref<256x64xf32, #tpu.memory_space<vmem>>[vector<16xi32>, vector<16xi32>], vector<16xf32>,
        %parallel_loop3A_1067 = arith.cmpf oeq, %parallel_loop3A_1066, %parallel_loop3A_713 : vector<16xf32>
        %parallel_loop3A_1068 = arith.cmpf oeq, %parallel_loop3A_1066, %parallel_loop3A_716 : vector<16xf32>
        %parallel_loop3A_1069 = arith.select %parallel_loop3A_1068, %parallel_loop3A_727, %parallel_loop3A_729 : vector<16xi1>, vector<16xf32>
        %parallel_loop3A_1070 = arith.select %parallel_loop3A_1067, %parallel_loop3A_724, %parallel_loop3A_1069 : vector<16xi1>, vector<16xf32>
        tpu.vector_store_idx %arg6[%parallel_loop3A_62, %parallel_loop3A_1065], %parallel_loop3A_1070 : memref<256x64xf32, #tpu.memory_space<vmem>>[vector<16xi32>, vector<16xi32>], vector<16xf32>,
        %parallel_loop3A_1071 = arith.constant 31 : i32
        %parallel_loop3A_1072 = vector.broadcast %parallel_loop3A_1071 : i32 to vector<16xi32>
        %parallel_loop3A_1073 = arith.addi %iota3A, %parallel_loop3A_1072 : vector<16xi32>
        %parallel_loop3A_1074 = arith.constant 63 : i32
        %parallel_loop3A_1075 = vector.broadcast %parallel_loop3A_1074 : i32 to vector<16xi32>
        %parallel_loop3A_1076 = arith.andi %parallel_loop3A_1073, %parallel_loop3A_1075 : vector<16xi32>
        %parallel_loop3A_1077 = tpu.vector_load_idx %arg5[%parallel_loop3A_62, %parallel_loop3A_1076] : memref<256x64xf32, #tpu.memory_space<vmem>>[vector<16xi32>, vector<16xi32>], vector<16xf32>,
        %parallel_loop3A_1078 = arith.cmpf oeq, %parallel_loop3A_1077, %parallel_loop3A_713 : vector<16xf32>
        %parallel_loop3A_1079 = arith.cmpf oeq, %parallel_loop3A_1077, %parallel_loop3A_716 : vector<16xf32>
        %parallel_loop3A_1080 = arith.select %parallel_loop3A_1079, %parallel_loop3A_727, %parallel_loop3A_729 : vector<16xi1>, vector<16xf32>
        %parallel_loop3A_1081 = arith.select %parallel_loop3A_1078, %parallel_loop3A_724, %parallel_loop3A_1080 : vector<16xi1>, vector<16xf32>
        tpu.vector_store_idx %arg6[%parallel_loop3A_62, %parallel_loop3A_1076], %parallel_loop3A_1081 : memref<256x64xf32, #tpu.memory_space<vmem>>[vector<16xi32>, vector<16xi32>], vector<16xf32>,
        %parallel_loop3A_1082 = arith.constant 32 : i32
        %parallel_loop3A_1083 = vector.broadcast %parallel_loop3A_1082 : i32 to vector<16xi32>
        %parallel_loop3A_1084 = arith.addi %iota3A, %parallel_loop3A_1083 : vector<16xi32>
        %parallel_loop3A_1085 = arith.constant 63 : i32
        %parallel_loop3A_1086 = vector.broadcast %parallel_loop3A_1085 : i32 to vector<16xi32>
        %parallel_loop3A_1087 = arith.andi %parallel_loop3A_1084, %parallel_loop3A_1086 : vector<16xi32>
        %parallel_loop3A_1088 = tpu.vector_load_idx %arg5[%parallel_loop3A_62, %parallel_loop3A_1087] : memref<256x64xf32, #tpu.memory_space<vmem>>[vector<16xi32>, vector<16xi32>], vector<16xf32>,
        %parallel_loop3A_1089 = arith.cmpf oeq, %parallel_loop3A_1088, %parallel_loop3A_713 : vector<16xf32>
        %parallel_loop3A_1090 = arith.cmpf oeq, %parallel_loop3A_1088, %parallel_loop3A_716 : vector<16xf32>
        %parallel_loop3A_1091 = arith.select %parallel_loop3A_1090, %parallel_loop3A_727, %parallel_loop3A_729 : vector<16xi1>, vector<16xf32>
        %parallel_loop3A_1092 = arith.select %parallel_loop3A_1089, %parallel_loop3A_724, %parallel_loop3A_1091 : vector<16xi1>, vector<16xf32>
        tpu.vector_store_idx %arg6[%parallel_loop3A_62, %parallel_loop3A_1087], %parallel_loop3A_1092 : memref<256x64xf32, #tpu.memory_space<vmem>>[vector<16xi32>, vector<16xi32>], vector<16xf32>,
        %parallel_loop3A_1093 = arith.constant 33 : i32
        %parallel_loop3A_1094 = vector.broadcast %parallel_loop3A_1093 : i32 to vector<16xi32>
        %parallel_loop3A_1095 = arith.addi %iota3A, %parallel_loop3A_1094 : vector<16xi32>
        %parallel_loop3A_1096 = arith.constant 63 : i32
        %parallel_loop3A_1097 = vector.broadcast %parallel_loop3A_1096 : i32 to vector<16xi32>
        %parallel_loop3A_1098 = arith.andi %parallel_loop3A_1095, %parallel_loop3A_1097 : vector<16xi32>
        %parallel_loop3A_1099 = tpu.vector_load_idx %arg5[%parallel_loop3A_62, %parallel_loop3A_1098] : memref<256x64xf32, #tpu.memory_space<vmem>>[vector<16xi32>, vector<16xi32>], vector<16xf32>,
        %parallel_loop3A_1100 = arith.cmpf oeq, %parallel_loop3A_1099, %parallel_loop3A_713 : vector<16xf32>
        %parallel_loop3A_1101 = arith.cmpf oeq, %parallel_loop3A_1099, %parallel_loop3A_716 : vector<16xf32>
        %parallel_loop3A_1102 = arith.select %parallel_loop3A_1101, %parallel_loop3A_727, %parallel_loop3A_729 : vector<16xi1>, vector<16xf32>
        %parallel_loop3A_1103 = arith.select %parallel_loop3A_1100, %parallel_loop3A_724, %parallel_loop3A_1102 : vector<16xi1>, vector<16xf32>
        tpu.vector_store_idx %arg6[%parallel_loop3A_62, %parallel_loop3A_1098], %parallel_loop3A_1103 : memref<256x64xf32, #tpu.memory_space<vmem>>[vector<16xi32>, vector<16xi32>], vector<16xf32>,
        %parallel_loop3A_1104 = arith.constant 34 : i32
        %parallel_loop3A_1105 = vector.broadcast %parallel_loop3A_1104 : i32 to vector<16xi32>
        %parallel_loop3A_1106 = arith.addi %iota3A, %parallel_loop3A_1105 : vector<16xi32>
        %parallel_loop3A_1107 = arith.constant 63 : i32
        %parallel_loop3A_1108 = vector.broadcast %parallel_loop3A_1107 : i32 to vector<16xi32>
        %parallel_loop3A_1109 = arith.andi %parallel_loop3A_1106, %parallel_loop3A_1108 : vector<16xi32>
        %parallel_loop3A_1110 = tpu.vector_load_idx %arg5[%parallel_loop3A_62, %parallel_loop3A_1109] : memref<256x64xf32, #tpu.memory_space<vmem>>[vector<16xi32>, vector<16xi32>], vector<16xf32>,
        %parallel_loop3A_1111 = arith.cmpf oeq, %parallel_loop3A_1110, %parallel_loop3A_713 : vector<16xf32>
        %parallel_loop3A_1112 = arith.cmpf oeq, %parallel_loop3A_1110, %parallel_loop3A_716 : vector<16xf32>
        %parallel_loop3A_1113 = arith.select %parallel_loop3A_1112, %parallel_loop3A_727, %parallel_loop3A_729 : vector<16xi1>, vector<16xf32>
        %parallel_loop3A_1114 = arith.select %parallel_loop3A_1111, %parallel_loop3A_724, %parallel_loop3A_1113 : vector<16xi1>, vector<16xf32>
        tpu.vector_store_idx %arg6[%parallel_loop3A_62, %parallel_loop3A_1109], %parallel_loop3A_1114 : memref<256x64xf32, #tpu.memory_space<vmem>>[vector<16xi32>, vector<16xi32>], vector<16xf32>,
        %parallel_loop3A_1115 = arith.constant 35 : i32
        %parallel_loop3A_1116 = vector.broadcast %parallel_loop3A_1115 : i32 to vector<16xi32>
        %parallel_loop3A_1117 = arith.addi %iota3A, %parallel_loop3A_1116 : vector<16xi32>
        %parallel_loop3A_1118 = arith.constant 63 : i32
        %parallel_loop3A_1119 = vector.broadcast %parallel_loop3A_1118 : i32 to vector<16xi32>
        %parallel_loop3A_1120 = arith.andi %parallel_loop3A_1117, %parallel_loop3A_1119 : vector<16xi32>
        %parallel_loop3A_1121 = tpu.vector_load_idx %arg5[%parallel_loop3A_62, %parallel_loop3A_1120] : memref<256x64xf32, #tpu.memory_space<vmem>>[vector<16xi32>, vector<16xi32>], vector<16xf32>,
        %parallel_loop3A_1122 = arith.cmpf oeq, %parallel_loop3A_1121, %parallel_loop3A_713 : vector<16xf32>
        %parallel_loop3A_1123 = arith.cmpf oeq, %parallel_loop3A_1121, %parallel_loop3A_716 : vector<16xf32>
        %parallel_loop3A_1124 = arith.select %parallel_loop3A_1123, %parallel_loop3A_727, %parallel_loop3A_729 : vector<16xi1>, vector<16xf32>
        %parallel_loop3A_1125 = arith.select %parallel_loop3A_1122, %parallel_loop3A_724, %parallel_loop3A_1124 : vector<16xi1>, vector<16xf32>
        tpu.vector_store_idx %arg6[%parallel_loop3A_62, %parallel_loop3A_1120], %parallel_loop3A_1125 : memref<256x64xf32, #tpu.memory_space<vmem>>[vector<16xi32>, vector<16xi32>], vector<16xf32>,
        %parallel_loop3A_1126 = arith.constant 36 : i32
        %parallel_loop3A_1127 = vector.broadcast %parallel_loop3A_1126 : i32 to vector<16xi32>
        %parallel_loop3A_1128 = arith.addi %iota3A, %parallel_loop3A_1127 : vector<16xi32>
        %parallel_loop3A_1129 = arith.constant 63 : i32
        %parallel_loop3A_1130 = vector.broadcast %parallel_loop3A_1129 : i32 to vector<16xi32>
        %parallel_loop3A_1131 = arith.andi %parallel_loop3A_1128, %parallel_loop3A_1130 : vector<16xi32>
        %parallel_loop3A_1132 = tpu.vector_load_idx %arg5[%parallel_loop3A_62, %parallel_loop3A_1131] : memref<256x64xf32, #tpu.memory_space<vmem>>[vector<16xi32>, vector<16xi32>], vector<16xf32>,
        %parallel_loop3A_1133 = arith.cmpf oeq, %parallel_loop3A_1132, %parallel_loop3A_713 : vector<16xf32>
        %parallel_loop3A_1134 = arith.cmpf oeq, %parallel_loop3A_1132, %parallel_loop3A_716 : vector<16xf32>
        %parallel_loop3A_1135 = arith.select %parallel_loop3A_1134, %parallel_loop3A_727, %parallel_loop3A_729 : vector<16xi1>, vector<16xf32>
        %parallel_loop3A_1136 = arith.select %parallel_loop3A_1133, %parallel_loop3A_724, %parallel_loop3A_1135 : vector<16xi1>, vector<16xf32>
        tpu.vector_store_idx %arg6[%parallel_loop3A_62, %parallel_loop3A_1131], %parallel_loop3A_1136 : memref<256x64xf32, #tpu.memory_space<vmem>>[vector<16xi32>, vector<16xi32>], vector<16xf32>,
        %parallel_loop3A_1137 = arith.constant 37 : i32
        %parallel_loop3A_1138 = vector.broadcast %parallel_loop3A_1137 : i32 to vector<16xi32>
        %parallel_loop3A_1139 = arith.addi %iota3A, %parallel_loop3A_1138 : vector<16xi32>
        %parallel_loop3A_1140 = arith.constant 63 : i32
        %parallel_loop3A_1141 = vector.broadcast %parallel_loop3A_1140 : i32 to vector<16xi32>
        %parallel_loop3A_1142 = arith.andi %parallel_loop3A_1139, %parallel_loop3A_1141 : vector<16xi32>
        %parallel_loop3A_1143 = tpu.vector_load_idx %arg5[%parallel_loop3A_62, %parallel_loop3A_1142] : memref<256x64xf32, #tpu.memory_space<vmem>>[vector<16xi32>, vector<16xi32>], vector<16xf32>,
        %parallel_loop3A_1144 = arith.cmpf oeq, %parallel_loop3A_1143, %parallel_loop3A_713 : vector<16xf32>
        %parallel_loop3A_1145 = arith.cmpf oeq, %parallel_loop3A_1143, %parallel_loop3A_716 : vector<16xf32>
        %parallel_loop3A_1146 = arith.select %parallel_loop3A_1145, %parallel_loop3A_727, %parallel_loop3A_729 : vector<16xi1>, vector<16xf32>
        %parallel_loop3A_1147 = arith.select %parallel_loop3A_1144, %parallel_loop3A_724, %parallel_loop3A_1146 : vector<16xi1>, vector<16xf32>
        tpu.vector_store_idx %arg6[%parallel_loop3A_62, %parallel_loop3A_1142], %parallel_loop3A_1147 : memref<256x64xf32, #tpu.memory_space<vmem>>[vector<16xi32>, vector<16xi32>], vector<16xf32>,
        %parallel_loop3A_1148 = arith.constant 38 : i32
        %parallel_loop3A_1149 = vector.broadcast %parallel_loop3A_1148 : i32 to vector<16xi32>
        %parallel_loop3A_1150 = arith.addi %iota3A, %parallel_loop3A_1149 : vector<16xi32>
        %parallel_loop3A_1151 = arith.constant 63 : i32
        %parallel_loop3A_1152 = vector.broadcast %parallel_loop3A_1151 : i32 to vector<16xi32>
        %parallel_loop3A_1153 = arith.andi %parallel_loop3A_1150, %parallel_loop3A_1152 : vector<16xi32>
        %parallel_loop3A_1154 = tpu.vector_load_idx %arg5[%parallel_loop3A_62, %parallel_loop3A_1153] : memref<256x64xf32, #tpu.memory_space<vmem>>[vector<16xi32>, vector<16xi32>], vector<16xf32>,
        %parallel_loop3A_1155 = arith.cmpf oeq, %parallel_loop3A_1154, %parallel_loop3A_713 : vector<16xf32>
        %parallel_loop3A_1156 = arith.cmpf oeq, %parallel_loop3A_1154, %parallel_loop3A_716 : vector<16xf32>
        %parallel_loop3A_1157 = arith.select %parallel_loop3A_1156, %parallel_loop3A_727, %parallel_loop3A_729 : vector<16xi1>, vector<16xf32>
        %parallel_loop3A_1158 = arith.select %parallel_loop3A_1155, %parallel_loop3A_724, %parallel_loop3A_1157 : vector<16xi1>, vector<16xf32>
        tpu.vector_store_idx %arg6[%parallel_loop3A_62, %parallel_loop3A_1153], %parallel_loop3A_1158 : memref<256x64xf32, #tpu.memory_space<vmem>>[vector<16xi32>, vector<16xi32>], vector<16xf32>,
        %parallel_loop3A_1159 = arith.constant 39 : i32
        %parallel_loop3A_1160 = vector.broadcast %parallel_loop3A_1159 : i32 to vector<16xi32>
        %parallel_loop3A_1161 = arith.addi %iota3A, %parallel_loop3A_1160 : vector<16xi32>
        %parallel_loop3A_1162 = arith.constant 63 : i32
        %parallel_loop3A_1163 = vector.broadcast %parallel_loop3A_1162 : i32 to vector<16xi32>
        %parallel_loop3A_1164 = arith.andi %parallel_loop3A_1161, %parallel_loop3A_1163 : vector<16xi32>
        %parallel_loop3A_1165 = tpu.vector_load_idx %arg5[%parallel_loop3A_62, %parallel_loop3A_1164] : memref<256x64xf32, #tpu.memory_space<vmem>>[vector<16xi32>, vector<16xi32>], vector<16xf32>,
        %parallel_loop3A_1166 = arith.cmpf oeq, %parallel_loop3A_1165, %parallel_loop3A_713 : vector<16xf32>
        %parallel_loop3A_1167 = arith.cmpf oeq, %parallel_loop3A_1165, %parallel_loop3A_716 : vector<16xf32>
        %parallel_loop3A_1168 = arith.select %parallel_loop3A_1167, %parallel_loop3A_727, %parallel_loop3A_729 : vector<16xi1>, vector<16xf32>
        %parallel_loop3A_1169 = arith.select %parallel_loop3A_1166, %parallel_loop3A_724, %parallel_loop3A_1168 : vector<16xi1>, vector<16xf32>
        tpu.vector_store_idx %arg6[%parallel_loop3A_62, %parallel_loop3A_1164], %parallel_loop3A_1169 : memref<256x64xf32, #tpu.memory_space<vmem>>[vector<16xi32>, vector<16xi32>], vector<16xf32>,
        %parallel_loop3A_1170 = arith.constant 40 : i32
        %parallel_loop3A_1171 = vector.broadcast %parallel_loop3A_1170 : i32 to vector<16xi32>
        %parallel_loop3A_1172 = arith.addi %iota3A, %parallel_loop3A_1171 : vector<16xi32>
        %parallel_loop3A_1173 = arith.constant 63 : i32
        %parallel_loop3A_1174 = vector.broadcast %parallel_loop3A_1173 : i32 to vector<16xi32>
        %parallel_loop3A_1175 = arith.andi %parallel_loop3A_1172, %parallel_loop3A_1174 : vector<16xi32>
        %parallel_loop3A_1176 = tpu.vector_load_idx %arg5[%parallel_loop3A_62, %parallel_loop3A_1175] : memref<256x64xf32, #tpu.memory_space<vmem>>[vector<16xi32>, vector<16xi32>], vector<16xf32>,
        %parallel_loop3A_1177 = arith.cmpf oeq, %parallel_loop3A_1176, %parallel_loop3A_713 : vector<16xf32>
        %parallel_loop3A_1178 = arith.cmpf oeq, %parallel_loop3A_1176, %parallel_loop3A_716 : vector<16xf32>
        %parallel_loop3A_1179 = arith.select %parallel_loop3A_1178, %parallel_loop3A_727, %parallel_loop3A_729 : vector<16xi1>, vector<16xf32>
        %parallel_loop3A_1180 = arith.select %parallel_loop3A_1177, %parallel_loop3A_724, %parallel_loop3A_1179 : vector<16xi1>, vector<16xf32>
        tpu.vector_store_idx %arg6[%parallel_loop3A_62, %parallel_loop3A_1175], %parallel_loop3A_1180 : memref<256x64xf32, #tpu.memory_space<vmem>>[vector<16xi32>, vector<16xi32>], vector<16xf32>,
        %parallel_loop3A_1181 = arith.constant 41 : i32
        %parallel_loop3A_1182 = vector.broadcast %parallel_loop3A_1181 : i32 to vector<16xi32>
        %parallel_loop3A_1183 = arith.addi %iota3A, %parallel_loop3A_1182 : vector<16xi32>
        %parallel_loop3A_1184 = arith.constant 63 : i32
        %parallel_loop3A_1185 = vector.broadcast %parallel_loop3A_1184 : i32 to vector<16xi32>
        %parallel_loop3A_1186 = arith.andi %parallel_loop3A_1183, %parallel_loop3A_1185 : vector<16xi32>
        %parallel_loop3A_1187 = tpu.vector_load_idx %arg5[%parallel_loop3A_62, %parallel_loop3A_1186] : memref<256x64xf32, #tpu.memory_space<vmem>>[vector<16xi32>, vector<16xi32>], vector<16xf32>,
        %parallel_loop3A_1188 = arith.cmpf oeq, %parallel_loop3A_1187, %parallel_loop3A_713 : vector<16xf32>
        %parallel_loop3A_1189 = arith.cmpf oeq, %parallel_loop3A_1187, %parallel_loop3A_716 : vector<16xf32>
        %parallel_loop3A_1190 = arith.select %parallel_loop3A_1189, %parallel_loop3A_727, %parallel_loop3A_729 : vector<16xi1>, vector<16xf32>
        %parallel_loop3A_1191 = arith.select %parallel_loop3A_1188, %parallel_loop3A_724, %parallel_loop3A_1190 : vector<16xi1>, vector<16xf32>
        tpu.vector_store_idx %arg6[%parallel_loop3A_62, %parallel_loop3A_1186], %parallel_loop3A_1191 : memref<256x64xf32, #tpu.memory_space<vmem>>[vector<16xi32>, vector<16xi32>], vector<16xf32>,
        %parallel_loop3A_1192 = arith.constant 42 : i32
        %parallel_loop3A_1193 = vector.broadcast %parallel_loop3A_1192 : i32 to vector<16xi32>
        %parallel_loop3A_1194 = arith.addi %iota3A, %parallel_loop3A_1193 : vector<16xi32>
        %parallel_loop3A_1195 = arith.constant 63 : i32
        %parallel_loop3A_1196 = vector.broadcast %parallel_loop3A_1195 : i32 to vector<16xi32>
        %parallel_loop3A_1197 = arith.andi %parallel_loop3A_1194, %parallel_loop3A_1196 : vector<16xi32>
        %parallel_loop3A_1198 = tpu.vector_load_idx %arg5[%parallel_loop3A_62, %parallel_loop3A_1197] : memref<256x64xf32, #tpu.memory_space<vmem>>[vector<16xi32>, vector<16xi32>], vector<16xf32>,
        %parallel_loop3A_1199 = arith.cmpf oeq, %parallel_loop3A_1198, %parallel_loop3A_713 : vector<16xf32>
        %parallel_loop3A_1200 = arith.cmpf oeq, %parallel_loop3A_1198, %parallel_loop3A_716 : vector<16xf32>
        %parallel_loop3A_1201 = arith.select %parallel_loop3A_1200, %parallel_loop3A_727, %parallel_loop3A_729 : vector<16xi1>, vector<16xf32>
        %parallel_loop3A_1202 = arith.select %parallel_loop3A_1199, %parallel_loop3A_724, %parallel_loop3A_1201 : vector<16xi1>, vector<16xf32>
        tpu.vector_store_idx %arg6[%parallel_loop3A_62, %parallel_loop3A_1197], %parallel_loop3A_1202 : memref<256x64xf32, #tpu.memory_space<vmem>>[vector<16xi32>, vector<16xi32>], vector<16xf32>,
        %parallel_loop3A_1203 = arith.constant 43 : i32
        %parallel_loop3A_1204 = vector.broadcast %parallel_loop3A_1203 : i32 to vector<16xi32>
        %parallel_loop3A_1205 = arith.addi %iota3A, %parallel_loop3A_1204 : vector<16xi32>
        %parallel_loop3A_1206 = arith.constant 63 : i32
        %parallel_loop3A_1207 = vector.broadcast %parallel_loop3A_1206 : i32 to vector<16xi32>
        %parallel_loop3A_1208 = arith.andi %parallel_loop3A_1205, %parallel_loop3A_1207 : vector<16xi32>
        %parallel_loop3A_1209 = tpu.vector_load_idx %arg5[%parallel_loop3A_62, %parallel_loop3A_1208] : memref<256x64xf32, #tpu.memory_space<vmem>>[vector<16xi32>, vector<16xi32>], vector<16xf32>,
        %parallel_loop3A_1210 = arith.cmpf oeq, %parallel_loop3A_1209, %parallel_loop3A_713 : vector<16xf32>
        %parallel_loop3A_1211 = arith.cmpf oeq, %parallel_loop3A_1209, %parallel_loop3A_716 : vector<16xf32>
        %parallel_loop3A_1212 = arith.select %parallel_loop3A_1211, %parallel_loop3A_727, %parallel_loop3A_729 : vector<16xi1>, vector<16xf32>
        %parallel_loop3A_1213 = arith.select %parallel_loop3A_1210, %parallel_loop3A_724, %parallel_loop3A_1212 : vector<16xi1>, vector<16xf32>
        tpu.vector_store_idx %arg6[%parallel_loop3A_62, %parallel_loop3A_1208], %parallel_loop3A_1213 : memref<256x64xf32, #tpu.memory_space<vmem>>[vector<16xi32>, vector<16xi32>], vector<16xf32>,
        %parallel_loop3A_1214 = arith.constant 44 : i32
        %parallel_loop3A_1215 = vector.broadcast %parallel_loop3A_1214 : i32 to vector<16xi32>
        %parallel_loop3A_1216 = arith.addi %iota3A, %parallel_loop3A_1215 : vector<16xi32>
        %parallel_loop3A_1217 = arith.constant 63 : i32
        %parallel_loop3A_1218 = vector.broadcast %parallel_loop3A_1217 : i32 to vector<16xi32>
        %parallel_loop3A_1219 = arith.andi %parallel_loop3A_1216, %parallel_loop3A_1218 : vector<16xi32>
        %parallel_loop3A_1220 = tpu.vector_load_idx %arg5[%parallel_loop3A_62, %parallel_loop3A_1219] : memref<256x64xf32, #tpu.memory_space<vmem>>[vector<16xi32>, vector<16xi32>], vector<16xf32>,
        %parallel_loop3A_1221 = arith.cmpf oeq, %parallel_loop3A_1220, %parallel_loop3A_713 : vector<16xf32>
        %parallel_loop3A_1222 = arith.cmpf oeq, %parallel_loop3A_1220, %parallel_loop3A_716 : vector<16xf32>
        %parallel_loop3A_1223 = arith.select %parallel_loop3A_1222, %parallel_loop3A_727, %parallel_loop3A_729 : vector<16xi1>, vector<16xf32>
        %parallel_loop3A_1224 = arith.select %parallel_loop3A_1221, %parallel_loop3A_724, %parallel_loop3A_1223 : vector<16xi1>, vector<16xf32>
        tpu.vector_store_idx %arg6[%parallel_loop3A_62, %parallel_loop3A_1219], %parallel_loop3A_1224 : memref<256x64xf32, #tpu.memory_space<vmem>>[vector<16xi32>, vector<16xi32>], vector<16xf32>,
        %parallel_loop3A_1225 = arith.constant 45 : i32
        %parallel_loop3A_1226 = vector.broadcast %parallel_loop3A_1225 : i32 to vector<16xi32>
        %parallel_loop3A_1227 = arith.addi %iota3A, %parallel_loop3A_1226 : vector<16xi32>
        %parallel_loop3A_1228 = arith.constant 63 : i32
        %parallel_loop3A_1229 = vector.broadcast %parallel_loop3A_1228 : i32 to vector<16xi32>
        %parallel_loop3A_1230 = arith.andi %parallel_loop3A_1227, %parallel_loop3A_1229 : vector<16xi32>
        %parallel_loop3A_1231 = tpu.vector_load_idx %arg5[%parallel_loop3A_62, %parallel_loop3A_1230] : memref<256x64xf32, #tpu.memory_space<vmem>>[vector<16xi32>, vector<16xi32>], vector<16xf32>,
        %parallel_loop3A_1232 = arith.cmpf oeq, %parallel_loop3A_1231, %parallel_loop3A_713 : vector<16xf32>
        %parallel_loop3A_1233 = arith.cmpf oeq, %parallel_loop3A_1231, %parallel_loop3A_716 : vector<16xf32>
        %parallel_loop3A_1234 = arith.select %parallel_loop3A_1233, %parallel_loop3A_727, %parallel_loop3A_729 : vector<16xi1>, vector<16xf32>
        %parallel_loop3A_1235 = arith.select %parallel_loop3A_1232, %parallel_loop3A_724, %parallel_loop3A_1234 : vector<16xi1>, vector<16xf32>
        tpu.vector_store_idx %arg6[%parallel_loop3A_62, %parallel_loop3A_1230], %parallel_loop3A_1235 : memref<256x64xf32, #tpu.memory_space<vmem>>[vector<16xi32>, vector<16xi32>], vector<16xf32>,
        %parallel_loop3A_1236 = arith.constant 46 : i32
        %parallel_loop3A_1237 = vector.broadcast %parallel_loop3A_1236 : i32 to vector<16xi32>
        %parallel_loop3A_1238 = arith.addi %iota3A, %parallel_loop3A_1237 : vector<16xi32>
        %parallel_loop3A_1239 = arith.constant 63 : i32
        %parallel_loop3A_1240 = vector.broadcast %parallel_loop3A_1239 : i32 to vector<16xi32>
        %parallel_loop3A_1241 = arith.andi %parallel_loop3A_1238, %parallel_loop3A_1240 : vector<16xi32>
        %parallel_loop3A_1242 = tpu.vector_load_idx %arg5[%parallel_loop3A_62, %parallel_loop3A_1241] : memref<256x64xf32, #tpu.memory_space<vmem>>[vector<16xi32>, vector<16xi32>], vector<16xf32>,
        %parallel_loop3A_1243 = arith.cmpf oeq, %parallel_loop3A_1242, %parallel_loop3A_713 : vector<16xf32>
        %parallel_loop3A_1244 = arith.cmpf oeq, %parallel_loop3A_1242, %parallel_loop3A_716 : vector<16xf32>
        %parallel_loop3A_1245 = arith.select %parallel_loop3A_1244, %parallel_loop3A_727, %parallel_loop3A_729 : vector<16xi1>, vector<16xf32>
        %parallel_loop3A_1246 = arith.select %parallel_loop3A_1243, %parallel_loop3A_724, %parallel_loop3A_1245 : vector<16xi1>, vector<16xf32>
        tpu.vector_store_idx %arg6[%parallel_loop3A_62, %parallel_loop3A_1241], %parallel_loop3A_1246 : memref<256x64xf32, #tpu.memory_space<vmem>>[vector<16xi32>, vector<16xi32>], vector<16xf32>,
        %parallel_loop3A_1247 = arith.constant 47 : i32
        %parallel_loop3A_1248 = vector.broadcast %parallel_loop3A_1247 : i32 to vector<16xi32>
        %parallel_loop3A_1249 = arith.addi %iota3A, %parallel_loop3A_1248 : vector<16xi32>
        %parallel_loop3A_1250 = arith.constant 63 : i32
        %parallel_loop3A_1251 = vector.broadcast %parallel_loop3A_1250 : i32 to vector<16xi32>
        %parallel_loop3A_1252 = arith.andi %parallel_loop3A_1249, %parallel_loop3A_1251 : vector<16xi32>
        %parallel_loop3A_1253 = tpu.vector_load_idx %arg5[%parallel_loop3A_62, %parallel_loop3A_1252] : memref<256x64xf32, #tpu.memory_space<vmem>>[vector<16xi32>, vector<16xi32>], vector<16xf32>,
        %parallel_loop3A_1254 = arith.cmpf oeq, %parallel_loop3A_1253, %parallel_loop3A_713 : vector<16xf32>
        %parallel_loop3A_1255 = arith.cmpf oeq, %parallel_loop3A_1253, %parallel_loop3A_716 : vector<16xf32>
        %parallel_loop3A_1256 = arith.select %parallel_loop3A_1255, %parallel_loop3A_727, %parallel_loop3A_729 : vector<16xi1>, vector<16xf32>
        %parallel_loop3A_1257 = arith.select %parallel_loop3A_1254, %parallel_loop3A_724, %parallel_loop3A_1256 : vector<16xi1>, vector<16xf32>
        tpu.vector_store_idx %arg6[%parallel_loop3A_62, %parallel_loop3A_1252], %parallel_loop3A_1257 : memref<256x64xf32, #tpu.memory_space<vmem>>[vector<16xi32>, vector<16xi32>], vector<16xf32>,
        %parallel_loop3A_1258 = arith.constant 48 : i32
        %parallel_loop3A_1259 = vector.broadcast %parallel_loop3A_1258 : i32 to vector<16xi32>
        %parallel_loop3A_1260 = arith.addi %iota3A, %parallel_loop3A_1259 : vector<16xi32>
        %parallel_loop3A_1261 = arith.constant 63 : i32
        %parallel_loop3A_1262 = vector.broadcast %parallel_loop3A_1261 : i32 to vector<16xi32>
        %parallel_loop3A_1263 = arith.andi %parallel_loop3A_1260, %parallel_loop3A_1262 : vector<16xi32>
        %parallel_loop3A_1264 = tpu.vector_load_idx %arg5[%parallel_loop3A_62, %parallel_loop3A_1263] : memref<256x64xf32, #tpu.memory_space<vmem>>[vector<16xi32>, vector<16xi32>], vector<16xf32>,
        %parallel_loop3A_1265 = arith.cmpf oeq, %parallel_loop3A_1264, %parallel_loop3A_713 : vector<16xf32>
        %parallel_loop3A_1266 = arith.cmpf oeq, %parallel_loop3A_1264, %parallel_loop3A_716 : vector<16xf32>
        %parallel_loop3A_1267 = arith.select %parallel_loop3A_1266, %parallel_loop3A_727, %parallel_loop3A_729 : vector<16xi1>, vector<16xf32>
        %parallel_loop3A_1268 = arith.select %parallel_loop3A_1265, %parallel_loop3A_724, %parallel_loop3A_1267 : vector<16xi1>, vector<16xf32>
        tpu.vector_store_idx %arg6[%parallel_loop3A_62, %parallel_loop3A_1263], %parallel_loop3A_1268 : memref<256x64xf32, #tpu.memory_space<vmem>>[vector<16xi32>, vector<16xi32>], vector<16xf32>,
        %parallel_loop3A_1269 = arith.constant 49 : i32
        %parallel_loop3A_1270 = vector.broadcast %parallel_loop3A_1269 : i32 to vector<16xi32>
        %parallel_loop3A_1271 = arith.addi %iota3A, %parallel_loop3A_1270 : vector<16xi32>
        %parallel_loop3A_1272 = arith.constant 63 : i32
        %parallel_loop3A_1273 = vector.broadcast %parallel_loop3A_1272 : i32 to vector<16xi32>
        %parallel_loop3A_1274 = arith.andi %parallel_loop3A_1271, %parallel_loop3A_1273 : vector<16xi32>
        %parallel_loop3A_1275 = tpu.vector_load_idx %arg5[%parallel_loop3A_62, %parallel_loop3A_1274] : memref<256x64xf32, #tpu.memory_space<vmem>>[vector<16xi32>, vector<16xi32>], vector<16xf32>,
        %parallel_loop3A_1276 = arith.cmpf oeq, %parallel_loop3A_1275, %parallel_loop3A_713 : vector<16xf32>
        %parallel_loop3A_1277 = arith.cmpf oeq, %parallel_loop3A_1275, %parallel_loop3A_716 : vector<16xf32>
        %parallel_loop3A_1278 = arith.select %parallel_loop3A_1277, %parallel_loop3A_727, %parallel_loop3A_729 : vector<16xi1>, vector<16xf32>
        %parallel_loop3A_1279 = arith.select %parallel_loop3A_1276, %parallel_loop3A_724, %parallel_loop3A_1278 : vector<16xi1>, vector<16xf32>
        tpu.vector_store_idx %arg6[%parallel_loop3A_62, %parallel_loop3A_1274], %parallel_loop3A_1279 : memref<256x64xf32, #tpu.memory_space<vmem>>[vector<16xi32>, vector<16xi32>], vector<16xf32>,
        %parallel_loop3A_1280 = arith.constant 50 : i32
        %parallel_loop3A_1281 = vector.broadcast %parallel_loop3A_1280 : i32 to vector<16xi32>
        %parallel_loop3A_1282 = arith.addi %iota3A, %parallel_loop3A_1281 : vector<16xi32>
        %parallel_loop3A_1283 = arith.constant 63 : i32
        %parallel_loop3A_1284 = vector.broadcast %parallel_loop3A_1283 : i32 to vector<16xi32>
        %parallel_loop3A_1285 = arith.andi %parallel_loop3A_1282, %parallel_loop3A_1284 : vector<16xi32>
        %parallel_loop3A_1286 = tpu.vector_load_idx %arg5[%parallel_loop3A_62, %parallel_loop3A_1285] : memref<256x64xf32, #tpu.memory_space<vmem>>[vector<16xi32>, vector<16xi32>], vector<16xf32>,
        %parallel_loop3A_1287 = arith.cmpf oeq, %parallel_loop3A_1286, %parallel_loop3A_713 : vector<16xf32>
        %parallel_loop3A_1288 = arith.cmpf oeq, %parallel_loop3A_1286, %parallel_loop3A_716 : vector<16xf32>
        %parallel_loop3A_1289 = arith.select %parallel_loop3A_1288, %parallel_loop3A_727, %parallel_loop3A_729 : vector<16xi1>, vector<16xf32>
        %parallel_loop3A_1290 = arith.select %parallel_loop3A_1287, %parallel_loop3A_724, %parallel_loop3A_1289 : vector<16xi1>, vector<16xf32>
        tpu.vector_store_idx %arg6[%parallel_loop3A_62, %parallel_loop3A_1285], %parallel_loop3A_1290 : memref<256x64xf32, #tpu.memory_space<vmem>>[vector<16xi32>, vector<16xi32>], vector<16xf32>,
        %parallel_loop3A_1291 = arith.constant 51 : i32
        %parallel_loop3A_1292 = vector.broadcast %parallel_loop3A_1291 : i32 to vector<16xi32>
        %parallel_loop3A_1293 = arith.addi %iota3A, %parallel_loop3A_1292 : vector<16xi32>
        %parallel_loop3A_1294 = arith.constant 63 : i32
        %parallel_loop3A_1295 = vector.broadcast %parallel_loop3A_1294 : i32 to vector<16xi32>
        %parallel_loop3A_1296 = arith.andi %parallel_loop3A_1293, %parallel_loop3A_1295 : vector<16xi32>
        %parallel_loop3A_1297 = tpu.vector_load_idx %arg5[%parallel_loop3A_62, %parallel_loop3A_1296] : memref<256x64xf32, #tpu.memory_space<vmem>>[vector<16xi32>, vector<16xi32>], vector<16xf32>,
        %parallel_loop3A_1298 = arith.cmpf oeq, %parallel_loop3A_1297, %parallel_loop3A_713 : vector<16xf32>
        %parallel_loop3A_1299 = arith.cmpf oeq, %parallel_loop3A_1297, %parallel_loop3A_716 : vector<16xf32>
        %parallel_loop3A_1300 = arith.select %parallel_loop3A_1299, %parallel_loop3A_727, %parallel_loop3A_729 : vector<16xi1>, vector<16xf32>
        %parallel_loop3A_1301 = arith.select %parallel_loop3A_1298, %parallel_loop3A_724, %parallel_loop3A_1300 : vector<16xi1>, vector<16xf32>
        tpu.vector_store_idx %arg6[%parallel_loop3A_62, %parallel_loop3A_1296], %parallel_loop3A_1301 : memref<256x64xf32, #tpu.memory_space<vmem>>[vector<16xi32>, vector<16xi32>], vector<16xf32>,
        %parallel_loop3A_1302 = arith.constant 52 : i32
        %parallel_loop3A_1303 = vector.broadcast %parallel_loop3A_1302 : i32 to vector<16xi32>
        %parallel_loop3A_1304 = arith.addi %iota3A, %parallel_loop3A_1303 : vector<16xi32>
        %parallel_loop3A_1305 = arith.constant 63 : i32
        %parallel_loop3A_1306 = vector.broadcast %parallel_loop3A_1305 : i32 to vector<16xi32>
        %parallel_loop3A_1307 = arith.andi %parallel_loop3A_1304, %parallel_loop3A_1306 : vector<16xi32>
        %parallel_loop3A_1308 = tpu.vector_load_idx %arg5[%parallel_loop3A_62, %parallel_loop3A_1307] : memref<256x64xf32, #tpu.memory_space<vmem>>[vector<16xi32>, vector<16xi32>], vector<16xf32>,
        %parallel_loop3A_1309 = arith.cmpf oeq, %parallel_loop3A_1308, %parallel_loop3A_713 : vector<16xf32>
        %parallel_loop3A_1310 = arith.cmpf oeq, %parallel_loop3A_1308, %parallel_loop3A_716 : vector<16xf32>
        %parallel_loop3A_1311 = arith.select %parallel_loop3A_1310, %parallel_loop3A_727, %parallel_loop3A_729 : vector<16xi1>, vector<16xf32>
        %parallel_loop3A_1312 = arith.select %parallel_loop3A_1309, %parallel_loop3A_724, %parallel_loop3A_1311 : vector<16xi1>, vector<16xf32>
        tpu.vector_store_idx %arg6[%parallel_loop3A_62, %parallel_loop3A_1307], %parallel_loop3A_1312 : memref<256x64xf32, #tpu.memory_space<vmem>>[vector<16xi32>, vector<16xi32>], vector<16xf32>,
        %parallel_loop3A_1313 = arith.constant 53 : i32
        %parallel_loop3A_1314 = vector.broadcast %parallel_loop3A_1313 : i32 to vector<16xi32>
        %parallel_loop3A_1315 = arith.addi %iota3A, %parallel_loop3A_1314 : vector<16xi32>
        %parallel_loop3A_1316 = arith.constant 63 : i32
        %parallel_loop3A_1317 = vector.broadcast %parallel_loop3A_1316 : i32 to vector<16xi32>
        %parallel_loop3A_1318 = arith.andi %parallel_loop3A_1315, %parallel_loop3A_1317 : vector<16xi32>
        %parallel_loop3A_1319 = tpu.vector_load_idx %arg5[%parallel_loop3A_62, %parallel_loop3A_1318] : memref<256x64xf32, #tpu.memory_space<vmem>>[vector<16xi32>, vector<16xi32>], vector<16xf32>,
        %parallel_loop3A_1320 = arith.cmpf oeq, %parallel_loop3A_1319, %parallel_loop3A_713 : vector<16xf32>
        %parallel_loop3A_1321 = arith.cmpf oeq, %parallel_loop3A_1319, %parallel_loop3A_716 : vector<16xf32>
        %parallel_loop3A_1322 = arith.select %parallel_loop3A_1321, %parallel_loop3A_727, %parallel_loop3A_729 : vector<16xi1>, vector<16xf32>
        %parallel_loop3A_1323 = arith.select %parallel_loop3A_1320, %parallel_loop3A_724, %parallel_loop3A_1322 : vector<16xi1>, vector<16xf32>
        tpu.vector_store_idx %arg6[%parallel_loop3A_62, %parallel_loop3A_1318], %parallel_loop3A_1323 : memref<256x64xf32, #tpu.memory_space<vmem>>[vector<16xi32>, vector<16xi32>], vector<16xf32>,
        %parallel_loop3A_1324 = arith.constant 54 : i32
        %parallel_loop3A_1325 = vector.broadcast %parallel_loop3A_1324 : i32 to vector<16xi32>
        %parallel_loop3A_1326 = arith.addi %iota3A, %parallel_loop3A_1325 : vector<16xi32>
        %parallel_loop3A_1327 = arith.constant 63 : i32
        %parallel_loop3A_1328 = vector.broadcast %parallel_loop3A_1327 : i32 to vector<16xi32>
        %parallel_loop3A_1329 = arith.andi %parallel_loop3A_1326, %parallel_loop3A_1328 : vector<16xi32>
        %parallel_loop3A_1330 = tpu.vector_load_idx %arg5[%parallel_loop3A_62, %parallel_loop3A_1329] : memref<256x64xf32, #tpu.memory_space<vmem>>[vector<16xi32>, vector<16xi32>], vector<16xf32>,
        %parallel_loop3A_1331 = arith.cmpf oeq, %parallel_loop3A_1330, %parallel_loop3A_713 : vector<16xf32>
        %parallel_loop3A_1332 = arith.cmpf oeq, %parallel_loop3A_1330, %parallel_loop3A_716 : vector<16xf32>
        %parallel_loop3A_1333 = arith.select %parallel_loop3A_1332, %parallel_loop3A_727, %parallel_loop3A_729 : vector<16xi1>, vector<16xf32>
        %parallel_loop3A_1334 = arith.select %parallel_loop3A_1331, %parallel_loop3A_724, %parallel_loop3A_1333 : vector<16xi1>, vector<16xf32>
        tpu.vector_store_idx %arg6[%parallel_loop3A_62, %parallel_loop3A_1329], %parallel_loop3A_1334 : memref<256x64xf32, #tpu.memory_space<vmem>>[vector<16xi32>, vector<16xi32>], vector<16xf32>,
        %parallel_loop3A_1335 = arith.constant 55 : i32
        %parallel_loop3A_1336 = vector.broadcast %parallel_loop3A_1335 : i32 to vector<16xi32>
        %parallel_loop3A_1337 = arith.addi %iota3A, %parallel_loop3A_1336 : vector<16xi32>
        %parallel_loop3A_1338 = arith.constant 63 : i32
        %parallel_loop3A_1339 = vector.broadcast %parallel_loop3A_1338 : i32 to vector<16xi32>
        %parallel_loop3A_1340 = arith.andi %parallel_loop3A_1337, %parallel_loop3A_1339 : vector<16xi32>
        %parallel_loop3A_1341 = tpu.vector_load_idx %arg5[%parallel_loop3A_62, %parallel_loop3A_1340] : memref<256x64xf32, #tpu.memory_space<vmem>>[vector<16xi32>, vector<16xi32>], vector<16xf32>,
        %parallel_loop3A_1342 = arith.cmpf oeq, %parallel_loop3A_1341, %parallel_loop3A_713 : vector<16xf32>
        %parallel_loop3A_1343 = arith.cmpf oeq, %parallel_loop3A_1341, %parallel_loop3A_716 : vector<16xf32>
        %parallel_loop3A_1344 = arith.select %parallel_loop3A_1343, %parallel_loop3A_727, %parallel_loop3A_729 : vector<16xi1>, vector<16xf32>
        %parallel_loop3A_1345 = arith.select %parallel_loop3A_1342, %parallel_loop3A_724, %parallel_loop3A_1344 : vector<16xi1>, vector<16xf32>
        tpu.vector_store_idx %arg6[%parallel_loop3A_62, %parallel_loop3A_1340], %parallel_loop3A_1345 : memref<256x64xf32, #tpu.memory_space<vmem>>[vector<16xi32>, vector<16xi32>], vector<16xf32>,
        %parallel_loop3A_1346 = arith.constant 56 : i32
        %parallel_loop3A_1347 = vector.broadcast %parallel_loop3A_1346 : i32 to vector<16xi32>
        %parallel_loop3A_1348 = arith.addi %iota3A, %parallel_loop3A_1347 : vector<16xi32>
        %parallel_loop3A_1349 = arith.constant 63 : i32
        %parallel_loop3A_1350 = vector.broadcast %parallel_loop3A_1349 : i32 to vector<16xi32>
        %parallel_loop3A_1351 = arith.andi %parallel_loop3A_1348, %parallel_loop3A_1350 : vector<16xi32>
        %parallel_loop3A_1352 = tpu.vector_load_idx %arg5[%parallel_loop3A_62, %parallel_loop3A_1351] : memref<256x64xf32, #tpu.memory_space<vmem>>[vector<16xi32>, vector<16xi32>], vector<16xf32>,
        %parallel_loop3A_1353 = arith.cmpf oeq, %parallel_loop3A_1352, %parallel_loop3A_713 : vector<16xf32>
        %parallel_loop3A_1354 = arith.cmpf oeq, %parallel_loop3A_1352, %parallel_loop3A_716 : vector<16xf32>
        %parallel_loop3A_1355 = arith.select %parallel_loop3A_1354, %parallel_loop3A_727, %parallel_loop3A_729 : vector<16xi1>, vector<16xf32>
        %parallel_loop3A_1356 = arith.select %parallel_loop3A_1353, %parallel_loop3A_724, %parallel_loop3A_1355 : vector<16xi1>, vector<16xf32>
        tpu.vector_store_idx %arg6[%parallel_loop3A_62, %parallel_loop3A_1351], %parallel_loop3A_1356 : memref<256x64xf32, #tpu.memory_space<vmem>>[vector<16xi32>, vector<16xi32>], vector<16xf32>,
        %parallel_loop3A_1357 = arith.constant 57 : i32
        %parallel_loop3A_1358 = vector.broadcast %parallel_loop3A_1357 : i32 to vector<16xi32>
        %parallel_loop3A_1359 = arith.addi %iota3A, %parallel_loop3A_1358 : vector<16xi32>
        %parallel_loop3A_1360 = arith.constant 63 : i32
        %parallel_loop3A_1361 = vector.broadcast %parallel_loop3A_1360 : i32 to vector<16xi32>
        %parallel_loop3A_1362 = arith.andi %parallel_loop3A_1359, %parallel_loop3A_1361 : vector<16xi32>
        %parallel_loop3A_1363 = tpu.vector_load_idx %arg5[%parallel_loop3A_62, %parallel_loop3A_1362] : memref<256x64xf32, #tpu.memory_space<vmem>>[vector<16xi32>, vector<16xi32>], vector<16xf32>,
        %parallel_loop3A_1364 = arith.cmpf oeq, %parallel_loop3A_1363, %parallel_loop3A_713 : vector<16xf32>
        %parallel_loop3A_1365 = arith.cmpf oeq, %parallel_loop3A_1363, %parallel_loop3A_716 : vector<16xf32>
        %parallel_loop3A_1366 = arith.select %parallel_loop3A_1365, %parallel_loop3A_727, %parallel_loop3A_729 : vector<16xi1>, vector<16xf32>
        %parallel_loop3A_1367 = arith.select %parallel_loop3A_1364, %parallel_loop3A_724, %parallel_loop3A_1366 : vector<16xi1>, vector<16xf32>
        tpu.vector_store_idx %arg6[%parallel_loop3A_62, %parallel_loop3A_1362], %parallel_loop3A_1367 : memref<256x64xf32, #tpu.memory_space<vmem>>[vector<16xi32>, vector<16xi32>], vector<16xf32>,
        %parallel_loop3A_1368 = arith.constant 58 : i32
        %parallel_loop3A_1369 = vector.broadcast %parallel_loop3A_1368 : i32 to vector<16xi32>
        %parallel_loop3A_1370 = arith.addi %iota3A, %parallel_loop3A_1369 : vector<16xi32>
        %parallel_loop3A_1371 = arith.constant 63 : i32
        %parallel_loop3A_1372 = vector.broadcast %parallel_loop3A_1371 : i32 to vector<16xi32>
        %parallel_loop3A_1373 = arith.andi %parallel_loop3A_1370, %parallel_loop3A_1372 : vector<16xi32>
        %parallel_loop3A_1374 = tpu.vector_load_idx %arg5[%parallel_loop3A_62, %parallel_loop3A_1373] : memref<256x64xf32, #tpu.memory_space<vmem>>[vector<16xi32>, vector<16xi32>], vector<16xf32>,
        %parallel_loop3A_1375 = arith.cmpf oeq, %parallel_loop3A_1374, %parallel_loop3A_713 : vector<16xf32>
        %parallel_loop3A_1376 = arith.cmpf oeq, %parallel_loop3A_1374, %parallel_loop3A_716 : vector<16xf32>
        %parallel_loop3A_1377 = arith.select %parallel_loop3A_1376, %parallel_loop3A_727, %parallel_loop3A_729 : vector<16xi1>, vector<16xf32>
        %parallel_loop3A_1378 = arith.select %parallel_loop3A_1375, %parallel_loop3A_724, %parallel_loop3A_1377 : vector<16xi1>, vector<16xf32>
        tpu.vector_store_idx %arg6[%parallel_loop3A_62, %parallel_loop3A_1373], %parallel_loop3A_1378 : memref<256x64xf32, #tpu.memory_space<vmem>>[vector<16xi32>, vector<16xi32>], vector<16xf32>,
        %parallel_loop3A_1379 = arith.constant 59 : i32
        %parallel_loop3A_1380 = vector.broadcast %parallel_loop3A_1379 : i32 to vector<16xi32>
        %parallel_loop3A_1381 = arith.addi %iota3A, %parallel_loop3A_1380 : vector<16xi32>
        %parallel_loop3A_1382 = arith.constant 63 : i32
        %parallel_loop3A_1383 = vector.broadcast %parallel_loop3A_1382 : i32 to vector<16xi32>
        %parallel_loop3A_1384 = arith.andi %parallel_loop3A_1381, %parallel_loop3A_1383 : vector<16xi32>
        %parallel_loop3A_1385 = tpu.vector_load_idx %arg5[%parallel_loop3A_62, %parallel_loop3A_1384] : memref<256x64xf32, #tpu.memory_space<vmem>>[vector<16xi32>, vector<16xi32>], vector<16xf32>,
        %parallel_loop3A_1386 = arith.cmpf oeq, %parallel_loop3A_1385, %parallel_loop3A_713 : vector<16xf32>
        %parallel_loop3A_1387 = arith.cmpf oeq, %parallel_loop3A_1385, %parallel_loop3A_716 : vector<16xf32>
        %parallel_loop3A_1388 = arith.select %parallel_loop3A_1387, %parallel_loop3A_727, %parallel_loop3A_729 : vector<16xi1>, vector<16xf32>
        %parallel_loop3A_1389 = arith.select %parallel_loop3A_1386, %parallel_loop3A_724, %parallel_loop3A_1388 : vector<16xi1>, vector<16xf32>
        tpu.vector_store_idx %arg6[%parallel_loop3A_62, %parallel_loop3A_1384], %parallel_loop3A_1389 : memref<256x64xf32, #tpu.memory_space<vmem>>[vector<16xi32>, vector<16xi32>], vector<16xf32>,
        %parallel_loop3A_1390 = arith.constant 60 : i32
        %parallel_loop3A_1391 = vector.broadcast %parallel_loop3A_1390 : i32 to vector<16xi32>
        %parallel_loop3A_1392 = arith.addi %iota3A, %parallel_loop3A_1391 : vector<16xi32>
        %parallel_loop3A_1393 = arith.constant 63 : i32
        %parallel_loop3A_1394 = vector.broadcast %parallel_loop3A_1393 : i32 to vector<16xi32>
        %parallel_loop3A_1395 = arith.andi %parallel_loop3A_1392, %parallel_loop3A_1394 : vector<16xi32>
        %parallel_loop3A_1396 = tpu.vector_load_idx %arg5[%parallel_loop3A_62, %parallel_loop3A_1395] : memref<256x64xf32, #tpu.memory_space<vmem>>[vector<16xi32>, vector<16xi32>], vector<16xf32>,
        %parallel_loop3A_1397 = arith.cmpf oeq, %parallel_loop3A_1396, %parallel_loop3A_713 : vector<16xf32>
        %parallel_loop3A_1398 = arith.cmpf oeq, %parallel_loop3A_1396, %parallel_loop3A_716 : vector<16xf32>
        %parallel_loop3A_1399 = arith.select %parallel_loop3A_1398, %parallel_loop3A_727, %parallel_loop3A_729 : vector<16xi1>, vector<16xf32>
        %parallel_loop3A_1400 = arith.select %parallel_loop3A_1397, %parallel_loop3A_724, %parallel_loop3A_1399 : vector<16xi1>, vector<16xf32>
        tpu.vector_store_idx %arg6[%parallel_loop3A_62, %parallel_loop3A_1395], %parallel_loop3A_1400 : memref<256x64xf32, #tpu.memory_space<vmem>>[vector<16xi32>, vector<16xi32>], vector<16xf32>,
        %parallel_loop3A_1401 = arith.constant 61 : i32
        %parallel_loop3A_1402 = vector.broadcast %parallel_loop3A_1401 : i32 to vector<16xi32>
        %parallel_loop3A_1403 = arith.addi %iota3A, %parallel_loop3A_1402 : vector<16xi32>
        %parallel_loop3A_1404 = arith.constant 63 : i32
        %parallel_loop3A_1405 = vector.broadcast %parallel_loop3A_1404 : i32 to vector<16xi32>
        %parallel_loop3A_1406 = arith.andi %parallel_loop3A_1403, %parallel_loop3A_1405 : vector<16xi32>
        %parallel_loop3A_1407 = tpu.vector_load_idx %arg5[%parallel_loop3A_62, %parallel_loop3A_1406] : memref<256x64xf32, #tpu.memory_space<vmem>>[vector<16xi32>, vector<16xi32>], vector<16xf32>,
        %parallel_loop3A_1408 = arith.cmpf oeq, %parallel_loop3A_1407, %parallel_loop3A_713 : vector<16xf32>
        %parallel_loop3A_1409 = arith.cmpf oeq, %parallel_loop3A_1407, %parallel_loop3A_716 : vector<16xf32>
        %parallel_loop3A_1410 = arith.select %parallel_loop3A_1409, %parallel_loop3A_727, %parallel_loop3A_729 : vector<16xi1>, vector<16xf32>
        %parallel_loop3A_1411 = arith.select %parallel_loop3A_1408, %parallel_loop3A_724, %parallel_loop3A_1410 : vector<16xi1>, vector<16xf32>
        tpu.vector_store_idx %arg6[%parallel_loop3A_62, %parallel_loop3A_1406], %parallel_loop3A_1411 : memref<256x64xf32, #tpu.memory_space<vmem>>[vector<16xi32>, vector<16xi32>], vector<16xf32>,
        %parallel_loop3A_1412 = arith.constant 62 : i32
        %parallel_loop3A_1413 = vector.broadcast %parallel_loop3A_1412 : i32 to vector<16xi32>
        %parallel_loop3A_1414 = arith.addi %iota3A, %parallel_loop3A_1413 : vector<16xi32>
        %parallel_loop3A_1415 = arith.constant 63 : i32
        %parallel_loop3A_1416 = vector.broadcast %parallel_loop3A_1415 : i32 to vector<16xi32>
        %parallel_loop3A_1417 = arith.andi %parallel_loop3A_1414, %parallel_loop3A_1416 : vector<16xi32>
        %parallel_loop3A_1418 = tpu.vector_load_idx %arg5[%parallel_loop3A_62, %parallel_loop3A_1417] : memref<256x64xf32, #tpu.memory_space<vmem>>[vector<16xi32>, vector<16xi32>], vector<16xf32>,
        %parallel_loop3A_1419 = arith.cmpf oeq, %parallel_loop3A_1418, %parallel_loop3A_713 : vector<16xf32>
        %parallel_loop3A_1420 = arith.cmpf oeq, %parallel_loop3A_1418, %parallel_loop3A_716 : vector<16xf32>
        %parallel_loop3A_1421 = arith.select %parallel_loop3A_1420, %parallel_loop3A_727, %parallel_loop3A_729 : vector<16xi1>, vector<16xf32>
        %parallel_loop3A_1422 = arith.select %parallel_loop3A_1419, %parallel_loop3A_724, %parallel_loop3A_1421 : vector<16xi1>, vector<16xf32>
        tpu.vector_store_idx %arg6[%parallel_loop3A_62, %parallel_loop3A_1417], %parallel_loop3A_1422 : memref<256x64xf32, #tpu.memory_space<vmem>>[vector<16xi32>, vector<16xi32>], vector<16xf32>,
        %parallel_loop3A_1423 = arith.constant 63 : i32
        %parallel_loop3A_1424 = vector.broadcast %parallel_loop3A_1423 : i32 to vector<16xi32>
        %parallel_loop3A_1425 = arith.addi %iota3A, %parallel_loop3A_1424 : vector<16xi32>
        %parallel_loop3A_1426 = arith.constant 63 : i32
        %parallel_loop3A_1427 = vector.broadcast %parallel_loop3A_1426 : i32 to vector<16xi32>
        %parallel_loop3A_1428 = arith.andi %parallel_loop3A_1425, %parallel_loop3A_1427 : vector<16xi32>
        %parallel_loop3A_1429 = tpu.vector_load_idx %arg5[%parallel_loop3A_62, %parallel_loop3A_1428] : memref<256x64xf32, #tpu.memory_space<vmem>>[vector<16xi32>, vector<16xi32>], vector<16xf32>,
        %parallel_loop3A_1430 = arith.cmpf oeq, %parallel_loop3A_1429, %parallel_loop3A_713 : vector<16xf32>
        %parallel_loop3A_1431 = arith.cmpf oeq, %parallel_loop3A_1429, %parallel_loop3A_716 : vector<16xf32>
        %parallel_loop3A_1432 = arith.select %parallel_loop3A_1431, %parallel_loop3A_727, %parallel_loop3A_729 : vector<16xi1>, vector<16xf32>
        %parallel_loop3A_1433 = arith.select %parallel_loop3A_1430, %parallel_loop3A_724, %parallel_loop3A_1432 : vector<16xi1>, vector<16xf32>
        tpu.vector_store_idx %arg6[%parallel_loop3A_62, %parallel_loop3A_1428], %parallel_loop3A_1433 : memref<256x64xf32, #tpu.memory_space<vmem>>[vector<16xi32>, vector<16xi32>], vector<16xf32>,
      } {sc.loop_unroll_factor = 2 : i64, sc.parallel_access}
      %mul3A_54 = arith.constant 256 : i32
      %mul3A_55 = arith.muli %add3A_36, %mul3A_54 : i32
      %add3A_56 = arith.addi %mul3A_2, %mul3A_55 : i32
      "tpu.region"() ({
        %run_scoped3A = tpu.sem_alloc : memref<!tpu.dma_semaphore, #tpu.memory_space<semaphore_mem>>
        %dma_start3A_58 = arith.constant 0 : i32
        %dma_start3A_59 = tpu.memref_slice %arg3[%add3A_56, %dma_start3A_58] : memref<32768x64xf32, #tpu.memory_space<hbm>> -> memref<256x64xf32, #tpu.memory_space<hbm>>
        %dma_start3A_60 = arith.constant 0 : i32
        %dma_start3A_61 = tpu.memref_slice %arg3[%add3A_56, %dma_start3A_60] : memref<32768x64xf32, #tpu.memory_space<hbm>> -> memref<256x64xf32, #tpu.memory_space<hbm>>
        tpu.enqueue_dma source(%arg6 : memref<256x64xf32, #tpu.memory_space<vmem>>) target(%dma_start3A_61 : memref<256x64xf32, #tpu.memory_space<hbm>>) target_semaphore(%run_scoped3A : memref<!tpu.dma_semaphore, #tpu.memory_space<semaphore_mem>>)
        %dma_wait3A_62 = arith.constant 0 : i32
        %dma_wait3A_63 = tpu.memref_slice %arg3[%add3A_56, %dma_wait3A_62] : memref<32768x64xf32, #tpu.memory_space<hbm>> -> memref<256x64xf32, #tpu.memory_space<hbm>>
        %dma_wait3A_64 = arith.constant 0 : i32
        %dma_wait3A_65 = tpu.memref_slice %arg3[%add3A_56, %dma_wait3A_64] : memref<32768x64xf32, #tpu.memory_space<hbm>> -> memref<256x64xf32, #tpu.memory_space<hbm>>
        tpu.wait_dma2 semaphore(%run_scoped3A : memref<!tpu.dma_semaphore, #tpu.memory_space<semaphore_mem>>) src(%arg6 : memref<256x64xf32, #tpu.memory_space<vmem>>) dst(%dma_wait3A_65 : memref<256x64xf32, #tpu.memory_space<hbm>>)
        tpu.yield
      }) : () -> ()
      %scan3A_57 = arith.constant 0 : i32
      scf.yield %scan3A_57 : i32
    }
    %scan3A_11 = arith.constant 2 : i32
    return
  }
}

module attributes {stable_mosaic.version = 14 : i64} {
  func.func @_mlp_body(%arg0: i32, %arg1: memref<4096x768xf32, #tpu.memory_space<vmem>>, %arg2: memref<768x192xf32, #tpu.memory_space<vmem>>, %arg3: memref<1x192xf32, #tpu.memory_space<vmem>>, %arg4: memref<192x64xf32, #tpu.memory_space<vmem>>, %arg5: memref<1x64xf32, #tpu.memory_space<vmem>>, %arg6: memref<4096x64xf32, #tpu.memory_space<vmem>>) attributes {dimension_semantics = [#tpu.dimension_semantics<arbitrary>], iteration_bounds = array<i64: 8>, scalar_prefetch = 0 : i64, scratch_operands = 0 : i64, tpu.core_type = #tpu.core_type<tc>, window_params = [{transform_indices = @transform_0, window_bounds = array<i64: 4096, 768>}, {pipeline_mode = #tpu.pipeline_mode<synchronous>, transform_indices = @transform_1, window_bounds = array<i64: 768, 192>}, {pipeline_mode = #tpu.pipeline_mode<synchronous>, transform_indices = @transform_2, window_bounds = array<i64: 1, 192>}, {pipeline_mode = #tpu.pipeline_mode<synchronous>, transform_indices = @transform_3, window_bounds = array<i64: 192, 64>}, {pipeline_mode = #tpu.pipeline_mode<synchronous>, transform_indices = @transform_4, window_bounds = array<i64: 1, 64>}, {transform_indices = @transform_5, window_bounds = array<i64: 4096, 64>}]} {
    %get3A = arith.constant 0 : index
    %get3A_0 = arith.constant 0 : index
    %get3A_1 = vector.load %arg1[%get3A, %get3A_0] : memref<4096x768xf32, #tpu.memory_space<vmem>>, vector<4096x768xf32>
    %get3A_2 = arith.constant 0 : index
    %get3A_3 = arith.constant 0 : index
    %get3A_4 = vector.load %arg2[%get3A_2, %get3A_3] : memref<768x192xf32, #tpu.memory_space<vmem>>, vector<768x192xf32>
    %dot_general3A = arith.constant dense<0.000000e+00> : vector<4096x192xf32>
    %dot_general3A_5 = tpu.matmul %get3A_1, %get3A_4, %dot_general3A {dimension_numbers = #tpu.dot_dimension_numbers<[1], [0], [0], [1], [0, 0, 1, 1], [], []>, transpose_lhs_hint = false} : vector<4096x768xf32>, vector<768x192xf32>, vector<4096x192xf32> -> vector<4096x192xf32>
    %get3A_6 = arith.constant 0 : index
    %get3A_7 = arith.constant 0 : index
    %get3A_8 = vector.load %arg3[%get3A_6, %get3A_7] : memref<1x192xf32, #tpu.memory_space<vmem>>, vector<1x192xf32>
    %add3A = vector.broadcast %get3A_8 : vector<1x192xf32> to vector<4096x192xf32>
    %add3A_9 = arith.addf %dot_general3A_5, %add3A : vector<4096x192xf32>
    %tanh3A = math.tanh %add3A_9 : vector<4096x192xf32>
    %get3A_10 = arith.constant 0 : index
    %get3A_11 = arith.constant 0 : index
    %get3A_12 = vector.load %arg4[%get3A_10, %get3A_11] : memref<192x64xf32, #tpu.memory_space<vmem>>, vector<192x64xf32>
    %dot_general3A_13 = arith.constant dense<0.000000e+00> : vector<4096x64xf32>
    %dot_general3A_14 = tpu.matmul %tanh3A, %get3A_12, %dot_general3A_13 {dimension_numbers = #tpu.dot_dimension_numbers<[1], [0], [0], [1], [0, 0, 1, 1], [], []>, transpose_lhs_hint = false} : vector<4096x192xf32>, vector<192x64xf32>, vector<4096x64xf32> -> vector<4096x64xf32>
    %get3A_15 = arith.constant 0 : index
    %get3A_16 = arith.constant 0 : index
    %get3A_17 = vector.load %arg5[%get3A_15, %get3A_16] : memref<1x64xf32, #tpu.memory_space<vmem>>, vector<1x64xf32>
    %add3A_18 = vector.broadcast %get3A_17 : vector<1x64xf32> to vector<4096x64xf32>
    %add3A_19 = arith.addf %dot_general3A_14, %add3A_18 : vector<4096x64xf32>
    %swap3A = arith.constant 0 : index
    %swap3A_20 = arith.constant 0 : index
    %swap3A_21 = vector.load %arg6[%swap3A, %swap3A_20] : memref<4096x64xf32, #tpu.memory_space<vmem>>, vector<4096x64xf32>
    tpu.vector_store %arg6[%swap3A, %swap3A_20], %add3A_19 {strides = array<i32>} : memref<4096x64xf32, #tpu.memory_space<vmem>>, vector<4096x64xf32>,
    return
  }
  func.func @transform_0(%arg0: i32) -> (i32, i32) {
    %c0_i32 = arith.constant 0 : i32
    %c0_i32_0 = arith.constant 0 : i32
    return %arg0, %c0_i32 : i32, i32
  }
  func.func @transform_1(%arg0: i32) -> (i32, i32) {
    %c0_i32 = arith.constant 0 : i32
    %c0_i32_0 = arith.constant 0 : i32
    %c0_i32_1 = arith.constant 0 : i32
    return %c0_i32, %c0_i32_0 : i32, i32
  }
  func.func @transform_2(%arg0: i32) -> (i32, i32) {
    %c0_i32 = arith.constant 0 : i32
    %c0_i32_0 = arith.constant 0 : i32
    %c0_i32_1 = arith.constant 0 : i32
    return %c0_i32, %c0_i32_0 : i32, i32
  }
  func.func @transform_3(%arg0: i32) -> (i32, i32) {
    %c0_i32 = arith.constant 0 : i32
    %c0_i32_0 = arith.constant 0 : i32
    %c0_i32_1 = arith.constant 0 : i32
    return %c0_i32, %c0_i32_0 : i32, i32
  }
  func.func @transform_4(%arg0: i32) -> (i32, i32) {
    %c0_i32 = arith.constant 0 : i32
    %c0_i32_0 = arith.constant 0 : i32
    %c0_i32_1 = arith.constant 0 : i32
    return %c0_i32, %c0_i32_0 : i32, i32
  }
  func.func @transform_5(%arg0: i32) -> (i32, i32) {
    %c0_i32 = arith.constant 0 : i32
    %c0_i32_0 = arith.constant 0 : i32
    return %arg0, %c0_i32 : i32, i32
  }
}

</mosaic_0001>

<sc_bundles>
// kernel: kernel.4.cloned.1.call-start
scs
__scs_entry_jumppad:
0x0: {  	(pc) =	sbr.rel $0x88, $3  }
0x1: {  	(tag) =	ssettag $0x0;
	lr =	simm.s32 $0x1  }
0x2: {  	[smem:$0x3F9C] =	sst lr;
	_ =	strace $0xD0000000  }
0x3: {  	_ = 	snop  }
0x4: {  	_ = 	snop  }
0x5: {  	_ = 	snop  }
0x6: {  	_ = 	snop  }
0x7: {  	_ = 	snop  }
__scs_overlays_trampoline_lowered:
0x8: {  	[smem:$0x3FAB] =	sst s0  }
0x9: {  	[smem:$0x3FAC] =	sst s1  }
0xa: {  	[smem:$0x3FAD] =	sst s2  }
0xb: {  	[smem:$0x3FAE] =	sst s3  }
0xc: {  	[smem:$0x3FAF] =	sst s4  }
0xd: {  	[smem:$0x3FB0] =	sst s5  }
0xe: {  	[smem:$0x3FB1] =	sst s6  }
0xf: {  	[smem:$0x3FB2] =	sst s7  }
0x10: {  	[smem:$0x3FB3] =	sst s8  }
0x11: {  	[smem:$0x3FB4] =	sst s9;
	s0 =	simm.s32 @!p0 $0x0  }
0x12: {  	s1 =	sld [smem:$0x3F9A];
	s0 =	simm.s32 @p0 $0x1  }
0x13: {  	[smem:$0x3FB5] =	sst s0;
	s0 =	simm.s32 @!p1 $0x0  }
0x14: {  	s2 =	sld [smem:$0x3F99];
	s0 =	simm.s32 @p1 $0x1  }
0x15: {  	[smem:$0x3FB6] =	sst s0;
	s0 =	simm.s32 @!p2 $0x0  }
0x16: {  	s3 =	sld [smem:$0x3FDB];
	s0 =	simm.s32 @p2 $0x1  }
0x17: {  	s4 =	simm.s32 $0x1BF5;
	[smem:$0x3FB8] =	sst s0  }
0x18: {  	s0 =	sld [smem:$0x3F9B];
	_ =	swait.ge [sflag:s4], $0x0  }
0x19: {  	s7 =	sld [smem:$0x3F9C]  }
0x1a: {  	s8 =	sadd.s32 $0xFFFFE003, lr  }
0x1b: {  	s9 =	sadd.s32 $0xFFFFFEF7, lr;
	s5 =	simm.s32 $0xFFFFFFFF;
	p2 =	slt.u32 s8, $0xFFFFF086  }
0x1c: {  	p1 =	slt.u32 s9, $0xF7A;
	s5 =	simm.s32 @!p2 $0x0  }
0x1d: {  	s5 =	simm.s32 @p1 $0x1;
	p0 =	seq.s32 s7, s2  }
0x1e: {  	s7 =	smul.u32 @!p0 $0xF7A, s2;
	p2 =	seq.s32 @!p0 s5, $0x0  }
0x1f: {  	s9 =	smul.u32 $0xF7A, s1;
	s8 =	simm.s32 @!p0 $0x1BF5;
	p2 =	por !p2, p0  }
0x20: {  	[sflag:s8] =	ssyncset.s32 @!p0 $0xFFFFF086;
	s6 =	sadd.s32 @!p0 s3, s7;
	s7 =	simm.s32 @!p0 $0x108  }
0x21: {  	s3 =	sadd.s32 s3, s9;
	s6 =	sadd.s32 @!p0 $0x88, s6;
	s7 =	simm.s32 @p2 $0x1082  }
0x22: {  	[simem:s7], [sflag:s8] =	dma.local @!p0 [hbm:s6], $0xF7A  }
0x23: {  	s9 =	sor.u32 $0xD0000000, s2;
	s6 =	simm.s32 $0x108;
	_ =	swait.ge @!p0 [sflag:s8], $0x0  }
0x24: {  	s3 =	sadd.s32 $0x88, s3;
	s6 =	simm.s32 @!p1 $0x1082;
	[sflag:s4] =	ssyncset.s32 $0xFFFFF086  }
0x25: {  	[simem:s6], [sflag:s4] =	dma.local [hbm:s3], $0xF7A  }
0x26: {  	[smem:$0x3F9C] =	sst s1;
	(tag) =	ssettag s2;
	_ =	strace s9  }
0x27: {  	s1 =	sld [smem:$0x3FAC]  }
0x28: {  	s2 =	sld [smem:$0x3FAD]  }
0x29: {  	s4 =	sld [smem:$0x3FAF]  }
0x2a: {  	p0 =	seq.s32 s5, $0x0;
	s5 =	sld [smem:$0x3FB0]  }
0x2b: {  	s6 =	sld [smem:$0x3FB1]  }
0x2c: {  	s7 =	sld [smem:$0x3FB2]  }
0x2d: {  	s3 =	simm.s32 $0x108;
	s8 =	sld [smem:$0x3FB3]  }
0x2e: {  	s3 =	simm.s32 @!p0 $0x1082;
	s9 =	sld [smem:$0x3FB4]  }
0x2f: {  	lr =	sadd.s32 s0, s3;
	s0 =	sld [smem:$0x3FAB]  }
0x30: {  	s3 =	sld [smem:$0x3FAE]  }
0x31: {  	[smem:$0x3FB7] =	sst s10  }
0x32: {  	s10 =	sld [smem:$0x3FB5];
	_ =	sdelay $0x3  }
0x33: {  	p0 =	seq.s32 s10, $0x1;
	s10 =	sld [smem:$0x3FB7];
	_ =	sdelay $0x3  }
0x34: {  	[smem:$0x3FB7] =	sst s10  }
0x35: {  	s10 =	sld [smem:$0x3FB6];
	_ =	sdelay $0x3  }
0x36: {  	p1 =	seq.s32 s10, $0x1;
	s10 =	sld [smem:$0x3FB7];
	_ =	sdelay $0x3  }
0x37: {  	[smem:$0x3FB7] =	sst s10  }
0x38: {  	s10 =	sld [smem:$0x3FB8]  }
0x39: {  	_ = 	snop;
	(pc) =	sbr.ind lr, $3  }
0x3a: {  	_ = 	snop  }
0x3b: {  	_ = 	snop  }
0x3c: {  	p2 =	seq.s32 s10, $0x1;
	s10 =	sld [smem:$0x3FB7]  }
0x3d: {  	_ =	shalt  }
0x3e: {  	_ =	shalt  }
0x3f: {  	_ =	shalt  }
0x40: {  	_ =	shalt  }
0x41: {  	_ =	shalt  }
0x42: {  	_ =	shalt  }
0x43: {  	_ =	shalt  }
0x44: {  	_ =	shalt  }
0x45: {  	_ =	shalt  }
0x46: {  	_ =	shalt  }
0x47: {  	_ =	shalt  }
0x48: {  	_ =	shalt  }
0x49: {  	_ =	shalt  }
0x4a: {  	_ =	shalt  }
0x4b: {  	_ =	shalt  }
0x4c: {  	_ =	shalt  }
0x4d: {  	_ =	shalt  }
0x4e: {  	_ =	shalt  }
0x4f: {  	_ =	shalt  }
0x50: {  	_ =	shalt  }
0x51: {  	_ =	shalt  }
0x52: {  	_ =	shalt  }
0x53: {  	_ =	shalt  }
0x54: {  	_ =	shalt  }
0x55: {  	_ =	shalt  }
0x56: {  	_ =	shalt  }
0x57: {  	_ =	shalt  }
0x58: {  	_ =	shalt  }
0x59: {  	_ =	shalt  }
0x5a: {  	_ =	shalt  }
0x5b: {  	_ =	shalt  }
0x5c: {  	_ =	shalt  }
0x5d: {  	_ =	shalt  }
0x5e: {  	_ =	shalt  }
0x5f: {  	_ =	shalt  }
0x60: {  	_ =	shalt  }
0x61: {  	_ =	shalt  }
0x62: {  	_ =	shalt  }
0x63: {  	_ =	shalt  }
0x64: {  	_ =	shalt  }
0x65: {  	_ =	shalt  }
0x66: {  	_ =	shalt  }
0x67: {  	_ =	shalt  }
0x68: {  	_ =	shalt  }
0x69: {  	_ =	shalt  }
0x6a: {  	_ =	shalt  }
0x6b: {  	_ =	shalt  }
0x6c: {  	_ =	shalt  }
0x6d: {  	_ =	shalt  }
0x6e: {  	_ =	shalt  }
0x6f: {  	_ =	shalt  }
0x70: {  	_ =	shalt  }
0x71: {  	_ =	shalt  }
0x72: {  	_ =	shalt  }
0x73: {  	_ =	shalt  }
0x74: {  	_ =	shalt  }
0x75: {  	_ =	shalt  }
0x76: {  	_ =	shalt  }
0x77: {  	_ =	shalt  }
0x78: {  	_ =	shalt  }
0x79: {  	_ =	shalt  }
0x7a: {  	_ =	shalt  }
0x7b: {  	_ =	shalt  }
0x7c: {  	_ =	shalt  }
0x7d: {  	_ =	shalt  }
0x7e: {  	_ =	shalt  }
0x7f: {  	_ =	shalt  }
0x80: {  	_ =	shalt  }
0x81: {  	_ =	shalt  }
0x82: {  	_ =	shalt  }
0x83: {  	_ =	shalt  }
0x84: {  	_ =	shalt  }
0x85: {  	_ =	shalt  }
0x86: {  	_ =	shalt  }
0x87: {  	_ =	shalt  }
.Lfunc_end0:
.L_simem_size_0:
called_computation_lowered:
.L_overlay_start_0:
0x88: {  	s2 =	sld [smem:$0x3FD9]  }
0x89: {  	s3 =	sld [smem:$0x3FFE];
	_ =	sdelay $0x1  }
0x8a: {  	s1 =	srdreg.scid  }
0x8b: {  	s0 =	sand.u32 $0x1, s1  }
0x8c: {  	s16 =	sshll.u32 s0, $0xA;
	s2 =	sadd.s32 s3, s2  }
0x8d: {  	s2 =	sadd.s32 s2, s16  }
0x8e: {  	[smem:$0x3FC3] =	sst s2  }
0x8f: {  	_ = 	snop  }
0x90: {  	(tm) =	ssettm $0x1  }
0x91: {  	s17 =	sld [smem:$0x3FFB];
	_ =	sdelay $0x3  }
0x92: {  	_ =	strace s17  }
0x93: {  	s2 =	sld [smem:$0x3FFC];
	_ =	sdelay $0x3  }
0x94: {  	_ =	strace s2  }
0x95: {  	s2 =	sld [smem:$0x3FFD];
	_ =	sdelay $0x3  }
0x96: {  	_ =	strace s2  }
0x97: {  	_ =	strace $0x8FFFFFFF  }
0x98: {  	s18 =	sld [smem:$0x3FDB];
	_ =	sdelay $0x1  }
0x99: {  	s19 =	simm.s32 $_scs_section_size  }
0x9a: {  	s4 =	simm.s32 $_size__tile_overlayer_lowered;
	s5 =	simm.s32 $_tile_overlayer_lowered  }
0x9b: {  	s22 =	simm.s32 $0x1BFF;
	s21 =	sshll.u32 s5, $0x1;
	s2 =	sadd.s32 s19, s18  }
0x9c: {  	s6 =	simm.s32 $0x0;
	s20 =	sshll.u32 s4, $0x1;
	s4 =	sadd.s32 s21, s2  }
0x9d: {  	[timem:s6], [sflag:s22] =	dma.local [hbm:s4], s20  }
0x9e: {  	_ =	swait.ge [sflag:s22], s20  }
0x9f: {  	s3 =	ssub.s32 $0x0, s20;
	[sflag:s22] =	ssyncset.done $0x0  }
0xa0: {  	[sflag:s22] =	ssyncadd.s32 s3;
	_ =	sdelay $0x1  }
0xa1: {  	s23 =	simm.s32 $0x1B8B  }
0xa2: {  	_ =	swait.ge [sflag:s23], $0x1  }
0xa3: {  	[sflag:s23] =	ssyncset.done $0x0  }
0xa4: {  	s25 =	simm.s32 $0x1B8E;
	s24 =	sld [smem:$0x3FFE];
	[sflag:s23] =	ssyncadd.s32 $0xFFFFFFFF  }
0xa5: {  	s26 =	simm.s32 $execute0_lowered;
	[smem:$0x3FD2] =	sst s25  }
0xa6: {  	s4 =	sshll.u32 s26, $0x1;
	_ =	strace $0x80000046;
	[dreg:$0x1] =	wrdreg $0xFFFFFFFF  }
0xa7: {  	s28 =	simm.s32 $_size_execute0_lowered;
	s2 =	sadd.s32 s2, s4;
	[dreg:$0x0] =	wrdreg $0x0  }
0xa8: {  	s4 =	sshll.u32 s28, $0x1;
	[dreg:$0x2] =	wrdreg s2  }
0xa9: {  	[dreg:$0x3] =	wrdreg s4  }
0xaa: {  	[dreg:$0x4] =	wrdreg $0xC0  }
0xab: {  	_ =	task [dreg:s6], $0x5FFFF  }
0xac: {  	[dreg:$0x1] =	wrdreg $0xFFFFFFFF  }
0xad: {  	[dreg:$0x0] =	wrdreg $0x60  }
0xae: {  	[dreg:$0x2] =	wrdreg s24  }
0xaf: {  	[dreg:$0x3] =	wrdreg $0x9  }
0xb0: {  	_ =	task.clear_ibuf [dreg:s6], $0x4FFFF;
	_ =	strace $0x90000046  }
0xb1: {  	s29 =	simm.s32 $0x9;
	_ =	strace $0x80000048  }
0xb2: {  	_ =	swait.ge [sflag:s29], $0x1  }
0xb3: {  	[sflag:s29] =	ssyncadd.s32 $0xFFFFFFFF  }
0xb4: {  	_ =	strace $0x90000048  }
0xb5: {  	_ =	sfence  }
0xb6: {  	s30 =	sld [smem:$0x0];
	_ =	sdelay $0x2  }
0xb7: {  	s31 =	sshll.u32 s1, $0xD;
	s1 =	sshrl.u32 s1, $0x2  }
0xb8: {  	s3 =	sand.u32 $0x4000, s31;
	s1 =	sadd.s32 s1, s30  }
0xb9: {  	s0 =	sor.u32 s3, s0;
	s1 =	sshll.u32 s1, $0x11  }
0xba: {  	s0 =	sor.u32 s1, s0  }
0xbb: {  	s0 =	sadd.s32 $0x8F2B, s0  }
0xbc: {  	[sflag:s0] =	ssyncadd.remote.s32 $0x1  }
0xbd: {  	_ =	sfence.sel $0xFFFF  }
0xbe: {  	[dreg:$0x0] =	wrdreg $0xFFFFFFFF;
	(pc) =	sbr.abs _section_cstart, $3  }
0xbf: {  	[dreg:$0x1] =	wrdreg $0xFFFFFFFF  }
0xc0: {  	_ =	task.clear_ibuf [dreg:s6], $0x2FFFF;
	_ =	strace $0x9FFFFFFF  }
0xc1: {  	(tm) =	ssettm $0x7FFFFFFF  }
tec
execute0_lowered:
.L_overlay_start_1:
0x0: {  	(tag) =	ssettag $0x1  }
0x1: {  	v13 =	vlaneseq.u32;
	v23 =	vimm.s32 $0x34333231;
	v39 =	vimm.s32 $0x38373635  }
0x2: {  	v2 =	vimm.s32 $0x3C3B3A39;
	v3 =	vimm.s32 $0x3F3E3D;
	vm0 =	vcmask $0x1F10  }
0x3: {  	v54 =	vimm.s32 $0x35343332;
	v56 =	vimm.s32 $0x39383736;
	v0 =	vadd.s32 $0x1, v13  }
0x4: {  	v57 =	vimm.s32 $0x3D3C3B3A;
	v6 =	vimm.s32 $0x1003F3E;
	v10 =	vadd.s32 $0x2, v13;
	[tilespmem:$0x1FB70] =	vst v0  }
0x5: {  	v61 =	vimm.s32 $0x36353433;
	v62 =	vimm.s32 $0x3020100;
	v11 =	vadd.s32 $0x3, v13;
	[tilespmem:$0x1FB80] =	vst v10  }
0x6: {  	v63 =	vimm.s32 $0x3A393837;
	v8 =	vimm.s32 $0x3F3E3D3C;
	v21 =	vadd.s32 $0x4, v13;
	[tilespmem:$0x1FB90] =	vst v11  }
0x7: {  	v18 =	vimm.s32 $0x37363534;
	v19 =	vmul.u32 $0x80, v13;
	v22 =	vadd.s32 $0x5, v13;
	[tilespmem:$0x1FBA0] =	vst v21  }
0x8: {  	v1 =	vadd.s32 $0x22, v13;
	v4 =	vunpack.c.0.s8.s32 v39;
	v5 =	vunpack.c.0.s8.s32 v2;
	[tilespmem:$0x1FBB0] =	vst v22  }
0x9: {  	v53 =	vadd.s32 $0x24, v13;
	v2 =	vunpack.c.0.s8.s32 v54;
	v7 =	vunpack.c.0.s8.s32 v56;
	[tilespmem:$0x1FBC0] =	vst v1  }
0xa: {  	v59 =	vadd.s32 $0x26, v13;
	v54 =	vimm.s32 $0x87654321;
	v0 =	vunpack.c.0.s8.s32 v23;
	[tilespmem:$0x1FBD0] =	vst v53  }
0xb: {  	v1 =	vunpack.c.0.s8.s32 v3;
	[tilespmem:$0x1FC00] =	vst v59;
	v10 =	vimm.s32 $0x3B3A3938;
	v11 =	vunpack.c.0.s8.s32 v8  }
0xc: {  	v53 =	vunpack.c.0.s8.s32 v18;
	[tilespmem:$0x1FBE0] =	vst v4;
	v60 =	vsel vm0, v7, v2;
	v0 =	vsel vm0, v4, v0  }
0xd: {  	[tilespmem:$0x1FBF0] =	vst v5;
	v3 =	vsel vm0, v1, v5;
	v5 =	vunpack.c.0.s8.s32 v57;
	v4 =	vunpack.c.0.s8.s32 v6  }
0xe: {  	[tilespmem:$0x1FC20] =	vst v7;
	v20 =	vunpack.c.0.s8.s32 v10;
	v6 =	vunpack.c.l.s4.s8 v54;
	v0 =	vcombine.low v0, v3  }
0xf: {  	v57 =	vimm.s32 $0x4030201;
	[tilespmem:$0x1FC30] =	vst v5;
	v2 =	vsel vm0, v4, v5;
	v5 =	vunpack.c.0.s8.s32 v62  }
0x10: {  	v56 =	vsel vm0, v20, v53;
	[tilespmem:$0x1FC10] =	vst v0;
	v0 =	vcombine.low v60, v2;
	v60 =	vimm.s32 $0x5040302  }
0x11: {  	[tilespmem:$0x1FC50] =	vst v20;
	v20 =	vimm.s32 $0x98765432;
	v5 =	vsel vm0, v5, v11;
	v8 =	vunpack.c.0.s8.s32 v60  }
0x12: {  	[tilespmem:$0x1FC40] =	vst v0;
	v0 =	vunpack.c.0.s8.s32 v61;
	v61 =	vcombine.low v56, v5;
	v5 =	vunpack.c.0.s8.s32 v57  }
0x13: {  	[tilespmem:$0x1FC80] =	vst v11;
	v6 =	vunpack.c.0.s8.s32 v6;
	v20 =	vunpack.c.l.s4.s8 v20;
	v62 =	vsel vm0, v8, v4  }
0x14: {  	s4 =	rddreg [dreg:$0x0];
	s1 =	simm.s32 $0x0;
	v39 =	vimm.s32 $0x201003F;
	v10 =	vunpack.c.0.s8.s32 v63;
	v5 =	vsel vm0, v5, v1;
	[tilespmem:$0x1FC70] =	vst v62  }
0x15: {  	[smem:$0x7FF] =	sst s1;
	v21 =	vunpack.c.0.s8.s32 v39;
	v6 =	vand.u32 $0xF, v6;
	v63 =	vunpack.c.0.s8.s32 v20;
	[tilespmem:$0x1FC60] =	vst v5  }
0x16: {  	s0 =	rddreg [dreg:$0x1];
	v22 =	vimm.s32 $0x43218765;
	v18 =	vcombine.low v3, v6;
	v0 =	vsel vm0, v10, v0;
	_ =	strace $0x80000047;
	[tilespmem:$0x1FCB0] =	vst v10  }
0x17: {  	v6 =	vunpack.c.l.s4.s8 v22;
	v22 =	vimm.s32 $0xA9876543;
	v3 =	vand.u32 $0xF, v63;
	[tilespmem:$0x1FCC0] =	vst v0  }
0x18: {  	v53 =	vcombine.low v2, v3;
	v3 =	vunpack.c.l.s4.s8 v22;
	v22 =	vadd.s32 $0x29, v13;
	[tilespmem:$0x1FCE0] =	vst v21  }
0x19: {  	[tilespmem:$0x1FD40] =	vst v22  }
0x1a: {  	v27 =	vadd.s32 $0x6, v13;
	[tilespmem:$0x1FDC0] =	vst v19  }
0x1b: {  	v58 =	vadd.s32 $0x7, v13;
	[tilespmem:$0x1FDD0] =	vst v27  }
0x1c: {  	v14 =	vadd.s32 $0x8, v13;
	[tilespmem:$0x1FDE0] =	vst v58  }
0x1d: {  	v12 =	vadd.s32 $0x9, v13;
	[tilespmem:$0x1FDF0] =	vst v14  }
0x1e: {  	v31 =	vadd.s32 $0xA, v13;
	[tilespmem:$0x1FE00] =	vst v12  }
0x1f: {  	v32 =	vadd.s32 $0xB, v13;
	[tilespmem:$0x1FE10] =	vst v31  }
0x20: {  	v33 =	vadd.s32 $0xC, v13;
	[tilespmem:$0x1FE20] =	vst v32  }
0x21: {  	v34 =	vadd.s32 $0xD, v13;
	[tilespmem:$0x1FE30] =	vst v33  }
0x22: {  	v35 =	vadd.s32 $0xE, v13;
	[tilespmem:$0x1FE40] =	vst v34  }
0x23: {  	v36 =	vadd.s32 $0xF, v13;
	[tilespmem:$0x1FE50] =	vst v35  }
0x24: {  	v37 =	vor.u32 $0x10, v13;
	[tilespmem:$0x1FE60] =	vst v36  }
0x25: {  	v38 =	vadd.s32 $0x11, v13;
	[tilespmem:$0x1FE70] =	vst v37  }
0x26: {  	v40 =	vadd.s32 $0x12, v13;
	[tilespmem:$0x1FE80] =	vst v38  }
0x27: {  	v41 =	vadd.s32 $0x13, v13;
	[tilespmem:$0x1FE90] =	vst v40  }
0x28: {  	v42 =	vadd.s32 $0x14, v13;
	[tilespmem:$0x1FEA0] =	vst v41  }
0x29: {  	v43 =	vadd.s32 $0x15, v13;
	[tilespmem:$0x1FEB0] =	vst v42  }
0x2a: {  	v26 =	vadd.s32 $0x16, v13;
	[tilespmem:$0x1FEC0] =	vst v43  }
0x2b: {  	v44 =	vadd.s32 $0x17, v13;
	[tilespmem:$0x1FED0] =	vst v26  }
0x2c: {  	v46 =	vadd.s32 $0x18, v13;
	[tilespmem:$0x1FEE0] =	vst v44  }
0x2d: {  	v45 =	vadd.s32 $0x19, v13;
	[tilespmem:$0x1FEF0] =	vst v46  }
0x2e: {  	v47 =	vadd.s32 $0x1A, v13;
	[tilespmem:$0x1FF00] =	vst v45  }
0x2f: {  	v48 =	vadd.s32 $0x1B, v13;
	[tilespmem:$0x1FF10] =	vst v47  }
0x30: {  	v50 =	vadd.s32 $0x1C, v13;
	[tilespmem:$0x1FF20] =	vst v48  }
0x31: {  	v16 =	vadd.s32 $0x1D, v13;
	[tilespmem:$0x1FF30] =	vst v50  }
0x32: {  	v49 =	vadd.s32 $0x1E, v13;
	[tilespmem:$0x1FF40] =	vst v16  }
0x33: {  	v17 =	vadd.s32 $0x1F, v13;
	[tilespmem:$0x1FF50] =	vst v49  }
0x34: {  	v55 =	vor.u32 $0x20, v13;
	v59 =	vimm.s32 $0x32107654;
	[tilespmem:$0x1FF60] =	vst v17  }
0x35: {  	v51 =	vadd.s32 $0x21, v13;
	v7 =	vunpack.c.l.s4.s8 v59;
	[tilespmem:$0x1FF70] =	vst v55  }
0x36: {  	v52 =	vadd.s32 $0x23, v13;
	[tilespmem:$0x1FF80] =	vst v51  }
0x37: {  	vm1 =	vcmask $0x2F10;
	v15 =	vadd.s32 $0x25, v13;
	v7 =	vunpack.c.0.s8.s32 v7;
	[tilespmem:$0x1FF90] =	vst v52  }
0x38: {  	vm2 =	vcmask $0x3F30;
	v23 =	vimm.s32 $0xB0A0908;
	v39 =	vimm.s32 $0x54329876;
	[tilespmem:$0x1FFA0] =	vst v15  }
0x39: {  	v9 =	vand.u32 $0xF, v7;
	v7 =	vunpack.c.0.s8.s32 v23;
	v60 =	vunpack.c.l.s4.s8 v39;
	[tilespmem:$0x1FFB0] =	vst v61  }
0x3a: {  	v63 =	vimm.s32 $0xC0B0A09;
	v5 =	vsel vm1, v9, v11;
	v11 =	vimm.s32 $0x6050403;
	[tilespmem:$0x1FFC0] =	vst v18  }
0x3b: {  	v2 =	vunpack.c.0.s8.s32 v60;
	v60 =	vunpack.c.0.s8.s32 v11;
	v11 =	vadd.s32 $0x27, v13;
	[tilespmem:$0x1FFD0] =	vst v53  }
0x3c: {  	v56 =	vsel vm2, v7, v5;
	v5 =	vunpack.c.0.s8.s32 v63;
	v63 =	vimm.s32 $0x3E3D3C3B;
	[tilespmem:$0x1FD20] =	vst v11  }
0x3d: {  	v6 =	vunpack.c.0.s8.s32 v6;
	v7 =	vunpack.c.0.s8.s32 v63;
	v63 =	vor.u32 $0x30, v13;
	[tilespmem:$0x1FFE0] =	vst v56  }
0x3e: {  	v54 =	vimm.s32 $0xD0C0B0A;
	v3 =	vunpack.c.0.s8.s32 v3;
	[tilespmem:$0x1FDB0] =	vst v63  }
0x3f: {  	v57 =	vimm.s32 $0xE0D0C0B;
	v62 =	vand.u32 $0xF, v6;
	v8 =	vsel vm0, v60, v21;
	[tilespmem:$0x1FCD0] =	vst v7  }
0x40: {  	v23 =	vand.u32 $0xF, v2;
	v1 =	vsel vm1, v62, v1;
	v10 =	vand.u32 $0xF, v3;
	[tilespmem:$0x1FCF0] =	vst v8  }
0x41: {  	v59 =	vsel vm2, v5, v1;
	v1 =	vsel vm1, v23, v4;
	v23 =	vadd.s32 $0x2A, v13;
	[tilespmem:$0x1FD10] =	vst v10  }
0x42: {  	v9 =	vimm.s32 $0x6543A987;
	v4 =	vunpack.c.0.s8.s32 v54;
	v54 =	vadd.s32 $0x2C, v13;
	[tilespmem:$0x1FD50] =	vst v23  }
0x43: {  	v6 =	vunpack.c.l.s4.s8 v9;
	v5 =	vunpack.c.0.s8.s32 v57;
	v57 =	vadd.s32 $0x2D, v13;
	[tilespmem:$0x1FD70] =	vst v54  }
0x44: {  	v60 =	vadd.s32 $0x2E, v13;
	[tilespmem:$0x1FD80] =	vst v57  }
0x45: {  	s5 =	srdreg.scid;
	v39 =	vunpack.c.0.s8.s32 v6;
	[tilespmem:$0x1FD90] =	vst v60  }
0x46: {  	s2 =	stileid.u32;
	s10 =	simm.s32 $0x1;
	s11 =	simm.s32 $0x8000;
	[tilespmem:$0x1FFF0] =	vst v59;
	v1 =	vsel vm2, v4, v1  }
0x47: {  	s12 =	simm.s32 $0x10000;
	s13 =	simm.s32 $0x3;
	s14 =	simm.s32 $0x2;
	v62 =	vimm.s32 $0x76543210;
	v2 =	vand.u32 $0xF, v39;
	v39 =	vadd.s32 $0x2B, v13;
	[tilespmem:$0x1FC90] =	vst v1  }
0x48: {  	s15 =	simm.s32 $0x0;
	s3 =	sadd.s32 $0xC00, s4;
	s5 =	sand.u32 $0x1, s5;
	v2 =	vsel vm1, v2, v21;
	v1 =	vunpack.c.l.s4.s8 v62;
	v21 =	vadd.s32 $0x28, v13;
	[tilespmem:$0x1FD60] =	vst v39  }
0x49: {  	s7 =	sshll.u32 s2, $0xF;
	s6 =	ssub.s32 $0x2, s5;
	s5 =	sshll.u32 s5, $0xE;
	v62 =	vadd.s32 $0x2F, v13;
	[tilespmem:$0x1FD30] =	vst v21  }
0x4a: {  	s4 =	sadd.s32 $0x80C00, s4;
	s8 =	sshrl.u32 s6, $0x1;
	s7 =	sor.u32 s5, s7;
	v2 =	vsel vm2, v5, v2;
	[tilespmem:$0x1FDA0] =	vst v62;
	v9 =	vunpack.c.0.s8.s32 v1  }
0x4b: {  	s9 =	ssub.s32 s6, s8;
	s5 =	sadd.s32 s3, s7;
	s6 =	sor.u32 $0x1000, s7;
	[tilespmem:$0x1FCA0] =	vst v2  }
0x4c: {  	s7 =	sadd.s32 s4, s7;
	s8 =	sadd.s32 $0x2000, s5;
	s9 =	smax.u32 s9, $0x1;
	[tilespmem:$0x1FD00] =	vst v9  }
.LBB2_1:
0x4d: {  	[tilespmem:s1], [sflag:$0x1] =	stream.linear.gather [hbm4b:s5+s1], $0x8000, $0x38;
	[tilespmem:$0x18000] =	vst v63  }
0x4e: {  	p1 =	por $0x1, $0x1;
	s17 =	simm.s32 $0x0  }
.LBB2_2:
0x4f: {  	_ =	swait.ge [sflag:s10], $0x8000  }
0x50: {  	s16 =	sor.u32 s6, s17;
	[sflag:s10] =	ssyncset.done $0x0  }
0x51: {  	s18 =	sadd.s32 s3, s16;
	[sflag:s10] =	ssyncadd.s32 $0xFFFF8000  }
0x52: {  	[tilespmem:s11], [sflag:$0x2] =	stream.linear.gather [hbm4b:s18+s1], $0x8000, $0x38;
	[tilespmem:$0x18000] =	vst v63  }
0x53: {  	p0 =	por p1, p1;
	s19 =	simm.s32 $0x10;
	s18 =	simm.s32 $0xFFFFFFFE  }
.LBB2_3:
0x54: {  	v57 =	vld [tilespmem:$0x1FB90];
	s20 =	sadd.s32 $0xFFFFFFF0, s19  }
0x55: {  	v0 =	vmov s20;
	v54 =	vmov v27;
	v27 =	vld [tilespmem:$0x1FB70]  }
0x56: {  	v0 =	vshll.u32 v0, $0x7;
	v20 =	vmov v16;
	v16 =	vmov v33;
	v33 =	vld [tilespmem:$0x1FB80]  }
0x57: {  	v1 =	vlaneseq.u32;
	v0 =	vor.u32 v19, v0  }
0x58: {  	v62 =	vmov v31;
	v31 =	vld [tilespmem:$0x1FBA0];
	v1 =	vor.u32 v1, v0  }
0x59: {  	v63 =	vmov v32;
	v32 =	vld [tilespmem:$0x1FBB0];
	v4 =	vor.u32 v57, v0;
	[tilespmem:$0x1F5C0] =	vst v1  }
0x5a: {  	v7 =	vor.u32 v54, v0;
	[tilespmem:$0x1F600] =	vst v4;
	v2 =	vor.u32 v27, v0  }
0x5b: {  	v59 =	vmov v14;
	v10 =	vor.u32 v58, v0;
	[tilespmem:$0x1F660] =	vst v7;
	v3 =	vor.u32 v33, v0  }
0x5c: {  	v13 =	vor.u32 v59, v0;
	[tilespmem:$0x1F680] =	vst v10  }
0x5d: {  	v24 =	vmov v15;
	v15 =	vor.u32 v12, v0;
	[tilespmem:$0x1F6A0] =	vst v13;
	v5 =	vor.u32 v31, v0  }
0x5e: {  	v28 =	vmov v19;
	v19 =	vor.u32 v62, v0;
	[tilespmem:$0x1F6C0] =	vst v15;
	v6 =	vor.u32 v32, v0;
	v14 =	vld.idx.msk [tilespmem:v1+s1+$0x0], $0xffff  }
0x5f: {  	[tilespmem:$0x1F6E0] =	vst v19;
	v1 =	vld.idx.msk [tilespmem:v2+s1+$0x0], $0xffff  }
0x60: {  	[tilespmem:$0x1F5E0] =	vst v2;
	v2 =	vld.idx.msk [tilespmem:v3+s1+$0x0], $0xffff  }
0x61: {  	v21 =	vmov v17;
	v17 =	vor.u32 v63, v0;
	[tilespmem:$0x1F5F0] =	vst v3;
	v3 =	vld.idx.msk [tilespmem:v4+s1+$0x0], $0xffff  }
0x62: {  	[tilespmem:$0x1F700] =	vst v17;
	v4 =	vld.idx.msk [tilespmem:v5+s1+$0x0], $0xffff  }
0x63: {  	[tilespmem:$0x1F620] =	vst v5;
	v5 =	vld.idx.msk [tilespmem:v6+s1+$0x0], $0xffff  }
0x64: {  	v39 =	vmov v18;
	v18 =	vmov v26;
	v26 =	vor.u32 v16, v0;
	[tilespmem:$0x1F640] =	vst v6;
	v6 =	vld.idx.msk [tilespmem:v7+s1+$0x0], $0xffff  }
0x65: {  	v16 =	vor.u32 v34, v0;
	[tilespmem:$0x1F720] =	vst v26;
	v10 =	vld.idx.msk [tilespmem:v10+s1+$0x0], $0xffff  }
0x66: {  	v60 =	vmovc v12;
	[tilespmem:$0x1F740] =	vst v16;
	v7 =	vmin.f32 v14, $-Inf;
	v8 =	vmin.f32 v1, $-Inf;
	v9 =	vmin.f32 v2, $-Inf  }
0x67: {  	v13 =	vld.idx.msk [tilespmem:v13+s1+$0x0], $0xffff;
	[tilespmem:$0x1F5B0] =	vst v14;
	v11 =	vmin.f32 v3, $-Inf;
	v12 =	vmin.f32 v4, v14;
	v4 =	vmax.f32 v14, v4  }
0x68: {  	v14 =	vld.idx.msk [tilespmem:v15+s1+$0x0], $0xffff;
	v15 =	vor.u32 v37, v0;
	v7 =	vmax.f32 v7, v12;
	v12 =	vmin.f32 v5, v1  }
0x69: {  	v1 =	vmax.f32 v1, v5;
	[tilespmem:$0x1F790] =	vst v15;
	v8 =	vmax.f32 v8, v12;
	v12 =	vmin.f32 v6, v2  }
0x6a: {  	v2 =	vmax.f32 v2, v6;
	v6 =	vmin.f32 v10, v3;
	v5 =	vmax.f32 v9, v12;
	v9 =	vld.idx.msk [tilespmem:v19+s1+$0x0], $0xffff  }
0x6b: {  	v3 =	vmax.f32 v3, v10;
	v19 =	vor.u32 v35, v0;
	v6 =	vmax.f32 v11, v6;
	v11 =	vld.idx.msk [tilespmem:v26+s1+$0x0], $0xffff  }
0x6c: {  	v10 =	vmin.f32 v13, v4;
	v12 =	vld.idx.msk [tilespmem:v17+s1+$0x0], $0xffff;
	v17 =	vor.u32 v36, v0;
	[tilespmem:$0x1F760] =	vst v19  }
0x6d: {  	v7 =	vmax.f32 v7, v10;
	v26 =	vor.u32 v40, v0;
	[tilespmem:$0x1F780] =	vst v17;
	v10 =	vmin.f32 v14, v1  }
0x6e: {  	[tilespmem:$0x1F7B0] =	vst v26;
	v8 =	vmax.f32 v8, v10;
	v10 =	vld.idx.msk [tilespmem:v16+s1+$0x0], $0xffff;
	v16 =	vor.u32 v38, v0  }
0x6f: {  	v4 =	vmax.f32 v4, v13;
	v1 =	vmax.f32 v1, v14;
	[tilespmem:$0x1F7A0] =	vst v16;
	v13 =	vmin.f32 v9, v2  }
0x70: {  	v14 =	vld.idx.msk [tilespmem:v19+s1+$0x0], $0xffff;
	v2 =	vmax.f32 v2, v9;
	v9 =	vmin.f32 v11, v4;
	v4 =	vmax.f32 v4, v11  }
0x71: {  	v19 =	vmax.f32 v5, v13;
	v5 =	vmin.f32 v12, v3;
	v13 =	vld.idx.msk [tilespmem:v17+s1+$0x0], $0xffff;
	v17 =	vor.u32 v41, v0  }
0x72: {  	v7 =	vmax.f32 v7, v9;
	v9 =	vld.idx.msk [tilespmem:v15+s1+$0x0], $0xffff;
	v15 =	vor.u32 v42, v0;
	[tilespmem:$0x1F7C0] =	vst v17  }
0x73: {  	v3 =	vmax.f32 v3, v12;
	v6 =	vmax.f32 v6, v5;
	[tilespmem:$0x1F7D0] =	vst v15;
	v5 =	vor.u32 v43, v0  }
0x74: {  	v11 =	vmin.f32 v10, v1;
	v12 =	vld.idx.msk [tilespmem:v16+s1+$0x0], $0xffff;
	[tilespmem:$0x1F7E0] =	vst v5;
	v16 =	vmax.f32 v1, v10  }
0x75: {  	v8 =	vmax.f32 v8, v11;
	v11 =	vld.idx.msk [tilespmem:v26+s1+$0x0], $0xffff;
	v26 =	vor.u32 v18, v0;
	v1 =	vmin.f32 v14, v2  }
0x76: {  	[tilespmem:$0x1F7F0] =	vst v26;
	v2 =	vmax.f32 v2, v14;
	v19 =	vmax.f32 v19, v1  }
0x77: {  	v10 =	vmin.f32 v13, v3;
	v3 =	vmax.f32 v3, v13;
	v13 =	vmin.f32 v9, v4;
	v14 =	vld.idx.msk [tilespmem:v15+s1+$0x0], $0xffff  }
0x78: {  	v1 =	vor.u32 v46, v0;
	v6 =	vmax.f32 v6, v10;
	v10 =	vld.idx.msk [tilespmem:v17+s1+$0x0], $0xffff;
	v17 =	vor.u32 v44, v0  }
0x79: {  	v4 =	vmax.f32 v4, v9;
	[tilespmem:$0x1F810] =	vst v1;
	v15 =	vld.idx.msk [tilespmem:v5+s1+$0x0], $0xffff;
	v5 =	vor.u32 v45, v0  }
0x7a: {  	v25 =	vld [tilespmem:$0x1FD20];
	v7 =	vmax.f32 v7, v13;
	[tilespmem:$0x1F800] =	vst v17;
	v13 =	vmin.f32 v12, v16;
	v9 =	vmin.f32 v11, v2  }
0x7b: {  	[tilespmem:$0x1F820] =	vst v5;
	v19 =	vmax.f32 v19, v9;
	v9 =	vld.idx.msk [tilespmem:v26+s1+$0x0], $0xffff;
	v26 =	vor.u32 v47, v0  }
0x7c: {  	v23 =	vld [tilespmem:$0x1FBD0];
	v16 =	vmax.f32 v16, v12;
	v8 =	vmax.f32 v8, v13;
	v2 =	vmax.f32 v2, v11;
	[tilespmem:$0x1F830] =	vst v26  }
0x7d: {  	v11 =	vmin.f32 v10, v3;
	v12 =	vld.idx.msk [tilespmem:v17+s1+$0x0], $0xffff;
	v17 =	vor.u32 v48, v0;
	v3 =	vmax.f32 v3, v10  }
0x7e: {  	v10 =	vmin.f32 v14, v4;
	v13 =	vld.idx.msk [tilespmem:v5+s1+$0x0], $0xffff;
	v4 =	vmax.f32 v4, v14;
	v5 =	vor.u32 v20, v0  }
0x7f: {  	[tilespmem:$0x1F840] =	vst v17;
	v6 =	vmax.f32 v6, v11;
	v11 =	vld.idx.msk [tilespmem:v1+s1+$0x0], $0xffff;
	v1 =	vor.u32 v50, v0  }
0x80: {  	v22 =	vld [tilespmem:$0x1FBC0];
	v7 =	vmax.f32 v7, v10;
	v10 =	vmin.f32 v15, v16;
	[tilespmem:$0x1F860] =	vst v5;
	v16 =	vmax.f32 v16, v15  }
0x81: {  	v8 =	vmax.f32 v8, v10;
	v10 =	vmin.f32 v9, v2;
	v14 =	vld.idx.msk [tilespmem:v26+s1+$0x0], $0xffff;
	v26 =	vor.u32 v49, v0  }
0x82: {  	v15 =	vor.u32 v21, v0;
	[tilespmem:$0x1F850] =	vst v1;
	v19 =	vmax.f32 v19, v10;
	v10 =	vld.idx.msk [tilespmem:v17+s1+$0x0], $0xffff  }
0x83: {  	v56 =	vmov v53;
	[tilespmem:$0x1F880] =	vst v15;
	v2 =	vmax.f32 v2, v9;
	v9 =	vld.idx.msk [tilespmem:v5+s1+$0x0], $0xffff;
	v5 =	vor.u32 v51, v0  }
0x84: {  	v49 =	vmin.f32 v12, v3;
	v3 =	vmax.f32 v3, v12;
	v17 =	vld.idx.msk [tilespmem:v1+s1+$0x0], $0xffff;
	v1 =	vor.u32 v55, v0  }
0x85: {  	v53 =	vld [tilespmem:$0x1FC00];
	[tilespmem:$0x1F870] =	vst v26;
	v12 =	vmin.f32 v13, v16;
	v16 =	vmax.f32 v16, v13;
	v51 =	vor.u32 v23, v0  }
0x86: {  	v6 =	vmax.f32 v6, v49;
	v8 =	vmax.f32 v8, v12;
	v12 =	vld.idx.msk [tilespmem:v26+s1+$0x0], $0xffff;
	v26 =	vor.u32 v22, v0  }
0x87: {  	v21 =	vmin.f32 v11, v4;
	v4 =	vmax.f32 v4, v11;
	v11 =	vld.idx.msk [tilespmem:v15+s1+$0x0], $0xffff;
	v15 =	vor.u32 v52, v0  }
0x88: {  	v7 =	vmax.f32 v7, v21;
	v49 =	vmin.f32 v14, v2;
	v2 =	vmax.f32 v2, v14;
	v14 =	vld.idx.msk [tilespmem:v5+s1+$0x0], $0xffff  }
0x89: {  	v19 =	vmax.f32 v19, v49;
	v21 =	vmin.f32 v10, v3;
	v49 =	vmin.f32 v17, v4;
	v13 =	vld.idx.msk [tilespmem:v1+s1+$0x0], $0xffff  }
0x8a: {  	[tilespmem:$0x1F8A0] =	vst v5;
	v52 =	vmin.f32 v9, v16;
	v5 =	vmax.f32 v16, v9;
	v7 =	vmax.f32 v7, v49;
	v49 =	vld [tilespmem:$0x1FD30]  }
0x8b: {  	v16 =	vor.u32 v25, v0;
	v4 =	vmax.f32 v4, v17;
	v17 =	vor.u32 v24, v0;
	v9 =	vld.idx.msk [tilespmem:v26+s1+$0x0], $0xffff  }
0x8c: {  	v6 =	vmax.f32 v6, v21;
	v21 =	vmin.f32 v12, v2;
	v2 =	vmax.f32 v2, v12;
	v12 =	vld.idx.msk [tilespmem:v15+s1+$0x0], $0xffff  }
0x8d: {  	[tilespmem:$0x1F8D0] =	vst v51;
	v19 =	vmax.f32 v19, v21;
	v21 =	vld [tilespmem:$0x1FD50]  }
0x8e: {  	[tilespmem:$0x1F8C0] =	vst v15;
	v15 =	vld.idx.msk [tilespmem:v51+s1+$0x0], $0xffff  }
0x8f: {  	[tilespmem:$0x1F8B0] =	vst v26;
	v3 =	vmax.f32 v3, v10;
	v8 =	vmax.f32 v8, v52;
	v51 =	vld [tilespmem:$0x1FD40];
	v18 =	vor.u32 v49, v0  }
0x90: {  	v22 =	vmin.f32 v11, v3;
	v3 =	vmax.f32 v3, v11;
	v52 =	vmin.f32 v14, v5;
	v11 =	vld.idx.msk [tilespmem:v17+s1+$0x0], $0xffff  }
0x91: {  	v26 =	vor.u32 v53, v0;
	v23 =	vmin.f32 v13, v4;
	v8 =	vmax.f32 v8, v52;
	v52 =	vld.idx.msk [tilespmem:v16+s1+$0x0], $0xffff  }
0x92: {  	[tilespmem:$0x1F8E0] =	vst v17;
	v4 =	vmax.f32 v4, v13;
	v7 =	vmax.f32 v7, v23;
	v23 =	vld [tilespmem:$0x1FD60];
	v17 =	vor.u32 v21, v0  }
0x93: {  	v49 =	vmax.f32 v5, v14;
	v14 =	vmin.f32 v15, v4;
	v4 =	vmax.f32 v4, v15;
	v15 =	vld [tilespmem:$0x1FD80]  }
0x94: {  	[tilespmem:$0x1F900] =	vst v16;
	v16 =	vld.idx.msk [tilespmem:v18+s1+$0x0], $0xffff  }
0x95: {  	[tilespmem:$0x1F910] =	vst v18;
	v18 =	vld [tilespmem:$0x1FD70]  }
0x96: {  	v13 =	vld.idx.msk [tilespmem:v26+s1+$0x0], $0xffff  }
0x97: {  	[tilespmem:$0x1F8F0] =	vst v26;
	v7 =	vmax.f32 v7, v14;
	v26 =	vor.u32 v23, v0;
	v14 =	vld.idx.msk [tilespmem:v17+s1+$0x0], $0xffff  }
0x98: {  	v53 =	vor.u32 v51, v0;
	[tilespmem:$0x1F930] =	vst v17;
	v17 =	vor.u32 v15, v0;
	v15 =	vld [tilespmem:$0x1FD90];
	_ =	sdelay $0x1  }
0x99: {  	v6 =	vmax.f32 v6, v22;
	v18 =	vor.u32 v18, v0  }
0x9a: {  	v21 =	vmin.f32 v12, v3;
	v3 =	vmax.f32 v3, v12;
	v12 =	vmin.f32 v11, v49  }
0x9b: {  	v22 =	vmin.f32 v9, v2;
	v2 =	vmax.f32 v2, v9;
	v8 =	vmax.f32 v8, v12;
	v12 =	vld.idx.msk [tilespmem:v26+s1+$0x0], $0xffff  }
0x9c: {  	v51 =	vmax.f32 v19, v22;
	v22 =	vld.idx.msk [tilespmem:v53+s1+$0x0], $0xffff;
	v23 =	vmin.f32 v13, v2;
	v15 =	vor.u32 v15, v0  }
0x9d: {  	v5 =	vmax.f32 v51, v23;
	v23 =	vld [tilespmem:$0x1FCE0]  }
0x9e: {  	[tilespmem:$0x1F890] =	vst v1;
	v2 =	vmax.f32 v2, v13;
	v13 =	vld.idx.msk [tilespmem:v18+s1+$0x0], $0xffff  }
0x9f: {  	v1 =	vmax.f32 v49, v11;
	v49 =	vmin.f32 v52, v3;
	v3 =	vmax.f32 v3, v52;
	v9 =	vld.idx.msk [tilespmem:v17+s1+$0x0], $0xffff  }
0xa0: {  	v6 =	vmax.f32 v6, v21;
	v21 =	vmin.f32 v12, v3;
	v3 =	vmax.f32 v3, v12;
	v12 =	vld [tilespmem:$0x1FDB0]  }
0xa1: {  	v10 =	vld.idx.msk [tilespmem:v15+s1+$0x0], $0xffff  }
0xa2: {  	v51 =	vmin.f32 v16, v4;
	v4 =	vmax.f32 v4, v16;
	v52 =	vmin.f32 v22, v1;
	[tilespmem:$0x1F970] =	vst v15;
	v15 =	vld [tilespmem:$0x1FCD0]  }
0xa3: {  	v1 =	vmax.f32 v1, v22;
	v22 =	vmin.f32 v13, v4;
	v4 =	vmax.f32 v4, v13;
	v13 =	vld [tilespmem:$0x1FCC0];
	_ =	sdelay $0x1  }
0xa4: {  	[tilespmem:$0x1F920] =	vst v53;
	v53 =	vmin.f32 v14, v2  }
0xa5: {  	v8 =	vmax.f32 v8, v52;
	v2 =	vmax.f32 v2, v14;
	v5 =	vmax.f32 v5, v53  }
0xa6: {  	[tilespmem:$0x1F950] =	vst v18;
	v14 =	vld [tilespmem:$0x1FBF0];
	v18 =	vor.u32 v12, v0;
	v12 =	vmin.f32 v9, v1;
	v11 =	vsel vm0, v23, v15  }
0xa7: {  	v8 =	vmax.f32 v8, v12;
	v12 =	vmin.f32 v10, v2;
	v19 =	vcombine.low v13, v11;
	v13 =	vld [tilespmem:$0x1FBE0]  }
0xa8: {  	v5 =	vmax.f32 v5, v12;
	v12 =	vld [tilespmem:$0x1FC60];
	_ =	sdelay $0x3  }
0xa9: {  	v13 =	vsel vm0, v14, v13;
	v14 =	vld [tilespmem:$0x1FC30]  }
0xaa: {  	[tilespmem:$0x1F960] =	vst v17;
	v17 =	vcombine.low v13, v12;
	v13 =	vld [tilespmem:$0x1FC20];
	_ =	sdelay $0x4  }
0xab: {  	v13 =	vsel vm0, v14, v13;
	v14 =	vld [tilespmem:$0x1FC70];
	_ =	sdelay $0x4  }
0xac: {  	v52 =	vcombine.low v13, v14;
	v13 =	vld [tilespmem:$0x1FCB0]  }
0xad: {  	v14 =	vld [tilespmem:$0x1FCF0]  }
0xae: {  	v16 =	vld [tilespmem:$0x1FDA0]  }
0xaf: {  	v30 =	vld [tilespmem:$0x1FC10]  }
0xb0: {  	v12 =	vld.idx.msk [tilespmem:v18+s1+$0x0], $0xffff  }
0xb1: {  	v13 =	vsel vm0, v15, v13;
	v15 =	vld [tilespmem:$0x1FC50]  }
0xb2: {  	[tilespmem:$0x1F9A0] =	vst v18;
	v18 =	vcombine.low v13, v14;
	v14 =	vld [tilespmem:$0x1FC80]  }
0xb3: {  	v29 =	vld [tilespmem:$0x1FC40];
	v16 =	vor.u32 v16, v0;
	_ =	sdelay $0x2  }
0xb4: {  	[tilespmem:$0x1F940] =	vst v26;
	v26 =	vor.u32 v19, v0  }
0xb5: {  	v6 =	vmax.f32 v6, v49;
	v49 =	vor.u32 v30, v0;
	v14 =	vsel vm0, v14, v15;
	v15 =	vld [tilespmem:$0x1FD00]  }
0xb6: {  	[tilespmem:$0x1F990] =	vst v16;
	v1 =	vmax.f32 v1, v9;
	v9 =	vld.idx.msk [tilespmem:v16+s1+$0x0], $0xffff;
	v16 =	vor.u32 v29, v0  }
0xb7: {  	v61 =	vor.u32 v61, v0;
	v7 =	vmax.f32 v7, v51  }
0xb8: {  	[tilespmem:$0x1FA10] =	vst v61;
	v51 =	vor.u32 v39, v0;
	v39 =	vor.u32 v56, v0;
	v56 =	vld [tilespmem:$0x1FFE0];
	v20 =	vor.u32 v17, v0  }
0xb9: {  	[tilespmem:$0x1F9B0] =	vst v49;
	v2 =	vmax.f32 v2, v10;
	v10 =	vld.idx.msk [tilespmem:v26+s1+$0x0], $0xffff  }
0xba: {  	[tilespmem:$0x1F9D0] =	vst v16;
	v13 =	vld.idx.msk [tilespmem:v49+s1+$0x0], $0xffff;
	v49 =	vcombine.low v14, v15  }
0xbb: {  	[tilespmem:$0x1F9F0] =	vst v26;
	v15 =	vld.idx.msk [tilespmem:v16+s1+$0x0], $0xffff  }
0xbc: {  	v16 =	vor.u32 v52, v0;
	[tilespmem:$0x1F5A0] =	vst v49;
	v26 =	vor.u32 v49, v0;
	v49 =	vld [tilespmem:$0x1FD10]  }
0xbd: {  	v23 =	vmin.f32 v12, v4;
	v4 =	vmax.f32 v4, v12;
	v12 =	vld.idx.msk [tilespmem:v20+s1+$0x0], $0xffff;
	v53 =	vor.u32 v18, v0  }
0xbe: {  	v6 =	vmax.f32 v6, v21;
	v14 =	vmin.f32 v9, v3;
	v3 =	vmax.f32 v3, v9;
	v9 =	vld.idx.msk [tilespmem:v61+s1+$0x0], $0xffff  }
0xbf: {  	v56 =	vor.u32 v56, v0;
	v7 =	vmax.f32 v7, v22;
	[tilespmem:$0x1F570] =	vst v52;
	v52 =	vmin.f32 v13, v1;
	v61 =	vld [tilespmem:$0x1FC90]  }
0xc0: {  	[tilespmem:$0x1FAB0] =	vst v51;
	v1 =	vmax.f32 v1, v13;
	v13 =	vmin.f32 v15, v2;
	v2 =	vmax.f32 v2, v15;
	v15 =	vld [tilespmem:$0x1FFF0]  }
0xc1: {  	[tilespmem:$0x1FA30] =	vst v20;
	v6 =	vmax.f32 v6, v14;
	v14 =	vcombine.low v11, v49;
	v11 =	vld.idx.msk [tilespmem:v16+s1+$0x0], $0xffff  }
0xc2: {  	v7 =	vmax.f32 v7, v23;
	[tilespmem:$0x1FA50] =	vst v16;
	v5 =	vmax.f32 v5, v13;
	v16 =	vld.idx.msk [tilespmem:v53+s1+$0x0], $0xffff  }
0xc3: {  	v13 =	vld.idx.msk [tilespmem:v26+s1+$0x0], $0xffff;
	[tilespmem:$0x1F560] =	vst v14;
	v20 =	vor.u32 v14, v0;
	v14 =	vmin.f32 v10, v3  }
0xc4: {  	[tilespmem:$0x1FA70] =	vst v53;
	v8 =	vmax.f32 v8, v52;
	v6 =	vmax.f32 v6, v14;
	v14 =	vld.idx.msk [tilespmem:v51+s1+$0x0], $0xffff  }
0xc5: {  	v52 =	vmin.f32 v12, v1;
	v1 =	vmax.f32 v1, v12;
	v53 =	vor.u32 v15, v0;
	v15 =	vld.idx.msk [tilespmem:v39+s1+$0x0], $0xffff  }
0xc6: {  	[tilespmem:$0x1FAD0] =	vst v39;
	v8 =	vmax.f32 v8, v52;
	v49 =	vmin.f32 v9, v4;
	v4 =	vmax.f32 v4, v9;
	v51 =	vld [tilespmem:$0x1FCA0]  }
0xc7: {  	[tilespmem:$0x1FB10] =	vst v56;
	v7 =	vmax.f32 v7, v49;
	v3 =	vmax.f32 v3, v10;
	v39 =	vor.u32 v61, v0  }
0xc8: {  	v52 =	vld.idx.msk [tilespmem:v56+s1+$0x0], $0xffff;
	v23 =	vmin.f32 v11, v2;
	v2 =	vmax.f32 v2, v11;
	v56 =	vmin.f32 v16, v3  }
0xc9: {  	v61 =	vmin.f32 v13, v4;
	v3 =	vmax.f32 v3, v16;
	v4 =	vmax.f32 v4, v13  }
0xca: {  	v5 =	vmax.f32 v5, v23;
	v6 =	vmax.f32 v6, v56;
	v7 =	vmax.f32 v7, v61  }
0xcb: {  	[tilespmem:$0x1FA90] =	vst v26;
	v61 =	vlaneseq.u32;
	v49 =	vld.idx.msk [tilespmem:v20+s1+$0x0], $0xffff;
	v26 =	vor.u32 v51, v0;
	v12 =	vmin.f32 v15, v2  }
0xcc: {  	v21 =	vld.idx.msk [tilespmem:v53+s1+$0x0], $0xffff;
	v22 =	vmin.f32 v14, v1;
	v51 =	vmov s19;
	v5 =	vmax.f32 v5, v12  }
0xcd: {  	v13 =	vld.idx.msk [tilespmem:v39+s1+$0x0], $0xffff;
	v12 =	vmin.f32 v52, v4;
	v4 =	vmax.f32 v4, v52;
	v52 =	vshll.u32 v51, $0x7  }
0xce: {  	v1 =	vmax.f32 v1, v14;
	v2 =	vmax.f32 v2, v15;
	v0 =	vor.u32 v28, v52  }
0xcf: {  	[tilespmem:$0x1FB50] =	vst v39;
	v8 =	vmax.f32 v8, v22;
	v39 =	vmax.f32 v7, v12;
	v12 =	vor.u32 v31, v0  }
0xd0: {  	v52 =	vor.u32 v54, v0;
	v54 =	vor.u32 v58, v0;
	v58 =	vor.u32 v59, v0;
	v14 =	vld.idx.msk [tilespmem:v26+s1+$0x0], $0xffff  }
0xd1: {  	v60 =	vor.u32 v60, v0;
	v23 =	vmin.f32 v49, v3;
	v3 =	vmax.f32 v3, v49  }
0xd2: {  	[tilespmem:$0x1FB30] =	vst v53;
	v6 =	vmax.f32 v6, v23;
	v49 =	vmin.f32 v21, v1;
	v53 =	vmin.f32 v13, v2  }
0xd3: {  	[tilespmem:$0x1FAF0] =	vst v20;
	v1 =	vmax.f32 v1, v21;
	v2 =	vmax.f32 v2, v13;
	v21 =	vor.u32 v61, v0  }
0xd4: {  	[tilespmem:$0x1FB60] =	vst v26;
	v61 =	vor.u32 v33, v0;
	v8 =	vmax.f32 v8, v49;
	v5 =	vmax.f32 v5, v53  }
0xd5: {  	[tilespmem:$0x1F630] =	vst v12;
	v22 =	vmin.f32 v4, v1;
	v1 =	vmax.f32 v4, v1;
	v56 =	vmin.f32 v14, v3  }
0xd6: {  	[tilespmem:$0x1F670] =	vst v52;
	v8 =	vmax.f32 v39, v8;
	v3 =	vmax.f32 v3, v14;
	v6 =	vmax.f32 v6, v56  }
0xd7: {  	[tilespmem:$0x1F690] =	vst v54;
	v39 =	vor.u32 v32, v0;
	v49 =	vmin.f32 v2, v3;
	v5 =	vmax.f32 v5, v6  }
0xd8: {  	[tilespmem:$0x1F6B0] =	vst v58;
	v23 =	vmax.f32 v22, v8;
	v2 =	vmax.f32 v2, v3;
	v51 =	vmax.f32 v49, v5  }
0xd9: {  	v59 =	vld.idx.msk [tilespmem:v52+s1+$0x0], $0xffff;
	v56 =	vor.u32 v27, v0;
	v53 =	vmin.f32 v1, v2;
	v3 =	vmax.f32 v23, v51  }
0xda: {  	v13 =	vor.u32 v57, v0;
	v26 =	vld.idx.msk [tilespmem:v21+s1+$0x0], $0xffff;
	v10 =	vmax.f32 v1, v2;
	v11 =	vmax.f32 v53, v3  }
0xdb: {  	[tilespmem:$0x1F6D0] =	vst v60;
	v4 =	vld.idx.msk [tilespmem:v61+s1+$0x0], $0xffff;
	v2 =	vsub.f32 v11, v10  }
0xdc: {  	[tilespmem:$0x1F5D0] =	vst v21;
	v1 =	vld.idx.msk [tilespmem:v12+s1+$0x0], $0xffff  }
0xdd: {  	v33 =	vor.u32 v62, v0;
	[tilespmem:$0x1F610] =	vst v13;
	v57 =	vld.idx.msk [tilespmem:v39+s1+$0x0], $0xffff;
	v2 =	vmul.f32 $1.442695020e+00, v2  }
0xde: {  	[tilespmem:$0x1F6F0] =	vst v33;
	v5 =	vld.idx.msk [tilespmem:v56+s1+$0x0], $0xffff  }
0xdf: {  	[tilespmem:$0x1F650] =	vst v39;
	v25 =	vld.idx.msk [tilespmem:v13+s1+$0x0], $0xffff;
	(erf) = vpow2.f32 v2  }
0xe0: {  	v27 =	vld.idx.msk [tilespmem:v54+s1+$0x0], $0xffff  }
0xe1: {  	v53 =	vld [tilespmem:$0x1FE30]  }
0xe2: {  	v52 =	vor.u32 v63, v0;
	v39 =	vmin.f32 v26, $-Inf;
	v30 =	vmin.f32 v59, v4  }
0xe3: {  	v51 =	vmin.f32 v1, v26;
	v49 =	vmin.f32 v5, $-Inf;
	v24 =	vmin.f32 v57, v5;
	v29 =	vld.idx.msk [tilespmem:v58+s1+$0x0], $0xffff  }
0xe4: {  	v1 =	vmax.f32 v26, v1;
	v2 =	vmax.f32 v39, v51;
	v31 =	vld.idx.msk [tilespmem:v60+s1+$0x0], $0xffff;
	v28 =	vmax.f32 v49, v24  }
0xe5: {  	v24 =	vmin.f32 v4, $-Inf;
	v4 =	vmax.f32 v4, v59;
	v59 =	vor.u32 v35, v0  }
0xe6: {  	v3 =	vmax.f32 v5, v57;
	v57 =	vmax.f32 v24, v30;
	v30 =	vld.idx.msk [tilespmem:v33+s1+$0x0], $0xffff;
	v8 =	vor.u32 v53, v0  }
0xe7: {  	v54 =	vor.u32 v34, v0;
	v24 =	vmin.f32 v25, $-Inf;
	v58 =	vmin.f32 v27, v25  }
0xe8: {  	v62 =	vmax.f32 v25, v27;
	v27 =	vmin.f32 v29, v1;
	v32 =	vmax.f32 v24, v58  }
0xe9: {  	v60 =	vld.idx.msk [tilespmem:v52+s1+$0x0], $0xffff;
	v24 =	vor.u32 v36, v0;
	v2 =	vmax.f32 v2, v27;
	v27 =	vmin.f32 v31, v3  }
0xea: {  	[tilespmem:$0x1F710] =	vst v52;
	v21 =	vld.idx.msk [tilespmem:v59+s1+$0x0], $0xffff;
	v9 =	vmax.f32 v28, v27;
	v27 =	vor.u32 v38, v0  }
0xeb: {  	v1 =	vmax.f32 v1, v29;
	v29 =	vor.u32 v41, v0;
	v28 =	vmin.f32 v30, v4;
	v63 =	vld.idx.msk [tilespmem:v8+s1+$0x0], $0xffff  }
0xec: {  	[tilespmem:$0x1F730] =	vst v8;
	v5 =	vmax.f32 v57, v28;
	v28 =	vor.u32 v40, v0;
	v8 =	vld.idx.msk [tilespmem:v54+s1+$0x0], $0xffff  }
0xed: {  	[tilespmem:$0x1F750] =	vst v54;
	v33 =	vor.u32 v44, v0;
	v25 =	vor.u32 v37, v0;
	v54 =	vld [tilespmem:$0x1FED0]  }
0xee: {  	v3 =	vmax.f32 v3, v31;
	v4 =	vmax.f32 v4, v30;
	v30 =	vmin.f32 v60, v62;
	v22 =	vld.idx.msk [tilespmem:v24+s1+$0x0], $0xffff  }
0xef: {  	v34 =	vmax.f32 v62, v60;
	v23 =	vmax.f32 v32, v30;
	v52 =	vmin.f32 v21, v4;
	v51 =	vld.idx.msk [tilespmem:v27+s1+$0x0], $0xffff  }
0xf0: {  	v58 =	vld.idx.msk [tilespmem:v29+s1+$0x0], $0xffff;
	v4 =	vmax.f32 v4, v21;
	v5 =	vmax.f32 v5, v52;
	v30 =	vmin.f32 v63, v1  }
0xf1: {  	v53 =	vld.idx.msk [tilespmem:v28+s1+$0x0], $0xffff;
	v31 =	vmin.f32 v8, v3;
	v1 =	vmax.f32 v1, v63;
	v3 =	vmax.f32 v3, v8  }
0xf2: {  	v49 =	vld.idx.msk [tilespmem:v25+s1+$0x0], $0xffff;
	v32 =	vor.u32 v54, v0;
	v2 =	vmax.f32 v2, v30;
	v30 =	vor.u32 v42, v0  }
0xf3: {  	v37 =	vmax.f32 v9, v31;
	v31 =	vor.u32 v43, v0;
	v57 =	vmin.f32 v22, v34  }
0xf4: {  	v39 =	vmax.f32 v34, v22;
	v34 =	vor.u32 v46, v0;
	v46 =	vld.idx.msk [tilespmem:v33+s1+$0x0], $0xffff;
	v36 =	vmin.f32 v51, v3  }
0xf5: {  	v40 =	vmax.f32 v23, v57;
	v52 =	vmin.f32 v58, v39;
	v57 =	vld [tilespmem:$0x1FF40];
	v8 =	vmax.f32 v37, v36  }
0xf6: {  	v22 =	vmin.f32 v53, v4;
	v36 =	vor.u32 v47, v0;
	v47 =	vmax.f32 v39, v58;
	v58 =	vld [tilespmem:$0x1FF50]  }
0xf7: {  	v35 =	vmin.f32 v49, v1;
	v42 =	vor.u32 v55, v0;
	v5 =	vmax.f32 v5, v22;
	v22 =	vld [tilespmem:$0x1FF60]  }
0xf8: {  	v2 =	vmax.f32 v2, v35;
	v35 =	vor.u32 v45, v0;
	v23 =	vld.idx.msk [tilespmem:v32+s1+$0x0], $0xffff  }
0xf9: {  	[tilespmem:$0x1F770] =	vst v59;
	v38 =	vor.u32 v50, v0;
	v59 =	vld.idx.msk [tilespmem:v30+s1+$0x0], $0xffff  }
0xfa: {  	v60 =	vld.idx.msk [tilespmem:v31+s1+$0x0], $0xffff  }
0xfb: {  	v37 =	vor.u32 v48, v0;
	v63 =	vld.idx.msk [tilespmem:v34+s1+$0x0], $0xffff  }
0xfc: {  	v55 =	vld.idx.msk [tilespmem:v42+s1+$0x0], $0xffff;
	v39 =	vor.u32 v57, v0  }
0xfd: {  	v21 =	vld.idx.msk [tilespmem:v35+s1+$0x0], $0xffff  }
0xfe: {  	v1 =	vmax.f32 v1, v49;
	v3 =	vmax.f32 v3, v51;
	v4 =	vmax.f32 v4, v53;
	v57 =	vld.idx.msk [tilespmem:v38+s1+$0x0], $0xffff  }
0xff: {  	v53 =	vmax.f32 v40, v52;
	v49 =	vld.idx.msk [tilespmem:v36+s1+$0x0], $0xffff;
	v40 =	vor.u32 v58, v0;
	v41 =	vor.u32 v22, v0  }
0x100: {  	v54 =	vmin.f32 v23, v4;
	v9 =	vmin.f32 v60, v3;
	v3 =	vmax.f32 v3, v60;
	v60 =	vld.idx.msk [tilespmem:v37+s1+$0x0], $0xffff  }
0x101: {  	v62 =	vmin.f32 v59, v1;
	v1 =	vmax.f32 v1, v59;
	v5 =	vmax.f32 v5, v54;
	v52 =	vld.idx.msk [tilespmem:v39+s1+$0x0], $0xffff  }
0x102: {  	v59 =	vmin.f32 v46, v47;
	v54 =	vmin.f32 v63, v1;
	v1 =	vmax.f32 v1, v63;
	v63 =	vld [tilespmem:$0x1FF80]  }
0x103: {  	v2 =	vmax.f32 v2, v62;
	v62 =	vmin.f32 v21, v3;
	v3 =	vmax.f32 v3, v21;
	v21 =	vld [tilespmem:$0x1FBC0]  }
0x104: {  	v4 =	vmax.f32 v4, v23;
	v23 =	vmax.f32 v53, v59;
	v59 =	vld [tilespmem:$0x1FF90]  }
0x105: {  	v53 =	vld.idx.msk [tilespmem:v40+s1+$0x0], $0xffff  }
0x106: {  	v46 =	vmax.f32 v47, v46;
	v2 =	vmax.f32 v2, v54;
	v54 =	vld.idx.msk [tilespmem:v41+s1+$0x0], $0xffff  }
0x107: {  	v45 =	vmax.f32 v8, v9;
	v22 =	vmin.f32 v60, v46;
	v50 =	vmax.f32 v46, v60;
	v60 =	vld [tilespmem:$0x1FBD0]  }
0x108: {  	v48 =	vmax.f32 v45, v62;
	v43 =	vor.u32 v63, v0;
	v63 =	vld [tilespmem:$0x1FFA0]  }
0x109: {  	v9 =	vmin.f32 v49, v4;
	v4 =	vmax.f32 v4, v49;
	v44 =	vor.u32 v21, v0;
	v21 =	vld [tilespmem:$0x1FC00]  }
0x10a: {  	v58 =	vmin.f32 v57, v1;
	v23 =	vmax.f32 v23, v22;
	v45 =	vor.u32 v59, v0;
	v22 =	vld [tilespmem:$0x1FD20]  }
0x10b: {  	v5 =	vmax.f32 v5, v9;
	v2 =	vmax.f32 v2, v58;
	v62 =	vmin.f32 v52, v3;
	v59 =	vld [tilespmem:$0x1FD30]  }
0x10c: {  	v8 =	vmin.f32 v53, v4;
	v4 =	vmax.f32 v4, v53;
	v53 =	vld [tilespmem:$0x1FD60];
	v9 =	vmin.f32 v54, v50  }
0x10d: {  	v58 =	vmax.f32 v48, v62;
	v62 =	vmax.f32 v23, v9;
	v9 =	vld [tilespmem:$0x1FD40];
	v46 =	vor.u32 v60, v0  }
0x10e: {  	v1 =	vmax.f32 v1, v57;
	v57 =	vld.idx.msk [tilespmem:v43+s1+$0x0], $0xffff;
	v47 =	vor.u32 v63, v0  }
0x10f: {  	v48 =	vor.u32 v21, v0;
	v63 =	vld.idx.msk [tilespmem:v45+s1+$0x0], $0xffff  }
0x110: {  	v60 =	vld.idx.msk [tilespmem:v44+s1+$0x0], $0xffff  }
0x111: {  	v3 =	vmax.f32 v3, v52;
	v7 =	vmax.f32 v5, v8;
	v49 =	vor.u32 v22, v0;
	v22 =	vld [tilespmem:$0x1FD50]  }
0x112: {  	v5 =	vmax.f32 v50, v54;
	v23 =	vmin.f32 v55, v1;
	v50 =	vor.u32 v59, v0;
	v54 =	vld.idx.msk [tilespmem:v46+s1+$0x0], $0xffff  }
0x113: {  	v8 =	vmax.f32 v2, v23;
	v52 =	vmin.f32 v57, v3;
	v6 =	vld.idx.msk [tilespmem:v47+s1+$0x0], $0xffff  }
0x114: {  	v2 =	vmax.f32 v1, v55;
	v23 =	vmin.f32 v63, v5;
	v55 =	vmax.f32 v58, v52;
	v58 =	vld.idx.msk [tilespmem:v48+s1+$0x0], $0xffff  }
0x115: {  	v51 =	vor.u32 v9, v0;
	v3 =	vmax.f32 v3, v57;
	v57 =	vmax.f32 v62, v23;
	v62 =	vld [tilespmem:$0x1FD70]  }
0x116: {  	v52 =	vor.u32 v22, v0;
	v22 =	vld [tilespmem:$0x1FD80]  }
0x117: {  	v21 =	vmin.f32 v60, v4;
	v9 =	vld.idx.msk [tilespmem:v50+s1+$0x0], $0xffff  }
0x118: {  	v12 =	vmax.f32 v7, v21;
	v7 =	vmax.f32 v4, v60;
	v60 =	vld.idx.msk [tilespmem:v49+s1+$0x0], $0xffff;
	v59 =	vmin.f32 v54, v2  }
0x119: {  	v53 =	vor.u32 v53, v0;
	v5 =	vmax.f32 v5, v63;
	v14 =	vmax.f32 v8, v59;
	v59 =	vld [tilespmem:$0x1FD90]  }
0x11a: {  	v63 =	vld.idx.msk [tilespmem:v51+s1+$0x0], $0xffff;
	v4 =	vmax.f32 v2, v54;
	v21 =	vmin.f32 v6, v3;
	v62 =	vor.u32 v62, v0  }
0x11b: {  	v54 =	vmax.f32 v55, v21;
	v55 =	vor.u32 v22, v0;
	v23 =	vmin.f32 v58, v7;
	v22 =	vld [tilespmem:$0x1FDA0]  }
0x11c: {  	v15 =	vmax.f32 v12, v23;
	v12 =	vld [tilespmem:$0x1FDB0]  }
0x11d: {  	v8 =	vld.idx.msk [tilespmem:v52+s1+$0x0], $0xffff  }
0x11e: {  	v7 =	vmax.f32 v7, v58;
	v58 =	vld.idx.msk [tilespmem:v53+s1+$0x0], $0xffff;
	v16 =	vor.u32 v59, v0  }
0x11f: {  	v3 =	vmax.f32 v3, v6;
	v21 =	vmin.f32 v60, v5;
	v5 =	vmax.f32 v5, v60;
	v6 =	vld.idx.msk [tilespmem:v62+s1+$0x0], $0xffff  }
0x120: {  	v13 =	vmax.f32 v57, v21;
	v23 =	vmin.f32 v9, v4;
	v57 =	vor.u32 v22, v0;
	v22 =	vld [tilespmem:$0x1FC10]  }
0x121: {  	v59 =	vmin.f32 v63, v3;
	v60 =	vor.u32 v12, v0;
	v12 =	vmax.f32 v14, v23;
	v14 =	vld.idx.msk [tilespmem:v55+s1+$0x0], $0xffff  }
0x122: {  	v23 =	vmax.f32 v54, v59;
	v59 =	vld [tilespmem:$0x1FC40]  }
0x123: {  	[tilespmem:$0x1F550] =	vst v19;
	v19 =	vor.u32 v19, v0;
	v3 =	vmax.f32 v3, v63;
	v63 =	vld.idx.msk [tilespmem:v16+s1+$0x0], $0xffff  }
0x124: {  	v4 =	vmax.f32 v4, v9;
	v1 =	vmin.f32 v58, v5;
	v5 =	vmax.f32 v5, v58;
	v58 =	vld [tilespmem:$0x1F570]  }
0x125: {  	[tilespmem:$0x1F980] =	vst v16;
	v21 =	vmin.f32 v8, v7;
	v7 =	vmax.f32 v7, v8;
	v20 =	vmax.f32 v13, v1;
	v1 =	vld [tilespmem:$0x1FFB0]  }
0x126: {  	v54 =	vmax.f32 v15, v21;
	v2 =	vor.u32 v22, v0;
	v21 =	vmin.f32 v6, v4;
	v13 =	vld.idx.msk [tilespmem:v57+s1+$0x0], $0xffff  }
0x127: {  	v22 =	vor.u32 v59, v0;
	v16 =	vmax.f32 v12, v21;
	v12 =	vld.idx.msk [tilespmem:v60+s1+$0x0], $0xffff;
	v59 =	vmin.f32 v14, v3  }
0x128: {  	v23 =	vmax.f32 v23, v59;
	v59 =	vmin.f32 v63, v7;
	v7 =	vmax.f32 v7, v63;
	v63 =	vld [tilespmem:$0x1F5A0]  }
0x129: {  	v21 =	vld [tilespmem:$0x1F560]  }
0x12a: {  	v9 =	vor.u32 v1, v0;
	v1 =	vor.u32 v58, v0;
	v58 =	vld.idx.msk [tilespmem:v19+s1+$0x0], $0xffff  }
0x12b: {  	[tilespmem:$0x1F9C0] =	vst v2;
	v15 =	vld.idx.msk [tilespmem:v2+s1+$0x0], $0xffff;
	v2 =	vor.u32 v17, v0  }
0x12c: {  	[tilespmem:$0x1F580] =	vst v17;
	v8 =	vmax.f32 v3, v14;
	v3 =	vor.u32 v18, v0;
	v14 =	vld.idx.msk [tilespmem:v22+s1+$0x0], $0xffff  }
0x12d: {  	[tilespmem:$0x1F590] =	vst v18;
	v17 =	vmax.f32 v54, v59;
	v59 =	vmin.f32 v13, v5;
	v18 =	vor.u32 v63, v0;
	v63 =	vld [tilespmem:$0x1FFC0]  }
0x12e: {  	[tilespmem:$0x1FA00] =	vst v19;
	v20 =	vmax.f32 v20, v59;
	v59 =	vld [tilespmem:$0x1FFE0]  }
0x12f: {  	[tilespmem:$0x1F9E0] =	vst v22;
	v5 =	vmax.f32 v5, v13;
	v13 =	vld.idx.msk [tilespmem:v9+s1+$0x0], $0xffff  }
0x130: {  	v4 =	vmax.f32 v4, v6;
	[tilespmem:$0x1FA20] =	vst v9;
	v54 =	vld.idx.msk [tilespmem:v2+s1+$0x0], $0xffff  }
0x131: {  	[tilespmem:$0x1FA40] =	vst v2;
	v22 =	vmin.f32 v12, v4;
	v2 =	vld [tilespmem:$0x1FFD0]  }
0x132: {  	v9 =	vmax.f32 v4, v12;
	v12 =	vmin.f32 v15, v8;
	v19 =	vor.u32 v63, v0;
	v63 =	vld.idx.msk [tilespmem:v1+s1+$0x0], $0xffff  }
0x133: {  	[tilespmem:$0x1FA60] =	vst v1;
	v23 =	vmax.f32 v23, v12;
	v12 =	vmin.f32 v14, v7;
	v1 =	vor.u32 v59, v0;
	v59 =	vld [tilespmem:$0x1FFF0]  }
0x134: {  	v7 =	vmax.f32 v7, v14;
	v14 =	vmin.f32 v58, v5;
	v5 =	vmax.f32 v5, v58;
	v58 =	vld [tilespmem:$0x1FC90];
	_ =	sdelay $0x1  }
0x135: {  	v6 =	vor.u32 v21, v0;
	v21 =	vmax.f32 v17, v12;
	v12 =	vld.idx.msk [tilespmem:v3+s1+$0x0], $0xffff  }
0x136: {  	v8 =	vmax.f32 v8, v15;
	v15 =	vld.idx.msk [tilespmem:v18+s1+$0x0], $0xffff  }
0x137: {  	[tilespmem:$0x1FAA0] =	vst v18;
	v4 =	vor.u32 v2, v0;
	v18 =	vor.u32 v59, v0;
	v59 =	vld [tilespmem:$0x1FCA0]  }
0x138: {  	v17 =	vor.u32 v58, v0  }
0x139: {  	[tilespmem:$0x1FA80] =	vst v3;
	v22 =	vmax.f32 v16, v22  }
0x13a: {  	v16 =	vmax.f32 v20, v14;
	[tilespmem:$0x1FAC0] =	vst v19;
	v58 =	vmin.f32 v54, v8;
	v14 =	vld.idx.msk [tilespmem:v19+s1+$0x0], $0xffff  }
0x13b: {  	v3 =	vmax.f32 v8, v54;
	[tilespmem:$0x1FAE0] =	vst v4;
	v20 =	vmax.f32 v23, v58;
	v58 =	vld.idx.msk [tilespmem:v1+s1+$0x0], $0xffff  }
0x13c: {  	v23 =	vmin.f32 v12, v5;
	v2 =	vld.idx.msk [tilespmem:v4+s1+$0x0], $0xffff;
	v4 =	vmax.f32 v9, v13;
	v19 =	vor.u32 v59, v0  }
0x13d: {  	v0 =	vmin.f32 v13, v9;
	v13 =	vmin.f32 v63, v7;
	v7 =	vmax.f32 v7, v63;
	v63 =	vld.idx.msk [tilespmem:v17+s1+$0x0], $0xffff  }
0x13e: {  	v5 =	vmax.f32 v5, v12;
	v16 =	vmax.f32 v16, v23;
	v0 =	vmax.f32 v22, v0;
	v22 =	vld.idx.msk [tilespmem:v6+s1+$0x0], $0xffff  }
0x13f: {  	v12 =	vmin.f32 v15, v4;
	v4 =	vmax.f32 v4, v15;
	v59 =	vmax.f32 v21, v13;
	v13 =	vld.idx.msk [tilespmem:v18+s1+$0x0], $0xffff  }
0x140: {  	[tilespmem:$0x1FB00] =	vst v6;
	v8 =	vmin.f32 v14, v3;
	v3 =	vmax.f32 v3, v14;
	v23 =	vmin.f32 v58, v4  }
0x141: {  	v4 =	vmax.f32 v4, v58;
	v14 =	vmin.f32 v2, v7;
	v0 =	vmax.f32 v0, v12;
	v12 =	vld.idx.msk [tilespmem:v19+s1+$0x0], $0xffff  }
0x142: {  	[tilespmem:$0x1FB20] =	vst v1;
	v6 =	vmax.f32 v20, v8;
	v1 =	vmax.f32 v7, v2;
	v9 =	vmax.f32 v59, v14  }
0x143: {  	v0 =	vmax.f32 v0, v23;
	v15 =	vmin.f32 v22, v5;
	v5 =	vmax.f32 v5, v22  }
0x144: {  	v59 =	vmin.f32 v13, v3;
	v3 =	vmax.f32 v3, v13;
	v22 =	vmin.f32 v63, v1  }
0x145: {  	v1 =	vmax.f32 v1, v63;
	v2 =	vmax.f32 v16, v15;
	v6 =	vmax.f32 v6, v59  }
0x146: {  	v7 =	vmax.f32 v9, v22;
	v58 =	vmax.f32 v4, v3;
	v23 =	vmin.f32 v12, v5  }
0x147: {  	v3 =	vmin.f32 v4, v3;
	v5 =	vmax.f32 v5, v12;
	v2 =	vmax.f32 v2, v23  }
0x148: {  	v0 =	vmax.f32 v0, v6;
	v59 =	vmin.f32 v1, v5;
	v2 =	vmax.f32 v7, v2  }
0x149: {  	v0 =	vmax.f32 v3, v0;
	v1 =	vmax.f32 v1, v5;
	v2 =	vmax.f32 v59, v2  }
0x14a: {  	v63 =	vmin.f32 v58, v1;
	v0 =	vmax.f32 v0, v2  }
0x14b: {  	v5 =	vmax.f32 v58, v1;
	v2 =	vmax.f32 v63, v0  }
0x14c: {  	v9 =	vpop (erf);
	v1 =	vsub.f32 v2, v5  }
0x14d: {  	v0 =	vadd.f32 $1.000000000e+00, v9  }
0x14e: {  	v1 =	vmul.f32 $1.442695020e+00, v1  }
0x14f: {  	(erf) = vrcp.f32 v0  }
0x150: {  	(erf) = vpow2.f32 v1;
	_ =	sdelay $0x7  }
0x151: {  	v1 =	vpop (erf)  }
0x152: {  	v22 =	vpop (erf)  }
0x153: {  	v23 =	vld [tilespmem:$0x1F5B0];
	v0 =	vadd.f32 $1.000000000e+00, v22;
	_ =	sdelay $0x1  }
0x154: {  	(erf) = vrcp.f32 v0;
	_ =	sdelay $0x1  }
0x155: {  	v3 =	vsub.f32 $1.000000000e+00, v1  }
0x156: {  	vm1 =	veq.f32 v23, v11  }
0x157: {  	v63 =	vld [tilespmem:$0x1F5C0];
	vm2 =	veq.f32 v23, v10;
	v58 =	vnsel vm1, $0x0, v3  }
0x158: {  	v6 =	vsel vm2, v1, v58;
	v58 =	vld [tilespmem:$0x1F5E0]  }
0x159: {  	v23 =	vld [tilespmem:$0x1F5D0];
	_ =	sdelay $0x2  }
0x15a: {  	v0 =	vpop (erf)  }
0x15b: {  	v4 =	vsub.f32 $1.000000000e+00, v0  }
0x15c: {  	vm3 =	veq.f32 v26, v2  }
0x15d: {  	vm1 =	veq.f32 v26, v5;
	[tilespmem:v63+s12+$0x0] =	vst.idx.msk $0xffff, v6;
	v59 =	vnsel vm3, $0x0, v4  }
0x15e: {  	v22 =	vsel vm1, v0, v59;
	v59 =	vld.idx.msk [tilespmem:v58+s1+$0x0], $0xffff  }
0x15f: {  	[tilespmem:v23+s12+$0x0] =	vst.idx.msk $0xffff, v22;
	v23 =	vld [tilespmem:$0x1F5F0]  }
0x160: {  	v7 =	vld.idx.msk [tilespmem:v56+s1+$0x0], $0xffff;
	_ =	sdelay $0x3  }
0x161: {  	vm1 =	veq.f32 v59, v11  }
0x162: {  	vm2 =	veq.f32 v59, v10;
	v63 =	vnsel vm1, $0x0, v3;
	vm3 =	veq.f32 v7, v2  }
0x163: {  	vm1 =	veq.f32 v7, v5;
	v6 =	vsel vm2, v1, v63;
	v9 =	vnsel vm3, $0x0, v4  }
0x164: {  	[tilespmem:v58+s12+$0x0] =	vst.idx.msk $0xffff, v6;
	v22 =	vsel vm1, v0, v9  }
0x165: {  	[tilespmem:v56+s12+$0x0] =	vst.idx.msk $0xffff, v22;
	v56 =	vld.idx.msk [tilespmem:v23+s1+$0x0], $0xffff;
	_ =	sdelay $0x1  }
0x166: {  	v22 =	vld [tilespmem:$0x1F600];
	_ =	sdelay $0x1  }
0x167: {  	v58 =	vld.idx.msk [tilespmem:v61+s1+$0x0], $0xffff  }
0x168: {  	vm1 =	veq.f32 v56, v11;
	vm2 =	veq.f32 v56, v10;
	v56 =	vld [tilespmem:$0x1F610];
	_ =	sdelay $0x1  }
0x169: {  	v59 =	vnsel vm1, $0x0, v3  }
0x16a: {  	v6 =	vsel vm2, v1, v59  }
0x16b: {  	vm3 =	veq.f32 v58, v2;
	[tilespmem:v23+s12+$0x0] =	vst.idx.msk $0xffff, v6  }
0x16c: {  	vm1 =	veq.f32 v58, v5;
	v63 =	vnsel vm3, $0x0, v4;
	v23 =	vld.idx.msk [tilespmem:v22+s1+$0x0], $0xffff  }
0x16d: {  	v9 =	vsel vm1, v0, v63  }
0x16e: {  	[tilespmem:v61+s12+$0x0] =	vst.idx.msk $0xffff, v9  }
0x16f: {  	v58 =	vld.idx.msk [tilespmem:v56+s1+$0x0], $0xffff;
	_ =	sdelay $0x1  }
0x170: {  	vm1 =	veq.f32 v23, v11  }
0x171: {  	vm2 =	veq.f32 v23, v10;
	v59 =	vnsel vm1, $0x0, v3  }
0x172: {  	v6 =	vsel vm2, v1, v59  }
0x173: {  	[tilespmem:v22+s12+$0x0] =	vst.idx.msk $0xffff, v6;
	v22 =	vld [tilespmem:$0x1F620];
	vm3 =	veq.f32 v58, v2  }
0x174: {  	vm1 =	veq.f32 v58, v5;
	v61 =	vnsel vm3, $0x0, v4  }
0x175: {  	v63 =	vsel vm1, v0, v61  }
0x176: {  	[tilespmem:v56+s12+$0x0] =	vst.idx.msk $0xffff, v63;
	v56 =	vld [tilespmem:$0x1F630];
	_ =	sdelay $0x4  }
0x177: {  	v23 =	vld.idx.msk [tilespmem:v22+s1+$0x0], $0xffff;
	_ =	sdelay $0x2  }
0x178: {  	v58 =	vld.idx.msk [tilespmem:v56+s1+$0x0], $0xffff;
	_ =	sdelay $0x1  }
0x179: {  	vm1 =	veq.f32 v23, v11  }
0x17a: {  	vm2 =	veq.f32 v23, v10;
	v59 =	vnsel vm1, $0x0, v3  }
0x17b: {  	v6 =	vsel vm2, v1, v59  }
0x17c: {  	[tilespmem:v22+s12+$0x0] =	vst.idx.msk $0xffff, v6;
	v22 =	vld [tilespmem:$0x1F640];
	vm3 =	veq.f32 v58, v2  }
0x17d: {  	vm1 =	veq.f32 v58, v5;
	v61 =	vnsel vm3, $0x0, v4  }
0x17e: {  	v63 =	vsel vm1, v0, v61  }
0x17f: {  	[tilespmem:v56+s12+$0x0] =	vst.idx.msk $0xffff, v63;
	v56 =	vld [tilespmem:$0x1F650];
	_ =	sdelay $0x4  }
0x180: {  	v23 =	vld.idx.msk [tilespmem:v22+s1+$0x0], $0xffff;
	_ =	sdelay $0x2  }
0x181: {  	v58 =	vld.idx.msk [tilespmem:v56+s1+$0x0], $0xffff;
	_ =	sdelay $0x1  }
0x182: {  	vm1 =	veq.f32 v23, v11  }
0x183: {  	vm2 =	veq.f32 v23, v10;
	v59 =	vnsel vm1, $0x0, v3  }
0x184: {  	v6 =	vsel vm2, v1, v59  }
0x185: {  	[tilespmem:v22+s12+$0x0] =	vst.idx.msk $0xffff, v6;
	v22 =	vld [tilespmem:$0x1F660];
	vm3 =	veq.f32 v58, v2  }
0x186: {  	vm1 =	veq.f32 v58, v5;
	v61 =	vnsel vm3, $0x0, v4  }
0x187: {  	v63 =	vsel vm1, v0, v61  }
0x188: {  	[tilespmem:v56+s12+$0x0] =	vst.idx.msk $0xffff, v63;
	v56 =	vld [tilespmem:$0x1F670];
	_ =	sdelay $0x4  }
0x189: {  	v23 =	vld.idx.msk [tilespmem:v22+s1+$0x0], $0xffff  }
0x18a: {  	v8 =	vld [tilespmem:$0x1F680];
	_ =	sdelay $0x1  }
0x18b: {  	v58 =	vld.idx.msk [tilespmem:v56+s1+$0x0], $0xffff;
	_ =	sdelay $0x1  }
0x18c: {  	vm1 =	veq.f32 v23, v11  }
0x18d: {  	vm2 =	veq.f32 v23, v10;
	v59 =	vnsel vm1, $0x0, v3  }
0x18e: {  	v6 =	vsel vm2, v1, v59  }
0x18f: {  	[tilespmem:v22+s12+$0x0] =	vst.idx.msk $0xffff, v6;
	vm3 =	veq.f32 v58, v2;
	vm1 =	veq.f32 v58, v5;
	v58 =	vld [tilespmem:$0x1F690]  }
0x190: {  	v23 =	vld.idx.msk [tilespmem:v8+s1+$0x0], $0xffff;
	_ =	sdelay $0x3  }
0x191: {  	v63 =	vnsel vm3, $0x0, v4  }
0x192: {  	v22 =	vsel vm1, v0, v63;
	vm1 =	veq.f32 v23, v11  }
0x193: {  	[tilespmem:v56+s12+$0x0] =	vst.idx.msk $0xffff, v22;
	vm2 =	veq.f32 v23, v10;
	v63 =	vnsel vm1, $0x0, v3  }
0x194: {  	v6 =	vsel vm2, v1, v63;
	v59 =	vld.idx.msk [tilespmem:v58+s1+$0x0], $0xffff  }
0x195: {  	[tilespmem:v8+s12+$0x0] =	vst.idx.msk $0xffff, v6;
	v8 =	vld [tilespmem:$0x1F6A0];
	_ =	sdelay $0x4  }
0x196: {  	vm3 =	veq.f32 v59, v2  }
0x197: {  	vm1 =	veq.f32 v59, v5;
	v22 =	vnsel vm3, $0x0, v4  }
0x198: {  	v23 =	vsel vm1, v0, v22  }
0x199: {  	[tilespmem:v58+s12+$0x0] =	vst.idx.msk $0xffff, v23;
	v58 =	vld.idx.msk [tilespmem:v8+s1+$0x0], $0xffff;
	_ =	sdelay $0x2  }
0x19a: {  	v9 =	vld [tilespmem:$0x1F6B0];
	_ =	sdelay $0x1  }
0x19b: {  	vm1 =	veq.f32 v58, v11  }
0x19c: {  	vm2 =	veq.f32 v58, v10;
	v22 =	vnsel vm1, $0x0, v3  }
0x19d: {  	v6 =	vsel vm2, v1, v22  }
0x19e: {  	[tilespmem:v8+s12+$0x0] =	vst.idx.msk $0xffff, v6;
	v8 =	vld [tilespmem:$0x1F6C0];
	_ =	sdelay $0x2  }
0x19f: {  	v63 =	vld.idx.msk [tilespmem:v9+s1+$0x0], $0xffff;
	_ =	sdelay $0x4  }
0x1a0: {  	vm3 =	veq.f32 v63, v2;
	vm1 =	veq.f32 v63, v5;
	v63 =	vld.idx.msk [tilespmem:v8+s1+$0x0], $0xffff  }
0x1a1: {  	v23 =	vnsel vm3, $0x0, v4  }
0x1a2: {  	v58 =	vsel vm1, v0, v23  }
0x1a3: {  	[tilespmem:v9+s12+$0x0] =	vst.idx.msk $0xffff, v58;
	v9 =	vld [tilespmem:$0x1F6D0];
	_ =	sdelay $0x1  }
0x1a4: {  	vm1 =	veq.f32 v63, v11  }
0x1a5: {  	vm2 =	veq.f32 v63, v10;
	v23 =	vnsel vm1, $0x0, v3  }
0x1a6: {  	v6 =	vsel vm2, v1, v23  }
0x1a7: {  	[tilespmem:v8+s12+$0x0] =	vst.idx.msk $0xffff, v6;
	v8 =	vld [tilespmem:$0x1F6E0];
	_ =	sdelay $0x2  }
0x1a8: {  	v22 =	vld.idx.msk [tilespmem:v9+s1+$0x0], $0xffff;
	_ =	sdelay $0x4  }
0x1a9: {  	vm3 =	veq.f32 v22, v2;
	vm1 =	veq.f32 v22, v5;
	v22 =	vld.idx.msk [tilespmem:v8+s1+$0x0], $0xffff  }
0x1aa: {  	v58 =	vnsel vm3, $0x0, v4  }
0x1ab: {  	v63 =	vsel vm1, v0, v58  }
0x1ac: {  	[tilespmem:v9+s12+$0x0] =	vst.idx.msk $0xffff, v63;
	v9 =	vld [tilespmem:$0x1F6F0];
	_ =	sdelay $0x1  }
0x1ad: {  	vm1 =	veq.f32 v22, v11  }
0x1ae: {  	vm2 =	veq.f32 v22, v10;
	v58 =	vnsel vm1, $0x0, v3  }
0x1af: {  	v6 =	vsel vm2, v1, v58  }
0x1b0: {  	[tilespmem:v8+s12+$0x0] =	vst.idx.msk $0xffff, v6;
	v8 =	vld [tilespmem:$0x1F700];
	_ =	sdelay $0x2  }
0x1b1: {  	v23 =	vld.idx.msk [tilespmem:v9+s1+$0x0], $0xffff;
	_ =	sdelay $0x4  }
0x1b2: {  	vm3 =	veq.f32 v23, v2;
	vm1 =	veq.f32 v23, v5;
	v23 =	vld.idx.msk [tilespmem:v8+s1+$0x0], $0xffff  }
0x1b3: {  	v63 =	vnsel vm3, $0x0, v4  }
0x1b4: {  	v22 =	vsel vm1, v0, v63  }
0x1b5: {  	[tilespmem:v9+s12+$0x0] =	vst.idx.msk $0xffff, v22;
	v9 =	vld [tilespmem:$0x1F710];
	_ =	sdelay $0x1  }
0x1b6: {  	vm1 =	veq.f32 v23, v11  }
0x1b7: {  	vm2 =	veq.f32 v23, v10;
	v63 =	vnsel vm1, $0x0, v3  }
0x1b8: {  	v6 =	vsel vm2, v1, v63  }
0x1b9: {  	[tilespmem:v8+s12+$0x0] =	vst.idx.msk $0xffff, v6;
	v8 =	vld [tilespmem:$0x1F720];
	_ =	sdelay $0x2  }
0x1ba: {  	v58 =	vld.idx.msk [tilespmem:v9+s1+$0x0], $0xffff;
	_ =	sdelay $0x4  }
0x1bb: {  	vm3 =	veq.f32 v58, v2;
	vm1 =	veq.f32 v58, v5;
	v58 =	vld.idx.msk [tilespmem:v8+s1+$0x0], $0xffff  }
0x1bc: {  	v22 =	vnsel vm3, $0x0, v4  }
0x1bd: {  	v23 =	vsel vm1, v0, v22  }
0x1be: {  	[tilespmem:v9+s12+$0x0] =	vst.idx.msk $0xffff, v23;
	v9 =	vld [tilespmem:$0x1F730];
	_ =	sdelay $0x1  }
0x1bf: {  	vm1 =	veq.f32 v58, v11  }
0x1c0: {  	vm2 =	veq.f32 v58, v10;
	v22 =	vnsel vm1, $0x0, v3  }
0x1c1: {  	v6 =	vsel vm2, v1, v22  }
0x1c2: {  	[tilespmem:v8+s12+$0x0] =	vst.idx.msk $0xffff, v6;
	v8 =	vld [tilespmem:$0x1F740];
	_ =	sdelay $0x2  }
0x1c3: {  	v63 =	vld.idx.msk [tilespmem:v9+s1+$0x0], $0xffff;
	_ =	sdelay $0x4  }
0x1c4: {  	vm3 =	veq.f32 v63, v2;
	vm1 =	veq.f32 v63, v5;
	v63 =	vld.idx.msk [tilespmem:v8+s1+$0x0], $0xffff  }
0x1c5: {  	v23 =	vnsel vm3, $0x0, v4  }
0x1c6: {  	v58 =	vsel vm1, v0, v23  }
0x1c7: {  	[tilespmem:v9+s12+$0x0] =	vst.idx.msk $0xffff, v58;
	v9 =	vld [tilespmem:$0x1F750];
	_ =	sdelay $0x1  }
0x1c8: {  	vm1 =	veq.f32 v63, v11  }
0x1c9: {  	vm2 =	veq.f32 v63, v10;
	v23 =	vnsel vm1, $0x0, v3  }
0x1ca: {  	v6 =	vsel vm2, v1, v23  }
0x1cb: {  	[tilespmem:v8+s12+$0x0] =	vst.idx.msk $0xffff, v6;
	v8 =	vld [tilespmem:$0x1F760];
	_ =	sdelay $0x2  }
0x1cc: {  	v22 =	vld.idx.msk [tilespmem:v9+s1+$0x0], $0xffff;
	_ =	sdelay $0x4  }
0x1cd: {  	vm3 =	veq.f32 v22, v2;
	vm1 =	veq.f32 v22, v5;
	v22 =	vld.idx.msk [tilespmem:v8+s1+$0x0], $0xffff;
	_ =	sdelay $0x3  }
0x1ce: {  	v58 =	vnsel vm3, $0x0, v4  }
0x1cf: {  	v63 =	vsel vm1, v0, v58;
	vm1 =	veq.f32 v22, v11  }
0x1d0: {  	v13 =	vld [tilespmem:$0x1F770];
	vm2 =	veq.f32 v22, v10;
	v58 =	vnsel vm1, $0x0, v3  }
0x1d1: {  	v6 =	vsel vm2, v1, v58  }
0x1d2: {  	[tilespmem:v8+s12+$0x0] =	vst.idx.msk $0xffff, v6;
	v8 =	vld [tilespmem:$0x1F780];
	_ =	sdelay $0x4  }
0x1d3: {  	[tilespmem:v9+s12+$0x0] =	vst.idx.msk $0xffff, v63  }
0x1d4: {  	v23 =	vld.idx.msk [tilespmem:v13+s1+$0x0], $0xffff;
	_ =	sdelay $0x1  }
0x1d5: {  	v22 =	vld.idx.msk [tilespmem:v8+s1+$0x0], $0xffff;
	_ =	sdelay $0x2  }
0x1d6: {  	vm3 =	veq.f32 v23, v2  }
0x1d7: {  	v63 =	vnsel vm3, $0x0, v4;
	vm1 =	veq.f32 v23, v5  }
0x1d8: {  	v9 =	vsel vm1, v0, v63;
	vm1 =	veq.f32 v22, v11  }
0x1d9: {  	vm2 =	veq.f32 v22, v10;
	v58 =	vnsel vm1, $0x0, v3  }
0x1da: {  	v6 =	vsel vm2, v1, v58  }
0x1db: {  	[tilespmem:v8+s12+$0x0] =	vst.idx.msk $0xffff, v6;
	v8 =	vld [tilespmem:$0x1F790];
	_ =	sdelay $0x4  }
0x1dc: {  	[tilespmem:v13+s12+$0x0] =	vst.idx.msk $0xffff, v9  }
0x1dd: {  	v23 =	vld.idx.msk [tilespmem:v24+s1+$0x0], $0xffff;
	_ =	sdelay $0x1  }
0x1de: {  	v22 =	vld.idx.msk [tilespmem:v8+s1+$0x0], $0xffff;
	_ =	sdelay $0x2  }
0x1df: {  	vm3 =	veq.f32 v23, v2  }
0x1e0: {  	v63 =	vnsel vm3, $0x0, v4;
	vm1 =	veq.f32 v23, v5  }
0x1e1: {  	v9 =	vsel vm1, v0, v63;
	vm1 =	veq.f32 v22, v11  }
0x1e2: {  	vm2 =	veq.f32 v22, v10;
	v58 =	vnsel vm1, $0x0, v3  }
0x1e3: {  	v6 =	vsel vm2, v1, v58  }
0x1e4: {  	[tilespmem:v8+s12+$0x0] =	vst.idx.msk $0xffff, v6;
	v8 =	vld [tilespmem:$0x1F7A0];
	_ =	sdelay $0x4  }
0x1e5: {  	[tilespmem:v24+s12+$0x0] =	vst.idx.msk $0xffff, v9  }
0x1e6: {  	v23 =	vld.idx.msk [tilespmem:v25+s1+$0x0], $0xffff;
	_ =	sdelay $0x1  }
0x1e7: {  	v22 =	vld.idx.msk [tilespmem:v8+s1+$0x0], $0xffff;
	_ =	sdelay $0x2  }
0x1e8: {  	vm3 =	veq.f32 v23, v2  }
0x1e9: {  	v63 =	vnsel vm3, $0x0, v4;
	vm1 =	veq.f32 v23, v5  }
0x1ea: {  	v9 =	vsel vm1, v0, v63;
	vm1 =	veq.f32 v22, v11;
	vm2 =	veq.f32 v22, v10;
	v22 =	vld [tilespmem:$0x1F7B0];
	_ =	sdelay $0x1  }
0x1eb: {  	[tilespmem:v25+s12+$0x0] =	vst.idx.msk $0xffff, v9  }
0x1ec: {  	v23 =	vld.idx.msk [tilespmem:v27+s1+$0x0], $0xffff;
	_ =	sdelay $0x1  }
0x1ed: {  	v58 =	vnsel vm1, $0x0, v3  }
0x1ee: {  	v6 =	vsel vm2, v1, v58  }
0x1ef: {  	[tilespmem:v8+s12+$0x0] =	vst.idx.msk $0xffff, v6  }
0x1f0: {  	vm3 =	veq.f32 v23, v2;
	vm1 =	veq.f32 v23, v5;
	v23 =	vld.idx.msk [tilespmem:v22+s1+$0x0], $0xffff  }
0x1f1: {  	v8 =	vld [tilespmem:$0x1F7C0];
	_ =	sdelay $0x2  }
0x1f2: {  	v63 =	vnsel vm3, $0x0, v4  }
0x1f3: {  	v9 =	vsel vm1, v0, v63;
	vm1 =	veq.f32 v23, v11  }
0x1f4: {  	[tilespmem:v27+s12+$0x0] =	vst.idx.msk $0xffff, v9;
	vm2 =	veq.f32 v23, v10;
	v63 =	vnsel vm1, $0x0, v3  }
0x1f5: {  	v58 =	vld.idx.msk [tilespmem:v28+s1+$0x0], $0xffff;
	v6 =	vsel vm2, v1, v63  }
0x1f6: {  	[tilespmem:v22+s12+$0x0] =	vst.idx.msk $0xffff, v6  }
0x1f7: {  	v23 =	vld.idx.msk [tilespmem:v8+s1+$0x0], $0xffff;
	_ =	sdelay $0x2  }
0x1f8: {  	vm3 =	veq.f32 v58, v2  }
0x1f9: {  	v9 =	vnsel vm3, $0x0, v4;
	vm1 =	veq.f32 v58, v5  }
0x1fa: {  	v22 =	vsel vm1, v0, v9;
	vm1 =	veq.f32 v23, v11  }
0x1fb: {  	vm2 =	veq.f32 v23, v10;
	v9 =	vnsel vm1, $0x0, v3  }
0x1fc: {  	v6 =	vsel vm2, v1, v9  }
0x1fd: {  	[tilespmem:v8+s12+$0x0] =	vst.idx.msk $0xffff, v6;
	v8 =	vld [tilespmem:$0x1F7D0];
	_ =	sdelay $0x1  }
0x1fe: {  	[tilespmem:v28+s12+$0x0] =	vst.idx.msk $0xffff, v22  }
0x1ff: {  	v63 =	vld.idx.msk [tilespmem:v29+s1+$0x0], $0xffff;
	_ =	sdelay $0x4  }
0x200: {  	vm3 =	veq.f32 v63, v2;
	vm1 =	veq.f32 v63, v5;
	v63 =	vld.idx.msk [tilespmem:v8+s1+$0x0], $0xffff;
	_ =	sdelay $0x3  }
0x201: {  	v22 =	vnsel vm3, $0x0, v4  }
0x202: {  	v23 =	vsel vm1, v0, v22;
	vm1 =	veq.f32 v63, v11  }
0x203: {  	vm2 =	veq.f32 v63, v10;
	v22 =	vnsel vm1, $0x0, v3  }
0x204: {  	v6 =	vsel vm2, v1, v22  }
0x205: {  	[tilespmem:v8+s12+$0x0] =	vst.idx.msk $0xffff, v6;
	v8 =	vld [tilespmem:$0x1F7E0];
	_ =	sdelay $0x1  }
0x206: {  	[tilespmem:v29+s12+$0x0] =	vst.idx.msk $0xffff, v23  }
0x207: {  	v9 =	vld.idx.msk [tilespmem:v30+s1+$0x0], $0xffff;
	_ =	sdelay $0x4  }
0x208: {  	vm3 =	veq.f32 v9, v2;
	vm1 =	veq.f32 v9, v5;
	v9 =	vld.idx.msk [tilespmem:v8+s1+$0x0], $0xffff;
	_ =	sdelay $0x3  }
0x209: {  	v23 =	vnsel vm3, $0x0, v4  }
0x20a: {  	v63 =	vsel vm1, v0, v23;
	vm1 =	veq.f32 v9, v11  }
0x20b: {  	vm2 =	veq.f32 v9, v10;
	v23 =	vnsel vm1, $0x0, v3  }
0x20c: {  	v6 =	vsel vm2, v1, v23  }
0x20d: {  	[tilespmem:v8+s12+$0x0] =	vst.idx.msk $0xffff, v6;
	v8 =	vld [tilespmem:$0x1F7F0];
	_ =	sdelay $0x1  }
0x20e: {  	[tilespmem:v30+s12+$0x0] =	vst.idx.msk $0xffff, v63  }
0x20f: {  	v22 =	vld.idx.msk [tilespmem:v31+s1+$0x0], $0xffff;
	_ =	sdelay $0x4  }
0x210: {  	vm3 =	veq.f32 v22, v2;
	vm1 =	veq.f32 v22, v5;
	v22 =	vld.idx.msk [tilespmem:v8+s1+$0x0], $0xffff;
	_ =	sdelay $0x3  }
0x211: {  	v63 =	vnsel vm3, $0x0, v4  }
0x212: {  	v9 =	vsel vm1, v0, v63;
	vm1 =	veq.f32 v22, v11  }
0x213: {  	vm2 =	veq.f32 v22, v10;
	v63 =	vnsel vm1, $0x0, v3  }
0x214: {  	v6 =	vsel vm2, v1, v63  }
0x215: {  	[tilespmem:v8+s12+$0x0] =	vst.idx.msk $0xffff, v6;
	v8 =	vld [tilespmem:$0x1F800];
	_ =	sdelay $0x1  }
0x216: {  	[tilespmem:v31+s12+$0x0] =	vst.idx.msk $0xffff, v9  }
0x217: {  	v23 =	vld.idx.msk [tilespmem:v32+s1+$0x0], $0xffff;
	_ =	sdelay $0x4  }
0x218: {  	vm3 =	veq.f32 v23, v2;
	vm1 =	veq.f32 v23, v5;
	v23 =	vld.idx.msk [tilespmem:v8+s1+$0x0], $0xffff;
	_ =	sdelay $0x3  }
0x219: {  	v9 =	vnsel vm3, $0x0, v4  }
0x21a: {  	v22 =	vsel vm1, v0, v9;
	vm1 =	veq.f32 v23, v11  }
0x21b: {  	vm2 =	veq.f32 v23, v10;
	v9 =	vnsel vm1, $0x0, v3  }
0x21c: {  	v6 =	vsel vm2, v1, v9  }
0x21d: {  	[tilespmem:v8+s12+$0x0] =	vst.idx.msk $0xffff, v6;
	v8 =	vld [tilespmem:$0x1F810];
	_ =	sdelay $0x1  }
0x21e: {  	[tilespmem:v32+s12+$0x0] =	vst.idx.msk $0xffff, v22  }
0x21f: {  	v63 =	vld.idx.msk [tilespmem:v33+s1+$0x0], $0xffff;
	_ =	sdelay $0x4  }
0x220: {  	vm3 =	veq.f32 v63, v2;
	vm1 =	veq.f32 v63, v5;
	v63 =	vld.idx.msk [tilespmem:v8+s1+$0x0], $0xffff;
	_ =	sdelay $0x3  }
0x221: {  	v22 =	vnsel vm3, $0x0, v4  }
0x222: {  	v23 =	vsel vm1, v0, v22;
	vm1 =	veq.f32 v63, v11  }
0x223: {  	vm2 =	veq.f32 v63, v10;
	v22 =	vnsel vm1, $0x0, v3  }
0x224: {  	v6 =	vsel vm2, v1, v22  }
0x225: {  	[tilespmem:v8+s12+$0x0] =	vst.idx.msk $0xffff, v6;
	v8 =	vld [tilespmem:$0x1F820];
	_ =	sdelay $0x1  }
0x226: {  	[tilespmem:v33+s12+$0x0] =	vst.idx.msk $0xffff, v23  }
0x227: {  	v9 =	vld.idx.msk [tilespmem:v34+s1+$0x0], $0xffff;
	_ =	sdelay $0x4  }
0x228: {  	vm3 =	veq.f32 v9, v2;
	vm1 =	veq.f32 v9, v5;
	v9 =	vld.idx.msk [tilespmem:v8+s1+$0x0], $0xffff;
	_ =	sdelay $0x3  }
0x229: {  	v23 =	vnsel vm3, $0x0, v4  }
0x22a: {  	v63 =	vsel vm1, v0, v23;
	vm1 =	veq.f32 v9, v11  }
0x22b: {  	vm2 =	veq.f32 v9, v10;
	v23 =	vnsel vm1, $0x0, v3  }
0x22c: {  	v6 =	vsel vm2, v1, v23  }
0x22d: {  	[tilespmem:v8+s12+$0x0] =	vst.idx.msk $0xffff, v6;
	v8 =	vld [tilespmem:$0x1F830];
	_ =	sdelay $0x1  }
0x22e: {  	[tilespmem:v34+s12+$0x0] =	vst.idx.msk $0xffff, v63  }
0x22f: {  	v22 =	vld.idx.msk [tilespmem:v35+s1+$0x0], $0xffff;
	_ =	sdelay $0x4  }
0x230: {  	vm3 =	veq.f32 v22, v2;
	vm1 =	veq.f32 v22, v5;
	v22 =	vld.idx.msk [tilespmem:v8+s1+$0x0], $0xffff;
	_ =	sdelay $0x3  }
0x231: {  	v63 =	vnsel vm3, $0x0, v4  }
0x232: {  	v9 =	vsel vm1, v0, v63;
	vm1 =	veq.f32 v22, v11  }
0x233: {  	vm2 =	veq.f32 v22, v10;
	v63 =	vnsel vm1, $0x0, v3  }
0x234: {  	v6 =	vsel vm2, v1, v63  }
0x235: {  	[tilespmem:v8+s12+$0x0] =	vst.idx.msk $0xffff, v6;
	v8 =	vld [tilespmem:$0x1F840];
	_ =	sdelay $0x1  }
0x236: {  	[tilespmem:v35+s12+$0x0] =	vst.idx.msk $0xffff, v9  }
0x237: {  	v23 =	vld.idx.msk [tilespmem:v36+s1+$0x0], $0xffff;
	_ =	sdelay $0x4  }
0x238: {  	vm3 =	veq.f32 v23, v2;
	vm1 =	veq.f32 v23, v5;
	v23 =	vld.idx.msk [tilespmem:v8+s1+$0x0], $0xffff;
	_ =	sdelay $0x3  }
0x239: {  	v9 =	vnsel vm3, $0x0, v4  }
0x23a: {  	v22 =	vsel vm1, v0, v9;
	vm1 =	veq.f32 v23, v11  }
0x23b: {  	vm2 =	veq.f32 v23, v10;
	v9 =	vnsel vm1, $0x0, v3  }
0x23c: {  	v6 =	vsel vm2, v1, v9  }
0x23d: {  	[tilespmem:v8+s12+$0x0] =	vst.idx.msk $0xffff, v6;
	v8 =	vld [tilespmem:$0x1F850];
	_ =	sdelay $0x1  }
0x23e: {  	[tilespmem:v36+s12+$0x0] =	vst.idx.msk $0xffff, v22  }
0x23f: {  	v63 =	vld.idx.msk [tilespmem:v37+s1+$0x0], $0xffff;
	_ =	sdelay $0x4  }
0x240: {  	vm3 =	veq.f32 v63, v2;
	vm1 =	veq.f32 v63, v5;
	v63 =	vld.idx.msk [tilespmem:v8+s1+$0x0], $0xffff;
	_ =	sdelay $0x3  }
0x241: {  	v22 =	vnsel vm3, $0x0, v4  }
0x242: {  	v23 =	vsel vm1, v0, v22;
	vm1 =	veq.f32 v63, v11  }
0x243: {  	vm2 =	veq.f32 v63, v10;
	v22 =	vnsel vm1, $0x0, v3  }
0x244: {  	v6 =	vsel vm2, v1, v22  }
0x245: {  	[tilespmem:v8+s12+$0x0] =	vst.idx.msk $0xffff, v6;
	v8 =	vld [tilespmem:$0x1F860];
	_ =	sdelay $0x1  }
0x246: {  	[tilespmem:v37+s12+$0x0] =	vst.idx.msk $0xffff, v23  }
0x247: {  	v9 =	vld.idx.msk [tilespmem:v38+s1+$0x0], $0xffff;
	_ =	sdelay $0x4  }
0x248: {  	vm3 =	veq.f32 v9, v2;
	vm1 =	veq.f32 v9, v5;
	v9 =	vld.idx.msk [tilespmem:v8+s1+$0x0], $0xffff;
	_ =	sdelay $0x3  }
0x249: {  	v23 =	vnsel vm3, $0x0, v4  }
0x24a: {  	v63 =	vsel vm1, v0, v23;
	vm1 =	veq.f32 v9, v11  }
0x24b: {  	vm2 =	veq.f32 v9, v10;
	v23 =	vnsel vm1, $0x0, v3  }
0x24c: {  	v6 =	vsel vm2, v1, v23  }
0x24d: {  	[tilespmem:v8+s12+$0x0] =	vst.idx.msk $0xffff, v6;
	v8 =	vld [tilespmem:$0x1F870];
	_ =	sdelay $0x1  }
0x24e: {  	[tilespmem:v38+s12+$0x0] =	vst.idx.msk $0xffff, v63  }
0x24f: {  	v22 =	vld.idx.msk [tilespmem:v39+s1+$0x0], $0xffff;
	_ =	sdelay $0x4  }
0x250: {  	vm3 =	veq.f32 v22, v2;
	vm1 =	veq.f32 v22, v5;
	v22 =	vld.idx.msk [tilespmem:v8+s1+$0x0], $0xffff;
	_ =	sdelay $0x3  }
0x251: {  	v63 =	vnsel vm3, $0x0, v4  }
0x252: {  	v9 =	vsel vm1, v0, v63;
	vm1 =	veq.f32 v22, v11  }
0x253: {  	[tilespmem:v39+s12+$0x0] =	vst.idx.msk $0xffff, v9;
	vm2 =	veq.f32 v22, v10;
	v39 =	vnsel vm1, $0x0, v3  }
0x254: {  	v6 =	vsel vm2, v1, v39  }
0x255: {  	[tilespmem:v8+s12+$0x0] =	vst.idx.msk $0xffff, v6;
	v8 =	vld [tilespmem:$0x1F880];
	_ =	sdelay $0x5  }
0x256: {  	v23 =	vld.idx.msk [tilespmem:v40+s1+$0x0], $0xffff;
	_ =	sdelay $0x1  }
0x257: {  	v22 =	vld.idx.msk [tilespmem:v8+s1+$0x0], $0xffff;
	_ =	sdelay $0x2  }
0x258: {  	vm3 =	veq.f32 v23, v2  }
0x259: {  	v63 =	vnsel vm3, $0x0, v4;
	vm1 =	veq.f32 v23, v5  }
0x25a: {  	v9 =	vsel vm1, v0, v63;
	vm1 =	veq.f32 v22, v11;
	vm2 =	veq.f32 v22, v10;
	v22 =	vld [tilespmem:$0x1F890];
	_ =	sdelay $0x1  }
0x25b: {  	[tilespmem:v40+s12+$0x0] =	vst.idx.msk $0xffff, v9  }
0x25c: {  	v23 =	vld.idx.msk [tilespmem:v41+s1+$0x0], $0xffff;
	_ =	sdelay $0x1  }
0x25d: {  	v39 =	vnsel vm1, $0x0, v3  }
0x25e: {  	v6 =	vsel vm2, v1, v39  }
0x25f: {  	[tilespmem:v8+s12+$0x0] =	vst.idx.msk $0xffff, v6  }
0x260: {  	vm3 =	veq.f32 v23, v2;
	vm1 =	veq.f32 v23, v5;
	v23 =	vld.idx.msk [tilespmem:v22+s1+$0x0], $0xffff;
	_ =	sdelay $0x3  }
0x261: {  	v63 =	vnsel vm3, $0x0, v4  }
0x262: {  	v9 =	vsel vm1, v0, v63;
	vm1 =	veq.f32 v23, v11;
	vm2 =	veq.f32 v23, v10;
	v23 =	vld [tilespmem:$0x1F8A0];
	_ =	sdelay $0x1  }
0x263: {  	[tilespmem:v41+s12+$0x0] =	vst.idx.msk $0xffff, v9  }
0x264: {  	v39 =	vld.idx.msk [tilespmem:v42+s1+$0x0], $0xffff;
	_ =	sdelay $0x1  }
0x265: {  	v63 =	vnsel vm1, $0x0, v3  }
0x266: {  	v6 =	vsel vm2, v1, v63  }
0x267: {  	[tilespmem:v22+s12+$0x0] =	vst.idx.msk $0xffff, v6  }
0x268: {  	vm3 =	veq.f32 v39, v2;
	vm1 =	veq.f32 v39, v5;
	v39 =	vld.idx.msk [tilespmem:v23+s1+$0x0], $0xffff;
	_ =	sdelay $0x3  }
0x269: {  	v9 =	vnsel vm3, $0x0, v4  }
0x26a: {  	v22 =	vsel vm1, v0, v9;
	vm1 =	veq.f32 v39, v11;
	vm2 =	veq.f32 v39, v10;
	v39 =	vld [tilespmem:$0x1F8B0];
	_ =	sdelay $0x1  }
0x26b: {  	[tilespmem:v42+s12+$0x0] =	vst.idx.msk $0xffff, v22  }
0x26c: {  	v63 =	vld.idx.msk [tilespmem:v43+s1+$0x0], $0xffff;
	_ =	sdelay $0x1  }
0x26d: {  	v9 =	vnsel vm1, $0x0, v3  }
0x26e: {  	v6 =	vsel vm2, v1, v9  }
0x26f: {  	[tilespmem:v23+s12+$0x0] =	vst.idx.msk $0xffff, v6  }
0x270: {  	vm3 =	veq.f32 v63, v2;
	vm1 =	veq.f32 v63, v5;
	v63 =	vld.idx.msk [tilespmem:v39+s1+$0x0], $0xffff;
	_ =	sdelay $0x3  }
0x271: {  	v22 =	vnsel vm3, $0x0, v4  }
0x272: {  	v23 =	vsel vm1, v0, v22;
	vm1 =	veq.f32 v63, v11;
	vm2 =	veq.f32 v63, v10;
	v63 =	vld [tilespmem:$0x1F8C0];
	_ =	sdelay $0x1  }
0x273: {  	[tilespmem:v43+s12+$0x0] =	vst.idx.msk $0xffff, v23  }
0x274: {  	v9 =	vld.idx.msk [tilespmem:v44+s1+$0x0], $0xffff;
	_ =	sdelay $0x1  }
0x275: {  	v22 =	vnsel vm1, $0x0, v3  }
0x276: {  	v6 =	vsel vm2, v1, v22  }
0x277: {  	[tilespmem:v39+s12+$0x0] =	vst.idx.msk $0xffff, v6  }
0x278: {  	vm3 =	veq.f32 v9, v2;
	vm1 =	veq.f32 v9, v5;
	v9 =	vld.idx.msk [tilespmem:v63+s1+$0x0], $0xffff;
	_ =	sdelay $0x3  }
0x279: {  	v23 =	vnsel vm3, $0x0, v4  }
0x27a: {  	v39 =	vsel vm1, v0, v23;
	vm1 =	veq.f32 v9, v11  }
0x27b: {  	vm2 =	veq.f32 v9, v10;
	v23 =	vnsel vm1, $0x0, v3  }
0x27c: {  	v6 =	vsel vm2, v1, v23  }
0x27d: {  	[tilespmem:v63+s12+$0x0] =	vst.idx.msk $0xffff, v6;
	v63 =	vld [tilespmem:$0x1F8D0];
	_ =	sdelay $0x4  }
0x27e: {  	[tilespmem:v44+s12+$0x0] =	vst.idx.msk $0xffff, v39  }
0x27f: {  	v22 =	vld.idx.msk [tilespmem:v45+s1+$0x0], $0xffff;
	_ =	sdelay $0x1  }
0x280: {  	v9 =	vld.idx.msk [tilespmem:v63+s1+$0x0], $0xffff;
	_ =	sdelay $0x2  }
0x281: {  	vm3 =	veq.f32 v22, v2  }
0x282: {  	v39 =	vnsel vm3, $0x0, v4;
	vm1 =	veq.f32 v22, v5  }
0x283: {  	v44 =	vsel vm1, v0, v39;
	vm1 =	veq.f32 v9, v11  }
0x284: {  	vm2 =	veq.f32 v9, v10;
	v23 =	vnsel vm1, $0x0, v3  }
0x285: {  	v6 =	vsel vm2, v1, v23  }
0x286: {  	[tilespmem:v63+s12+$0x0] =	vst.idx.msk $0xffff, v6;
	v63 =	vld [tilespmem:$0x1F8E0];
	_ =	sdelay $0x4  }
0x287: {  	[tilespmem:v45+s12+$0x0] =	vst.idx.msk $0xffff, v44  }
0x288: {  	v22 =	vld.idx.msk [tilespmem:v46+s1+$0x0], $0xffff;
	_ =	sdelay $0x1  }
0x289: {  	v9 =	vld.idx.msk [tilespmem:v63+s1+$0x0], $0xffff;
	_ =	sdelay $0x2  }
0x28a: {  	vm3 =	veq.f32 v22, v2  }
0x28b: {  	v39 =	vnsel vm3, $0x0, v4;
	vm1 =	veq.f32 v22, v5  }
0x28c: {  	v45 =	vsel vm1, v0, v39;
	vm1 =	veq.f32 v9, v11  }
0x28d: {  	vm2 =	veq.f32 v9, v10;
	v23 =	vnsel vm1, $0x0, v3  }
0x28e: {  	v6 =	vsel vm2, v1, v23  }
0x28f: {  	[tilespmem:v63+s12+$0x0] =	vst.idx.msk $0xffff, v6;
	v63 =	vld [tilespmem:$0x1F8F0];
	_ =	sdelay $0x4  }
0x290: {  	[tilespmem:v46+s12+$0x0] =	vst.idx.msk $0xffff, v45  }
0x291: {  	v22 =	vld.idx.msk [tilespmem:v47+s1+$0x0], $0xffff;
	_ =	sdelay $0x1  }
0x292: {  	v9 =	vld.idx.msk [tilespmem:v63+s1+$0x0], $0xffff;
	_ =	sdelay $0x2  }
0x293: {  	vm3 =	veq.f32 v22, v2  }
0x294: {  	v39 =	vnsel vm3, $0x0, v4;
	vm1 =	veq.f32 v22, v5  }
0x295: {  	v45 =	vsel vm1, v0, v39;
	vm1 =	veq.f32 v9, v11  }
0x296: {  	vm2 =	veq.f32 v9, v10;
	v23 =	vnsel vm1, $0x0, v3  }
0x297: {  	v6 =	vsel vm2, v1, v23  }
0x298: {  	[tilespmem:v63+s12+$0x0] =	vst.idx.msk $0xffff, v6;
	v63 =	vld [tilespmem:$0x1F900];
	_ =	sdelay $0x4  }
0x299: {  	[tilespmem:v47+s12+$0x0] =	vst.idx.msk $0xffff, v45  }
0x29a: {  	v22 =	vld.idx.msk [tilespmem:v48+s1+$0x0], $0xffff;
	_ =	sdelay $0x1  }
0x29b: {  	v9 =	vld.idx.msk [tilespmem:v63+s1+$0x0], $0xffff;
	_ =	sdelay $0x2  }
0x29c: {  	vm3 =	veq.f32 v22, v2  }
0x29d: {  	v39 =	vnsel vm3, $0x0, v4;
	vm1 =	veq.f32 v22, v5  }
0x29e: {  	v47 =	vsel vm1, v0, v39;
	vm1 =	veq.f32 v9, v11  }
0x29f: {  	vm2 =	veq.f32 v9, v10;
	v23 =	vnsel vm1, $0x0, v3  }
0x2a0: {  	v6 =	vsel vm2, v1, v23  }
0x2a1: {  	[tilespmem:v63+s12+$0x0] =	vst.idx.msk $0xffff, v6;
	v63 =	vld [tilespmem:$0x1F910];
	_ =	sdelay $0x4  }
0x2a2: {  	[tilespmem:v48+s12+$0x0] =	vst.idx.msk $0xffff, v47  }
0x2a3: {  	v22 =	vld.idx.msk [tilespmem:v49+s1+$0x0], $0xffff;
	_ =	sdelay $0x1  }
0x2a4: {  	v9 =	vld.idx.msk [tilespmem:v63+s1+$0x0], $0xffff;
	_ =	sdelay $0x2  }
0x2a5: {  	vm3 =	veq.f32 v22, v2  }
0x2a6: {  	v39 =	vnsel vm3, $0x0, v4;
	vm1 =	veq.f32 v22, v5  }
0x2a7: {  	v48 =	vsel vm1, v0, v39;
	vm1 =	veq.f32 v9, v11  }
0x2a8: {  	vm2 =	veq.f32 v9, v10;
	v23 =	vnsel vm1, $0x0, v3  }
0x2a9: {  	v6 =	vsel vm2, v1, v23  }
0x2aa: {  	[tilespmem:v63+s12+$0x0] =	vst.idx.msk $0xffff, v6;
	v63 =	vld [tilespmem:$0x1F920];
	_ =	sdelay $0x5  }
0x2ab: {  	[tilespmem:v49+s12+$0x0] =	vst.idx.msk $0xffff, v48  }
0x2ac: {  	v22 =	vld.idx.msk [tilespmem:v50+s1+$0x0], $0xffff  }
0x2ad: {  	v9 =	vld.idx.msk [tilespmem:v63+s1+$0x0], $0xffff;
	_ =	sdelay $0x3  }
0x2ae: {  	vm1 =	veq.f32 v22, v2  }
0x2af: {  	vm2 =	veq.f32 v22, v5;
	v39 =	vnsel vm1, $0x0, v4;
	vm1 =	veq.f32 v9, v11  }
0x2b0: {  	v49 =	vsel vm2, v0, v39;
	vm2 =	veq.f32 v9, v10;
	v23 =	vnsel vm1, $0x0, v3  }
0x2b1: {  	v6 =	vsel vm2, v1, v23  }
0x2b2: {  	[tilespmem:v63+s12+$0x0] =	vst.idx.msk $0xffff, v6;
	v63 =	vld [tilespmem:$0x1F930];
	_ =	sdelay $0x1  }
0x2b3: {  	[tilespmem:v50+s12+$0x0] =	vst.idx.msk $0xffff, v49  }
0x2b4: {  	v22 =	vld.idx.msk [tilespmem:v51+s1+$0x0], $0xffff;
	_ =	sdelay $0x4  }
0x2b5: {  	vm1 =	veq.f32 v22, v2;
	vm2 =	veq.f32 v22, v5;
	v22 =	vld.idx.msk [tilespmem:v63+s1+$0x0], $0xffff;
	_ =	sdelay $0x4  }
0x2b6: {  	v39 =	vnsel vm1, $0x0, v4;
	vm1 =	veq.f32 v22, v11  }
0x2b7: {  	v49 =	vsel vm2, v0, v39;
	vm2 =	veq.f32 v22, v10;
	v39 =	vnsel vm1, $0x0, v3  }
0x2b8: {  	v6 =	vsel vm2, v1, v39  }
0x2b9: {  	[tilespmem:v63+s12+$0x0] =	vst.idx.msk $0xffff, v6;
	v63 =	vld [tilespmem:$0x1F940];
	_ =	sdelay $0x5  }
0x2ba: {  	[tilespmem:v51+s12+$0x0] =	vst.idx.msk $0xffff, v49  }
0x2bb: {  	v23 =	vld.idx.msk [tilespmem:v52+s1+$0x0], $0xffff  }
0x2bc: {  	v22 =	vld.idx.msk [tilespmem:v63+s1+$0x0], $0xffff;
	_ =	sdelay $0x3  }
0x2bd: {  	vm1 =	veq.f32 v23, v2  }
0x2be: {  	vm2 =	veq.f32 v23, v5;
	v49 =	vnsel vm1, $0x0, v4;
	vm1 =	veq.f32 v22, v11  }
0x2bf: {  	v51 =	vsel vm2, v0, v49;
	vm2 =	veq.f32 v22, v10;
	v39 =	vnsel vm1, $0x0, v3  }
0x2c0: {  	v6 =	vsel vm2, v1, v39  }
0x2c1: {  	[tilespmem:v63+s12+$0x0] =	vst.idx.msk $0xffff, v6;
	v63 =	vld [tilespmem:$0x1F950];
	_ =	sdelay $0x4  }
0x2c2: {  	[tilespmem:v52+s12+$0x0] =	vst.idx.msk $0xffff, v51  }
0x2c3: {  	v23 =	vld.idx.msk [tilespmem:v53+s1+$0x0], $0xffff;
	_ =	sdelay $0x1  }
0x2c4: {  	v22 =	vld.idx.msk [tilespmem:v63+s1+$0x0], $0xffff;
	_ =	sdelay $0x2  }
0x2c5: {  	vm1 =	veq.f32 v23, v2  }
0x2c6: {  	vm2 =	veq.f32 v23, v5;
	v51 =	vnsel vm1, $0x0, v4  }
0x2c7: {  	v52 =	vsel vm2, v0, v51;
	vm1 =	veq.f32 v22, v11  }
0x2c8: {  	[tilespmem:v53+s12+$0x0] =	vst.idx.msk $0xffff, v52;
	vm2 =	veq.f32 v22, v10;
	v39 =	vnsel vm1, $0x0, v3  }
0x2c9: {  	v23 =	vld.idx.msk [tilespmem:v62+s1+$0x0], $0xffff;
	v6 =	vsel vm2, v1, v39  }
0x2ca: {  	[tilespmem:v63+s12+$0x0] =	vst.idx.msk $0xffff, v6;
	v63 =	vld [tilespmem:$0x1F960];
	_ =	sdelay $0x3  }
0x2cb: {  	vm1 =	veq.f32 v23, v2  }
0x2cc: {  	vm2 =	veq.f32 v23, v5;
	v51 =	vnsel vm1, $0x0, v4  }
0x2cd: {  	v52 =	vsel vm2, v0, v51  }
0x2ce: {  	[tilespmem:v62+s12+$0x0] =	vst.idx.msk $0xffff, v52;
	v52 =	vld [tilespmem:$0x1F970]  }
0x2cf: {  	v9 =	vld.idx.msk [tilespmem:v63+s1+$0x0], $0xffff  }
0x2d0: {  	v22 =	vld.idx.msk [tilespmem:v55+s1+$0x0], $0xffff  }
0x2d1: {  	v13 =	vld [tilespmem:$0x1F980];
	_ =	sdelay $0x2  }
0x2d2: {  	vm1 =	veq.f32 v9, v11  }
0x2d3: {  	vm2 =	veq.f32 v9, v10;
	v23 =	vnsel vm1, $0x0, v3;
	vm1 =	veq.f32 v22, v2  }
0x2d4: {  	v6 =	vsel vm2, v1, v23;
	vm2 =	veq.f32 v22, v5;
	v39 =	vnsel vm1, $0x0, v4  }
0x2d5: {  	[tilespmem:v63+s12+$0x0] =	vst.idx.msk $0xffff, v6;
	v51 =	vsel vm2, v0, v39;
	v39 =	vld [tilespmem:$0x1F990]  }
0x2d6: {  	[tilespmem:v55+s12+$0x0] =	vst.idx.msk $0xffff, v51;
	v62 =	vld.idx.msk [tilespmem:v52+s1+$0x0], $0xffff  }
0x2d7: {  	v63 =	vld.idx.msk [tilespmem:v13+s1+$0x0], $0xffff;
	_ =	sdelay $0x3  }
0x2d8: {  	vm1 =	veq.f32 v62, v11  }
0x2d9: {  	vm2 =	veq.f32 v62, v10;
	v9 =	vnsel vm1, $0x0, v3;
	vm1 =	veq.f32 v63, v2  }
0x2da: {  	v6 =	vsel vm2, v1, v9;
	vm2 =	veq.f32 v63, v5;
	v22 =	vnsel vm1, $0x0, v4  }
0x2db: {  	[tilespmem:v52+s12+$0x0] =	vst.idx.msk $0xffff, v6;
	v23 =	vsel vm2, v0, v22;
	v22 =	vld [tilespmem:$0x1F9A0]  }
0x2dc: {  	[tilespmem:v13+s12+$0x0] =	vst.idx.msk $0xffff, v23;
	v51 =	vld.idx.msk [tilespmem:v39+s1+$0x0], $0xffff  }
0x2dd: {  	v52 =	vld.idx.msk [tilespmem:v57+s1+$0x0], $0xffff;
	_ =	sdelay $0x3  }
0x2de: {  	vm1 =	veq.f32 v51, v11  }
0x2df: {  	vm2 =	veq.f32 v51, v10;
	v62 =	vnsel vm1, $0x0, v3;
	vm1 =	veq.f32 v52, v2  }
0x2e0: {  	v6 =	vsel vm2, v1, v62;
	vm2 =	veq.f32 v52, v5;
	v63 =	vnsel vm1, $0x0, v4  }
0x2e1: {  	[tilespmem:v39+s12+$0x0] =	vst.idx.msk $0xffff, v6;
	v9 =	vsel vm2, v0, v63;
	v63 =	vld [tilespmem:$0x1F9B0]  }
0x2e2: {  	[tilespmem:v57+s12+$0x0] =	vst.idx.msk $0xffff, v9;
	v23 =	vld.idx.msk [tilespmem:v22+s1+$0x0], $0xffff  }
0x2e3: {  	v39 =	vld.idx.msk [tilespmem:v60+s1+$0x0], $0xffff  }
0x2e4: {  	v13 =	vld [tilespmem:$0x1F9C0];
	_ =	sdelay $0x2  }
0x2e5: {  	vm1 =	veq.f32 v23, v11  }
0x2e6: {  	vm2 =	veq.f32 v23, v10;
	v52 =	vnsel vm1, $0x0, v3;
	vm1 =	veq.f32 v39, v2  }
0x2e7: {  	v6 =	vsel vm2, v1, v52;
	vm2 =	veq.f32 v39, v5;
	v57 =	vnsel vm1, $0x0, v4  }
0x2e8: {  	[tilespmem:v22+s12+$0x0] =	vst.idx.msk $0xffff, v6;
	v62 =	vsel vm2, v0, v57  }
0x2e9: {  	[tilespmem:v60+s12+$0x0] =	vst.idx.msk $0xffff, v62;
	v9 =	vld.idx.msk [tilespmem:v63+s1+$0x0], $0xffff  }
0x2ea: {  	v22 =	vld.idx.msk [tilespmem:v13+s1+$0x0], $0xffff;
	_ =	sdelay $0x3  }
0x2eb: {  	vm1 =	veq.f32 v9, v11  }
0x2ec: {  	vm2 =	veq.f32 v9, v10;
	v23 =	vnsel vm1, $0x0, v3;
	vm1 =	veq.f32 v22, v2  }
0x2ed: {  	v6 =	vsel vm2, v1, v23;
	vm2 =	veq.f32 v22, v5;
	v39 =	vnsel vm1, $0x0, v4  }
0x2ee: {  	v60 =	vld [tilespmem:$0x1F9D0];
	v57 =	vsel vm2, v0, v39  }
0x2ef: {  	[tilespmem:v13+s12+$0x0] =	vst.idx.msk $0xffff, v57;
	v13 =	vld [tilespmem:$0x1F9E0];
	_ =	sdelay $0x5  }
0x2f0: {  	[tilespmem:v63+s12+$0x0] =	vst.idx.msk $0xffff, v6  }
0x2f1: {  	v62 =	vld.idx.msk [tilespmem:v60+s1+$0x0], $0xffff  }
0x2f2: {  	v63 =	vld.idx.msk [tilespmem:v13+s1+$0x0], $0xffff;
	_ =	sdelay $0x3  }
0x2f3: {  	vm1 =	veq.f32 v62, v11  }
0x2f4: {  	vm2 =	veq.f32 v62, v10;
	v9 =	vnsel vm1, $0x0, v3;
	vm1 =	veq.f32 v63, v2  }
0x2f5: {  	v6 =	vsel vm2, v1, v9;
	vm2 =	veq.f32 v63, v5;
	v22 =	vnsel vm1, $0x0, v4  }
0x2f6: {  	v39 =	vld [tilespmem:$0x1F9F0];
	v23 =	vsel vm2, v0, v22  }
0x2f7: {  	[tilespmem:v13+s12+$0x0] =	vst.idx.msk $0xffff, v23;
	v13 =	vld [tilespmem:$0x1FA00];
	_ =	sdelay $0x5  }
0x2f8: {  	[tilespmem:v60+s12+$0x0] =	vst.idx.msk $0xffff, v6  }
0x2f9: {  	v57 =	vld.idx.msk [tilespmem:v39+s1+$0x0], $0xffff  }
0x2fa: {  	v60 =	vld.idx.msk [tilespmem:v13+s1+$0x0], $0xffff;
	_ =	sdelay $0x3  }
0x2fb: {  	vm1 =	veq.f32 v57, v11  }
0x2fc: {  	vm2 =	veq.f32 v57, v10;
	v62 =	vnsel vm1, $0x0, v3;
	vm1 =	veq.f32 v60, v2  }
0x2fd: {  	v6 =	vsel vm2, v1, v62;
	vm2 =	veq.f32 v60, v5;
	v63 =	vnsel vm1, $0x0, v4  }
0x2fe: {  	v22 =	vld [tilespmem:$0x1FA10];
	v9 =	vsel vm2, v0, v63  }
0x2ff: {  	[tilespmem:v13+s12+$0x0] =	vst.idx.msk $0xffff, v9;
	v13 =	vld [tilespmem:$0x1FA20];
	_ =	sdelay $0x5  }
0x300: {  	[tilespmem:v39+s12+$0x0] =	vst.idx.msk $0xffff, v6  }
0x301: {  	v23 =	vld.idx.msk [tilespmem:v22+s1+$0x0], $0xffff  }
0x302: {  	v39 =	vld.idx.msk [tilespmem:v13+s1+$0x0], $0xffff;
	_ =	sdelay $0x3  }
0x303: {  	vm1 =	veq.f32 v23, v11  }
0x304: {  	vm2 =	veq.f32 v23, v10;
	v57 =	vnsel vm1, $0x0, v3;
	vm1 =	veq.f32 v39, v2  }
0x305: {  	v6 =	vsel vm2, v1, v57;
	vm2 =	veq.f32 v39, v5;
	v60 =	vnsel vm1, $0x0, v4  }
0x306: {  	v63 =	vld [tilespmem:$0x1FA30];
	v62 =	vsel vm2, v0, v60  }
0x307: {  	[tilespmem:v13+s12+$0x0] =	vst.idx.msk $0xffff, v62;
	v13 =	vld [tilespmem:$0x1FA40];
	_ =	sdelay $0x5  }
0x308: {  	[tilespmem:v22+s12+$0x0] =	vst.idx.msk $0xffff, v6  }
0x309: {  	v9 =	vld.idx.msk [tilespmem:v63+s1+$0x0], $0xffff  }
0x30a: {  	v22 =	vld.idx.msk [tilespmem:v13+s1+$0x0], $0xffff;
	_ =	sdelay $0x3  }
0x30b: {  	vm1 =	veq.f32 v9, v11  }
0x30c: {  	vm2 =	veq.f32 v9, v10;
	v23 =	vnsel vm1, $0x0, v3;
	vm1 =	veq.f32 v22, v2  }
0x30d: {  	v6 =	vsel vm2, v1, v23;
	vm2 =	veq.f32 v22, v5;
	v39 =	vnsel vm1, $0x0, v4  }
0x30e: {  	v60 =	vld [tilespmem:$0x1FA50];
	v57 =	vsel vm2, v0, v39  }
0x30f: {  	[tilespmem:v13+s12+$0x0] =	vst.idx.msk $0xffff, v57;
	v13 =	vld [tilespmem:$0x1FA60];
	_ =	sdelay $0x5  }
0x310: {  	[tilespmem:v63+s12+$0x0] =	vst.idx.msk $0xffff, v6  }
0x311: {  	v62 =	vld.idx.msk [tilespmem:v60+s1+$0x0], $0xffff  }
0x312: {  	v63 =	vld.idx.msk [tilespmem:v13+s1+$0x0], $0xffff;
	_ =	sdelay $0x3  }
0x313: {  	vm1 =	veq.f32 v62, v11  }
0x314: {  	vm2 =	veq.f32 v62, v10;
	v9 =	vnsel vm1, $0x0, v3;
	vm1 =	veq.f32 v63, v2  }
0x315: {  	v6 =	vsel vm2, v1, v9;
	vm2 =	veq.f32 v63, v5;
	v22 =	vnsel vm1, $0x0, v4  }
0x316: {  	v39 =	vld [tilespmem:$0x1FA70];
	v23 =	vsel vm2, v0, v22  }
0x317: {  	[tilespmem:v13+s12+$0x0] =	vst.idx.msk $0xffff, v23;
	v13 =	vld [tilespmem:$0x1FA80];
	_ =	sdelay $0x5  }
0x318: {  	[tilespmem:v60+s12+$0x0] =	vst.idx.msk $0xffff, v6  }
0x319: {  	v57 =	vld.idx.msk [tilespmem:v39+s1+$0x0], $0xffff  }
0x31a: {  	v60 =	vld.idx.msk [tilespmem:v13+s1+$0x0], $0xffff;
	_ =	sdelay $0x3  }
0x31b: {  	vm1 =	veq.f32 v57, v11  }
0x31c: {  	vm2 =	veq.f32 v57, v10;
	v62 =	vnsel vm1, $0x0, v3;
	vm1 =	veq.f32 v60, v2  }
0x31d: {  	v6 =	vsel vm2, v1, v62;
	vm2 =	veq.f32 v60, v5;
	v63 =	vnsel vm1, $0x0, v4  }
0x31e: {  	v22 =	vld [tilespmem:$0x1FA90];
	v9 =	vsel vm2, v0, v63  }
0x31f: {  	[tilespmem:v13+s12+$0x0] =	vst.idx.msk $0xffff, v9;
	v13 =	vld [tilespmem:$0x1FAA0];
	_ =	sdelay $0x5  }
0x320: {  	[tilespmem:v39+s12+$0x0] =	vst.idx.msk $0xffff, v6  }
0x321: {  	v23 =	vld.idx.msk [tilespmem:v22+s1+$0x0], $0xffff  }
0x322: {  	v39 =	vld.idx.msk [tilespmem:v13+s1+$0x0], $0xffff;
	_ =	sdelay $0x3  }
0x323: {  	vm1 =	veq.f32 v23, v11  }
0x324: {  	vm2 =	veq.f32 v23, v10;
	v57 =	vnsel vm1, $0x0, v3;
	vm1 =	veq.f32 v39, v2  }
0x325: {  	v6 =	vsel vm2, v1, v57;
	vm2 =	veq.f32 v39, v5;
	v60 =	vnsel vm1, $0x0, v4  }
0x326: {  	v63 =	vld [tilespmem:$0x1FAB0];
	v62 =	vsel vm2, v0, v60  }
0x327: {  	[tilespmem:v13+s12+$0x0] =	vst.idx.msk $0xffff, v62;
	v13 =	vld [tilespmem:$0x1FAC0];
	_ =	sdelay $0x5  }
0x328: {  	[tilespmem:v22+s12+$0x0] =	vst.idx.msk $0xffff, v6  }
0x329: {  	v9 =	vld.idx.msk [tilespmem:v63+s1+$0x0], $0xffff  }
0x32a: {  	v22 =	vld.idx.msk [tilespmem:v13+s1+$0x0], $0xffff;
	_ =	sdelay $0x3  }
0x32b: {  	vm1 =	veq.f32 v9, v11  }
0x32c: {  	vm2 =	veq.f32 v9, v10;
	v23 =	vnsel vm1, $0x0, v3;
	vm1 =	veq.f32 v22, v2  }
0x32d: {  	v6 =	vsel vm2, v1, v23;
	vm2 =	veq.f32 v22, v5;
	v39 =	vnsel vm1, $0x0, v4  }
0x32e: {  	v60 =	vld [tilespmem:$0x1FAD0];
	v57 =	vsel vm2, v0, v39  }
0x32f: {  	[tilespmem:v13+s12+$0x0] =	vst.idx.msk $0xffff, v57;
	v13 =	vld [tilespmem:$0x1FAE0];
	_ =	sdelay $0x5  }
0x330: {  	[tilespmem:v63+s12+$0x0] =	vst.idx.msk $0xffff, v6  }
0x331: {  	v62 =	vld.idx.msk [tilespmem:v60+s1+$0x0], $0xffff  }
0x332: {  	v63 =	vld.idx.msk [tilespmem:v13+s1+$0x0], $0xffff;
	_ =	sdelay $0x3  }
0x333: {  	vm1 =	veq.f32 v62, v11  }
0x334: {  	vm2 =	veq.f32 v62, v10;
	v9 =	vnsel vm1, $0x0, v3;
	vm1 =	veq.f32 v63, v2  }
0x335: {  	v6 =	vsel vm2, v1, v9;
	vm2 =	veq.f32 v63, v5;
	v22 =	vnsel vm1, $0x0, v4  }
0x336: {  	v39 =	vld [tilespmem:$0x1FAF0];
	v23 =	vsel vm2, v0, v22  }
0x337: {  	[tilespmem:v13+s12+$0x0] =	vst.idx.msk $0xffff, v23;
	v13 =	vld [tilespmem:$0x1FB00];
	_ =	sdelay $0x5  }
0x338: {  	[tilespmem:v60+s12+$0x0] =	vst.idx.msk $0xffff, v6  }
0x339: {  	v57 =	vld.idx.msk [tilespmem:v39+s1+$0x0], $0xffff  }
0x33a: {  	v60 =	vld.idx.msk [tilespmem:v13+s1+$0x0], $0xffff;
	_ =	sdelay $0x3  }
0x33b: {  	vm1 =	veq.f32 v57, v11  }
0x33c: {  	vm2 =	veq.f32 v57, v10;
	v62 =	vnsel vm1, $0x0, v3;
	vm1 =	veq.f32 v60, v2  }
0x33d: {  	v6 =	vsel vm2, v1, v62;
	vm2 =	veq.f32 v60, v5;
	v63 =	vnsel vm1, $0x0, v4  }
0x33e: {  	v22 =	vld [tilespmem:$0x1FB10];
	v9 =	vsel vm2, v0, v63  }
0x33f: {  	[tilespmem:v13+s12+$0x0] =	vst.idx.msk $0xffff, v9;
	v13 =	vld [tilespmem:$0x1FB20];
	_ =	sdelay $0x2  }
0x340: {  	v21 =	vmov v17;
	v17 =	vld [tilespmem:$0x1FF60]  }
0x341: {  	[tilespmem:$0x1FB40] =	vst v18;
	v18 =	vld [tilespmem:$0x1FFC0]  }
0x342: {  	v14 =	vld [tilespmem:$0x1FDF0]  }
0x343: {  	v54 =	vmov v19;
	v19 =	vld [tilespmem:$0x1FDC0];
	[tilespmem:v39+s12+$0x0] =	vst.idx.msk $0xffff, v6  }
0x344: {  	v23 =	vld.idx.msk [tilespmem:v22+s1+$0x0], $0xffff  }
0x345: {  	v39 =	vld.idx.msk [tilespmem:v13+s1+$0x0], $0xffff  }
0x346: {  	v15 =	vld [tilespmem:$0x1FFA0]  }
0x347: {  	v16 =	vld [tilespmem:$0x1FF40]  }
0x348: {  	v12 =	vld [tilespmem:$0x1FE00]  }
0x349: {  	v26 =	vld [tilespmem:$0x1FED0];
	vm1 =	veq.f32 v23, v11  }
0x34a: {  	v61 =	vld [tilespmem:$0x1FFB0];
	vm2 =	veq.f32 v23, v10;
	v57 =	vnsel vm1, $0x0, v3;
	vm1 =	veq.f32 v39, v2  }
0x34b: {  	v63 =	vld [tilespmem:$0x1FB30];
	v6 =	vsel vm2, v1, v57;
	vm2 =	veq.f32 v39, v5;
	v60 =	vnsel vm1, $0x0, v4  }
0x34c: {  	v56 =	vld [tilespmem:$0x1FFE0];
	v62 =	vsel vm2, v0, v60  }
0x34d: {  	[tilespmem:v13+s12+$0x0] =	vst.idx.msk $0xffff, v62;
	v13 =	vld [tilespmem:$0x1FB40]  }
0x34e: {  	v59 =	vld [tilespmem:$0x1FFF0]  }
0x34f: {  	v27 =	vld [tilespmem:$0x1FDD0]  }
0x350: {  	v58 =	vld [tilespmem:$0x1FDE0]  }
0x351: {  	v31 =	vld [tilespmem:$0x1FE10]  }
0x352: {  	v32 =	vld [tilespmem:$0x1FE20];
	[tilespmem:v22+s12+$0x0] =	vst.idx.msk $0xffff, v6  }
0x353: {  	v9 =	vld.idx.msk [tilespmem:v63+s1+$0x0], $0xffff  }
0x354: {  	v60 =	vld [tilespmem:$0x1FB50]  }
0x355: {  	v22 =	vld.idx.msk [tilespmem:v13+s1+$0x0], $0xffff  }
0x356: {  	v33 =	vld [tilespmem:$0x1FE30]  }
0x357: {  	v34 =	vld [tilespmem:$0x1FE40]  }
0x358: {  	v35 =	vld [tilespmem:$0x1FE50];
	vm1 =	veq.f32 v9, v11  }
0x359: {  	v36 =	vld [tilespmem:$0x1FE60];
	vm2 =	veq.f32 v9, v10;
	v23 =	vnsel vm1, $0x0, v3  }
0x35a: {  	v37 =	vld [tilespmem:$0x1FE70];
	v6 =	vsel vm2, v1, v23;
	vm1 =	veq.f32 v22, v2  }
0x35b: {  	v38 =	vld [tilespmem:$0x1FE80];
	[tilespmem:v63+s12+$0x0] =	vst.idx.msk $0xffff, v6;
	vm2 =	veq.f32 v22, v5;
	v39 =	vnsel vm1, $0x0, v4  }
0x35c: {  	v62 =	vld.idx.msk [tilespmem:v60+s1+$0x0], $0xffff;
	v57 =	vsel vm2, v0, v39  }
0x35d: {  	v39 =	vld [tilespmem:$0x1FB60];
	[tilespmem:v13+s12+$0x0] =	vst.idx.msk $0xffff, v57  }
0x35e: {  	v63 =	vld.idx.msk [tilespmem:v21+s1+$0x0], $0xffff  }
0x35f: {  	v40 =	vld [tilespmem:$0x1FE90]  }
0x360: {  	v41 =	vld [tilespmem:$0x1FEA0]  }
0x361: {  	v42 =	vld [tilespmem:$0x1FEB0]  }
0x362: {  	v43 =	vld [tilespmem:$0x1FEC0];
	vm1 =	veq.f32 v62, v11  }
0x363: {  	v44 =	vld [tilespmem:$0x1FEE0];
	vm2 =	veq.f32 v62, v10;
	v9 =	vnsel vm1, $0x0, v3;
	vm1 =	veq.f32 v63, v2  }
0x364: {  	v46 =	vld [tilespmem:$0x1FEF0];
	v6 =	vsel vm2, v1, v9;
	vm2 =	veq.f32 v63, v5;
	v22 =	vnsel vm1, $0x0, v4  }
0x365: {  	v45 =	vld [tilespmem:$0x1FF00];
	[tilespmem:v60+s12+$0x0] =	vst.idx.msk $0xffff, v6;
	v23 =	vsel vm2, v0, v22  }
0x366: {  	v57 =	vld.idx.msk [tilespmem:v39+s1+$0x0], $0xffff;
	[tilespmem:v21+s12+$0x0] =	vst.idx.msk $0xffff, v23  }
0x367: {  	v60 =	vld.idx.msk [tilespmem:v54+s1+$0x0], $0xffff  }
0x368: {  	v47 =	vld [tilespmem:$0x1FF10]  }
0x369: {  	s18 =	sadd.s32 $0x2, s18;
	v48 =	vld [tilespmem:$0x1FF20]  }
0x36a: {  	p1 =	slt.u32 s18, $0xE;
	v50 =	vld [tilespmem:$0x1FF30]  }
.Ltmp0:
0x36b: {  	v49 =	vld [tilespmem:$0x1FF50];
	vm1 =	veq.f32 v57, v11;
	(pc) =	sbr.rel @p1 .LBB2_3-.Ltmp0, $4  }
0x36c: {  	v53 =	vld [tilespmem:$0x1FFD0];
	vm2 =	veq.f32 v57, v10;
	v62 =	vnsel vm1, $0x0, v3;
	vm3 =	veq.f32 v60, v2  }
0x36d: {  	v55 =	vld [tilespmem:$0x1FF70];
	v1 =	vsel vm2, v1, v62;
	vm1 =	veq.f32 v60, v5;
	v63 =	vnsel vm3, $0x0, v4  }
0x36e: {  	v51 =	vld [tilespmem:$0x1FF80];
	[tilespmem:v39+s12+$0x0] =	vst.idx.msk $0xffff, v1;
	v0 =	vsel vm1, v0, v63  }
0x36f: {  	s19 =	sadd.s32 $0x20, s19;
	v52 =	vld [tilespmem:$0x1FF90];
	[tilespmem:v54+s12+$0x0] =	vst.idx.msk $0xffff, v0  }
0x370: {  	s17 =	sadd.s32 s17, s7  }
0x371: {  	[hbm4b:s17+s1] =	stream.linear.scatter [tilespmem:s12], [sflag:$0x3], $0x8000, $0x38;
	[tilespmem:$0x18000] =	vst v63  }
0x372: {  	_ =	swait.ge [sflag:s13], $0x8000  }
0x373: {  	[sflag:s13] =	ssyncset.done $0x0  }
0x374: {  	[sflag:s13] =	ssyncadd.s32 $0xFFFF8000  }
0x375: {  	_ =	swait.ge [sflag:s14], $0x8000  }
0x376: {  	[sflag:s14] =	ssyncset.done $0x0  }
0x377: {  	s17 =	simm.s32 @p0 $0x0;
	[sflag:s14] =	ssyncadd.s32 $0xFFFF8000  }
0x378: {  	[tilespmem:s17], [sflag:$0x1] =	stream.linear.gather @p0 [hbm4b:s8+s17], $0x8000, $0x38;
	[tilespmem:$0x18000] =	vst v63  }
0x379: {  	s18 =	simm.s32 $0x10;
	s17 =	simm.s32 $0xFFFFFFFE  }
.LBB2_5:
0x37a: {  	s19 =	sadd.s32 $0xFFFFFFF0, s18;
	v20 =	vld [tilespmem:$0x1FB70]  }
0x37b: {  	v21 =	vld [tilespmem:$0x1FB80];
	v0 =	vmov s19  }
0x37c: {  	v22 =	vld [tilespmem:$0x1FBA0];
	v0 =	vshll.u32 v0, $0x7  }
0x37d: {  	v1 =	vlaneseq.u32;
	v23 =	vld [tilespmem:$0x1FB90];
	v0 =	vor.u32 v19, v0  }
0x37e: {  	v24 =	vld [tilespmem:$0x1FBB0];
	v1 =	vor.u32 v1, v0  }
0x37f: {  	v2 =	vor.u32 v20, v0  }
0x380: {  	v4 =	vor.u32 v21, v0  }
0x381: {  	v3 =	vor.u32 v22, v0;
	[tilespmem:$0x1EFB0] =	vst v1  }
0x382: {  	v6 =	vor.u32 v23, v0;
	[tilespmem:$0x1EFD0] =	vst v2  }
0x383: {  	v5 =	vor.u32 v24, v0;
	[tilespmem:$0x1EFE0] =	vst v4;
	v57 =	vld.idx.msk [tilespmem:v1+s11+$0x0], $0xffff  }
0x384: {  	v7 =	vor.u32 v27, v0;
	[tilespmem:$0x1F000] =	vst v3;
	v62 =	vld.idx.msk [tilespmem:v2+s11+$0x0], $0xffff  }
0x385: {  	[tilespmem:$0x1EFF0] =	vst v6;
	v2 =	vld.idx.msk [tilespmem:v4+s11+$0x0], $0xffff  }
0x386: {  	v9 =	vor.u32 v58, v0;
	[tilespmem:$0x1F020] =	vst v5;
	v3 =	vld.idx.msk [tilespmem:v3+s11+$0x0], $0xffff  }
0x387: {  	v29 =	vmov v14;
	v13 =	vor.u32 v14, v0;
	v14 =	vor.u32 v12, v0;
	[tilespmem:$0x1F040] =	vst v7;
	v4 =	vld.idx.msk [tilespmem:v6+s11+$0x0], $0xffff  }
0x388: {  	[tilespmem:$0x1F060] =	vst v9;
	v5 =	vld.idx.msk [tilespmem:v5+s11+$0x0], $0xffff  }
0x389: {  	[tilespmem:$0x1F080] =	vst v13;
	v63 =	vld.idx.msk [tilespmem:v7+s11+$0x0], $0xffff  }
0x38a: {  	v54 =	vor.u32 v31, v0;
	[tilespmem:$0x1F0A0] =	vst v14  }
0x38b: {  	v28 =	vmovc v58;
	v39 =	vor.u32 v32, v0;
	[tilespmem:$0x1F0C0] =	vst v54;
	v9 =	vld.idx.msk [tilespmem:v9+s11+$0x0], $0xffff;
	v58 =	vmin.f32 v57, $-Inf;
	v8 =	vmin.f32 v62, $-Inf  }
0x38c: {  	v30 =	vmovc v12;
	[tilespmem:$0x1F0E0] =	vst v39;
	v14 =	vld.idx.msk [tilespmem:v14+s11+$0x0], $0xffff;
	v10 =	vmin.f32 v2, $-Inf;
	v11 =	vmin.f32 v3, v57;
	v12 =	vmin.f32 v4, $-Inf  }
0x38d: {  	[tilespmem:$0x1EFA0] =	vst v57;
	v3 =	vmax.f32 v57, v3;
	v57 =	vor.u32 v34, v0;
	v1 =	vmax.f32 v62, v5  }
0x38e: {  	v60 =	vmin.f32 v63, v2;
	v7 =	vmax.f32 v58, v11;
	v11 =	vld.idx.msk [tilespmem:v13+s11+$0x0], $0xffff;
	v58 =	vor.u32 v33, v0  }
0x38f: {  	v2 =	vmax.f32 v2, v63;
	v13 =	vmin.f32 v5, v62;
	[tilespmem:$0x1F110] =	vst v57;
	v5 =	vmax.f32 v10, v60  }
0x390: {  	v62 =	vmin.f32 v9, v4;
	v10 =	vld.idx.msk [tilespmem:v39+s11+$0x0], $0xffff;
	v39 =	vor.u32 v36, v0;
	v4 =	vmax.f32 v4, v9  }
0x391: {  	[tilespmem:$0x1F100] =	vst v58;
	v8 =	vmax.f32 v8, v13;
	v13 =	vld.idx.msk [tilespmem:v54+s11+$0x0], $0xffff;
	v54 =	vor.u32 v35, v0  }
0x392: {  	v60 =	vmin.f32 v14, v1;
	v1 =	vmax.f32 v1, v14;
	v6 =	vmax.f32 v12, v62;
	[tilespmem:$0x1F140] =	vst v39  }
0x393: {  	[tilespmem:$0x1F130] =	vst v54;
	v8 =	vmax.f32 v8, v60;
	v63 =	vmin.f32 v11, v3;
	v12 =	vld.idx.msk [tilespmem:v58+s11+$0x0], $0xffff  }
0x394: {  	v58 =	vor.u32 v37, v0;
	v3 =	vmax.f32 v3, v11;
	v11 =	vld.idx.msk [tilespmem:v57+s11+$0x0], $0xffff;
	v57 =	vor.u32 v38, v0  }
0x395: {  	v14 =	vld.idx.msk [tilespmem:v39+s11+$0x0], $0xffff;
	v39 =	vor.u32 v41, v0;
	[tilespmem:$0x1F150] =	vst v58;
	v7 =	vmax.f32 v7, v63  }
0x396: {  	v62 =	vmin.f32 v13, v2;
	[tilespmem:$0x1F160] =	vst v57;
	v9 =	vld.idx.msk [tilespmem:v54+s11+$0x0], $0xffff;
	v63 =	vor.u32 v40, v0  }
0x397: {  	v2 =	vmax.f32 v2, v13;
	v13 =	vmin.f32 v10, v4;
	[tilespmem:$0x1F180] =	vst v39;
	v4 =	vmax.f32 v4, v10  }
0x398: {  	v54 =	vor.u32 v26, v0;
	v5 =	vmax.f32 v5, v62;
	[tilespmem:$0x1F170] =	vst v63;
	v6 =	vmax.f32 v6, v13  }
0x399: {  	[tilespmem:$0x1F1B0] =	vst v54;
	v60 =	vmin.f32 v12, v3;
	v13 =	vld.idx.msk [tilespmem:v58+s11+$0x0], $0xffff;
	v62 =	vmin.f32 v11, v1  }
0x39a: {  	v58 =	vor.u32 v42, v0;
	v3 =	vmax.f32 v3, v12;
	v10 =	vld.idx.msk [tilespmem:v57+s11+$0x0], $0xffff;
	v57 =	vor.u32 v43, v0  }
0x39b: {  	v1 =	vmax.f32 v1, v11;
	[tilespmem:$0x1F190] =	vst v58;
	v12 =	vld.idx.msk [tilespmem:v63+s11+$0x0], $0xffff;
	v63 =	vmin.f32 v14, v4  }
0x39c: {  	[tilespmem:$0x1F1A0] =	vst v57;
	v11 =	vmin.f32 v9, v2;
	v6 =	vmax.f32 v6, v63;
	v63 =	vor.u32 v44, v0  }
0x39d: {  	v5 =	vmax.f32 v5, v11;
	v11 =	vld.idx.msk [tilespmem:v39+s11+$0x0], $0xffff;
	v39 =	vor.u32 v48, v0;
	[tilespmem:$0x1F1C0] =	vst v63  }
0x39e: {  	v7 =	vmax.f32 v7, v60;
	v60 =	vmov v26;
	v26 =	vor.u32 v46, v0;
	[tilespmem:$0x1F200] =	vst v39  }
0x39f: {  	v8 =	vmax.f32 v8, v62;
	v2 =	vmax.f32 v2, v9;
	v4 =	vmax.f32 v4, v14;
	[tilespmem:$0x1F1D0] =	vst v26  }
0x3a0: {  	v62 =	vmin.f32 v13, v3;
	v9 =	vld.idx.msk [tilespmem:v58+s11+$0x0], $0xffff;
	v3 =	vmax.f32 v3, v13;
	v13 =	vmin.f32 v10, v1  }
0x3a1: {  	v14 =	vld.idx.msk [tilespmem:v57+s11+$0x0], $0xffff;
	v57 =	vor.u32 v45, v0;
	v1 =	vmax.f32 v1, v10;
	v7 =	vmax.f32 v7, v62  }
0x3a2: {  	v8 =	vmax.f32 v8, v13;
	v58 =	vmin.f32 v12, v2;
	v13 =	vld.idx.msk [tilespmem:v54+s11+$0x0], $0xffff;
	v54 =	vor.u32 v47, v0  }
0x3a3: {  	[tilespmem:$0x1F1E0] =	vst v57;
	v2 =	vmax.f32 v2, v12;
	v5 =	vmax.f32 v5, v58;
	v62 =	vmin.f32 v11, v4  }
0x3a4: {  	[tilespmem:$0x1F1F0] =	vst v54;
	v10 =	vld.idx.msk [tilespmem:v63+s11+$0x0], $0xffff;
	v4 =	vmax.f32 v4, v11;
	v6 =	vmax.f32 v6, v62  }
0x3a5: {  	v12 =	vld.idx.msk [tilespmem:v26+s11+$0x0], $0xffff;
	v26 =	vor.u32 v50, v0;
	v63 =	vmin.f32 v9, v3;
	v3 =	vmax.f32 v3, v9  }
0x3a6: {  	v58 =	vmin.f32 v14, v1;
	v11 =	vld.idx.msk [tilespmem:v57+s11+$0x0], $0xffff;
	v7 =	vmax.f32 v7, v63;
	v63 =	vor.u32 v16, v0  }
0x3a7: {  	[tilespmem:$0x1F210] =	vst v26;
	v57 =	vmov v16;
	v1 =	vmax.f32 v1, v14;
	v9 =	vld.idx.msk [tilespmem:v54+s11+$0x0], $0xffff;
	v16 =	vor.u32 v49, v0  }
0x3a8: {  	v14 =	vld.idx.msk [tilespmem:v39+s11+$0x0], $0xffff;
	v39 =	vor.u32 v17, v0;
	v8 =	vmax.f32 v8, v58;
	v62 =	vmin.f32 v13, v2  }
0x3a9: {  	v2 =	vmax.f32 v2, v13;
	v54 =	vmovc v17;
	v17 =	vor.u32 v51, v0;
	v58 =	vld [tilespmem:$0x1FBC0];
	v13 =	vmin.f32 v10, v4  }
0x3aa: {  	[tilespmem:$0x1F220] =	vst v63;
	v5 =	vmax.f32 v5, v62;
	v6 =	vmax.f32 v6, v13;
	v13 =	vld.idx.msk [tilespmem:v26+s11+$0x0], $0xffff  }
0x3ab: {  	v4 =	vmax.f32 v4, v10;
	v49 =	vmin.f32 v12, v3;
	v26 =	vor.u32 v55, v0;
	v10 =	vld.idx.msk [tilespmem:v63+s11+$0x0], $0xffff  }
0x3ac: {  	v3 =	vmax.f32 v3, v12;
	v62 =	vmin.f32 v11, v1;
	v63 =	vmin.f32 v9, v2;
	v12 =	vld.idx.msk [tilespmem:v16+s11+$0x0], $0xffff  }
0x3ad: {  	[tilespmem:$0x1F230] =	vst v16;
	v7 =	vmax.f32 v7, v49;
	v8 =	vmax.f32 v8, v62;
	v62 =	vld [tilespmem:$0x1FBD0]  }
0x3ae: {  	v49 =	vmin.f32 v14, v4;
	v4 =	vmax.f32 v4, v14;
	v16 =	vor.u32 v58, v0;
	v14 =	vld.idx.msk [tilespmem:v17+s11+$0x0], $0xffff  }
0x3af: {  	[tilespmem:$0x1F260] =	vst v17;
	v17 =	vor.u32 v15, v0;
	v5 =	vmax.f32 v5, v63;
	v63 =	vmov v15;
	v15 =	vld [tilespmem:$0x1FC00]  }
0x3b0: {  	v52 =	vor.u32 v52, v0;
	v1 =	vmax.f32 v1, v11;
	v2 =	vmax.f32 v2, v9  }
0x3b1: {  	v6 =	vmax.f32 v6, v49;
	v51 =	vmin.f32 v13, v3;
	v9 =	vld.idx.msk [tilespmem:v26+s11+$0x0], $0xffff;
	v3 =	vmax.f32 v3, v13  }
0x3b2: {  	v13 =	vmin.f32 v10, v1;
	v49 =	vmin.f32 v12, v2;
	v2 =	vmax.f32 v2, v12;
	v12 =	vld [tilespmem:$0x1FD20]  }
0x3b3: {  	[tilespmem:$0x1F250] =	vst v26;
	v26 =	vor.u32 v62, v0;
	v8 =	vmax.f32 v8, v13;
	v13 =	vld.idx.msk [tilespmem:v16+s11+$0x0], $0xffff  }
0x3b4: {  	[tilespmem:$0x1F270] =	vst v16;
	v16 =	vor.u32 v15, v0;
	v15 =	vld [tilespmem:$0x1FD30];
	_ =	sdelay $0x1  }
0x3b5: {  	v11 =	vld.idx.msk [tilespmem:v39+s11+$0x0], $0xffff  }
0x3b6: {  	[tilespmem:$0x1F280] =	vst v52;
	v1 =	vmax.f32 v1, v10;
	v10 =	vld.idx.msk [tilespmem:v52+s11+$0x0], $0xffff  }
0x3b7: {  	[tilespmem:$0x1F240] =	vst v39;
	v39 =	vor.u32 v12, v0;
	v12 =	vld.idx.msk [tilespmem:v26+s11+$0x0], $0xffff  }
0x3b8: {  	[tilespmem:$0x1F290] =	vst v26;
	v26 =	vor.u32 v15, v0;
	v15 =	vld.idx.msk [tilespmem:v17+s11+$0x0], $0xffff  }
0x3b9: {  	[tilespmem:$0x1F2A0] =	vst v17;
	v7 =	vmax.f32 v7, v51;
	v52 =	vmin.f32 v9, v3;
	v17 =	vld [tilespmem:$0x1FD40]  }
0x3ba: {  	v7 =	vmax.f32 v7, v52;
	v52 =	vld [tilespmem:$0x1FD50]  }
0x3bb: {  	v51 =	vmin.f32 v11, v4;
	v4 =	vmax.f32 v4, v11  }
0x3bc: {  	v5 =	vmax.f32 v5, v49;
	v49 =	vmin.f32 v14, v1;
	v1 =	vmax.f32 v1, v14;
	v14 =	vld [tilespmem:$0x1FD60]  }
0x3bd: {  	v25 =	vld [tilespmem:$0x1FD70];
	v6 =	vmax.f32 v6, v51;
	v8 =	vmax.f32 v8, v49;
	v49 =	vmin.f32 v10, v4  }
0x3be: {  	v6 =	vmax.f32 v6, v49;
	v49 =	vld [tilespmem:$0x1FD80];
	v17 =	vor.u32 v17, v0  }
0x3bf: {  	v3 =	vmax.f32 v3, v9;
	[tilespmem:$0x1F2B0] =	vst v16;
	v9 =	vld.idx.msk [tilespmem:v16+s11+$0x0], $0xffff;
	v16 =	vor.u32 v52, v0  }
0x3c0: {  	v51 =	vmin.f32 v13, v2;
	v2 =	vmax.f32 v2, v13;
	v13 =	vld.idx.msk [tilespmem:v39+s11+$0x0], $0xffff  }
0x3c1: {  	[tilespmem:$0x1F2C0] =	vst v39;
	v39 =	vor.u32 v14, v0;
	v14 =	vld.idx.msk [tilespmem:v26+s11+$0x0], $0xffff  }
0x3c2: {  	v52 =	vmin.f32 v15, v1;
	v1 =	vmax.f32 v1, v15;
	v15 =	vld [tilespmem:$0x1FD90]  }
0x3c3: {  	[tilespmem:$0x1F2D0] =	vst v26;
	v26 =	vor.u32 v25, v0;
	v11 =	vld.idx.msk [tilespmem:v17+s11+$0x0], $0xffff  }
0x3c4: {  	v5 =	vmax.f32 v5, v51;
	v51 =	vmin.f32 v12, v3;
	v3 =	vmax.f32 v3, v12;
	v12 =	vld.idx.msk [tilespmem:v16+s11+$0x0], $0xffff  }
0x3c5: {  	v4 =	vmax.f32 v4, v10;
	v7 =	vmax.f32 v7, v51;
	v51 =	vmin.f32 v9, v2;
	v25 =	vld [tilespmem:$0x1FDB0]  }
0x3c6: {  	v8 =	vmax.f32 v8, v52;
	v52 =	vmin.f32 v13, v4;
	v4 =	vmax.f32 v4, v13;
	v13 =	vld [tilespmem:$0x1FDA0]  }
0x3c7: {  	[tilespmem:$0x1F2F0] =	vst v16;
	v5 =	vmax.f32 v5, v51;
	v51 =	vld [tilespmem:$0x1FC40];
	v16 =	vor.u32 v15, v0  }
0x3c8: {  	v2 =	vmax.f32 v2, v9;
	v9 =	vld.idx.msk [tilespmem:v26+s11+$0x0], $0xffff;
	v15 =	vmin.f32 v11, v1  }
0x3c9: {  	[tilespmem:$0x1F2E0] =	vst v17;
	v17 =	vor.u32 v49, v0;
	v8 =	vmax.f32 v8, v15;
	v15 =	vld [tilespmem:$0x1FC10]  }
0x3ca: {  	[tilespmem:$0x1F300] =	vst v39;
	v10 =	vld.idx.msk [tilespmem:v39+s11+$0x0], $0xffff  }
0x3cb: {  	[tilespmem:$0x1F310] =	vst v26;
	v26 =	vor.u32 v25, v0;
	v25 =	vld [tilespmem:$0x1F550];
	v39 =	vor.u32 v13, v0  }
0x3cc: {  	v13 =	vmin.f32 v14, v3;
	v3 =	vmax.f32 v3, v14;
	v14 =	vld.idx.msk [tilespmem:v16+s11+$0x0], $0xffff  }
0x3cd: {  	v49 =	vmin.f32 v12, v2;
	v2 =	vmax.f32 v2, v12;
	[tilespmem:$0x1F320] =	vst v17  }
0x3ce: {  	v7 =	vmax.f32 v7, v13;
	v13 =	vld.idx.msk [tilespmem:v17+s11+$0x0], $0xffff;
	v12 =	vmin.f32 v9, v3;
	v17 =	vor.u32 v15, v0  }
0x3cf: {  	v7 =	vmax.f32 v7, v12;
	v12 =	vld [tilespmem:$0x1F580]  }
0x3d0: {  	[tilespmem:$0x1F350] =	vst v39;
	v15 =	vld.idx.msk [tilespmem:v39+s11+$0x0], $0xffff;
	v39 =	vor.u32 v25, v0  }
0x3d1: {  	[tilespmem:$0x1F330] =	vst v16;
	v16 =	vor.u32 v51, v0;
	v51 =	vmin.f32 v14, v2;
	v2 =	vmax.f32 v2, v14;
	v14 =	vld [tilespmem:$0x1F590]  }
0x3d2: {  	v6 =	vmax.f32 v6, v52;
	v52 =	vmin.f32 v10, v4  }
0x3d3: {  	v6 =	vmax.f32 v6, v52;
	v52 =	vld.idx.msk [tilespmem:v17+s11+$0x0], $0xffff  }
0x3d4: {  	v1 =	vmax.f32 v1, v11;
	[tilespmem:$0x1F380] =	vst v17;
	v17 =	vor.u32 v12, v0;
	v12 =	vld [tilespmem:$0x1F570]  }
0x3d5: {  	v5 =	vmax.f32 v5, v49;
	v49 =	vmin.f32 v13, v1;
	v1 =	vmax.f32 v1, v13;
	v13 =	vld.idx.msk [tilespmem:v39+s11+$0x0], $0xffff  }
0x3d6: {  	[tilespmem:$0x1F3C0] =	vst v39;
	v39 =	vor.u32 v14, v0;
	v14 =	vld [tilespmem:$0x1F5A0]  }
0x3d7: {  	[tilespmem:$0x1F360] =	vst v26;
	v4 =	vmax.f32 v4, v10;
	v10 =	vld.idx.msk [tilespmem:v26+s11+$0x0], $0xffff  }
0x3d8: {  	v26 =	vor.u32 v61, v0;
	[tilespmem:$0x1F3A0] =	vst v16  }
0x3d9: {  	v3 =	vmax.f32 v3, v9;
	[tilespmem:$0x1F3E0] =	vst v26;
	v9 =	vld.idx.msk [tilespmem:v16+s11+$0x0], $0xffff;
	v25 =	vor.u32 v53, v0  }
0x3da: {  	v8 =	vmax.f32 v8, v49;
	v5 =	vmax.f32 v5, v51;
	v51 =	vld [tilespmem:$0x1F560];
	[tilespmem:$0x1F400] =	vst v17  }
0x3db: {  	v16 =	vor.u32 v12, v0;
	v12 =	vmin.f32 v15, v4;
	v49 =	vor.u32 v14, v0;
	v14 =	vld.idx.msk [tilespmem:v17+s11+$0x0], $0xffff  }
0x3dc: {  	v4 =	vmax.f32 v4, v15;
	v17 =	vld.idx.msk [tilespmem:v39+s11+$0x0], $0xffff;
	v6 =	vmax.f32 v6, v12;
	v12 =	vmin.f32 v10, v3  }
0x3dd: {  	v53 =	vor.u32 v56, v0;
	v15 =	vmin.f32 v13, v4;
	v7 =	vmax.f32 v7, v12;
	v12 =	vld.idx.msk [tilespmem:v26+s11+$0x0], $0xffff  }
0x3de: {  	[tilespmem:$0x1F4A0] =	vst v25;
	v26 =	vor.u32 v18, v0;
	v6 =	vmax.f32 v6, v15;
	v15 =	vld.idx.msk [tilespmem:v25+s11+$0x0], $0xffff  }
0x3df: {  	[tilespmem:$0x1F4E0] =	vst v53;
	v61 =	vmin.f32 v52, v1;
	v1 =	vmax.f32 v1, v52;
	v52 =	vmin.f32 v9, v2;
	v18 =	vld [tilespmem:$0x1FC90]  }
0x3e0: {  	v2 =	vmax.f32 v2, v9;
	[tilespmem:$0x1F420] =	vst v16;
	v3 =	vmax.f32 v3, v10;
	v10 =	vld.idx.msk [tilespmem:v16+s11+$0x0], $0xffff  }
0x3e1: {  	v8 =	vmax.f32 v8, v61;
	v5 =	vmax.f32 v5, v52;
	v9 =	vld.idx.msk [tilespmem:v49+s11+$0x0], $0xffff;
	v61 =	vmin.f32 v14, v1  }
0x3e2: {  	v4 =	vmax.f32 v4, v13;
	[tilespmem:$0x1F480] =	vst v26;
	v16 =	vor.u32 v51, v0;
	v8 =	vmax.f32 v8, v61;
	v61 =	vld [tilespmem:$0x1FCA0]  }
0x3e3: {  	v1 =	vmax.f32 v1, v14;
	v52 =	vmin.f32 v17, v4;
	v13 =	vld.idx.msk [tilespmem:v26+s11+$0x0], $0xffff;
	v26 =	vor.u32 v59, v0  }
0x3e4: {  	v51 =	vld.idx.msk [tilespmem:v53+s11+$0x0], $0xffff;
	v4 =	vmax.f32 v4, v17;
	v6 =	vmax.f32 v6, v52;
	v25 =	vor.u32 v18, v0  }
0x3e5: {  	[tilespmem:$0x1F460] =	vst v49;
	v52 =	vmov s18;
	v56 =	vmin.f32 v12, v3;
	v3 =	vmax.f32 v3, v12  }
0x3e6: {  	[tilespmem:$0x1F4C0] =	vst v16;
	v7 =	vmax.f32 v7, v56;
	v49 =	vmin.f32 v10, v2;
	v2 =	vmax.f32 v2, v10  }
0x3e7: {  	v12 =	vld.idx.msk [tilespmem:v16+s11+$0x0], $0xffff;
	v53 =	vmin.f32 v9, v3;
	v3 =	vmax.f32 v3, v9;
	v16 =	vor.u32 v61, v0  }
0x3e8: {  	v5 =	vmax.f32 v5, v49;
	v7 =	vmax.f32 v7, v53;
	v59 =	vmin.f32 v15, v2;
	v10 =	vld.idx.msk [tilespmem:v26+s11+$0x0], $0xffff  }
0x3e9: {  	v2 =	vmax.f32 v2, v15;
	v49 =	vmin.f32 v51, v3;
	v3 =	vmax.f32 v3, v51;
	v14 =	vld.idx.msk [tilespmem:v25+s11+$0x0], $0xffff  }
0x3ea: {  	v53 =	vshll.u32 v52, $0x7;
	v56 =	vmin.f32 v13, v1;
	v1 =	vmax.f32 v1, v13  }
0x3eb: {  	[tilespmem:$0x1F440] =	vst v39;
	v5 =	vmax.f32 v5, v59;
	v7 =	vmax.f32 v7, v49;
	v0 =	vor.u32 v19, v53  }
0x3ec: {  	v8 =	vmax.f32 v8, v56;
	v53 =	vor.u32 v20, v0;
	v39 =	vmin.f32 v12, v4;
	v13 =	vld.idx.msk [tilespmem:v16+s11+$0x0], $0xffff  }
0x3ed: {  	v4 =	vmax.f32 v4, v12;
	v6 =	vmax.f32 v6, v39;
	v39 =	vlaneseq.u32  }
0x3ee: {  	v51 =	vmin.f32 v10, v1;
	v56 =	vmin.f32 v14, v2;
	v1 =	vmax.f32 v1, v10  }
0x3ef: {  	[tilespmem:$0x1F500] =	vst v26;
	v2 =	vmax.f32 v2, v14;
	v11 =	vor.u32 v39, v0;
	v8 =	vmax.f32 v8, v51  }
0x3f0: {  	[tilespmem:$0x1F520] =	vst v25;
	v5 =	vmax.f32 v5, v56;
	v51 =	vmin.f32 v3, v1;
	v7 =	vmax.f32 v7, v8  }
0x3f1: {  	[tilespmem:$0x1F540] =	vst v16;
	v1 =	vmax.f32 v3, v1;
	v52 =	vmax.f32 v51, v7;
	v59 =	vmin.f32 v13, v4  }
0x3f2: {  	[tilespmem:$0x1EFC0] =	vst v11;
	v7 =	vor.u32 v24, v0;
	v49 =	vmax.f32 v6, v59;
	v6 =	vor.u32 v22, v0  }
0x3f3: {  	v56 =	vor.u32 v21, v0;
	v8 =	vor.u32 v29, v0;
	v4 =	vmax.f32 v4, v13;
	[tilespmem:$0x1F030] =	vst v7  }
0x3f4: {  	v22 =	vmin.f32 v2, v4;
	v2 =	vmax.f32 v2, v4;
	v25 =	vld.idx.msk [tilespmem:v11+s11+$0x0], $0xffff;
	v5 =	vmax.f32 v5, v49  }
0x3f5: {  	v59 =	vor.u32 v23, v0;
	[tilespmem:$0x1F010] =	vst v6;
	v49 =	vor.u32 v27, v0;
	v39 =	vmax.f32 v22, v5  }
0x3f6: {  	[tilespmem:$0x1F050] =	vst v49;
	v22 =	vld.idx.msk [tilespmem:v53+s11+$0x0], $0xffff;
	v3 =	vmax.f32 v52, v39;
	v52 =	vor.u32 v28, v0  }
0x3f7: {  	v51 =	vmin.f32 v1, v2;
	v15 =	vmax.f32 v1, v2;
	v1 =	vld.idx.msk [tilespmem:v6+s11+$0x0], $0xffff;
	[tilespmem:$0x1F070] =	vst v52  }
0x3f8: {  	v13 =	vmax.f32 v51, v3;
	v3 =	vld.idx.msk [tilespmem:v7+s11+$0x0], $0xffff  }
0x3f9: {  	v2 =	vsub.f32 v13, v15;
	v4 =	vld.idx.msk [tilespmem:v56+s11+$0x0], $0xffff  }
0x3fa: {  	v39 =	vor.u32 v30, v0;
	v11 =	vld.idx.msk [tilespmem:v49+s11+$0x0], $0xffff  }
0x3fb: {  	v9 =	vor.u32 v32, v0;
	v10 =	vor.u32 v34, v0;
	v24 =	vld.idx.msk [tilespmem:v59+s11+$0x0], $0xffff;
	v2 =	vmul.f32 $1.442695020e+00, v2  }
0x3fc: {  	v21 =	vor.u32 v33, v0;
	v23 =	vor.u32 v36, v0;
	v49 =	vor.u32 v31, v0;
	v28 =	vld.idx.msk [tilespmem:v8+s11+$0x0], $0xffff  }
0x3fd: {  	v51 =	vmin.f32 v25, $-Inf;
	v20 =	vmin.f32 v22, $-Inf;
	v26 =	vld.idx.msk [tilespmem:v52+s11+$0x0], $0xffff;
	(erf) = vpow2.f32 v2  }
0x3fe: {  	[tilespmem:$0x1F090] =	vst v8;
	v52 =	vmin.f32 v1, v25;
	v1 =	vmax.f32 v25, v1;
	v27 =	vmin.f32 v3, v22  }
0x3ff: {  	[tilespmem:$0x1F0B0] =	vst v39;
	v31 =	vld.idx.msk [tilespmem:v39+s11+$0x0], $0xffff;
	v2 =	vmax.f32 v51, v52;
	v29 =	vmin.f32 v4, $-Inf;
	v30 =	vmin.f32 v11, v4  }
0x400: {  	v36 =	vld.idx.msk [tilespmem:v10+s11+$0x0], $0xffff;
	[tilespmem:$0x1F0D0] =	vst v49;
	v3 =	vmax.f32 v22, v3;
	v4 =	vmax.f32 v4, v11;
	v11 =	vmin.f32 v24, $-Inf  }
0x401: {  	v22 =	vor.u32 v35, v0;
	v27 =	vmax.f32 v20, v27;
	v29 =	vmax.f32 v29, v30;
	v30 =	vld.idx.msk [tilespmem:v49+s11+$0x0], $0xffff  }
0x402: {  	v49 =	vld.idx.msk [tilespmem:v9+s11+$0x0], $0xffff;
	v39 =	vmin.f32 v26, v24;
	v51 =	vmax.f32 v24, v26;
	v26 =	vmin.f32 v28, v1  }
0x403: {  	[tilespmem:$0x1F120] =	vst v10;
	v24 =	vor.u32 v37, v0;
	v1 =	vmax.f32 v1, v28;
	v28 =	vor.u32 v41, v0  }
0x404: {  	v52 =	vld.idx.msk [tilespmem:v21+s11+$0x0], $0xffff;
	v32 =	vmax.f32 v11, v39;
	v2 =	vmax.f32 v2, v26;
	v26 =	vmin.f32 v31, v3  }
0x405: {  	v3 =	vmax.f32 v3, v31;
	v11 =	vld.idx.msk [tilespmem:v23+s11+$0x0], $0xffff;
	v31 =	vor.u32 v60, v0;
	v8 =	vmax.f32 v27, v26  }
0x406: {  	v26 =	vor.u32 v38, v0;
	v10 =	vld.idx.msk [tilespmem:v22+s11+$0x0], $0xffff;
	v27 =	vmin.f32 v30, v4;
	v4 =	vmax.f32 v4, v30  }
0x407: {  	v33 =	vmax.f32 v51, v49;
	v30 =	vmin.f32 v36, v3;
	v3 =	vmax.f32 v3, v36  }
0x408: {  	[tilespmem:$0x1F0F0] =	vst v9;
	v9 =	vmax.f32 v29, v27;
	v27 =	vor.u32 v40, v0;
	v29 =	vmin.f32 v49, v51  }
0x409: {  	v51 =	vmax.f32 v8, v30;
	v30 =	vor.u32 v43, v0;
	v32 =	vmax.f32 v32, v29  }
0x40a: {  	v49 =	vld.idx.msk [tilespmem:v24+s11+$0x0], $0xffff;
	v29 =	vmin.f32 v52, v1;
	v1 =	vmax.f32 v1, v52;
	v8 =	vmin.f32 v11, v33  }
0x40b: {  	v2 =	vmax.f32 v2, v29;
	v29 =	vor.u32 v42, v0;
	v52 =	vld.idx.msk [tilespmem:v26+s11+$0x0], $0xffff;
	v7 =	vmin.f32 v10, v4  }
0x40c: {  	v38 =	vmax.f32 v32, v8;
	v32 =	vor.u32 v44, v0;
	v36 =	vmax.f32 v9, v7;
	v9 =	vld.idx.msk [tilespmem:v28+s11+$0x0], $0xffff  }
0x40d: {  	v40 =	vmax.f32 v33, v11;
	v33 =	vor.u32 v46, v0;
	v41 =	vld.idx.msk [tilespmem:v27+s11+$0x0], $0xffff  }
0x40e: {  	v34 =	vor.u32 v45, v0;
	v35 =	vor.u32 v47, v0;
	v37 =	vor.u32 v50, v0;
	v44 =	vld.idx.msk [tilespmem:v30+s11+$0x0], $0xffff  }
0x40f: {  	v45 =	vld.idx.msk [tilespmem:v31+s11+$0x0], $0xffff;
	v4 =	vmax.f32 v4, v10;
	v10 =	vmin.f32 v49, v1;
	v1 =	vmax.f32 v1, v49  }
0x410: {  	v2 =	vmax.f32 v2, v10;
	v11 =	vld.idx.msk [tilespmem:v29+s11+$0x0], $0xffff;
	v49 =	vmin.f32 v52, v3;
	v3 =	vmax.f32 v3, v52  }
0x411: {  	v47 =	vld.idx.msk [tilespmem:v32+s11+$0x0], $0xffff;
	v43 =	vmax.f32 v51, v49;
	v52 =	vmin.f32 v9, v40;
	v8 =	vmax.f32 v40, v9  }
0x412: {  	v49 =	vld.idx.msk [tilespmem:v33+s11+$0x0], $0xffff;
	v40 =	vor.u32 v54, v0;
	v51 =	vmin.f32 v41, v4;
	v4 =	vmax.f32 v4, v41  }
0x413: {  	v60 =	vmax.f32 v38, v52;
	v10 =	vmin.f32 v44, v3;
	v38 =	vor.u32 v57, v0;
	v52 =	vld [tilespmem:$0x1FF50]  }
0x414: {  	v3 =	vmax.f32 v3, v44;
	v46 =	vmax.f32 v36, v51;
	v36 =	vor.u32 v48, v0  }
0x415: {  	v50 =	vld.idx.msk [tilespmem:v34+s11+$0x0], $0xffff;
	v41 =	vor.u32 v55, v0;
	v51 =	vmin.f32 v45, v4;
	v9 =	vmin.f32 v11, v1  }
0x416: {  	v55 =	vld [tilespmem:$0x1FF80];
	v1 =	vmax.f32 v1, v11;
	v44 =	vmax.f32 v46, v51;
	v57 =	vmin.f32 v47, v8  }
0x417: {  	v46 =	vld.idx.msk [tilespmem:v35+s11+$0x0], $0xffff;
	v47 =	vmax.f32 v8, v47;
	v2 =	vmax.f32 v2, v9;
	v8 =	vmin.f32 v49, v1  }
0x418: {  	v2 =	vmax.f32 v2, v8;
	v8 =	vld [tilespmem:$0x1FF90];
	v39 =	vor.u32 v52, v0  }
0x419: {  	v4 =	vmax.f32 v4, v45;
	v45 =	vld.idx.msk [tilespmem:v36+s11+$0x0], $0xffff  }
0x41a: {  	v48 =	vld.idx.msk [tilespmem:v37+s11+$0x0], $0xffff;
	v11 =	vmax.f32 v43, v10;
	v9 =	vmin.f32 v50, v3  }
0x41b: {  	v10 =	vmax.f32 v11, v9;
	v11 =	vld.idx.msk [tilespmem:v38+s11+$0x0], $0xffff;
	v42 =	vor.u32 v55, v0  }
0x41c: {  	v43 =	vor.u32 v58, v0;
	v60 =	vmax.f32 v60, v57;
	v55 =	vld.idx.msk [tilespmem:v40+s11+$0x0], $0xffff  }
0x41d: {  	v1 =	vmax.f32 v1, v49;
	v3 =	vmax.f32 v3, v50;
	v57 =	vmin.f32 v46, v4;
	v54 =	vld.idx.msk [tilespmem:v39+s11+$0x0], $0xffff  }
0x41e: {  	v50 =	vmax.f32 v44, v57;
	v44 =	vor.u32 v8, v0;
	v8 =	vld [tilespmem:$0x1FD20];
	v58 =	vmin.f32 v45, v47  }
0x41f: {  	v4 =	vmax.f32 v4, v46;
	v51 =	vmax.f32 v60, v58;
	v60 =	vmin.f32 v48, v1;
	v58 =	vld.idx.msk [tilespmem:v41+s11+$0x0], $0xffff  }
0x420: {  	v46 =	vor.u32 v63, v0;
	v9 =	vmin.f32 v11, v3;
	v2 =	vmax.f32 v2, v60;
	v60 =	vld.idx.msk [tilespmem:v42+s11+$0x0], $0xffff  }
0x421: {  	v52 =	vld.idx.msk [tilespmem:v43+s11+$0x0], $0xffff;
	v3 =	vmax.f32 v3, v11;
	v57 =	vmax.f32 v47, v45;
	v45 =	vor.u32 v62, v0  }
0x422: {  	v62 =	vmax.f32 v10, v9;
	v1 =	vmax.f32 v1, v48;
	v10 =	vmin.f32 v54, v4  }
0x423: {  	v11 =	vmin.f32 v55, v57;
	v55 =	vmax.f32 v57, v55;
	v63 =	vmax.f32 v50, v10;
	v50 =	vld [tilespmem:$0x1FC00]  }
0x424: {  	v48 =	vor.u32 v8, v0;
	v4 =	vmax.f32 v4, v54;
	v10 =	vld [tilespmem:$0x1FD30];
	v9 =	vmin.f32 v58, v1  }
0x425: {  	v6 =	vld.idx.msk [tilespmem:v46+s11+$0x0], $0xffff;
	v54 =	vmax.f32 v51, v11;
	v9 =	vmax.f32 v2, v9;
	v11 =	vmin.f32 v60, v3  }
0x426: {  	v57 =	vld.idx.msk [tilespmem:v45+s11+$0x0], $0xffff;
	v2 =	vmax.f32 v1, v58;
	v58 =	vmax.f32 v62, v11;
	v62 =	vmin.f32 v52, v4  }
0x427: {  	v3 =	vmax.f32 v3, v60;
	v60 =	vmax.f32 v63, v62;
	v63 =	vld [tilespmem:$0x1FD50]  }
0x428: {  	v47 =	vor.u32 v50, v0;
	v50 =	vld [tilespmem:$0x1FD40]  }
0x429: {  	v7 =	vld.idx.msk [tilespmem:v44+s11+$0x0], $0xffff;
	v49 =	vor.u32 v10, v0  }
0x42a: {  	v8 =	vld.idx.msk [tilespmem:v48+s11+$0x0], $0xffff  }
0x42b: {  	v5 =	vmax.f32 v4, v52;
	v52 =	vld [tilespmem:$0x1FD60];
	v1 =	vmin.f32 v57, v2  }
0x42c: {  	v12 =	vmax.f32 v9, v1;
	v9 =	vld [tilespmem:$0x1FD80];
	v51 =	vor.u32 v63, v0  }
0x42d: {  	v50 =	vor.u32 v50, v0;
	v62 =	vld.idx.msk [tilespmem:v47+s11+$0x0], $0xffff  }
0x42e: {  	v10 =	vld.idx.msk [tilespmem:v49+s11+$0x0], $0xffff  }
0x42f: {  	v4 =	vmin.f32 v7, v55;
	v11 =	vld [tilespmem:$0x1FD90]  }
0x430: {  	v52 =	vor.u32 v52, v0;
	v63 =	vmax.f32 v54, v4;
	v54 =	vld [tilespmem:$0x1FD70]  }
0x431: {  	v7 =	vmax.f32 v55, v7;
	v4 =	vmax.f32 v2, v57;
	v57 =	vor.u32 v9, v0;
	v9 =	vld.idx.msk [tilespmem:v51+s11+$0x0], $0xffff  }
0x432: {  	v1 =	vmin.f32 v6, v3;
	v3 =	vmax.f32 v3, v6;
	v55 =	vld.idx.msk [tilespmem:v50+s11+$0x0], $0xffff;
	v6 =	vmin.f32 v62, v5  }
0x433: {  	v58 =	vmax.f32 v58, v1;
	v1 =	vmin.f32 v10, v4;
	v6 =	vmax.f32 v60, v6;
	v60 =	vld [tilespmem:$0x1FDA0]  }
0x434: {  	v1 =	vmax.f32 v12, v1;
	v12 =	vld [tilespmem:$0x1FC10]  }
0x435: {  	v5 =	vmax.f32 v5, v62;
	v62 =	vld.idx.msk [tilespmem:v52+s11+$0x0], $0xffff  }
0x436: {  	v14 =	vor.u32 v11, v0;
	v11 =	vmin.f32 v8, v7;
	v54 =	vor.u32 v54, v0  }
0x437: {  	v7 =	vmax.f32 v7, v8;
	v63 =	vmax.f32 v63, v11;
	v11 =	vld [tilespmem:$0x1FDB0]  }
0x438: {  	v4 =	vmax.f32 v4, v10;
	v10 =	vld.idx.msk [tilespmem:v57+s11+$0x0], $0xffff;
	v2 =	vmin.f32 v55, v3;
	v60 =	vor.u32 v60, v0  }
0x439: {  	v3 =	vmax.f32 v3, v55;
	v55 =	vmin.f32 v9, v5;
	v18 =	vor.u32 v12, v0;
	v12 =	vld [tilespmem:$0x1FC40]  }
0x43a: {  	v6 =	vmax.f32 v6, v55;
	v55 =	vmin.f32 v62, v7;
	v7 =	vmax.f32 v7, v62;
	v62 =	vld [tilespmem:$0x1F550]  }
0x43b: {  	v8 =	vld.idx.msk [tilespmem:v54+s11+$0x0], $0xffff  }
0x43c: {  	v11 =	vor.u32 v11, v0;
	v2 =	vmax.f32 v58, v2;
	v58 =	vld.idx.msk [tilespmem:v14+s11+$0x0], $0xffff  }
0x43d: {  	v5 =	vmax.f32 v5, v9;
	v9 =	vmax.f32 v63, v55;
	v63 =	vld.idx.msk [tilespmem:v60+s11+$0x0], $0xffff  }
0x43e: {  	v16 =	vor.u32 v12, v0;
	v12 =	vld [tilespmem:$0x1FFB0]  }
0x43f: {  	[tilespmem:$0x1F340] =	vst v14;
	v14 =	vor.u32 v62, v0;
	v62 =	vmin.f32 v10, v3;
	v3 =	vmax.f32 v3, v10;
	v10 =	vld [tilespmem:$0x1F570]  }
0x440: {  	v55 =	vmin.f32 v8, v4;
	v17 =	vmax.f32 v2, v62;
	v2 =	vld [tilespmem:$0x1F580]  }
0x441: {  	v1 =	vmax.f32 v1, v55;
	v55 =	vld.idx.msk [tilespmem:v11+s11+$0x0], $0xffff  }
0x442: {  	[tilespmem:$0x1F370] =	vst v11;
	v4 =	vmax.f32 v4, v8;
	v8 =	vmin.f32 v58, v5;
	v5 =	vmax.f32 v5, v58;
	v58 =	vld [tilespmem:$0x1F590]  }
0x443: {  	[tilespmem:$0x1F390] =	vst v18;
	v62 =	vld.idx.msk [tilespmem:v18+s11+$0x0], $0xffff;
	v18 =	vmax.f32 v6, v8;
	v11 =	vor.u32 v12, v0  }
0x444: {  	v6 =	vor.u32 v10, v0;
	v10 =	vmin.f32 v63, v7;
	v7 =	vmax.f32 v7, v63;
	v63 =	vld [tilespmem:$0x1FFC0]  }
0x445: {  	v20 =	vor.u32 v2, v0;
	v12 =	vmax.f32 v9, v10;
	v9 =	vld [tilespmem:$0x1F5A0];
	_ =	sdelay $0x1  }
0x446: {  	[tilespmem:$0x1F3B0] =	vst v16;
	v8 =	vld.idx.msk [tilespmem:v16+s11+$0x0], $0xffff  }
0x447: {  	[tilespmem:$0x1F3D0] =	vst v14;
	v16 =	vor.u32 v58, v0;
	v58 =	vld.idx.msk [tilespmem:v14+s11+$0x0], $0xffff  }
0x448: {  	[tilespmem:$0x1F3F0] =	vst v11;
	v14 =	vld.idx.msk [tilespmem:v11+s11+$0x0], $0xffff  }
0x449: {  	v11 =	vor.u32 v63, v0;
	v2 =	vor.u32 v9, v0;
	v9 =	vmin.f32 v62, v3;
	v63 =	vld.idx.msk [tilespmem:v20+s11+$0x0], $0xffff  }
0x44a: {  	v10 =	vmin.f32 v55, v4;
	[tilespmem:$0x1F410] =	vst v20;
	v20 =	vmax.f32 v17, v9;
	v9 =	vld [tilespmem:$0x1F560]  }
0x44b: {  	v19 =	vmax.f32 v1, v10;
	v10 =	vmax.f32 v4, v55;
	v4 =	vld [tilespmem:$0x1FFD0];
	_ =	sdelay $0x1  }
0x44c: {  	v3 =	vmax.f32 v3, v62;
	v62 =	vld [tilespmem:$0x1FFE0]  }
0x44d: {  	[tilespmem:$0x1F430] =	vst v6;
	v17 =	vld.idx.msk [tilespmem:v6+s11+$0x0], $0xffff  }
0x44e: {  	[tilespmem:$0x1F450] =	vst v16;
	v55 =	vmin.f32 v8, v5;
	v6 =	vor.u32 v9, v0;
	v9 =	vmax.f32 v5, v8;
	v5 =	vld [tilespmem:$0x1FFF0]  }
0x44f: {  	[tilespmem:$0x1F490] =	vst v11;
	v4 =	vor.u32 v4, v0;
	v8 =	vmin.f32 v58, v7;
	v7 =	vmax.f32 v7, v58;
	v58 =	vld [tilespmem:$0x1FC90]  }
0x450: {  	[tilespmem:$0x1F470] =	vst v2  }
0x451: {  	v18 =	vmax.f32 v18, v55;
	v55 =	vld.idx.msk [tilespmem:v16+s11+$0x0], $0xffff;
	[tilespmem:$0x1F4B0] =	vst v4;
	v16 =	vor.u32 v62, v0  }
0x452: {  	v61 =	vor.u32 v61, v0;
	v62 =	vld.idx.msk [tilespmem:v2+s11+$0x0], $0xffff;
	[tilespmem:$0x1F4F0] =	vst v16  }
0x453: {  	[tilespmem:$0x1F4D0] =	vst v6;
	v8 =	vmax.f32 v12, v8;
	v12 =	vld.idx.msk [tilespmem:v11+s11+$0x0], $0xffff;
	v5 =	vor.u32 v5, v0  }
0x454: {  	v11 =	vld.idx.msk [tilespmem:v4+s11+$0x0], $0xffff;
	v4 =	vmax.f32 v10, v14;
	v2 =	vmax.f32 v9, v17;
	v1 =	vor.u32 v58, v0  }
0x455: {  	v0 =	vmin.f32 v14, v10;
	v58 =	vmin.f32 v63, v3;
	v10 =	vld.idx.msk [tilespmem:v6+s11+$0x0], $0xffff;
	v3 =	vmax.f32 v3, v63  }
0x456: {  	v14 =	vmin.f32 v17, v9;
	v6 =	vmin.f32 v55, v7;
	v63 =	vld.idx.msk [tilespmem:v16+s11+$0x0], $0xffff;
	v7 =	vmax.f32 v7, v55  }
0x457: {  	[tilespmem:$0x1F510] =	vst v5;
	v0 =	vmax.f32 v19, v0;
	v20 =	vmax.f32 v20, v58;
	v16 =	vmax.f32 v18, v14  }
0x458: {  	v17 =	vmax.f32 v8, v6;
	v14 =	vmin.f32 v62, v4;
	v9 =	vmin.f32 v12, v3;
	v8 =	vld.idx.msk [tilespmem:v5+s11+$0x0], $0xffff  }
0x459: {  	v4 =	vmax.f32 v4, v62;
	v3 =	vmax.f32 v3, v12;
	v0 =	vmax.f32 v0, v14;
	v58 =	vld.idx.msk [tilespmem:v1+s11+$0x0], $0xffff  }
0x45a: {  	v6 =	vmax.f32 v20, v9;
	v14 =	vld.idx.msk [tilespmem:v61+s11+$0x0], $0xffff;
	v9 =	vmin.f32 v11, v2;
	v5 =	vmin.f32 v10, v7  }
0x45b: {  	[tilespmem:$0x1F530] =	vst v1;
	v9 =	vmax.f32 v16, v9;
	v1 =	vmax.f32 v2, v11;
	v2 =	vmax.f32 v17, v5  }
0x45c: {  	v5 =	vmax.f32 v7, v10;
	v7 =	vmin.f32 v63, v4;
	v4 =	vmax.f32 v4, v63  }
0x45d: {  	v62 =	vmovc v61;
	v0 =	vmax.f32 v0, v7;
	v61 =	vmin.f32 v8, v3;
	v3 =	vmax.f32 v3, v8  }
0x45e: {  	v63 =	vmin.f32 v58, v1;
	v1 =	vmax.f32 v1, v58;
	v6 =	vmax.f32 v6, v61  }
0x45f: {  	v61 =	vmin.f32 v14, v5;
	v7 =	vmax.f32 v9, v63;
	v5 =	vmax.f32 v5, v14  }
0x460: {  	v63 =	vmax.f32 v4, v3;
	v3 =	vmin.f32 v4, v3;
	v2 =	vmax.f32 v2, v61  }
0x461: {  	v0 =	vmax.f32 v0, v6;
	v9 =	vmin.f32 v1, v5;
	v2 =	vmax.f32 v7, v2  }
0x462: {  	v1 =	vmax.f32 v1, v5;
	v0 =	vmax.f32 v3, v0;
	v2 =	vmax.f32 v9, v2  }
0x463: {  	v10 =	vmin.f32 v63, v1;
	v0 =	vmax.f32 v0, v2  }
0x464: {  	v63 =	vmax.f32 v63, v1;
	v2 =	vmax.f32 v10, v0  }
0x465: {  	v11 =	vpop (erf);
	v1 =	vsub.f32 v2, v63  }
0x466: {  	v0 =	vadd.f32 $1.000000000e+00, v11  }
0x467: {  	v1 =	vmul.f32 $1.442695020e+00, v1  }
0x468: {  	(erf) = vrcp.f32 v0  }
0x469: {  	(erf) = vpow2.f32 v1;
	_ =	sdelay $0x7  }
0x46a: {  	v1 =	vpop (erf)  }
0x46b: {  	v58 =	vpop (erf)  }
0x46c: {  	v0 =	vadd.f32 $1.000000000e+00, v58;
	_ =	sdelay $0x1  }
0x46d: {  	v61 =	vld [tilespmem:$0x1EFA0];
	(erf) = vrcp.f32 v0;
	_ =	sdelay $0x3  }
0x46e: {  	v10 =	vld [tilespmem:$0x1EFB0]  }
0x46f: {  	vm1 =	veq.f32 v61, v13;
	vm2 =	veq.f32 v61, v15;
	v61 =	vld [tilespmem:$0x1EFD0];
	_ =	sdelay $0x2  }
0x470: {  	v3 =	vsub.f32 $1.000000000e+00, v1  }
0x471: {  	v0 =	vpop (erf)  }
0x472: {  	v8 =	vnsel vm1, $0x0, v3;
	v4 =	vsub.f32 $1.000000000e+00, v0  }
0x473: {  	vm3 =	veq.f32 v25, v2;
	v5 =	vsel vm2, v1, v8  }
0x474: {  	vm1 =	veq.f32 v25, v63;
	[tilespmem:v10+s12+$0x0] =	vst.idx.msk $0xffff, v5;
	v9 =	vnsel vm3, $0x0, v4  }
0x475: {  	v11 =	vsel vm1, v0, v9;
	v9 =	vld.idx.msk [tilespmem:v61+s11+$0x0], $0xffff;
	_ =	sdelay $0x4  }
0x476: {  	v58 =	vld [tilespmem:$0x1EFC0];
	vm1 =	veq.f32 v9, v13  }
0x477: {  	vm2 =	veq.f32 v9, v15;
	v10 =	vnsel vm1, $0x0, v3  }
0x478: {  	v5 =	vsel vm2, v1, v10  }
0x479: {  	[tilespmem:v61+s12+$0x0] =	vst.idx.msk $0xffff, v5;
	v61 =	vld [tilespmem:$0x1EFE0];
	_ =	sdelay $0x4  }
0x47a: {  	[tilespmem:v58+s12+$0x0] =	vst.idx.msk $0xffff, v11  }
0x47b: {  	v6 =	vld.idx.msk [tilespmem:v53+s11+$0x0], $0xffff;
	_ =	sdelay $0x1  }
0x47c: {  	v9 =	vld.idx.msk [tilespmem:v61+s11+$0x0], $0xffff;
	_ =	sdelay $0x2  }
0x47d: {  	vm3 =	veq.f32 v6, v2  }
0x47e: {  	vm1 =	veq.f32 v6, v63;
	v11 =	vnsel vm3, $0x0, v4  }
0x47f: {  	v58 =	vsel vm1, v0, v11;
	vm1 =	veq.f32 v9, v13  }
0x480: {  	[tilespmem:v53+s12+$0x0] =	vst.idx.msk $0xffff, v58;
	vm2 =	veq.f32 v9, v15;
	v11 =	vnsel vm1, $0x0, v3  }
0x481: {  	v10 =	vld.idx.msk [tilespmem:v56+s11+$0x0], $0xffff;
	v5 =	vsel vm2, v1, v11  }
0x482: {  	[tilespmem:v61+s12+$0x0] =	vst.idx.msk $0xffff, v5;
	v61 =	vld [tilespmem:$0x1EFF0];
	_ =	sdelay $0x3  }
0x483: {  	vm3 =	veq.f32 v10, v2  }
0x484: {  	v53 =	vnsel vm3, $0x0, v4;
	vm1 =	veq.f32 v10, v63  }
0x485: {  	v58 =	vsel vm1, v0, v53  }
0x486: {  	[tilespmem:v56+s12+$0x0] =	vst.idx.msk $0xffff, v58;
	v58 =	vld [tilespmem:$0x1F000]  }
0x487: {  	v9 =	vld.idx.msk [tilespmem:v61+s11+$0x0], $0xffff  }
0x488: {  	v10 =	vld.idx.msk [tilespmem:v59+s11+$0x0], $0xffff;
	_ =	sdelay $0x3  }
0x489: {  	vm1 =	veq.f32 v9, v13  }
0x48a: {  	vm3 =	veq.f32 v10, v2;
	vm2 =	veq.f32 v9, v15;
	v11 =	vnsel vm1, $0x0, v3  }
0x48b: {  	v53 =	vnsel vm3, $0x0, v4;
	vm1 =	veq.f32 v10, v63;
	v5 =	vsel vm2, v1, v11  }
0x48c: {  	v56 =	vsel vm1, v0, v53;
	[tilespmem:v61+s12+$0x0] =	vst.idx.msk $0xffff, v5;
	v61 =	vld [tilespmem:$0x1F010]  }
0x48d: {  	[tilespmem:v59+s12+$0x0] =	vst.idx.msk $0xffff, v56;
	v59 =	vld.idx.msk [tilespmem:v58+s11+$0x0], $0xffff;
	_ =	sdelay $0x4  }
0x48e: {  	vm1 =	veq.f32 v59, v13  }
0x48f: {  	vm2 =	veq.f32 v59, v15;
	v11 =	vnsel vm1, $0x0, v3  }
0x490: {  	v10 =	vld.idx.msk [tilespmem:v61+s11+$0x0], $0xffff;
	v5 =	vsel vm2, v1, v11  }
0x491: {  	[tilespmem:v58+s12+$0x0] =	vst.idx.msk $0xffff, v5;
	v58 =	vld [tilespmem:$0x1F020];
	_ =	sdelay $0x3  }
0x492: {  	vm3 =	veq.f32 v10, v2  }
0x493: {  	vm1 =	veq.f32 v10, v63;
	v53 =	vnsel vm3, $0x0, v4  }
0x494: {  	v56 =	vsel vm1, v0, v53  }
0x495: {  	[tilespmem:v61+s12+$0x0] =	vst.idx.msk $0xffff, v56;
	v61 =	vld [tilespmem:$0x1F030]  }
0x496: {  	v59 =	vld.idx.msk [tilespmem:v58+s11+$0x0], $0xffff;
	_ =	sdelay $0x4  }
0x497: {  	vm1 =	veq.f32 v59, v13  }
0x498: {  	vm2 =	veq.f32 v59, v15;
	v11 =	vnsel vm1, $0x0, v3  }
0x499: {  	v10 =	vld.idx.msk [tilespmem:v61+s11+$0x0], $0xffff;
	v5 =	vsel vm2, v1, v11  }
0x49a: {  	[tilespmem:v58+s12+$0x0] =	vst.idx.msk $0xffff, v5;
	v58 =	vld [tilespmem:$0x1F040];
	_ =	sdelay $0x3  }
0x49b: {  	vm3 =	veq.f32 v10, v2  }
0x49c: {  	vm1 =	veq.f32 v10, v63;
	v53 =	vnsel vm3, $0x0, v4  }
0x49d: {  	v56 =	vsel vm1, v0, v53  }
0x49e: {  	[tilespmem:v61+s12+$0x0] =	vst.idx.msk $0xffff, v56;
	v61 =	vld [tilespmem:$0x1F050]  }
0x49f: {  	v59 =	vld.idx.msk [tilespmem:v58+s11+$0x0], $0xffff;
	_ =	sdelay $0x4  }
0x4a0: {  	vm1 =	veq.f32 v59, v13  }
0x4a1: {  	vm2 =	veq.f32 v59, v15;
	v11 =	vnsel vm1, $0x0, v3  }
0x4a2: {  	v10 =	vld.idx.msk [tilespmem:v61+s11+$0x0], $0xffff;
	v5 =	vsel vm2, v1, v11  }
0x4a3: {  	[tilespmem:v58+s12+$0x0] =	vst.idx.msk $0xffff, v5;
	v58 =	vld [tilespmem:$0x1F060];
	_ =	sdelay $0x3  }
0x4a4: {  	vm3 =	veq.f32 v10, v2  }
0x4a5: {  	vm1 =	veq.f32 v10, v63;
	v53 =	vnsel vm3, $0x0, v4  }
0x4a6: {  	v56 =	vsel vm1, v0, v53  }
0x4a7: {  	[tilespmem:v61+s12+$0x0] =	vst.idx.msk $0xffff, v56;
	v61 =	vld [tilespmem:$0x1F070]  }
0x4a8: {  	v59 =	vld.idx.msk [tilespmem:v58+s11+$0x0], $0xffff  }
0x4a9: {  	v7 =	vld [tilespmem:$0x1F080];
	_ =	sdelay $0x3  }
0x4aa: {  	vm1 =	veq.f32 v59, v13  }
0x4ab: {  	vm2 =	veq.f32 v59, v15;
	v10 =	vnsel vm1, $0x0, v3  }
0x4ac: {  	v9 =	vld.idx.msk [tilespmem:v61+s11+$0x0], $0xffff;
	v5 =	vsel vm2, v1, v10  }
0x4ad: {  	[tilespmem:v58+s12+$0x0] =	vst.idx.msk $0xffff, v5  }
0x4ae: {  	v58 =	vld.idx.msk [tilespmem:v7+s11+$0x0], $0xffff;
	_ =	sdelay $0x2  }
0x4af: {  	vm3 =	veq.f32 v9, v2  }
0x4b0: {  	vm1 =	veq.f32 v9, v63;
	v11 =	vnsel vm3, $0x0, v4  }
0x4b1: {  	v56 =	vsel vm1, v0, v11;
	vm1 =	veq.f32 v58, v13  }
0x4b2: {  	v59 =	vld [tilespmem:$0x1F090];
	vm2 =	veq.f32 v58, v15;
	v9 =	vnsel vm1, $0x0, v3  }
0x4b3: {  	v5 =	vsel vm2, v1, v9  }
0x4b4: {  	[tilespmem:v7+s12+$0x0] =	vst.idx.msk $0xffff, v5;
	v7 =	vld [tilespmem:$0x1F0A0];
	_ =	sdelay $0x4  }
0x4b5: {  	[tilespmem:v61+s12+$0x0] =	vst.idx.msk $0xffff, v56  }
0x4b6: {  	v61 =	vld.idx.msk [tilespmem:v59+s11+$0x0], $0xffff  }
0x4b7: {  	v58 =	vld [tilespmem:$0x1F0B0]  }
0x4b8: {  	v5 =	vld.idx.msk [tilespmem:v7+s11+$0x0], $0xffff;
	_ =	sdelay $0x2  }
0x4b9: {  	vm3 =	veq.f32 v61, v2  }
0x4ba: {  	vm1 =	veq.f32 v61, v63;
	v10 =	vnsel vm3, $0x0, v4  }
0x4bb: {  	v11 =	vsel vm1, v0, v10;
	vm1 =	veq.f32 v5, v13  }
0x4bc: {  	[tilespmem:v59+s12+$0x0] =	vst.idx.msk $0xffff, v11;
	vm2 =	veq.f32 v5, v15;
	v9 =	vnsel vm1, $0x0, v3  }
0x4bd: {  	v61 =	vld.idx.msk [tilespmem:v58+s11+$0x0], $0xffff;
	v5 =	vsel vm2, v1, v9  }
0x4be: {  	[tilespmem:v7+s12+$0x0] =	vst.idx.msk $0xffff, v5;
	v7 =	vld [tilespmem:$0x1F0C0];
	_ =	sdelay $0x4  }
0x4bf: {  	vm3 =	veq.f32 v61, v2  }
0x4c0: {  	vm1 =	veq.f32 v61, v63;
	v10 =	vnsel vm3, $0x0, v4  }
0x4c1: {  	v61 =	vld [tilespmem:$0x1F0D0];
	v11 =	vsel vm1, v0, v10  }
0x4c2: {  	[tilespmem:v58+s12+$0x0] =	vst.idx.msk $0xffff, v11;
	v58 =	vld.idx.msk [tilespmem:v7+s11+$0x0], $0xffff;
	_ =	sdelay $0x4  }
0x4c3: {  	vm1 =	veq.f32 v58, v13  }
0x4c4: {  	vm2 =	veq.f32 v58, v15;
	v10 =	vnsel vm1, $0x0, v3  }
0x4c5: {  	v9 =	vld.idx.msk [tilespmem:v61+s11+$0x0], $0xffff;
	v5 =	vsel vm2, v1, v10  }
0x4c6: {  	[tilespmem:v7+s12+$0x0] =	vst.idx.msk $0xffff, v5;
	v7 =	vld [tilespmem:$0x1F0E0]  }
0x4c7: {  	v8 =	vld [tilespmem:$0x1F0F0];
	_ =	sdelay $0x3  }
0x4c8: {  	vm3 =	veq.f32 v9, v2  }
0x4c9: {  	v11 =	vnsel vm3, $0x0, v4;
	vm1 =	veq.f32 v9, v63  }
0x4ca: {  	v58 =	vsel vm1, v0, v11;
	v11 =	vld [tilespmem:$0x1F100]  }
0x4cb: {  	[tilespmem:v61+s12+$0x0] =	vst.idx.msk $0xffff, v58;
	v61 =	vld.idx.msk [tilespmem:v7+s11+$0x0], $0xffff  }
0x4cc: {  	v58 =	vld.idx.msk [tilespmem:v8+s11+$0x0], $0xffff;
	_ =	sdelay $0x3  }
0x4cd: {  	vm1 =	veq.f32 v61, v13  }
0x4ce: {  	vm3 =	veq.f32 v58, v2;
	vm2 =	veq.f32 v61, v15;
	v61 =	vnsel vm1, $0x0, v3  }
0x4cf: {  	v9 =	vnsel vm3, $0x0, v4;
	vm1 =	veq.f32 v58, v63;
	v5 =	vsel vm2, v1, v61  }
0x4d0: {  	v10 =	vsel vm1, v0, v9;
	[tilespmem:v7+s12+$0x0] =	vst.idx.msk $0xffff, v5;
	v7 =	vld [tilespmem:$0x1F110]  }
0x4d1: {  	[tilespmem:v8+s12+$0x0] =	vst.idx.msk $0xffff, v10;
	v58 =	vld.idx.msk [tilespmem:v11+s11+$0x0], $0xffff  }
0x4d2: {  	v61 =	vld.idx.msk [tilespmem:v21+s11+$0x0], $0xffff;
	_ =	sdelay $0x3  }
0x4d3: {  	vm1 =	veq.f32 v58, v13;
	vm2 =	veq.f32 v58, v15;
	v58 =	vld [tilespmem:$0x1F120]  }
0x4d4: {  	vm3 =	veq.f32 v61, v2;
	v9 =	vnsel vm1, $0x0, v3  }
0x4d5: {  	vm1 =	veq.f32 v61, v63;
	v10 =	vnsel vm3, $0x0, v4;
	v5 =	vsel vm2, v1, v9  }
0x4d6: {  	[tilespmem:v11+s12+$0x0] =	vst.idx.msk $0xffff, v5;
	v11 =	vsel vm1, v0, v10  }
0x4d7: {  	[tilespmem:v21+s12+$0x0] =	vst.idx.msk $0xffff, v11;
	v21 =	vld.idx.msk [tilespmem:v7+s11+$0x0], $0xffff;
	_ =	sdelay $0x3  }
0x4d8: {  	v61 =	vld.idx.msk [tilespmem:v58+s11+$0x0], $0xffff  }
0x4d9: {  	vm1 =	veq.f32 v21, v13;
	vm2 =	veq.f32 v21, v15;
	v21 =	vld [tilespmem:$0x1F130];
	_ =	sdelay $0x4  }
0x4da: {  	v9 =	vnsel vm1, $0x0, v3;
	vm3 =	veq.f32 v61, v2  }
0x4db: {  	v5 =	vsel vm2, v1, v9;
	vm1 =	veq.f32 v61, v63;
	v10 =	vnsel vm3, $0x0, v4  }
0x4dc: {  	[tilespmem:v7+s12+$0x0] =	vst.idx.msk $0xffff, v5;
	v11 =	vsel vm1, v0, v10  }
0x4dd: {  	[tilespmem:v58+s12+$0x0] =	vst.idx.msk $0xffff, v11;
	v58 =	vld.idx.msk [tilespmem:v21+s11+$0x0], $0xffff  }
0x4de: {  	v11 =	vld [tilespmem:$0x1F140]  }
0x4df: {  	v61 =	vld.idx.msk [tilespmem:v22+s11+$0x0], $0xffff;
	_ =	sdelay $0x2  }
0x4e0: {  	vm1 =	veq.f32 v58, v13  }
0x4e1: {  	vm2 =	veq.f32 v58, v15;
	v8 =	vnsel vm1, $0x0, v3  }
0x4e2: {  	vm3 =	veq.f32 v61, v2;
	v5 =	vsel vm2, v1, v8  }
0x4e3: {  	vm1 =	veq.f32 v61, v63;
	v9 =	vnsel vm3, $0x0, v4;
	[tilespmem:v21+s12+$0x0] =	vst.idx.msk $0xffff, v5  }
0x4e4: {  	v10 =	vsel vm1, v0, v9;
	v21 =	vld.idx.msk [tilespmem:v11+s11+$0x0], $0xffff  }
0x4e5: {  	v9 =	vld [tilespmem:$0x1F150];
	[tilespmem:v22+s12+$0x0] =	vst.idx.msk $0xffff, v10  }
0x4e6: {  	v22 =	vld.idx.msk [tilespmem:v23+s11+$0x0], $0xffff;
	_ =	sdelay $0x2  }
0x4e7: {  	vm1 =	veq.f32 v21, v13  }
0x4e8: {  	vm2 =	veq.f32 v21, v15;
	v58 =	vnsel vm1, $0x0, v3  }
0x4e9: {  	vm3 =	veq.f32 v22, v2;
	v5 =	vsel vm2, v1, v58  }
0x4ea: {  	vm1 =	veq.f32 v22, v63;
	v61 =	vnsel vm3, $0x0, v4;
	[tilespmem:v11+s12+$0x0] =	vst.idx.msk $0xffff, v5  }
0x4eb: {  	v8 =	vsel vm1, v0, v61;
	v10 =	vld.idx.msk [tilespmem:v9+s11+$0x0], $0xffff  }
0x4ec: {  	v58 =	vld [tilespmem:$0x1F160];
	[tilespmem:v23+s12+$0x0] =	vst.idx.msk $0xffff, v8  }
0x4ed: {  	v11 =	vld.idx.msk [tilespmem:v24+s11+$0x0], $0xffff;
	_ =	sdelay $0x2  }
0x4ee: {  	vm1 =	veq.f32 v10, v13  }
0x4ef: {  	vm2 =	veq.f32 v10, v15;
	v21 =	vnsel vm1, $0x0, v3  }
0x4f0: {  	vm3 =	veq.f32 v11, v2;
	v5 =	vsel vm2, v1, v21  }
0x4f1: {  	vm1 =	veq.f32 v11, v63;
	v22 =	vnsel vm3, $0x0, v4;
	[tilespmem:v9+s12+$0x0] =	vst.idx.msk $0xffff, v5  }
0x4f2: {  	v23 =	vsel vm1, v0, v22;
	v61 =	vld.idx.msk [tilespmem:v58+s11+$0x0], $0xffff  }
0x4f3: {  	v22 =	vld [tilespmem:$0x1F170];
	[tilespmem:v24+s12+$0x0] =	vst.idx.msk $0xffff, v23  }
0x4f4: {  	v9 =	vld.idx.msk [tilespmem:v26+s11+$0x0], $0xffff;
	_ =	sdelay $0x2  }
0x4f5: {  	vm1 =	veq.f32 v61, v13  }
0x4f6: {  	vm2 =	veq.f32 v61, v15;
	v10 =	vnsel vm1, $0x0, v3  }
0x4f7: {  	vm3 =	veq.f32 v9, v2;
	v5 =	vsel vm2, v1, v10  }
0x4f8: {  	vm1 =	veq.f32 v9, v63;
	v11 =	vnsel vm3, $0x0, v4;
	[tilespmem:v58+s12+$0x0] =	vst.idx.msk $0xffff, v5  }
0x4f9: {  	v21 =	vsel vm1, v0, v11;
	v23 =	vld.idx.msk [tilespmem:v22+s11+$0x0], $0xffff  }
0x4fa: {  	v11 =	vld [tilespmem:$0x1F180];
	[tilespmem:v26+s12+$0x0] =	vst.idx.msk $0xffff, v21  }
0x4fb: {  	v58 =	vld.idx.msk [tilespmem:v27+s11+$0x0], $0xffff;
	_ =	sdelay $0x2  }
0x4fc: {  	vm1 =	veq.f32 v23, v13  }
0x4fd: {  	vm2 =	veq.f32 v23, v15;
	v8 =	vnsel vm1, $0x0, v3  }
0x4fe: {  	vm3 =	veq.f32 v58, v2;
	v5 =	vsel vm2, v1, v8  }
0x4ff: {  	vm1 =	veq.f32 v58, v63;
	v9 =	vnsel vm3, $0x0, v4;
	[tilespmem:v22+s12+$0x0] =	vst.idx.msk $0xffff, v5  }
0x500: {  	v10 =	vsel vm1, v0, v9;
	v21 =	vld.idx.msk [tilespmem:v11+s11+$0x0], $0xffff  }
0x501: {  	[tilespmem:v27+s12+$0x0] =	vst.idx.msk $0xffff, v10;
	v10 =	vld [tilespmem:$0x1F190];
	_ =	sdelay $0x3  }
0x502: {  	vm1 =	veq.f32 v21, v13  }
0x503: {  	vm2 =	veq.f32 v21, v15;
	v23 =	vnsel vm1, $0x0, v3  }
0x504: {  	v22 =	vld.idx.msk [tilespmem:v28+s11+$0x0], $0xffff;
	v5 =	vsel vm2, v1, v23  }
0x505: {  	[tilespmem:v11+s12+$0x0] =	vst.idx.msk $0xffff, v5  }
0x506: {  	v11 =	vld.idx.msk [tilespmem:v10+s11+$0x0], $0xffff;
	_ =	sdelay $0x2  }
0x507: {  	vm3 =	veq.f32 v22, v2  }
0x508: {  	vm1 =	veq.f32 v22, v63;
	v58 =	vnsel vm3, $0x0, v4  }
0x509: {  	v9 =	vsel vm1, v0, v58;
	vm1 =	veq.f32 v11, v13  }
0x50a: {  	vm2 =	veq.f32 v11, v15;
	v22 =	vnsel vm1, $0x0, v3  }
0x50b: {  	v5 =	vsel vm2, v1, v22  }
0x50c: {  	[tilespmem:v10+s12+$0x0] =	vst.idx.msk $0xffff, v5;
	v10 =	vld [tilespmem:$0x1F1A0];
	_ =	sdelay $0x4  }
0x50d: {  	[tilespmem:v28+s12+$0x0] =	vst.idx.msk $0xffff, v9  }
0x50e: {  	v21 =	vld.idx.msk [tilespmem:v29+s11+$0x0], $0xffff;
	_ =	sdelay $0x1  }
0x50f: {  	v11 =	vld.idx.msk [tilespmem:v10+s11+$0x0], $0xffff;
	_ =	sdelay $0x2  }
0x510: {  	vm3 =	veq.f32 v21, v2  }
0x511: {  	vm1 =	veq.f32 v21, v63;
	v23 =	vnsel vm3, $0x0, v4  }
0x512: {  	v9 =	vsel vm1, v0, v23;
	vm1 =	veq.f32 v11, v13  }
0x513: {  	vm2 =	veq.f32 v11, v15;
	v22 =	vnsel vm1, $0x0, v3  }
0x514: {  	v5 =	vsel vm2, v1, v22  }
0x515: {  	[tilespmem:v10+s12+$0x0] =	vst.idx.msk $0xffff, v5;
	v10 =	vld [tilespmem:$0x1F1B0];
	_ =	sdelay $0x4  }
0x516: {  	[tilespmem:v29+s12+$0x0] =	vst.idx.msk $0xffff, v9  }
0x517: {  	v21 =	vld.idx.msk [tilespmem:v30+s11+$0x0], $0xffff;
	_ =	sdelay $0x1  }
0x518: {  	v11 =	vld.idx.msk [tilespmem:v10+s11+$0x0], $0xffff;
	_ =	sdelay $0x2  }
0x519: {  	vm3 =	veq.f32 v21, v2  }
0x51a: {  	v23 =	vnsel vm3, $0x0, v4;
	vm1 =	veq.f32 v21, v63  }
0x51b: {  	v9 =	vsel vm1, v0, v23;
	vm1 =	veq.f32 v11, v13  }
0x51c: {  	vm2 =	veq.f32 v11, v15;
	v22 =	vnsel vm1, $0x0, v3  }
0x51d: {  	v5 =	vsel vm2, v1, v22  }
0x51e: {  	[tilespmem:v10+s12+$0x0] =	vst.idx.msk $0xffff, v5;
	v10 =	vld [tilespmem:$0x1F1C0];
	_ =	sdelay $0x4  }
0x51f: {  	[tilespmem:v30+s12+$0x0] =	vst.idx.msk $0xffff, v9  }
0x520: {  	v21 =	vld.idx.msk [tilespmem:v31+s11+$0x0], $0xffff;
	_ =	sdelay $0x1  }
0x521: {  	v11 =	vld.idx.msk [tilespmem:v10+s11+$0x0], $0xffff;
	_ =	sdelay $0x2  }
0x522: {  	vm3 =	veq.f32 v21, v2  }
0x523: {  	v23 =	vnsel vm3, $0x0, v4;
	vm1 =	veq.f32 v21, v63  }
0x524: {  	v9 =	vsel vm1, v0, v23;
	vm1 =	veq.f32 v11, v13  }
0x525: {  	vm2 =	veq.f32 v11, v15;
	v22 =	vnsel vm1, $0x0, v3  }
0x526: {  	v5 =	vsel vm2, v1, v22  }
0x527: {  	[tilespmem:v10+s12+$0x0] =	vst.idx.msk $0xffff, v5;
	v10 =	vld [tilespmem:$0x1F1D0];
	_ =	sdelay $0x4  }
0x528: {  	[tilespmem:v31+s12+$0x0] =	vst.idx.msk $0xffff, v9  }
0x529: {  	v21 =	vld.idx.msk [tilespmem:v32+s11+$0x0], $0xffff;
	_ =	sdelay $0x1  }
0x52a: {  	v11 =	vld.idx.msk [tilespmem:v10+s11+$0x0], $0xffff;
	_ =	sdelay $0x2  }
0x52b: {  	vm3 =	veq.f32 v21, v2  }
0x52c: {  	v23 =	vnsel vm3, $0x0, v4;
	vm1 =	veq.f32 v21, v63  }
0x52d: {  	v9 =	vsel vm1, v0, v23;
	vm1 =	veq.f32 v11, v13  }
0x52e: {  	vm2 =	veq.f32 v11, v15;
	v22 =	vnsel vm1, $0x0, v3  }
0x52f: {  	v5 =	vsel vm2, v1, v22  }
0x530: {  	[tilespmem:v10+s12+$0x0] =	vst.idx.msk $0xffff, v5;
	v10 =	vld [tilespmem:$0x1F1E0];
	_ =	sdelay $0x4  }
0x531: {  	[tilespmem:v32+s12+$0x0] =	vst.idx.msk $0xffff, v9  }
0x532: {  	v21 =	vld.idx.msk [tilespmem:v33+s11+$0x0], $0xffff;
	_ =	sdelay $0x1  }
0x533: {  	v11 =	vld.idx.msk [tilespmem:v10+s11+$0x0], $0xffff;
	_ =	sdelay $0x2  }
0x534: {  	vm3 =	veq.f32 v21, v2  }
0x535: {  	v23 =	vnsel vm3, $0x0, v4;
	vm1 =	veq.f32 v21, v63  }
0x536: {  	v9 =	vsel vm1, v0, v23;
	vm1 =	veq.f32 v11, v13  }
0x537: {  	vm2 =	veq.f32 v11, v15;
	v22 =	vnsel vm1, $0x0, v3  }
0x538: {  	v5 =	vsel vm2, v1, v22  }
0x539: {  	[tilespmem:v10+s12+$0x0] =	vst.idx.msk $0xffff, v5;
	v10 =	vld [tilespmem:$0x1F1F0];
	_ =	sdelay $0x4  }
0x53a: {  	[tilespmem:v33+s12+$0x0] =	vst.idx.msk $0xffff, v9  }
0x53b: {  	v21 =	vld.idx.msk [tilespmem:v34+s11+$0x0], $0xffff;
	_ =	sdelay $0x1  }
0x53c: {  	v11 =	vld.idx.msk [tilespmem:v10+s11+$0x0], $0xffff;
	_ =	sdelay $0x2  }
0x53d: {  	vm3 =	veq.f32 v21, v2  }
0x53e: {  	v23 =	vnsel vm3, $0x0, v4;
	vm1 =	veq.f32 v21, v63  }
0x53f: {  	v9 =	vsel vm1, v0, v23;
	vm1 =	veq.f32 v11, v13  }
0x540: {  	vm2 =	veq.f32 v11, v15;
	v22 =	vnsel vm1, $0x0, v3  }
0x541: {  	v5 =	vsel vm2, v1, v22  }
0x542: {  	[tilespmem:v10+s12+$0x0] =	vst.idx.msk $0xffff, v5;
	v10 =	vld [tilespmem:$0x1F200];
	_ =	sdelay $0x4  }
0x543: {  	[tilespmem:v34+s12+$0x0] =	vst.idx.msk $0xffff, v9  }
0x544: {  	v21 =	vld.idx.msk [tilespmem:v35+s11+$0x0], $0xffff;
	_ =	sdelay $0x1  }
0x545: {  	v11 =	vld.idx.msk [tilespmem:v10+s11+$0x0], $0xffff;
	_ =	sdelay $0x2  }
0x546: {  	vm3 =	veq.f32 v21, v2  }
0x547: {  	v23 =	vnsel vm3, $0x0, v4;
	vm1 =	veq.f32 v21, v63  }
0x548: {  	v9 =	vsel vm1, v0, v23;
	vm1 =	veq.f32 v11, v13  }
0x549: {  	vm2 =	veq.f32 v11, v15;
	v22 =	vnsel vm1, $0x0, v3  }
0x54a: {  	v5 =	vsel vm2, v1, v22  }
0x54b: {  	[tilespmem:v10+s12+$0x0] =	vst.idx.msk $0xffff, v5;
	v10 =	vld [tilespmem:$0x1F210];
	_ =	sdelay $0x4  }
0x54c: {  	[tilespmem:v35+s12+$0x0] =	vst.idx.msk $0xffff, v9  }
0x54d: {  	v21 =	vld.idx.msk [tilespmem:v36+s11+$0x0], $0xffff;
	_ =	sdelay $0x1  }
0x54e: {  	v11 =	vld.idx.msk [tilespmem:v10+s11+$0x0], $0xffff;
	_ =	sdelay $0x2  }
0x54f: {  	vm3 =	veq.f32 v21, v2  }
0x550: {  	v23 =	vnsel vm3, $0x0, v4;
	vm1 =	veq.f32 v21, v63  }
0x551: {  	v9 =	vsel vm1, v0, v23;
	vm1 =	veq.f32 v11, v13  }
0x552: {  	[tilespmem:v36+s12+$0x0] =	vst.idx.msk $0xffff, v9;
	vm2 =	veq.f32 v11, v15;
	v22 =	vnsel vm1, $0x0, v3  }
0x553: {  	v21 =	vld.idx.msk [tilespmem:v37+s11+$0x0], $0xffff;
	v5 =	vsel vm2, v1, v22  }
0x554: {  	[tilespmem:v10+s12+$0x0] =	vst.idx.msk $0xffff, v5;
	v10 =	vld [tilespmem:$0x1F220];
	_ =	sdelay $0x3  }
0x555: {  	vm3 =	veq.f32 v21, v2  }
0x556: {  	v23 =	vnsel vm3, $0x0, v4;
	vm1 =	veq.f32 v21, v63  }
0x557: {  	v9 =	vsel vm1, v0, v23  }
0x558: {  	[tilespmem:v37+s12+$0x0] =	vst.idx.msk $0xffff, v9;
	v9 =	vld [tilespmem:$0x1F230]  }
0x559: {  	v11 =	vld.idx.msk [tilespmem:v10+s11+$0x0], $0xffff  }
0x55a: {  	v21 =	vld.idx.msk [tilespmem:v38+s11+$0x0], $0xffff;
	_ =	sdelay $0x3  }
0x55b: {  	vm1 =	veq.f32 v11, v13  }
0x55c: {  	vm3 =	veq.f32 v21, v2;
	vm2 =	veq.f32 v11, v15;
	v22 =	vnsel vm1, $0x0, v3  }
0x55d: {  	v23 =	vnsel vm3, $0x0, v4;
	vm1 =	veq.f32 v21, v63;
	v5 =	vsel vm2, v1, v22  }
0x55e: {  	v8 =	vsel vm1, v0, v23;
	[tilespmem:v10+s12+$0x0] =	vst.idx.msk $0xffff, v5  }
0x55f: {  	[tilespmem:v38+s12+$0x0] =	vst.idx.msk $0xffff, v8;
	v10 =	vld.idx.msk [tilespmem:v9+s11+$0x0], $0xffff  }
0x560: {  	v11 =	vld.idx.msk [tilespmem:v39+s11+$0x0], $0xffff;
	_ =	sdelay $0x4  }
0x561: {  	vm1 =	veq.f32 v10, v13;
	vm3 =	veq.f32 v11, v2  }
0x562: {  	v21 =	vnsel vm1, $0x0, v3;
	vm1 =	veq.f32 v11, v63;
	v22 =	vnsel vm3, $0x0, v4  }
0x563: {  	v23 =	vsel vm1, v0, v22  }
0x564: {  	[tilespmem:v39+s12+$0x0] =	vst.idx.msk $0xffff, v23;
	v39 =	vld [tilespmem:$0x1F240];
	_ =	sdelay $0x4  }
0x565: {  	vm2 =	veq.f32 v10, v15  }
0x566: {  	v5 =	vsel vm2, v1, v21  }
0x567: {  	[tilespmem:v9+s12+$0x0] =	vst.idx.msk $0xffff, v5  }
0x568: {  	v9 =	vld.idx.msk [tilespmem:v39+s11+$0x0], $0xffff  }
0x569: {  	v10 =	vld.idx.msk [tilespmem:v40+s11+$0x0], $0xffff  }
0x56a: {  	v23 =	vld [tilespmem:$0x1F250];
	_ =	sdelay $0x2  }
0x56b: {  	vm1 =	veq.f32 v9, v13  }
0x56c: {  	vm3 =	veq.f32 v10, v2;
	vm2 =	veq.f32 v9, v15;
	v11 =	vnsel vm1, $0x0, v3  }
0x56d: {  	v21 =	vnsel vm3, $0x0, v4;
	vm1 =	veq.f32 v10, v63;
	v5 =	vsel vm2, v1, v11  }
0x56e: {  	v22 =	vsel vm1, v0, v21;
	[tilespmem:v39+s12+$0x0] =	vst.idx.msk $0xffff, v5  }
0x56f: {  	[tilespmem:v40+s12+$0x0] =	vst.idx.msk $0xffff, v22;
	v22 =	vld [tilespmem:$0x1F260]  }
0x570: {  	v39 =	vld.idx.msk [tilespmem:v23+s11+$0x0], $0xffff  }
0x571: {  	v9 =	vld.idx.msk [tilespmem:v41+s11+$0x0], $0xffff;
	_ =	sdelay $0x3  }
0x572: {  	vm1 =	veq.f32 v39, v13  }
0x573: {  	vm2 =	veq.f32 v39, v15;
	vm3 =	veq.f32 v9, v2;
	v10 =	vnsel vm1, $0x0, v3  }
0x574: {  	vm1 =	veq.f32 v9, v63;
	v11 =	vnsel vm3, $0x0, v4;
	v5 =	vsel vm2, v1, v10  }
0x575: {  	v21 =	vsel vm1, v0, v11;
	[tilespmem:v23+s12+$0x0] =	vst.idx.msk $0xffff, v5  }
0x576: {  	[tilespmem:v41+s12+$0x0] =	vst.idx.msk $0xffff, v21;
	v23 =	vld.idx.msk [tilespmem:v22+s11+$0x0], $0xffff  }
0x577: {  	v39 =	vld.idx.msk [tilespmem:v42+s11+$0x0], $0xffff  }
0x578: {  	v11 =	vld [tilespmem:$0x1F270];
	_ =	sdelay $0x2  }
0x579: {  	vm1 =	veq.f32 v23, v13  }
0x57a: {  	vm2 =	veq.f32 v23, v15;
	vm3 =	veq.f32 v39, v2;
	v8 =	vnsel vm1, $0x0, v3  }
0x57b: {  	vm1 =	veq.f32 v39, v63;
	v9 =	vnsel vm3, $0x0, v4;
	v5 =	vsel vm2, v1, v8  }
0x57c: {  	v10 =	vsel vm1, v0, v9;
	[tilespmem:v22+s12+$0x0] =	vst.idx.msk $0xffff, v5  }
0x57d: {  	[tilespmem:v42+s12+$0x0] =	vst.idx.msk $0xffff, v10;
	v10 =	vld [tilespmem:$0x1F280]  }
0x57e: {  	v21 =	vld.idx.msk [tilespmem:v11+s11+$0x0], $0xffff  }
0x57f: {  	v22 =	vld.idx.msk [tilespmem:v43+s11+$0x0], $0xffff;
	_ =	sdelay $0x3  }
0x580: {  	vm1 =	veq.f32 v21, v13  }
0x581: {  	vm2 =	veq.f32 v21, v15;
	vm3 =	veq.f32 v22, v2;
	v23 =	vnsel vm1, $0x0, v3  }
0x582: {  	vm1 =	veq.f32 v22, v63;
	v39 =	vnsel vm3, $0x0, v4;
	v5 =	vsel vm2, v1, v23  }
0x583: {  	v9 =	vsel vm1, v0, v39;
	[tilespmem:v11+s12+$0x0] =	vst.idx.msk $0xffff, v5  }
0x584: {  	[tilespmem:v43+s12+$0x0] =	vst.idx.msk $0xffff, v9;
	v11 =	vld.idx.msk [tilespmem:v10+s11+$0x0], $0xffff  }
0x585: {  	v21 =	vld.idx.msk [tilespmem:v44+s11+$0x0], $0xffff;
	_ =	sdelay $0x4  }
0x586: {  	vm1 =	veq.f32 v11, v13;
	vm3 =	veq.f32 v21, v2  }
0x587: {  	v22 =	vnsel vm1, $0x0, v3;
	vm1 =	veq.f32 v21, v63;
	v23 =	vnsel vm3, $0x0, v4  }
0x588: {  	v39 =	vsel vm1, v0, v23  }
0x589: {  	[tilespmem:v44+s12+$0x0] =	vst.idx.msk $0xffff, v39;
	v44 =	vld [tilespmem:$0x1F290];
	_ =	sdelay $0x4  }
0x58a: {  	vm2 =	veq.f32 v11, v15  }
0x58b: {  	v5 =	vsel vm2, v1, v22  }
0x58c: {  	v23 =	vld [tilespmem:$0x1F2A0];
	[tilespmem:v10+s12+$0x0] =	vst.idx.msk $0xffff, v5  }
0x58d: {  	v9 =	vld.idx.msk [tilespmem:v44+s11+$0x0], $0xffff  }
0x58e: {  	v10 =	vld.idx.msk [tilespmem:v45+s11+$0x0], $0xffff;
	_ =	sdelay $0x3  }
0x58f: {  	vm1 =	veq.f32 v9, v13  }
0x590: {  	vm3 =	veq.f32 v10, v2;
	vm2 =	veq.f32 v9, v15;
	v11 =	vnsel vm1, $0x0, v3  }
0x591: {  	v21 =	vnsel vm3, $0x0, v4;
	vm1 =	veq.f32 v10, v63;
	v5 =	vsel vm2, v1, v11  }
0x592: {  	v22 =	vsel vm1, v0, v21;
	v11 =	vld [tilespmem:$0x1F2B0];
	[tilespmem:v44+s12+$0x0] =	vst.idx.msk $0xffff, v5  }
0x593: {  	[tilespmem:v45+s12+$0x0] =	vst.idx.msk $0xffff, v22;
	v39 =	vld.idx.msk [tilespmem:v23+s11+$0x0], $0xffff  }
0x594: {  	v45 =	vld.idx.msk [tilespmem:v46+s11+$0x0], $0xffff;
	_ =	sdelay $0x3  }
0x595: {  	vm1 =	veq.f32 v39, v13  }
0x596: {  	vm2 =	veq.f32 v39, v15;
	v8 =	vnsel vm1, $0x0, v3;
	vm1 =	veq.f32 v45, v2  }
0x597: {  	v5 =	vsel vm2, v1, v8;
	vm2 =	veq.f32 v45, v63;
	v9 =	vnsel vm1, $0x0, v4  }
0x598: {  	[tilespmem:v23+s12+$0x0] =	vst.idx.msk $0xffff, v5;
	v10 =	vsel vm2, v0, v9  }
0x599: {  	[tilespmem:v46+s12+$0x0] =	vst.idx.msk $0xffff, v10;
	v21 =	vld.idx.msk [tilespmem:v11+s11+$0x0], $0xffff  }
0x59a: {  	v22 =	vld.idx.msk [tilespmem:v47+s11+$0x0], $0xffff;
	_ =	sdelay $0x3  }
0x59b: {  	vm1 =	veq.f32 v21, v13  }
0x59c: {  	vm2 =	veq.f32 v21, v15;
	v23 =	vnsel vm1, $0x0, v3;
	vm1 =	veq.f32 v22, v2  }
0x59d: {  	v5 =	vsel vm2, v1, v23;
	vm2 =	veq.f32 v22, v63;
	v39 =	vnsel vm1, $0x0, v4  }
0x59e: {  	v45 =	vsel vm2, v0, v39  }
0x59f: {  	[tilespmem:v47+s12+$0x0] =	vst.idx.msk $0xffff, v45;
	v47 =	vld [tilespmem:$0x1F2C0];
	_ =	sdelay $0x6  }
0x5a0: {  	v23 =	vld [tilespmem:$0x1F2D0];
	[tilespmem:v11+s12+$0x0] =	vst.idx.msk $0xffff, v5  }
0x5a1: {  	v9 =	vld.idx.msk [tilespmem:v47+s11+$0x0], $0xffff  }
0x5a2: {  	v10 =	vld.idx.msk [tilespmem:v48+s11+$0x0], $0xffff;
	_ =	sdelay $0x3  }
0x5a3: {  	vm1 =	veq.f32 v9, v13  }
0x5a4: {  	vm2 =	veq.f32 v9, v15;
	v11 =	vnsel vm1, $0x0, v3;
	vm1 =	veq.f32 v10, v2  }
0x5a5: {  	v5 =	vsel vm2, v1, v11;
	vm2 =	veq.f32 v10, v63;
	v21 =	vnsel vm1, $0x0, v4  }
0x5a6: {  	[tilespmem:v47+s12+$0x0] =	vst.idx.msk $0xffff, v5;
	v22 =	vsel vm2, v0, v21;
	v21 =	vld [tilespmem:$0x1F2E0]  }
0x5a7: {  	[tilespmem:v48+s12+$0x0] =	vst.idx.msk $0xffff, v22;
	v39 =	vld.idx.msk [tilespmem:v23+s11+$0x0], $0xffff  }
0x5a8: {  	v48 =	vld.idx.msk [tilespmem:v49+s11+$0x0], $0xffff;
	_ =	sdelay $0x3  }
0x5a9: {  	vm1 =	veq.f32 v39, v13  }
0x5aa: {  	vm2 =	veq.f32 v39, v15;
	v9 =	vnsel vm1, $0x0, v3;
	vm1 =	veq.f32 v48, v2  }
0x5ab: {  	v5 =	vsel vm2, v1, v9;
	vm2 =	veq.f32 v48, v63;
	v10 =	vnsel vm1, $0x0, v4  }
0x5ac: {  	v9 =	vld [tilespmem:$0x1F2F0];
	[tilespmem:v23+s12+$0x0] =	vst.idx.msk $0xffff, v5;
	v11 =	vsel vm2, v0, v10  }
0x5ad: {  	[tilespmem:v49+s12+$0x0] =	vst.idx.msk $0xffff, v11;
	v22 =	vld.idx.msk [tilespmem:v21+s11+$0x0], $0xffff  }
0x5ae: {  	v23 =	vld.idx.msk [tilespmem:v50+s11+$0x0], $0xffff;
	_ =	sdelay $0x3  }
0x5af: {  	vm1 =	veq.f32 v22, v13  }
0x5b0: {  	vm2 =	veq.f32 v22, v15;
	v39 =	vnsel vm1, $0x0, v3;
	vm1 =	veq.f32 v23, v2  }
0x5b1: {  	v5 =	vsel vm2, v1, v39;
	vm2 =	veq.f32 v23, v63;
	v49 =	vnsel vm1, $0x0, v4  }
0x5b2: {  	v39 =	vld [tilespmem:$0x1F300];
	[tilespmem:v21+s12+$0x0] =	vst.idx.msk $0xffff, v5;
	v8 =	vsel vm2, v0, v49  }
0x5b3: {  	[tilespmem:v50+s12+$0x0] =	vst.idx.msk $0xffff, v8;
	v10 =	vld.idx.msk [tilespmem:v9+s11+$0x0], $0xffff  }
0x5b4: {  	v11 =	vld.idx.msk [tilespmem:v51+s11+$0x0], $0xffff;
	_ =	sdelay $0x3  }
0x5b5: {  	vm1 =	veq.f32 v10, v13  }
0x5b6: {  	vm2 =	veq.f32 v10, v15;
	v21 =	vnsel vm1, $0x0, v3;
	vm1 =	veq.f32 v11, v2  }
0x5b7: {  	v5 =	vsel vm2, v1, v21;
	vm2 =	veq.f32 v11, v63;
	v22 =	vnsel vm1, $0x0, v4  }
0x5b8: {  	v21 =	vld [tilespmem:$0x1F310];
	[tilespmem:v9+s12+$0x0] =	vst.idx.msk $0xffff, v5;
	v23 =	vsel vm2, v0, v22  }
0x5b9: {  	[tilespmem:v51+s12+$0x0] =	vst.idx.msk $0xffff, v23;
	v49 =	vld.idx.msk [tilespmem:v39+s11+$0x0], $0xffff  }
0x5ba: {  	v51 =	vld.idx.msk [tilespmem:v52+s11+$0x0], $0xffff;
	_ =	sdelay $0x3  }
0x5bb: {  	vm1 =	veq.f32 v49, v13  }
0x5bc: {  	vm2 =	veq.f32 v49, v15;
	v9 =	vnsel vm1, $0x0, v3;
	vm1 =	veq.f32 v51, v2  }
0x5bd: {  	v5 =	vsel vm2, v1, v9;
	vm2 =	veq.f32 v51, v63;
	v10 =	vnsel vm1, $0x0, v4  }
0x5be: {  	[tilespmem:v39+s12+$0x0] =	vst.idx.msk $0xffff, v5;
	v11 =	vsel vm2, v0, v10  }
0x5bf: {  	[tilespmem:v52+s12+$0x0] =	vst.idx.msk $0xffff, v11;
	v22 =	vld.idx.msk [tilespmem:v21+s11+$0x0], $0xffff  }
0x5c0: {  	v23 =	vld.idx.msk [tilespmem:v54+s11+$0x0], $0xffff;
	_ =	sdelay $0x3  }
0x5c1: {  	vm1 =	veq.f32 v22, v13  }
0x5c2: {  	vm2 =	veq.f32 v22, v15;
	v39 =	vnsel vm1, $0x0, v3;
	vm1 =	veq.f32 v23, v2  }
0x5c3: {  	v5 =	vsel vm2, v1, v39;
	vm2 =	veq.f32 v23, v63;
	v51 =	vnsel vm1, $0x0, v4  }
0x5c4: {  	v52 =	vsel vm2, v0, v51  }
0x5c5: {  	[tilespmem:v54+s12+$0x0] =	vst.idx.msk $0xffff, v52;
	v54 =	vld [tilespmem:$0x1F320];
	_ =	sdelay $0x6  }
0x5c6: {  	v23 =	vld [tilespmem:$0x1F330];
	[tilespmem:v21+s12+$0x0] =	vst.idx.msk $0xffff, v5  }
0x5c7: {  	v9 =	vld.idx.msk [tilespmem:v54+s11+$0x0], $0xffff  }
0x5c8: {  	v10 =	vld.idx.msk [tilespmem:v57+s11+$0x0], $0xffff  }
0x5c9: {  	v52 =	vld [tilespmem:$0x1F340];
	_ =	sdelay $0x2  }
0x5ca: {  	vm1 =	veq.f32 v9, v13  }
0x5cb: {  	vm2 =	veq.f32 v9, v15;
	v11 =	vnsel vm1, $0x0, v3;
	vm1 =	veq.f32 v10, v2  }
0x5cc: {  	v5 =	vsel vm2, v1, v11;
	vm2 =	veq.f32 v10, v63;
	v21 =	vnsel vm1, $0x0, v4  }
0x5cd: {  	v11 =	vld [tilespmem:$0x1F350];
	[tilespmem:v54+s12+$0x0] =	vst.idx.msk $0xffff, v5;
	v22 =	vsel vm2, v0, v21  }
0x5ce: {  	[tilespmem:v57+s12+$0x0] =	vst.idx.msk $0xffff, v22;
	v39 =	vld.idx.msk [tilespmem:v23+s11+$0x0], $0xffff  }
0x5cf: {  	v54 =	vld.idx.msk [tilespmem:v52+s11+$0x0], $0xffff;
	_ =	sdelay $0x3  }
0x5d0: {  	vm1 =	veq.f32 v39, v13  }
0x5d1: {  	vm2 =	veq.f32 v39, v15;
	v57 =	vnsel vm1, $0x0, v3;
	vm1 =	veq.f32 v54, v2  }
0x5d2: {  	v5 =	vsel vm2, v1, v57;
	vm2 =	veq.f32 v54, v63;
	v9 =	vnsel vm1, $0x0, v4  }
0x5d3: {  	[tilespmem:v23+s12+$0x0] =	vst.idx.msk $0xffff, v5;
	v10 =	vsel vm2, v0, v9  }
0x5d4: {  	[tilespmem:v52+s12+$0x0] =	vst.idx.msk $0xffff, v10;
	v21 =	vld.idx.msk [tilespmem:v11+s11+$0x0], $0xffff  }
0x5d5: {  	v22 =	vld.idx.msk [tilespmem:v60+s11+$0x0], $0xffff;
	_ =	sdelay $0x3  }
0x5d6: {  	vm1 =	veq.f32 v21, v13  }
0x5d7: {  	vm2 =	veq.f32 v21, v15;
	v23 =	vnsel vm1, $0x0, v3;
	vm1 =	veq.f32 v22, v2  }
0x5d8: {  	v54 =	vld [tilespmem:$0x1F360];
	v5 =	vsel vm2, v1, v23;
	vm2 =	veq.f32 v22, v63;
	v39 =	vnsel vm1, $0x0, v4  }
0x5d9: {  	v52 =	vsel vm2, v0, v39  }
0x5da: {  	[tilespmem:v60+s12+$0x0] =	vst.idx.msk $0xffff, v52;
	v60 =	vld [tilespmem:$0x1F370];
	_ =	sdelay $0x4  }
0x5db: {  	[tilespmem:v11+s12+$0x0] =	vst.idx.msk $0xffff, v5  }
0x5dc: {  	v57 =	vld.idx.msk [tilespmem:v54+s11+$0x0], $0xffff;
	_ =	sdelay $0x1  }
0x5dd: {  	v21 =	vld.idx.msk [tilespmem:v60+s11+$0x0], $0xffff;
	_ =	sdelay $0x2  }
0x5de: {  	vm1 =	veq.f32 v57, v13  }
0x5df: {  	vm2 =	veq.f32 v57, v15;
	v22 =	vnsel vm1, $0x0, v3  }
0x5e0: {  	v5 =	vsel vm2, v1, v22;
	vm1 =	veq.f32 v21, v2  }
0x5e1: {  	[tilespmem:v54+s12+$0x0] =	vst.idx.msk $0xffff, v5;
	v54 =	vld [tilespmem:$0x1F380];
	vm2 =	veq.f32 v21, v63;
	v23 =	vnsel vm1, $0x0, v4  }
0x5e2: {  	v39 =	vsel vm2, v0, v23  }
0x5e3: {  	[tilespmem:v60+s12+$0x0] =	vst.idx.msk $0xffff, v39;
	v60 =	vld [tilespmem:$0x1F390];
	_ =	sdelay $0x5  }
0x5e4: {  	v57 =	vld.idx.msk [tilespmem:v54+s11+$0x0], $0xffff;
	_ =	sdelay $0x1  }
0x5e5: {  	v21 =	vld.idx.msk [tilespmem:v60+s11+$0x0], $0xffff;
	_ =	sdelay $0x2  }
0x5e6: {  	vm1 =	veq.f32 v57, v13  }
0x5e7: {  	vm2 =	veq.f32 v57, v15;
	v22 =	vnsel vm1, $0x0, v3  }
0x5e8: {  	v5 =	vsel vm2, v1, v22;
	vm1 =	veq.f32 v21, v2  }
0x5e9: {  	[tilespmem:v54+s12+$0x0] =	vst.idx.msk $0xffff, v5;
	v54 =	vld [tilespmem:$0x1F3A0];
	vm2 =	veq.f32 v21, v63;
	v23 =	vnsel vm1, $0x0, v4  }
0x5ea: {  	v39 =	vsel vm2, v0, v23  }
0x5eb: {  	[tilespmem:v60+s12+$0x0] =	vst.idx.msk $0xffff, v39;
	v60 =	vld [tilespmem:$0x1F3B0];
	_ =	sdelay $0x5  }
0x5ec: {  	v57 =	vld.idx.msk [tilespmem:v54+s11+$0x0], $0xffff;
	_ =	sdelay $0x1  }
0x5ed: {  	v21 =	vld.idx.msk [tilespmem:v60+s11+$0x0], $0xffff;
	_ =	sdelay $0x2  }
0x5ee: {  	vm1 =	veq.f32 v57, v13  }
0x5ef: {  	vm2 =	veq.f32 v57, v15;
	v22 =	vnsel vm1, $0x0, v3  }
0x5f0: {  	v5 =	vsel vm2, v1, v22;
	vm1 =	veq.f32 v21, v2  }
0x5f1: {  	[tilespmem:v54+s12+$0x0] =	vst.idx.msk $0xffff, v5;
	v54 =	vld [tilespmem:$0x1F3C0];
	vm2 =	veq.f32 v21, v63;
	v23 =	vnsel vm1, $0x0, v4  }
0x5f2: {  	v39 =	vsel vm2, v0, v23  }
0x5f3: {  	[tilespmem:v60+s12+$0x0] =	vst.idx.msk $0xffff, v39;
	v60 =	vld [tilespmem:$0x1F3D0];
	_ =	sdelay $0x5  }
0x5f4: {  	v57 =	vld.idx.msk [tilespmem:v54+s11+$0x0], $0xffff;
	_ =	sdelay $0x1  }
0x5f5: {  	v21 =	vld.idx.msk [tilespmem:v60+s11+$0x0], $0xffff;
	_ =	sdelay $0x2  }
0x5f6: {  	vm1 =	veq.f32 v57, v13  }
0x5f7: {  	vm2 =	veq.f32 v57, v15;
	v22 =	vnsel vm1, $0x0, v3  }
0x5f8: {  	v5 =	vsel vm2, v1, v22;
	vm1 =	veq.f32 v21, v2  }
0x5f9: {  	[tilespmem:v54+s12+$0x0] =	vst.idx.msk $0xffff, v5;
	v54 =	vld [tilespmem:$0x1F3E0];
	vm2 =	veq.f32 v21, v63;
	v23 =	vnsel vm1, $0x0, v4  }
0x5fa: {  	v39 =	vsel vm2, v0, v23  }
0x5fb: {  	[tilespmem:v60+s12+$0x0] =	vst.idx.msk $0xffff, v39;
	v60 =	vld [tilespmem:$0x1F3F0];
	_ =	sdelay $0x5  }
0x5fc: {  	v57 =	vld.idx.msk [tilespmem:v54+s11+$0x0], $0xffff;
	_ =	sdelay $0x1  }
0x5fd: {  	v21 =	vld.idx.msk [tilespmem:v60+s11+$0x0], $0xffff;
	_ =	sdelay $0x2  }
0x5fe: {  	vm1 =	veq.f32 v57, v13  }
0x5ff: {  	vm2 =	veq.f32 v57, v15;
	v22 =	vnsel vm1, $0x0, v3  }
0x600: {  	v5 =	vsel vm2, v1, v22;
	vm1 =	veq.f32 v21, v2  }
0x601: {  	[tilespmem:v54+s12+$0x0] =	vst.idx.msk $0xffff, v5;
	v54 =	vld [tilespmem:$0x1F400];
	vm2 =	veq.f32 v21, v63;
	v23 =	vnsel vm1, $0x0, v4  }
0x602: {  	v39 =	vsel vm2, v0, v23  }
0x603: {  	[tilespmem:v60+s12+$0x0] =	vst.idx.msk $0xffff, v39;
	v60 =	vld [tilespmem:$0x1F410];
	_ =	sdelay $0x5  }
0x604: {  	v57 =	vld.idx.msk [tilespmem:v54+s11+$0x0], $0xffff;
	_ =	sdelay $0x1  }
0x605: {  	v21 =	vld.idx.msk [tilespmem:v60+s11+$0x0], $0xffff;
	_ =	sdelay $0x2  }
0x606: {  	vm1 =	veq.f32 v57, v13  }
0x607: {  	vm2 =	veq.f32 v57, v15;
	v22 =	vnsel vm1, $0x0, v3  }
0x608: {  	v5 =	vsel vm2, v1, v22;
	vm1 =	veq.f32 v21, v2  }
0x609: {  	[tilespmem:v54+s12+$0x0] =	vst.idx.msk $0xffff, v5;
	v54 =	vld [tilespmem:$0x1F420];
	vm2 =	veq.f32 v21, v63;
	v23 =	vnsel vm1, $0x0, v4  }
0x60a: {  	v39 =	vsel vm2, v0, v23  }
0x60b: {  	[tilespmem:v60+s12+$0x0] =	vst.idx.msk $0xffff, v39;
	v60 =	vld [tilespmem:$0x1F430];
	_ =	sdelay $0x5  }
0x60c: {  	v57 =	vld.idx.msk [tilespmem:v54+s11+$0x0], $0xffff;
	_ =	sdelay $0x1  }
0x60d: {  	v21 =	vld.idx.msk [tilespmem:v60+s11+$0x0], $0xffff;
	_ =	sdelay $0x2  }
0x60e: {  	vm1 =	veq.f32 v57, v13  }
0x60f: {  	vm2 =	veq.f32 v57, v15;
	v22 =	vnsel vm1, $0x0, v3  }
0x610: {  	v5 =	vsel vm2, v1, v22;
	vm1 =	veq.f32 v21, v2  }
0x611: {  	[tilespmem:v54+s12+$0x0] =	vst.idx.msk $0xffff, v5;
	v54 =	vld [tilespmem:$0x1F440];
	vm2 =	veq.f32 v21, v63;
	v23 =	vnsel vm1, $0x0, v4  }
0x612: {  	v39 =	vsel vm2, v0, v23  }
0x613: {  	[tilespmem:v60+s12+$0x0] =	vst.idx.msk $0xffff, v39;
	v60 =	vld [tilespmem:$0x1F450];
	_ =	sdelay $0x5  }
0x614: {  	v57 =	vld.idx.msk [tilespmem:v54+s11+$0x0], $0xffff;
	_ =	sdelay $0x1  }
0x615: {  	v21 =	vld.idx.msk [tilespmem:v60+s11+$0x0], $0xffff;
	_ =	sdelay $0x2  }
0x616: {  	vm1 =	veq.f32 v57, v13  }
0x617: {  	vm2 =	veq.f32 v57, v15;
	v22 =	vnsel vm1, $0x0, v3  }
0x618: {  	v5 =	vsel vm2, v1, v22;
	vm1 =	veq.f32 v21, v2  }
0x619: {  	[tilespmem:v54+s12+$0x0] =	vst.idx.msk $0xffff, v5;
	v54 =	vld [tilespmem:$0x1F460];
	vm2 =	veq.f32 v21, v63;
	v23 =	vnsel vm1, $0x0, v4  }
0x61a: {  	v39 =	vsel vm2, v0, v23  }
0x61b: {  	[tilespmem:v60+s12+$0x0] =	vst.idx.msk $0xffff, v39;
	v60 =	vld [tilespmem:$0x1F470];
	_ =	sdelay $0x5  }
0x61c: {  	v57 =	vld.idx.msk [tilespmem:v54+s11+$0x0], $0xffff;
	_ =	sdelay $0x1  }
0x61d: {  	v21 =	vld.idx.msk [tilespmem:v60+s11+$0x0], $0xffff;
	_ =	sdelay $0x2  }
0x61e: {  	vm1 =	veq.f32 v57, v13  }
0x61f: {  	vm2 =	veq.f32 v57, v15;
	v22 =	vnsel vm1, $0x0, v3  }
0x620: {  	v5 =	vsel vm2, v1, v22;
	vm1 =	veq.f32 v21, v2  }
0x621: {  	[tilespmem:v54+s12+$0x0] =	vst.idx.msk $0xffff, v5;
	v54 =	vld [tilespmem:$0x1F480];
	vm2 =	veq.f32 v21, v63;
	v23 =	vnsel vm1, $0x0, v4  }
0x622: {  	v39 =	vsel vm2, v0, v23  }
0x623: {  	[tilespmem:v60+s12+$0x0] =	vst.idx.msk $0xffff, v39;
	v60 =	vld [tilespmem:$0x1F490];
	_ =	sdelay $0x5  }
0x624: {  	v57 =	vld.idx.msk [tilespmem:v54+s11+$0x0], $0xffff;
	_ =	sdelay $0x1  }
0x625: {  	v21 =	vld.idx.msk [tilespmem:v60+s11+$0x0], $0xffff;
	_ =	sdelay $0x2  }
0x626: {  	vm1 =	veq.f32 v57, v13  }
0x627: {  	vm2 =	veq.f32 v57, v15;
	v22 =	vnsel vm1, $0x0, v3  }
0x628: {  	v5 =	vsel vm2, v1, v22;
	vm1 =	veq.f32 v21, v2  }
0x629: {  	[tilespmem:v54+s12+$0x0] =	vst.idx.msk $0xffff, v5;
	v54 =	vld [tilespmem:$0x1F4A0];
	vm2 =	veq.f32 v21, v63;
	v23 =	vnsel vm1, $0x0, v4  }
0x62a: {  	v39 =	vsel vm2, v0, v23  }
0x62b: {  	[tilespmem:v60+s12+$0x0] =	vst.idx.msk $0xffff, v39;
	v60 =	vld [tilespmem:$0x1F4B0];
	_ =	sdelay $0x5  }
0x62c: {  	v57 =	vld.idx.msk [tilespmem:v54+s11+$0x0], $0xffff;
	_ =	sdelay $0x1  }
0x62d: {  	v21 =	vld.idx.msk [tilespmem:v60+s11+$0x0], $0xffff;
	_ =	sdelay $0x2  }
0x62e: {  	vm1 =	veq.f32 v57, v13  }
0x62f: {  	vm2 =	veq.f32 v57, v15;
	v22 =	vnsel vm1, $0x0, v3  }
0x630: {  	v5 =	vsel vm2, v1, v22;
	vm1 =	veq.f32 v21, v2  }
0x631: {  	[tilespmem:v54+s12+$0x0] =	vst.idx.msk $0xffff, v5;
	v54 =	vld [tilespmem:$0x1F4C0];
	vm2 =	veq.f32 v21, v63;
	v23 =	vnsel vm1, $0x0, v4  }
0x632: {  	v39 =	vsel vm2, v0, v23  }
0x633: {  	[tilespmem:v60+s12+$0x0] =	vst.idx.msk $0xffff, v39;
	v60 =	vld [tilespmem:$0x1F4D0];
	_ =	sdelay $0x5  }
0x634: {  	v57 =	vld.idx.msk [tilespmem:v54+s11+$0x0], $0xffff;
	_ =	sdelay $0x1  }
0x635: {  	v21 =	vld.idx.msk [tilespmem:v60+s11+$0x0], $0xffff;
	_ =	sdelay $0x2  }
0x636: {  	vm1 =	veq.f32 v57, v13  }
0x637: {  	vm2 =	veq.f32 v57, v15;
	v22 =	vnsel vm1, $0x0, v3  }
0x638: {  	v5 =	vsel vm2, v1, v22;
	vm1 =	veq.f32 v21, v2  }
0x639: {  	[tilespmem:v54+s12+$0x0] =	vst.idx.msk $0xffff, v5;
	v54 =	vld [tilespmem:$0x1F4E0];
	vm2 =	veq.f32 v21, v63;
	v23 =	vnsel vm1, $0x0, v4  }
0x63a: {  	v39 =	vsel vm2, v0, v23  }
0x63b: {  	[tilespmem:v60+s12+$0x0] =	vst.idx.msk $0xffff, v39;
	v60 =	vld [tilespmem:$0x1F4F0];
	_ =	sdelay $0x5  }
0x63c: {  	v57 =	vld.idx.msk [tilespmem:v54+s11+$0x0], $0xffff;
	_ =	sdelay $0x1  }
0x63d: {  	v21 =	vld.idx.msk [tilespmem:v60+s11+$0x0], $0xffff;
	_ =	sdelay $0x2  }
0x63e: {  	v55 =	vld [tilespmem:$0x1FF70];
	vm1 =	veq.f32 v57, v13  }
0x63f: {  	v19 =	vld [tilespmem:$0x1FDC0];
	vm2 =	veq.f32 v57, v15;
	v22 =	vnsel vm1, $0x0, v3  }
0x640: {  	v12 =	vld [tilespmem:$0x1FE00];
	v5 =	vsel vm2, v1, v22;
	vm1 =	veq.f32 v21, v2  }
0x641: {  	[tilespmem:v54+s12+$0x0] =	vst.idx.msk $0xffff, v5;
	v54 =	vld [tilespmem:$0x1F500];
	vm2 =	veq.f32 v21, v63;
	v23 =	vnsel vm1, $0x0, v4  }
0x642: {  	v18 =	vld [tilespmem:$0x1FFC0];
	v39 =	vsel vm2, v0, v23  }
0x643: {  	[tilespmem:v60+s12+$0x0] =	vst.idx.msk $0xffff, v39;
	v60 =	vld [tilespmem:$0x1F510]  }
0x644: {  	v16 =	vld [tilespmem:$0x1FF40]  }
0x645: {  	v17 =	vld [tilespmem:$0x1FF60]  }
0x646: {  	v14 =	vld [tilespmem:$0x1FDF0]  }
0x647: {  	v53 =	vld [tilespmem:$0x1FFD0]  }
0x648: {  	v56 =	vld [tilespmem:$0x1FFE0]  }
0x649: {  	v57 =	vld.idx.msk [tilespmem:v54+s11+$0x0], $0xffff  }
0x64a: {  	v59 =	vld [tilespmem:$0x1FFF0]  }
0x64b: {  	v21 =	vld.idx.msk [tilespmem:v60+s11+$0x0], $0xffff  }
0x64c: {  	v61 =	vld [tilespmem:$0x1FFB0]  }
0x64d: {  	v26 =	vld [tilespmem:$0x1FED0]  }
0x64e: {  	v27 =	vld [tilespmem:$0x1FDD0];
	vm1 =	veq.f32 v57, v13  }
0x64f: {  	v58 =	vld [tilespmem:$0x1FDE0];
	vm2 =	veq.f32 v57, v15;
	v22 =	vnsel vm1, $0x0, v3  }
0x650: {  	v31 =	vld [tilespmem:$0x1FE10];
	v5 =	vsel vm2, v1, v22;
	vm1 =	veq.f32 v21, v2  }
0x651: {  	[tilespmem:v54+s12+$0x0] =	vst.idx.msk $0xffff, v5;
	v54 =	vld [tilespmem:$0x1F520];
	vm2 =	veq.f32 v21, v63;
	v23 =	vnsel vm1, $0x0, v4  }
0x652: {  	v32 =	vld [tilespmem:$0x1FE20];
	v39 =	vsel vm2, v0, v23  }
0x653: {  	[tilespmem:v60+s12+$0x0] =	vst.idx.msk $0xffff, v39;
	v60 =	vld [tilespmem:$0x1F530]  }
0x654: {  	v33 =	vld [tilespmem:$0x1FE30]  }
0x655: {  	v34 =	vld [tilespmem:$0x1FE40]  }
0x656: {  	v35 =	vld [tilespmem:$0x1FE50]  }
0x657: {  	v36 =	vld [tilespmem:$0x1FE60]  }
0x658: {  	v37 =	vld [tilespmem:$0x1FE70]  }
0x659: {  	v57 =	vld.idx.msk [tilespmem:v54+s11+$0x0], $0xffff  }
0x65a: {  	v39 =	vld [tilespmem:$0x1F540]  }
0x65b: {  	v11 =	vld.idx.msk [tilespmem:v60+s11+$0x0], $0xffff  }
0x65c: {  	v38 =	vld [tilespmem:$0x1FE80]  }
0x65d: {  	v40 =	vld [tilespmem:$0x1FE90]  }
0x65e: {  	v41 =	vld [tilespmem:$0x1FEA0]  }
0x65f: {  	v42 =	vld [tilespmem:$0x1FEB0];
	vm1 =	veq.f32 v57, v13  }
0x660: {  	v43 =	vld [tilespmem:$0x1FEC0];
	vm2 =	veq.f32 v57, v15;
	v21 =	vnsel vm1, $0x0, v3;
	vm1 =	veq.f32 v11, v2  }
0x661: {  	v44 =	vld [tilespmem:$0x1FEE0];
	v5 =	vsel vm2, v1, v21;
	vm2 =	veq.f32 v11, v63;
	v22 =	vnsel vm1, $0x0, v4  }
0x662: {  	v46 =	vld [tilespmem:$0x1FEF0];
	[tilespmem:v54+s12+$0x0] =	vst.idx.msk $0xffff, v5;
	v23 =	vsel vm2, v0, v22  }
0x663: {  	v54 =	vld.idx.msk [tilespmem:v39+s11+$0x0], $0xffff;
	[tilespmem:v60+s12+$0x0] =	vst.idx.msk $0xffff, v23  }
0x664: {  	v57 =	vld.idx.msk [tilespmem:v62+s11+$0x0], $0xffff  }
0x665: {  	v45 =	vld [tilespmem:$0x1FF00]  }
0x666: {  	s17 =	sadd.s32 $0x2, s17;
	v47 =	vld [tilespmem:$0x1FF10]  }
0x667: {  	p1 =	slt.u32 s17, $0xE;
	v48 =	vld [tilespmem:$0x1FF20]  }
.Ltmp1:
0x668: {  	v50 =	vld [tilespmem:$0x1FF30];
	vm1 =	veq.f32 v54, v13;
	(pc) =	sbr.rel @p1 .LBB2_5-.Ltmp1, $4  }
0x669: {  	v49 =	vld [tilespmem:$0x1FF50];
	vm2 =	veq.f32 v54, v15;
	v60 =	vnsel vm1, $0x0, v3;
	vm3 =	veq.f32 v57, v2  }
0x66a: {  	v51 =	vld [tilespmem:$0x1FF80];
	v1 =	vsel vm2, v1, v60;
	vm1 =	veq.f32 v57, v63;
	v63 =	vnsel vm3, $0x0, v4  }
0x66b: {  	v52 =	vld [tilespmem:$0x1FF90];
	[tilespmem:v39+s12+$0x0] =	vst.idx.msk $0xffff, v1;
	v0 =	vsel vm1, v0, v63  }
0x66c: {  	s18 =	sadd.s32 $0x20, s18;
	v15 =	vld [tilespmem:$0x1FFA0];
	[tilespmem:v62+s12+$0x0] =	vst.idx.msk $0xffff, v0  }
.Ltmp2:
0x66d: {  	s16 =	sadd.s32 s4, s16;
	(pc) =	sbr.rel @p0 .LBB2_2-.Ltmp2, $4  }
0x66e: {  	[hbm4b:s16+s1] =	stream.linear.scatter [tilespmem:s12], [sflag:$0x3], $0x8000, $0x38;
	[tilespmem:$0x18000] =	vst v63  }
0x66f: {  	_ =	swait.ge [sflag:s13], $0x8000  }
0x670: {  	[sflag:s13] =	ssyncset.done $0x0  }
0x671: {  	s17 =	simm.s32 $0x2000;
	p1 =	por $0x0, $0x0;
	[sflag:s13] =	ssyncadd.s32 $0xFFFF8000  }
0x672: {  	s15 =	sadd.s32 $0x1, s15  }
0x673: {  	p0 =	sne.s32 s15, s9  }
.Ltmp3:
0x674: {  	_ = 	snop;
	(pc) =	sbr.rel @p0 .LBB2_1-.Ltmp3, $1  }
0x675: {  	_ =	sdelay $0x3  }
0x676: {  	_ =	sfence.sel $0x180000  }
0x677: {  	[bflag:$0x0] =	sbarrier.arrive $0xFFFF  }
0x678: {  	p0 =	sne.s32 s2, $0x0;
	_ =	strace $0x90000047  }
0x679: {  	s0 =	sadd.s32 @!p0 $0x100000, s0;
	[bflag:$0x2] =	sbarrier.arrive $0xFFFF  }
0x67a: {  	[sflag:s0] =	ssyncadd.tile.s32 @!p0 $0x1;
	_ =	shalt  }
.Lfunc_end2:
_tile_overlayer_lowered:
.L_overlay_start_2:
0x67b: {  	(tag) =	ssettag $0x2  }
0x67c: {  	s0 =	rddreg [dreg:$0x0];
	s2 =	stileid.u32  }
0x67d: {  	s1 =	rddreg [dreg:$0x1];
	p0 =	sne.s32 s2, $0x0  }
0x67e: {  	s3 =	rddreg [dreg:$0x2];
	[bflag:$0x3] =	sbarrier.arrive $0xFFFF;
	s2 =	simm.s32 @!p0 $0x1C03  }
0x67f: {  	[timem:s3], [sflag:s2] =	dma.local @!p0 [hbm:s0], s1  }
0x680: {  	s0 =	simm.s32 @!p0 $0x3  }
0x681: {  	_ =	swait.ge @!p0 [sflag:s0], s1  }
0x682: {  	s1 =	ssub.s32 @!p0 $0x0, s1;
	[sflag:s0] =	ssyncset.done @!p0 $0x0  }
0x683: {  	[sflag:s0] =	ssyncadd.s32 @!p0 s1  }
0x684: {  	[bflag:$0x3] =	sbarrier.arrive $0xFFFF  }
0x685: {  	_ =	shalt  }

</sc_bundles>
